<compile_context>
chip_gen: v7x
topology: tpu7x:2x2x1
jax: 0.10.2.dev20260603
libtpu: 0.0.44.dev20260713+nightly
codegen_flags: <defaults>
</compile_context>

<pallas_src>
import functools

import jax
import jax.numpy as jnp
from jax import lax
from jax.experimental import pallas as pl
from jax.experimental.pallas import tpu as pltpu
from jax.experimental.pallas import tpu_sc as plsc

_N = 10000
_E = 320000
_NG = 32
_NSUB = 16
_NCORE = 2
_CHUNK = 128
_NCHUNK = 160
_EPAD = _NSUB * _NCHUNK * _CHUNK
_NACC = 10112


def _make_edge_agg(dh2, nbuf, sp_table=False):
    mesh = plsc.VectorSubcoreMesh(core_axis_name="c", subcore_axis_name="s")
    zrows = _NACC // _NSUB
    nq = _NCHUNK // nbuf

    @functools.partial(
        pl.kernel,
        out_type=jax.ShapeDtypeStruct((_NCORE, _NACC, dh2), jnp.float32),
        mesh=mesh,
        scratch_types=[
            pltpu.VMEM((_NCHUNK, _CHUNK), jnp.int32),
            pltpu.VMEM((_NCHUNK, _CHUNK), jnp.int32),
            pltpu.VMEM((nbuf, _CHUNK, dh2), jnp.float32),
            pltpu.VMEM_SHARED((_NACC, dh2), jnp.float32),
            pltpu.VMEM_SHARED((_NACC, dh2), jnp.float32) if sp_table else None,
            [pltpu.SemaphoreType.DMA] * nbuf,
            [pltpu.SemaphoreType.DMA] * nbuf,
        ],
        compiler_params=pltpu.CompilerParams(use_tc_tiling_on_sc=False),
    )
    def agg(h_hbm, src_hbm, dst_hbm, zero_hbm, out_hbm,
            src_v, dst_v, rows_v, acc, h_s, gsems, ssems):
        cid = lax.axis_index("c")
        sid = lax.axis_index("s")
        hview = h_hbm.at[cid]
        pltpu.sync_copy(src_hbm.at[sid], src_v)
        if sp_table:
            pltpu.sync_copy(hview.at[pl.ds(sid * zrows, zrows)],
                            h_s.at[pl.ds(sid * zrows, zrows)])
        pltpu.sync_copy(dst_hbm.at[sid], dst_v)
        pltpu.sync_copy(zero_hbm.at[pl.ds(sid * zrows, zrows)],
                        acc.at[pl.ds(sid * zrows, zrows)])
        if sp_table:
            plsc.subcore_barrier()
            h_c = h_s
        else:
            h_c = hview
        for b in range(nbuf):
            pltpu.async_copy(h_c.at[src_v.at[b]], rows_v.at[b], gsems[b])
        plsc.subcore_barrier()

        def body(q, carry):
            j0 = nbuf * q
            for b in range(nbuf):
                jb = j0 + b
                pltpu.make_async_copy(
                    h_c.at[src_v.at[jb]], rows_v.at[b], gsems[b]).wait()
                pltpu.async_copy(
                    rows_v.at[b], acc.at[dst_v.at[jb]], ssems[b], add=True)

            @pl.when(q + 1 < nq)
            def _():
                for b in range(nbuf):
                    jb = j0 + b
                    pltpu.make_async_copy(
                        rows_v.at[b], acc.at[dst_v.at[jb]], ssems[b]).wait()
                    pltpu.async_copy(
                        h_c.at[src_v.at[jb + nbuf]], rows_v.at[b], gsems[b])

            @pl.when(q + 1 >= nq)
            def _():
                for b in range(nbuf):
                    jb = j0 + b
                    pltpu.make_async_copy(
                        rows_v.at[b], acc.at[dst_v.at[jb]], ssems[b]).wait()

            return carry

        lax.fori_loop(0, nq, body, 0)
        plsc.subcore_barrier()
        pltpu.sync_copy(acc.at[pl.ds(sid * zrows, zrows)],
                        out_hbm.at[cid].at[pl.ds(sid * zrows, zrows)])

    return agg


def _make_edge_agg_pool(dh2, nbuf):
    mesh = plsc.VectorSubcoreMesh(core_axis_name="c", subcore_axis_name="s")
    zrows = _NACC // _NSUB
    nq = _NCHUNK // nbuf
    nseg = (zrows + 8) // _CHUNK

    @functools.partial(
        pl.kernel,
        out_type=[jax.ShapeDtypeStruct((_NCORE, _NG, dh2), jnp.float32),
                  jax.ShapeDtypeStruct((_NCORE, _NG, dh2), jnp.float32)],
        mesh=mesh,
        scratch_types=[
            pltpu.VMEM((_NCHUNK, _CHUNK), jnp.int32),
            pltpu.VMEM((_NCHUNK, _CHUNK), jnp.int32),
            pltpu.VMEM((nbuf, _CHUNK, dh2), jnp.float32),
            pltpu.VMEM((nseg * _CHUNK, dh2), jnp.float32),
            pltpu.VMEM((nseg, _CHUNK), jnp.int32),
            pltpu.VMEM((_CHUNK, dh2), jnp.float32),
            pltpu.VMEM_SHARED((_NACC, dh2), jnp.float32),
            pltpu.VMEM_SHARED((40, dh2), jnp.float32),
            pltpu.VMEM_SHARED((40, dh2), jnp.float32),
            [pltpu.SemaphoreType.DMA] * nbuf,
            [pltpu.SemaphoreType.DMA] * nbuf,
        ],
        compiler_params=pltpu.CompilerParams(use_tc_tiling_on_sc=False),
    )
    def agg(h_hbm, src_hbm, dst_hbm, zero_hbm, iseg_hbm, ones_hbm,
            outs_hbm, outc_hbm,
            src_v, dst_v, rows_v, tbuf, ibuf, obuf, acc, pooled, pcnt,
            gsems, ssems):
        cid = lax.axis_index("c")
        sid = lax.axis_index("s")
        h_c = h_hbm.at[cid]
        pltpu.sync_copy(src_hbm.at[sid], src_v)
        for b in range(nbuf):
            pltpu.async_copy(h_c.at[src_v.at[b]], rows_v.at[b], gsems[b])
        pltpu.sync_copy(dst_hbm.at[sid], dst_v)
        pltpu.sync_copy(zero_hbm.at[pl.ds(sid * zrows, zrows)],
                        acc.at[pl.ds(sid * zrows, zrows)])
        pltpu.sync_copy(iseg_hbm.at[sid], ibuf)
        pltpu.sync_copy(ones_hbm, obuf)

        @pl.when(sid == 0)
        def _():
            pltpu.sync_copy(zero_hbm.at[pl.ds(0, 40)], pooled)
            pltpu.sync_copy(zero_hbm.at[pl.ds(40, 40)], pcnt)

        plsc.subcore_barrier()

        def body(q, carry):
            j0 = nbuf * q
            for b in range(nbuf):
                jb = j0 + b
                pltpu.make_async_copy(
                    h_c.at[src_v.at[jb]], rows_v.at[b], gsems[b]).wait()
                pltpu.async_copy(
                    rows_v.at[b], acc.at[dst_v.at[jb]], ssems[b], add=True)

            @pl.when(q + 1 < nq)
            def _():
                for b in range(nbuf):
                    jb = j0 + b
                    pltpu.make_async_copy(
                        rows_v.at[b], acc.at[dst_v.at[jb]], ssems[b]).wait()
                    pltpu.async_copy(
                        h_c.at[src_v.at[jb + nbuf]], rows_v.at[b], gsems[b])

            @pl.when(q + 1 >= nq)
            def _():
                for b in range(nbuf):
                    jb = j0 + b
                    pltpu.make_async_copy(
                        rows_v.at[b], acc.at[dst_v.at[jb]], ssems[b]).wait()

            return carry

        lax.fori_loop(0, nq, body, 0)
        plsc.subcore_barrier()

        pltpu.sync_copy(acc.at[pl.ds(sid * zrows, zrows)],
                        tbuf.at[pl.ds(0, zrows)])
        pltpu.sync_copy(acc.at[pl.ds(0, nseg * _CHUNK - zrows)],
                        tbuf.at[pl.ds(zrows, nseg * _CHUNK - zrows)])
        for c in range(nseg):
            pltpu.async_copy(tbuf.at[pl.ds(c * _CHUNK, _CHUNK)],
                             pooled.at[ibuf.at[c]], gsems[c], add=True)
            pltpu.async_copy(obuf, pcnt.at[ibuf.at[c]], ssems[c], add=True)
        for c in range(nseg):
            pltpu.make_async_copy(tbuf.at[pl.ds(c * _CHUNK, _CHUNK)],
                                  pooled.at[ibuf.at[c]], gsems[c]).wait()
            pltpu.make_async_copy(obuf, pcnt.at[ibuf.at[c]], ssems[c]).wait()
        plsc.subcore_barrier()

        @pl.when(sid == 0)
        def _():
            pltpu.sync_copy(pooled.at[pl.ds(0, _NG)], outs_hbm.at[cid])
            pltpu.sync_copy(pcnt.at[pl.ds(0, _NG)], outc_hbm.at[cid])

    return agg


_agg64 = _make_edge_agg(64, 5)
_agg32 = _make_edge_agg(32, 10)
_agg16p = _make_edge_agg_pool(16, 10)


def _mm_relu(a, W, b, blk=2000):
    p, n, dinp = a.shape
    dout = W.shape[1]
    dh2 = dout // 2

    def body(a_ref, w_ref, b_ref, o_ref):
        w = w_ref[...]
        h = jnp.dot(a_ref[0], w[:dinp], preferred_element_type=jnp.float32)
        for k in range(1, p):
            h = h + jnp.dot(a_ref[k], w[k * dinp:(k + 1) * dinp],
                            preferred_element_type=jnp.float32)
        h = jnp.maximum(h + b_ref[...], 0.0)
        o_ref[0] = h[:, :dh2]
        o_ref[1] = h[:, dh2:]

    return pl.pallas_call(
        body,
        grid=(n // blk,),
        in_specs=[pl.BlockSpec((p, blk, dinp), lambda r: (0, r, 0)),
                  pl.BlockSpec(W.shape, lambda r: (0, 0)),
                  pl.BlockSpec((1, dout), lambda r: (0, 0))],
        out_specs=pl.BlockSpec((2, blk, dh2), lambda r: (0, r, 0)),
        out_shape=jax.ShapeDtypeStruct((2, n, dh2), jnp.float32),
    )(a, W, b.reshape(1, dout))


def _head(ps, pc, Wd, bd):
    dh2 = ps.shape[2]

    def body(ps_ref, pc_ref, wd_ref, bd_ref, o_ref):
        cnt = jnp.maximum(pc_ref[0][:, :1], 1.0)
        wd = wd_ref[...]
        logits = (jnp.dot(ps_ref[0] / cnt, wd[:dh2],
                          preferred_element_type=jnp.float32)
                  + jnp.dot(ps_ref[1] / cnt, wd[dh2:],
                            preferred_element_type=jnp.float32)
                  + bd_ref[...])
        m = jnp.max(logits, axis=1, keepdims=True)
        ex = jnp.exp(logits - m)
        o_ref[...] = ex / jnp.sum(ex, axis=1, keepdims=True)

    return pl.pallas_call(
        body,
        out_shape=jax.ShapeDtypeStruct((_NG, Wd.shape[1]), jnp.float32),
    )(ps, pc, Wd, bd)


def kernel(x, edge_index, i, W1, b1, W2, b2, W3, b3, Wd, bd):
    pad = _EPAD - _E
    padv = jax.lax.iota(jnp.int32, pad)
    src = jnp.concatenate(
        [edge_index[0], padv % _N]).reshape(_NSUB, _NCHUNK, _CHUNK)
    dst = jnp.concatenate(
        [edge_index[1], _N + padv % (_NACC - _N)]).reshape(_NSUB, _NCHUNK, _CHUNK)

    h1 = _mm_relu(x[None], W1, b1, blk=2000)
    a1 = _agg64(h1, src, dst, jnp.zeros((_NACC, 64), jnp.float32))
    h2 = _mm_relu(a1, W2, b2, blk=2528)
    a2 = _agg32(h2, src, dst, jnp.zeros((_NACC, 32), jnp.float32))
    h3 = _mm_relu(a2, W3, b3, blk=2528)

    ii = jnp.concatenate([i, jnp.full((_NACC - _N,), _NG, jnp.int32)])
    ii = ii.reshape(_NSUB, _NACC // _NSUB)
    ii = jnp.concatenate([ii, jnp.full((_NSUB, 8), _NG, jnp.int32)], axis=1)
    iseg = ii.reshape(_NSUB, 5, _CHUNK)

    ps, pc = _agg16p(h3, src, dst, jnp.zeros((_NACC, 16), jnp.float32),
                     iseg, jnp.ones((_CHUNK, 16), jnp.float32))
    return _head(ps, pc, Wd, bd.reshape(1, -1))

# --- scband reference (transcript-rebuilt; emitter-appended) ---
"""Pipeline reference for scband-net-11278584119630 (READ-ONLY COPY).

The authoritative reference and input builder live on the scoring server;
editing this copy changes nothing except your own understanding.
"""

import jax, jax.numpy as jnp
import numpy as np

N_NODES = 10000
N_EDGES = 320000
D_FEAT = 128
N_GRAPHS = 32
LABELS = 10

# Spektral GeneralConv (inference): h = relu(x @ W + b) (dropout inactive,
# batch_norm is identity at init), then sum-aggregate messages over edges
# (gather at src, scatter-add to dst).

def _general_conv(x, src, dst, W, b):
    h = jnp.dot(x, W) + b
    h = jax.nn.relu(h)
    msgs = jnp.take(h, src, axis=0)
    return jax.ops.segment_sum(msgs, dst, num_segments=N_NODES)


def _glorot(k, shape):
    lim = np.sqrt(6.0 / (shape[0] + shape[1]))
    return jax.random.uniform(k, shape, minval=-lim, maxval=lim, dtype=jnp.float32)


def setup_inputs(seed: int = 0):
    key = jax.random.key(seed)
    ks = jax.random.split(key, 8)
    x = jax.random.normal(ks[0], (N_NODES, D_FEAT), dtype=jnp.float32)
    edge_index = jax.random.randint(ks[1], (2, N_EDGES), 0, N_NODES, dtype=jnp.int32)
    i = jnp.sort(jax.random.randint(ks[2], (N_NODES,), 0, N_GRAPHS, dtype=jnp.int32))
    W1 = _glorot(ks[3], (D_FEAT, 128)); b1 = jnp.zeros((128,), jnp.float32)
    W2 = _glorot(ks[4], (128, 64)); b2 = jnp.zeros((64,), jnp.float32)
    W3 = _glorot(ks[5], (64, 32)); b3 = jnp.zeros((32,), jnp.float32)
    Wd = _glorot(ks[6], (32, LABELS)); bd = jnp.zeros((LABELS,), jnp.float32)
    return {"x": x, "edge_index": edge_index, "i": i,
            "W1": W1, "b1": b1, "W2": W2, "b2": b2,
            "W3": W3, "b3": b3, "Wd": Wd, "bd": bd}


def reference(x, edge_index, i, W1, b1, W2, b2, W3, b3, Wd, bd):
    src = edge_index[0]
    dst = edge_index[1]
    h = _general_conv(x, src, dst, W1, b1)
    h = _general_conv(h, src, dst, W2, b2)
    h = _general_conv(h, src, dst, W3, b3)
    # GlobalAvgPool over segment ids i (per-graph mean)
    sums = jax.ops.segment_sum(h, i, num_segments=N_GRAPHS)
    counts = jax.ops.segment_sum(jnp.ones((N_NODES, 1), jnp.float32), i, num_segments=N_GRAPHS)
    pooled = sums / jnp.maximum(counts, 1.0)
    logits = jnp.dot(pooled, Wd) + bd
    return jax.nn.softmax(logits, axis=-1)

if __name__ == "__main__":
    import jax
    _d = setup_inputs()
    print(jax.jit(kernel)(*tuple(_d.values())))

</pallas_src>

<mosaic_0001>
#map = affine_map<(d0, d1) -> (0, 0, 0)>
#map1 = affine_map<(d0, d1) -> (0, 0)>
module attributes {stable_mosaic.version = 14 : i64} {
  func.func @agg(%arg0: i32, %arg1: i32, %arg2: memref<2x10112x32xf32, #tpu.memory_space<hbm>>, %arg3: memref<16x160x128xi32, #tpu.memory_space<hbm>>, %arg4: memref<16x160x128xi32, #tpu.memory_space<hbm>>, %arg5: memref<10112x32xf32, #tpu.memory_space<hbm>>, %arg6: memref<2x10112x32xf32, #tpu.memory_space<hbm>>, %arg7: memref<160x128xi32, #tpu.memory_space<vmem>>, %arg8: memref<160x128xi32, #tpu.memory_space<vmem>>, %arg9: memref<10x128x32xf32, #tpu.memory_space<vmem>>, %arg10: memref<10112x32xf32, #tpu.memory_space<vmem_shared>>, %arg11: memref<!tpu.dma_semaphore, #tpu.memory_space<semaphore_mem>>, %arg12: memref<!tpu.dma_semaphore, #tpu.memory_space<semaphore_mem>>, %arg13: memref<!tpu.dma_semaphore, #tpu.memory_space<semaphore_mem>>, %arg14: memref<!tpu.dma_semaphore, #tpu.memory_space<semaphore_mem>>, %arg15: memref<!tpu.dma_semaphore, #tpu.memory_space<semaphore_mem>>, %arg16: memref<!tpu.dma_semaphore, #tpu.memory_space<semaphore_mem>>, %arg17: memref<!tpu.dma_semaphore, #tpu.memory_space<semaphore_mem>>, %arg18: memref<!tpu.dma_semaphore, #tpu.memory_space<semaphore_mem>>, %arg19: memref<!tpu.dma_semaphore, #tpu.memory_space<semaphore_mem>>, %arg20: memref<!tpu.dma_semaphore, #tpu.memory_space<semaphore_mem>>, %arg21: memref<!tpu.dma_semaphore, #tpu.memory_space<semaphore_mem>>, %arg22: memref<!tpu.dma_semaphore, #tpu.memory_space<semaphore_mem>>, %arg23: memref<!tpu.dma_semaphore, #tpu.memory_space<semaphore_mem>>, %arg24: memref<!tpu.dma_semaphore, #tpu.memory_space<semaphore_mem>>, %arg25: memref<!tpu.dma_semaphore, #tpu.memory_space<semaphore_mem>>, %arg26: memref<!tpu.dma_semaphore, #tpu.memory_space<semaphore_mem>>, %arg27: memref<!tpu.dma_semaphore, #tpu.memory_space<semaphore_mem>>, %arg28: memref<!tpu.dma_semaphore, #tpu.memory_space<semaphore_mem>>, %arg29: memref<!tpu.dma_semaphore, #tpu.memory_space<semaphore_mem>>, %arg30: memref<!tpu.dma_semaphore, #tpu.memory_space<semaphore_mem>>) attributes {dimension_semantics = [#tpu.dimension_semantics<core_parallel>, #tpu.dimension_semantics<subcore_parallel>], iteration_bounds = array<i64: 2, 16>, scalar_prefetch = 0 : i64, scratch_operands = 24 : i64, tpu.core_type = #tpu.core_type<sc_vector_subcore>, window_params = [{transform_indices = #map}, {transform_indices = #map}, {transform_indices = #map}, {transform_indices = #map1}, {transform_indices = #map}]} {
    "tpu.region"() ({
      %run_scoped3A = tpu.sem_alloc : memref<!tpu.dma_semaphore, #tpu.memory_space<semaphore_mem>>
      %dma_start3A_172 = arith.constant 0 : i32
      %dma_start3A_173 = arith.constant 0 : i32
      %dma_start3A_174 = tpu.memref_slice %arg3[%arg1, %dma_start3A_172, %dma_start3A_173] : memref<16x160x128xi32, #tpu.memory_space<hbm>> -> memref<1x160x128xi32, #tpu.memory_space<hbm>>
      %dma_start3A_175 = tpu.memref_squeeze %dma_start3A_174 : memref<1x160x128xi32, #tpu.memory_space<hbm>> -> memref<160x128xi32, #tpu.memory_space<hbm>>
      %dma_start3A_176 = arith.constant 0 : i32
      %dma_start3A_177 = arith.constant 0 : i32
      %dma_start3A_178 = tpu.memref_slice %arg3[%arg1, %dma_start3A_176, %dma_start3A_177] : memref<16x160x128xi32, #tpu.memory_space<hbm>> -> memref<1x160x128xi32, #tpu.memory_space<hbm>>
      %dma_start3A_179 = tpu.memref_squeeze %dma_start3A_178 : memref<1x160x128xi32, #tpu.memory_space<hbm>> -> memref<160x128xi32, #tpu.memory_space<hbm>>
      tpu.enqueue_dma source(%dma_start3A_179 : memref<160x128xi32, #tpu.memory_space<hbm>>) target(%arg7 : memref<160x128xi32, #tpu.memory_space<vmem>>) target_semaphore(%run_scoped3A : memref<!tpu.dma_semaphore, #tpu.memory_space<semaphore_mem>>)
      %dma_wait3A = arith.constant 0 : i32
      %dma_wait3A_180 = arith.constant 0 : i32
      %dma_wait3A_181 = tpu.memref_slice %arg3[%arg1, %dma_wait3A, %dma_wait3A_180] : memref<16x160x128xi32, #tpu.memory_space<hbm>> -> memref<1x160x128xi32, #tpu.memory_space<hbm>>
      %dma_wait3A_182 = tpu.memref_squeeze %dma_wait3A_181 : memref<1x160x128xi32, #tpu.memory_space<hbm>> -> memref<160x128xi32, #tpu.memory_space<hbm>>
      %dma_wait3A_183 = arith.constant 0 : i32
      %dma_wait3A_184 = arith.constant 0 : i32
      %dma_wait3A_185 = tpu.memref_slice %arg3[%arg1, %dma_wait3A_183, %dma_wait3A_184] : memref<16x160x128xi32, #tpu.memory_space<hbm>> -> memref<1x160x128xi32, #tpu.memory_space<hbm>>
      %dma_wait3A_186 = tpu.memref_squeeze %dma_wait3A_185 : memref<1x160x128xi32, #tpu.memory_space<hbm>> -> memref<160x128xi32, #tpu.memory_space<hbm>>
      tpu.wait_dma2 semaphore(%run_scoped3A : memref<!tpu.dma_semaphore, #tpu.memory_space<semaphore_mem>>) src(%dma_wait3A_186 : memref<160x128xi32, #tpu.memory_space<hbm>>) dst(%arg7 : memref<160x128xi32, #tpu.memory_space<vmem>>)
      tpu.yield
    }) : () -> ()
    "tpu.region"() ({
      %run_scoped3A = tpu.sem_alloc : memref<!tpu.dma_semaphore, #tpu.memory_space<semaphore_mem>>
      %dma_start3A_172 = arith.constant 0 : i32
      %dma_start3A_173 = arith.constant 0 : i32
      %dma_start3A_174 = tpu.memref_slice %arg4[%arg1, %dma_start3A_172, %dma_start3A_173] : memref<16x160x128xi32, #tpu.memory_space<hbm>> -> memref<1x160x128xi32, #tpu.memory_space<hbm>>
      %dma_start3A_175 = tpu.memref_squeeze %dma_start3A_174 : memref<1x160x128xi32, #tpu.memory_space<hbm>> -> memref<160x128xi32, #tpu.memory_space<hbm>>
      %dma_start3A_176 = arith.constant 0 : i32
      %dma_start3A_177 = arith.constant 0 : i32
      %dma_start3A_178 = tpu.memref_slice %arg4[%arg1, %dma_start3A_176, %dma_start3A_177] : memref<16x160x128xi32, #tpu.memory_space<hbm>> -> memref<1x160x128xi32, #tpu.memory_space<hbm>>
      %dma_start3A_179 = tpu.memref_squeeze %dma_start3A_178 : memref<1x160x128xi32, #tpu.memory_space<hbm>> -> memref<160x128xi32, #tpu.memory_space<hbm>>
      tpu.enqueue_dma source(%dma_start3A_179 : memref<160x128xi32, #tpu.memory_space<hbm>>) target(%arg8 : memref<160x128xi32, #tpu.memory_space<vmem>>) target_semaphore(%run_scoped3A : memref<!tpu.dma_semaphore, #tpu.memory_space<semaphore_mem>>)
      %dma_wait3A = arith.constant 0 : i32
      %dma_wait3A_180 = arith.constant 0 : i32
      %dma_wait3A_181 = tpu.memref_slice %arg4[%arg1, %dma_wait3A, %dma_wait3A_180] : memref<16x160x128xi32, #tpu.memory_space<hbm>> -> memref<1x160x128xi32, #tpu.memory_space<hbm>>
      %dma_wait3A_182 = tpu.memref_squeeze %dma_wait3A_181 : memref<1x160x128xi32, #tpu.memory_space<hbm>> -> memref<160x128xi32, #tpu.memory_space<hbm>>
      %dma_wait3A_183 = arith.constant 0 : i32
      %dma_wait3A_184 = arith.constant 0 : i32
      %dma_wait3A_185 = tpu.memref_slice %arg4[%arg1, %dma_wait3A_183, %dma_wait3A_184] : memref<16x160x128xi32, #tpu.memory_space<hbm>> -> memref<1x160x128xi32, #tpu.memory_space<hbm>>
      %dma_wait3A_186 = tpu.memref_squeeze %dma_wait3A_185 : memref<1x160x128xi32, #tpu.memory_space<hbm>> -> memref<160x128xi32, #tpu.memory_space<hbm>>
      tpu.wait_dma2 semaphore(%run_scoped3A : memref<!tpu.dma_semaphore, #tpu.memory_space<semaphore_mem>>) src(%dma_wait3A_186 : memref<160x128xi32, #tpu.memory_space<hbm>>) dst(%arg8 : memref<160x128xi32, #tpu.memory_space<vmem>>)
      tpu.yield
    }) : () -> ()
    %mul3A = arith.constant 632 : i32
    %mul3A_0 = arith.muli %arg1, %mul3A : i32
    %mul3A_1 = arith.constant 632 : i32
    %mul3A_2 = arith.muli %arg1, %mul3A_1 : i32
    "tpu.region"() ({
      %run_scoped3A = tpu.sem_alloc : memref<!tpu.dma_semaphore, #tpu.memory_space<semaphore_mem>>
      %dma_start3A_172 = arith.constant 0 : i32
      %dma_start3A_173 = tpu.memref_slice %arg10[%mul3A_2, %dma_start3A_172] : memref<10112x32xf32, #tpu.memory_space<vmem_shared>> -> memref<632x32xf32, #tpu.memory_space<vmem_shared>>
      %dma_start3A_174 = arith.constant 0 : i32
      %dma_start3A_175 = tpu.memref_slice %arg5[%mul3A_0, %dma_start3A_174] : memref<10112x32xf32, #tpu.memory_space<hbm>> -> memref<632x32xf32, #tpu.memory_space<hbm>>
      tpu.enqueue_dma source(%dma_start3A_175 : memref<632x32xf32, #tpu.memory_space<hbm>>) target(%dma_start3A_173 : memref<632x32xf32, #tpu.memory_space<vmem_shared>>) target_semaphore(%run_scoped3A : memref<!tpu.dma_semaphore, #tpu.memory_space<semaphore_mem>>)
      %dma_wait3A = arith.constant 0 : i32
      %dma_wait3A_176 = tpu.memref_slice %arg10[%mul3A_2, %dma_wait3A] : memref<10112x32xf32, #tpu.memory_space<vmem_shared>> -> memref<632x32xf32, #tpu.memory_space<vmem_shared>>
      %dma_wait3A_177 = arith.constant 0 : i32
      %dma_wait3A_178 = tpu.memref_slice %arg5[%mul3A_0, %dma_wait3A_177] : memref<10112x32xf32, #tpu.memory_space<hbm>> -> memref<632x32xf32, #tpu.memory_space<hbm>>
      tpu.wait_dma2 semaphore(%run_scoped3A : memref<!tpu.dma_semaphore, #tpu.memory_space<semaphore_mem>>) src(%dma_wait3A_178 : memref<632x32xf32, #tpu.memory_space<hbm>>) dst(%dma_wait3A_176 : memref<632x32xf32, #tpu.memory_space<vmem_shared>>)
      tpu.yield
    }) : () -> ()
    %dma_start3A = arith.constant 0 : i32
    %dma_start3A_3 = arith.constant 0 : i32
    %dma_start3A_4 = arith.constant 0 : i32
    %dma_start3A_5 = arith.constant 0 : i32
    %dma_start3A_6 = tpu.memref_slice %arg9[%dma_start3A_3, %dma_start3A_4, %dma_start3A_5] : memref<10x128x32xf32, #tpu.memory_space<vmem>> -> memref<1x128x32xf32, #tpu.memory_space<vmem>>
    %dma_start3A_7 = tpu.memref_squeeze %dma_start3A_6 : memref<1x128x32xf32, #tpu.memory_space<vmem>> -> memref<128x32xf32, #tpu.memory_space<vmem>>
    %dma_start3A_8 = arith.constant 0 : i32
    %dma_start3A_9 = tpu.memref_slice %arg7[%dma_start3A, %dma_start3A_8] : memref<160x128xi32, #tpu.memory_space<vmem>> -> memref<1x128xi32, #tpu.memory_space<vmem>>
    %dma_start3A_10 = tpu.memref_squeeze %dma_start3A_9 : memref<1x128xi32, #tpu.memory_space<vmem>> -> memref<128xi32, #tpu.memory_space<vmem>>
    %dma_start3A_11 = arith.constant 0 : i32
    %dma_start3A_12 = arith.constant 0 : i32
    %dma_start3A_13 = tpu.memref_slice %arg2[%arg0, %dma_start3A_11, %dma_start3A_12] : memref<2x10112x32xf32, #tpu.memory_space<hbm>> -> memref<1x10112x32xf32, #tpu.memory_space<hbm>>
    %dma_start3A_14 = tpu.memref_squeeze %dma_start3A_13 : memref<1x10112x32xf32, #tpu.memory_space<hbm>> -> memref<10112x32xf32, #tpu.memory_space<hbm>>
    %dma_start3A_15 = arith.constant 0 : i32
    %dma_start3A_16 = arith.constant 0 : i32
    %dma_start3A_17 = tpu.memref_slice %dma_start3A_14[%dma_start3A_15, %dma_start3A_16] : memref<10112x32xf32, #tpu.memory_space<hbm>> -> memref<10112x32xf32, #tpu.memory_space<hbm>>
    tpu.enqueue_indirect_dma source(%dma_start3A_17 : memref<10112x32xf32, #tpu.memory_space<hbm>>) target(%dma_start3A_7 : memref<128x32xf32, #tpu.memory_space<vmem>>) offsets(%dma_start3A_10 : memref<128xi32, #tpu.memory_space<vmem>>) semaphore(%arg11 : memref<!tpu.dma_semaphore, #tpu.memory_space<semaphore_mem>>)
    %dma_start3A_18 = arith.constant 1 : i32
    %dma_start3A_19 = arith.constant 1 : i32
    %dma_start3A_20 = arith.constant 0 : i32
    %dma_start3A_21 = arith.constant 0 : i32
    %dma_start3A_22 = tpu.memref_slice %arg9[%dma_start3A_19, %dma_start3A_20, %dma_start3A_21] : memref<10x128x32xf32, #tpu.memory_space<vmem>> -> memref<1x128x32xf32, #tpu.memory_space<vmem>>
    %dma_start3A_23 = tpu.memref_squeeze %dma_start3A_22 : memref<1x128x32xf32, #tpu.memory_space<vmem>> -> memref<128x32xf32, #tpu.memory_space<vmem>>
    %dma_start3A_24 = arith.constant 0 : i32
    %dma_start3A_25 = tpu.memref_slice %arg7[%dma_start3A_18, %dma_start3A_24] : memref<160x128xi32, #tpu.memory_space<vmem>> -> memref<1x128xi32, #tpu.memory_space<vmem>>
    %dma_start3A_26 = tpu.memref_squeeze %dma_start3A_25 : memref<1x128xi32, #tpu.memory_space<vmem>> -> memref<128xi32, #tpu.memory_space<vmem>>
    %dma_start3A_27 = arith.constant 0 : i32
    %dma_start3A_28 = arith.constant 0 : i32
    %dma_start3A_29 = tpu.memref_slice %arg2[%arg0, %dma_start3A_27, %dma_start3A_28] : memref<2x10112x32xf32, #tpu.memory_space<hbm>> -> memref<1x10112x32xf32, #tpu.memory_space<hbm>>
    %dma_start3A_30 = tpu.memref_squeeze %dma_start3A_29 : memref<1x10112x32xf32, #tpu.memory_space<hbm>> -> memref<10112x32xf32, #tpu.memory_space<hbm>>
    %dma_start3A_31 = arith.constant 0 : i32
    %dma_start3A_32 = arith.constant 0 : i32
    %dma_start3A_33 = tpu.memref_slice %dma_start3A_30[%dma_start3A_31, %dma_start3A_32] : memref<10112x32xf32, #tpu.memory_space<hbm>> -> memref<10112x32xf32, #tpu.memory_space<hbm>>
    tpu.enqueue_indirect_dma source(%dma_start3A_33 : memref<10112x32xf32, #tpu.memory_space<hbm>>) target(%dma_start3A_23 : memref<128x32xf32, #tpu.memory_space<vmem>>) offsets(%dma_start3A_26 : memref<128xi32, #tpu.memory_space<vmem>>) semaphore(%arg12 : memref<!tpu.dma_semaphore, #tpu.memory_space<semaphore_mem>>)
    %dma_start3A_34 = arith.constant 2 : i32
    %dma_start3A_35 = arith.constant 2 : i32
    %dma_start3A_36 = arith.constant 0 : i32
    %dma_start3A_37 = arith.constant 0 : i32
    %dma_start3A_38 = tpu.memref_slice %arg9[%dma_start3A_35, %dma_start3A_36, %dma_start3A_37] : memref<10x128x32xf32, #tpu.memory_space<vmem>> -> memref<1x128x32xf32, #tpu.memory_space<vmem>>
    %dma_start3A_39 = tpu.memref_squeeze %dma_start3A_38 : memref<1x128x32xf32, #tpu.memory_space<vmem>> -> memref<128x32xf32, #tpu.memory_space<vmem>>
    %dma_start3A_40 = arith.constant 0 : i32
    %dma_start3A_41 = tpu.memref_slice %arg7[%dma_start3A_34, %dma_start3A_40] : memref<160x128xi32, #tpu.memory_space<vmem>> -> memref<1x128xi32, #tpu.memory_space<vmem>>
    %dma_start3A_42 = tpu.memref_squeeze %dma_start3A_41 : memref<1x128xi32, #tpu.memory_space<vmem>> -> memref<128xi32, #tpu.memory_space<vmem>>
    %dma_start3A_43 = arith.constant 0 : i32
    %dma_start3A_44 = arith.constant 0 : i32
    %dma_start3A_45 = tpu.memref_slice %arg2[%arg0, %dma_start3A_43, %dma_start3A_44] : memref<2x10112x32xf32, #tpu.memory_space<hbm>> -> memref<1x10112x32xf32, #tpu.memory_space<hbm>>
    %dma_start3A_46 = tpu.memref_squeeze %dma_start3A_45 : memref<1x10112x32xf32, #tpu.memory_space<hbm>> -> memref<10112x32xf32, #tpu.memory_space<hbm>>
    %dma_start3A_47 = arith.constant 0 : i32
    %dma_start3A_48 = arith.constant 0 : i32
    %dma_start3A_49 = tpu.memref_slice %dma_start3A_46[%dma_start3A_47, %dma_start3A_48] : memref<10112x32xf32, #tpu.memory_space<hbm>> -> memref<10112x32xf32, #tpu.memory_space<hbm>>
    tpu.enqueue_indirect_dma source(%dma_start3A_49 : memref<10112x32xf32, #tpu.memory_space<hbm>>) target(%dma_start3A_39 : memref<128x32xf32, #tpu.memory_space<vmem>>) offsets(%dma_start3A_42 : memref<128xi32, #tpu.memory_space<vmem>>) semaphore(%arg13 : memref<!tpu.dma_semaphore, #tpu.memory_space<semaphore_mem>>)
    %dma_start3A_50 = arith.constant 3 : i32
    %dma_start3A_51 = arith.constant 3 : i32
    %dma_start3A_52 = arith.constant 0 : i32
    %dma_start3A_53 = arith.constant 0 : i32
    %dma_start3A_54 = tpu.memref_slice %arg9[%dma_start3A_51, %dma_start3A_52, %dma_start3A_53] : memref<10x128x32xf32, #tpu.memory_space<vmem>> -> memref<1x128x32xf32, #tpu.memory_space<vmem>>
    %dma_start3A_55 = tpu.memref_squeeze %dma_start3A_54 : memref<1x128x32xf32, #tpu.memory_space<vmem>> -> memref<128x32xf32, #tpu.memory_space<vmem>>
    %dma_start3A_56 = arith.constant 0 : i32
    %dma_start3A_57 = tpu.memref_slice %arg7[%dma_start3A_50, %dma_start3A_56] : memref<160x128xi32, #tpu.memory_space<vmem>> -> memref<1x128xi32, #tpu.memory_space<vmem>>
    %dma_start3A_58 = tpu.memref_squeeze %dma_start3A_57 : memref<1x128xi32, #tpu.memory_space<vmem>> -> memref<128xi32, #tpu.memory_space<vmem>>
    %dma_start3A_59 = arith.constant 0 : i32
    %dma_start3A_60 = arith.constant 0 : i32
    %dma_start3A_61 = tpu.memref_slice %arg2[%arg0, %dma_start3A_59, %dma_start3A_60] : memref<2x10112x32xf32, #tpu.memory_space<hbm>> -> memref<1x10112x32xf32, #tpu.memory_space<hbm>>
    %dma_start3A_62 = tpu.memref_squeeze %dma_start3A_61 : memref<1x10112x32xf32, #tpu.memory_space<hbm>> -> memref<10112x32xf32, #tpu.memory_space<hbm>>
    %dma_start3A_63 = arith.constant 0 : i32
    %dma_start3A_64 = arith.constant 0 : i32
    %dma_start3A_65 = tpu.memref_slice %dma_start3A_62[%dma_start3A_63, %dma_start3A_64] : memref<10112x32xf32, #tpu.memory_space<hbm>> -> memref<10112x32xf32, #tpu.memory_space<hbm>>
    tpu.enqueue_indirect_dma source(%dma_start3A_65 : memref<10112x32xf32, #tpu.memory_space<hbm>>) target(%dma_start3A_55 : memref<128x32xf32, #tpu.memory_space<vmem>>) offsets(%dma_start3A_58 : memref<128xi32, #tpu.memory_space<vmem>>) semaphore(%arg14 : memref<!tpu.dma_semaphore, #tpu.memory_space<semaphore_mem>>)
    %dma_start3A_66 = arith.constant 4 : i32
    %dma_start3A_67 = arith.constant 4 : i32
    %dma_start3A_68 = arith.constant 0 : i32
    %dma_start3A_69 = arith.constant 0 : i32
    %dma_start3A_70 = tpu.memref_slice %arg9[%dma_start3A_67, %dma_start3A_68, %dma_start3A_69] : memref<10x128x32xf32, #tpu.memory_space<vmem>> -> memref<1x128x32xf32, #tpu.memory_space<vmem>>
    %dma_start3A_71 = tpu.memref_squeeze %dma_start3A_70 : memref<1x128x32xf32, #tpu.memory_space<vmem>> -> memref<128x32xf32, #tpu.memory_space<vmem>>
    %dma_start3A_72 = arith.constant 0 : i32
    %dma_start3A_73 = tpu.memref_slice %arg7[%dma_start3A_66, %dma_start3A_72] : memref<160x128xi32, #tpu.memory_space<vmem>> -> memref<1x128xi32, #tpu.memory_space<vmem>>
    %dma_start3A_74 = tpu.memref_squeeze %dma_start3A_73 : memref<1x128xi32, #tpu.memory_space<vmem>> -> memref<128xi32, #tpu.memory_space<vmem>>
    %dma_start3A_75 = arith.constant 0 : i32
    %dma_start3A_76 = arith.constant 0 : i32
    %dma_start3A_77 = tpu.memref_slice %arg2[%arg0, %dma_start3A_75, %dma_start3A_76] : memref<2x10112x32xf32, #tpu.memory_space<hbm>> -> memref<1x10112x32xf32, #tpu.memory_space<hbm>>
    %dma_start3A_78 = tpu.memref_squeeze %dma_start3A_77 : memref<1x10112x32xf32, #tpu.memory_space<hbm>> -> memref<10112x32xf32, #tpu.memory_space<hbm>>
    %dma_start3A_79 = arith.constant 0 : i32
    %dma_start3A_80 = arith.constant 0 : i32
    %dma_start3A_81 = tpu.memref_slice %dma_start3A_78[%dma_start3A_79, %dma_start3A_80] : memref<10112x32xf32, #tpu.memory_space<hbm>> -> memref<10112x32xf32, #tpu.memory_space<hbm>>
    tpu.enqueue_indirect_dma source(%dma_start3A_81 : memref<10112x32xf32, #tpu.memory_space<hbm>>) target(%dma_start3A_71 : memref<128x32xf32, #tpu.memory_space<vmem>>) offsets(%dma_start3A_74 : memref<128xi32, #tpu.memory_space<vmem>>) semaphore(%arg15 : memref<!tpu.dma_semaphore, #tpu.memory_space<semaphore_mem>>)
    %dma_start3A_82 = arith.constant 5 : i32
    %dma_start3A_83 = arith.constant 5 : i32
    %dma_start3A_84 = arith.constant 0 : i32
    %dma_start3A_85 = arith.constant 0 : i32
    %dma_start3A_86 = tpu.memref_slice %arg9[%dma_start3A_83, %dma_start3A_84, %dma_start3A_85] : memref<10x128x32xf32, #tpu.memory_space<vmem>> -> memref<1x128x32xf32, #tpu.memory_space<vmem>>
    %dma_start3A_87 = tpu.memref_squeeze %dma_start3A_86 : memref<1x128x32xf32, #tpu.memory_space<vmem>> -> memref<128x32xf32, #tpu.memory_space<vmem>>
    %dma_start3A_88 = arith.constant 0 : i32
    %dma_start3A_89 = tpu.memref_slice %arg7[%dma_start3A_82, %dma_start3A_88] : memref<160x128xi32, #tpu.memory_space<vmem>> -> memref<1x128xi32, #tpu.memory_space<vmem>>
    %dma_start3A_90 = tpu.memref_squeeze %dma_start3A_89 : memref<1x128xi32, #tpu.memory_space<vmem>> -> memref<128xi32, #tpu.memory_space<vmem>>
    %dma_start3A_91 = arith.constant 0 : i32
    %dma_start3A_92 = arith.constant 0 : i32
    %dma_start3A_93 = tpu.memref_slice %arg2[%arg0, %dma_start3A_91, %dma_start3A_92] : memref<2x10112x32xf32, #tpu.memory_space<hbm>> -> memref<1x10112x32xf32, #tpu.memory_space<hbm>>
    %dma_start3A_94 = tpu.memref_squeeze %dma_start3A_93 : memref<1x10112x32xf32, #tpu.memory_space<hbm>> -> memref<10112x32xf32, #tpu.memory_space<hbm>>
    %dma_start3A_95 = arith.constant 0 : i32
    %dma_start3A_96 = arith.constant 0 : i32
    %dma_start3A_97 = tpu.memref_slice %dma_start3A_94[%dma_start3A_95, %dma_start3A_96] : memref<10112x32xf32, #tpu.memory_space<hbm>> -> memref<10112x32xf32, #tpu.memory_space<hbm>>
    tpu.enqueue_indirect_dma source(%dma_start3A_97 : memref<10112x32xf32, #tpu.memory_space<hbm>>) target(%dma_start3A_87 : memref<128x32xf32, #tpu.memory_space<vmem>>) offsets(%dma_start3A_90 : memref<128xi32, #tpu.memory_space<vmem>>) semaphore(%arg16 : memref<!tpu.dma_semaphore, #tpu.memory_space<semaphore_mem>>)
    %dma_start3A_98 = arith.constant 6 : i32
    %dma_start3A_99 = arith.constant 6 : i32
    %dma_start3A_100 = arith.constant 0 : i32
    %dma_start3A_101 = arith.constant 0 : i32
    %dma_start3A_102 = tpu.memref_slice %arg9[%dma_start3A_99, %dma_start3A_100, %dma_start3A_101] : memref<10x128x32xf32, #tpu.memory_space<vmem>> -> memref<1x128x32xf32, #tpu.memory_space<vmem>>
    %dma_start3A_103 = tpu.memref_squeeze %dma_start3A_102 : memref<1x128x32xf32, #tpu.memory_space<vmem>> -> memref<128x32xf32, #tpu.memory_space<vmem>>
    %dma_start3A_104 = arith.constant 0 : i32
    %dma_start3A_105 = tpu.memref_slice %arg7[%dma_start3A_98, %dma_start3A_104] : memref<160x128xi32, #tpu.memory_space<vmem>> -> memref<1x128xi32, #tpu.memory_space<vmem>>
    %dma_start3A_106 = tpu.memref_squeeze %dma_start3A_105 : memref<1x128xi32, #tpu.memory_space<vmem>> -> memref<128xi32, #tpu.memory_space<vmem>>
    %dma_start3A_107 = arith.constant 0 : i32
    %dma_start3A_108 = arith.constant 0 : i32
    %dma_start3A_109 = tpu.memref_slice %arg2[%arg0, %dma_start3A_107, %dma_start3A_108] : memref<2x10112x32xf32, #tpu.memory_space<hbm>> -> memref<1x10112x32xf32, #tpu.memory_space<hbm>>
    %dma_start3A_110 = tpu.memref_squeeze %dma_start3A_109 : memref<1x10112x32xf32, #tpu.memory_space<hbm>> -> memref<10112x32xf32, #tpu.memory_space<hbm>>
    %dma_start3A_111 = arith.constant 0 : i32
    %dma_start3A_112 = arith.constant 0 : i32
    %dma_start3A_113 = tpu.memref_slice %dma_start3A_110[%dma_start3A_111, %dma_start3A_112] : memref<10112x32xf32, #tpu.memory_space<hbm>> -> memref<10112x32xf32, #tpu.memory_space<hbm>>
    tpu.enqueue_indirect_dma source(%dma_start3A_113 : memref<10112x32xf32, #tpu.memory_space<hbm>>) target(%dma_start3A_103 : memref<128x32xf32, #tpu.memory_space<vmem>>) offsets(%dma_start3A_106 : memref<128xi32, #tpu.memory_space<vmem>>) semaphore(%arg17 : memref<!tpu.dma_semaphore, #tpu.memory_space<semaphore_mem>>)
    %dma_start3A_114 = arith.constant 7 : i32
    %dma_start3A_115 = arith.constant 7 : i32
    %dma_start3A_116 = arith.constant 0 : i32
    %dma_start3A_117 = arith.constant 0 : i32
    %dma_start3A_118 = tpu.memref_slice %arg9[%dma_start3A_115, %dma_start3A_116, %dma_start3A_117] : memref<10x128x32xf32, #tpu.memory_space<vmem>> -> memref<1x128x32xf32, #tpu.memory_space<vmem>>
    %dma_start3A_119 = tpu.memref_squeeze %dma_start3A_118 : memref<1x128x32xf32, #tpu.memory_space<vmem>> -> memref<128x32xf32, #tpu.memory_space<vmem>>
    %dma_start3A_120 = arith.constant 0 : i32
    %dma_start3A_121 = tpu.memref_slice %arg7[%dma_start3A_114, %dma_start3A_120] : memref<160x128xi32, #tpu.memory_space<vmem>> -> memref<1x128xi32, #tpu.memory_space<vmem>>
    %dma_start3A_122 = tpu.memref_squeeze %dma_start3A_121 : memref<1x128xi32, #tpu.memory_space<vmem>> -> memref<128xi32, #tpu.memory_space<vmem>>
    %dma_start3A_123 = arith.constant 0 : i32
    %dma_start3A_124 = arith.constant 0 : i32
    %dma_start3A_125 = tpu.memref_slice %arg2[%arg0, %dma_start3A_123, %dma_start3A_124] : memref<2x10112x32xf32, #tpu.memory_space<hbm>> -> memref<1x10112x32xf32, #tpu.memory_space<hbm>>
    %dma_start3A_126 = tpu.memref_squeeze %dma_start3A_125 : memref<1x10112x32xf32, #tpu.memory_space<hbm>> -> memref<10112x32xf32, #tpu.memory_space<hbm>>
    %dma_start3A_127 = arith.constant 0 : i32
    %dma_start3A_128 = arith.constant 0 : i32
    %dma_start3A_129 = tpu.memref_slice %dma_start3A_126[%dma_start3A_127, %dma_start3A_128] : memref<10112x32xf32, #tpu.memory_space<hbm>> -> memref<10112x32xf32, #tpu.memory_space<hbm>>
    tpu.enqueue_indirect_dma source(%dma_start3A_129 : memref<10112x32xf32, #tpu.memory_space<hbm>>) target(%dma_start3A_119 : memref<128x32xf32, #tpu.memory_space<vmem>>) offsets(%dma_start3A_122 : memref<128xi32, #tpu.memory_space<vmem>>) semaphore(%arg18 : memref<!tpu.dma_semaphore, #tpu.memory_space<semaphore_mem>>)
    %dma_start3A_130 = arith.constant 8 : i32
    %dma_start3A_131 = arith.constant 8 : i32
    %dma_start3A_132 = arith.constant 0 : i32
    %dma_start3A_133 = arith.constant 0 : i32
    %dma_start3A_134 = tpu.memref_slice %arg9[%dma_start3A_131, %dma_start3A_132, %dma_start3A_133] : memref<10x128x32xf32, #tpu.memory_space<vmem>> -> memref<1x128x32xf32, #tpu.memory_space<vmem>>
    %dma_start3A_135 = tpu.memref_squeeze %dma_start3A_134 : memref<1x128x32xf32, #tpu.memory_space<vmem>> -> memref<128x32xf32, #tpu.memory_space<vmem>>
    %dma_start3A_136 = arith.constant 0 : i32
    %dma_start3A_137 = tpu.memref_slice %arg7[%dma_start3A_130, %dma_start3A_136] : memref<160x128xi32, #tpu.memory_space<vmem>> -> memref<1x128xi32, #tpu.memory_space<vmem>>
    %dma_start3A_138 = tpu.memref_squeeze %dma_start3A_137 : memref<1x128xi32, #tpu.memory_space<vmem>> -> memref<128xi32, #tpu.memory_space<vmem>>
    %dma_start3A_139 = arith.constant 0 : i32
    %dma_start3A_140 = arith.constant 0 : i32
    %dma_start3A_141 = tpu.memref_slice %arg2[%arg0, %dma_start3A_139, %dma_start3A_140] : memref<2x10112x32xf32, #tpu.memory_space<hbm>> -> memref<1x10112x32xf32, #tpu.memory_space<hbm>>
    %dma_start3A_142 = tpu.memref_squeeze %dma_start3A_141 : memref<1x10112x32xf32, #tpu.memory_space<hbm>> -> memref<10112x32xf32, #tpu.memory_space<hbm>>
    %dma_start3A_143 = arith.constant 0 : i32
    %dma_start3A_144 = arith.constant 0 : i32
    %dma_start3A_145 = tpu.memref_slice %dma_start3A_142[%dma_start3A_143, %dma_start3A_144] : memref<10112x32xf32, #tpu.memory_space<hbm>> -> memref<10112x32xf32, #tpu.memory_space<hbm>>
    tpu.enqueue_indirect_dma source(%dma_start3A_145 : memref<10112x32xf32, #tpu.memory_space<hbm>>) target(%dma_start3A_135 : memref<128x32xf32, #tpu.memory_space<vmem>>) offsets(%dma_start3A_138 : memref<128xi32, #tpu.memory_space<vmem>>) semaphore(%arg19 : memref<!tpu.dma_semaphore, #tpu.memory_space<semaphore_mem>>)
    %dma_start3A_146 = arith.constant 9 : i32
    %dma_start3A_147 = arith.constant 9 : i32
    %dma_start3A_148 = arith.constant 0 : i32
    %dma_start3A_149 = arith.constant 0 : i32
    %dma_start3A_150 = tpu.memref_slice %arg9[%dma_start3A_147, %dma_start3A_148, %dma_start3A_149] : memref<10x128x32xf32, #tpu.memory_space<vmem>> -> memref<1x128x32xf32, #tpu.memory_space<vmem>>
    %dma_start3A_151 = tpu.memref_squeeze %dma_start3A_150 : memref<1x128x32xf32, #tpu.memory_space<vmem>> -> memref<128x32xf32, #tpu.memory_space<vmem>>
    %dma_start3A_152 = arith.constant 0 : i32
    %dma_start3A_153 = tpu.memref_slice %arg7[%dma_start3A_146, %dma_start3A_152] : memref<160x128xi32, #tpu.memory_space<vmem>> -> memref<1x128xi32, #tpu.memory_space<vmem>>
    %dma_start3A_154 = tpu.memref_squeeze %dma_start3A_153 : memref<1x128xi32, #tpu.memory_space<vmem>> -> memref<128xi32, #tpu.memory_space<vmem>>
    %dma_start3A_155 = arith.constant 0 : i32
    %dma_start3A_156 = arith.constant 0 : i32
    %dma_start3A_157 = tpu.memref_slice %arg2[%arg0, %dma_start3A_155, %dma_start3A_156] : memref<2x10112x32xf32, #tpu.memory_space<hbm>> -> memref<1x10112x32xf32, #tpu.memory_space<hbm>>
    %dma_start3A_158 = tpu.memref_squeeze %dma_start3A_157 : memref<1x10112x32xf32, #tpu.memory_space<hbm>> -> memref<10112x32xf32, #tpu.memory_space<hbm>>
    %dma_start3A_159 = arith.constant 0 : i32
    %dma_start3A_160 = arith.constant 0 : i32
    %dma_start3A_161 = tpu.memref_slice %dma_start3A_158[%dma_start3A_159, %dma_start3A_160] : memref<10112x32xf32, #tpu.memory_space<hbm>> -> memref<10112x32xf32, #tpu.memory_space<hbm>>
    tpu.enqueue_indirect_dma source(%dma_start3A_161 : memref<10112x32xf32, #tpu.memory_space<hbm>>) target(%dma_start3A_151 : memref<128x32xf32, #tpu.memory_space<vmem>>) offsets(%dma_start3A_154 : memref<128xi32, #tpu.memory_space<vmem>>) semaphore(%arg20 : memref<!tpu.dma_semaphore, #tpu.memory_space<semaphore_mem>>)
    %barrier3A = arith.constant 0 : index
    tpu.barrier barrier_id(%barrier3A)
    %scan3A = arith.constant 0 : i32
    %scan3A_162 = arith.constant 0 : i32
    %scan3A_163 = arith.constant 16 : i32
    %scan3A_164 = arith.addi %scan3A_162, %scan3A_163 : i32
    %scan3A_165 = arith.constant 1 : i32
    scf.for %scan3A_172 = %scan3A_162 to %scan3A_164 step %scan3A_165  : i32 {
      %mul3A_173 = arith.constant 10 : i32
      %mul3A_174 = arith.muli %mul3A_173, %scan3A_172 : i32
      %add3A = arith.constant 0 : i32
      %add3A_175 = arith.addi %mul3A_174, %add3A : i32
      %dma_wait3A = arith.constant 0 : i32
      %dma_wait3A_176 = arith.constant 0 : i32
      %dma_wait3A_177 = arith.constant 0 : i32
      %dma_wait3A_178 = tpu.memref_slice %arg9[%dma_wait3A, %dma_wait3A_176, %dma_wait3A_177] : memref<10x128x32xf32, #tpu.memory_space<vmem>> -> memref<1x128x32xf32, #tpu.memory_space<vmem>>
      %dma_wait3A_179 = tpu.memref_squeeze %dma_wait3A_178 : memref<1x128x32xf32, #tpu.memory_space<vmem>> -> memref<128x32xf32, #tpu.memory_space<vmem>>
      %dma_wait3A_180 = arith.constant 0 : i32
      %dma_wait3A_181 = tpu.memref_slice %arg7[%add3A_175, %dma_wait3A_180] : memref<160x128xi32, #tpu.memory_space<vmem>> -> memref<1x128xi32, #tpu.memory_space<vmem>>
      %dma_wait3A_182 = tpu.memref_squeeze %dma_wait3A_181 : memref<1x128xi32, #tpu.memory_space<vmem>> -> memref<128xi32, #tpu.memory_space<vmem>>
      %dma_wait3A_183 = arith.constant 0 : i32
      %dma_wait3A_184 = arith.constant 0 : i32
      %dma_wait3A_185 = tpu.memref_slice %arg2[%arg0, %dma_wait3A_183, %dma_wait3A_184] : memref<2x10112x32xf32, #tpu.memory_space<hbm>> -> memref<1x10112x32xf32, #tpu.memory_space<hbm>>
      %dma_wait3A_186 = tpu.memref_squeeze %dma_wait3A_185 : memref<1x10112x32xf32, #tpu.memory_space<hbm>> -> memref<10112x32xf32, #tpu.memory_space<hbm>>
      %dma_wait3A_187 = arith.constant 0 : i32
      %dma_wait3A_188 = arith.constant 0 : i32
      %dma_wait3A_189 = tpu.memref_slice %dma_wait3A_186[%dma_wait3A_187, %dma_wait3A_188] : memref<10112x32xf32, #tpu.memory_space<hbm>> -> memref<10112x32xf32, #tpu.memory_space<hbm>>
      tpu.wait_indirect_dma semaphore(%arg11 : memref<!tpu.dma_semaphore, #tpu.memory_space<semaphore_mem>>) src(%dma_wait3A_189 : memref<10112x32xf32, #tpu.memory_space<hbm>>) dst(%dma_wait3A_179 : memref<128x32xf32, #tpu.memory_space<vmem>>)
      %dma_start3A_190 = arith.constant 0 : i32
      %dma_start3A_191 = arith.constant 0 : i32
      %dma_start3A_192 = arith.constant 0 : i32
      %dma_start3A_193 = tpu.memref_slice %arg9[%dma_start3A_190, %dma_start3A_191, %dma_start3A_192] : memref<10x128x32xf32, #tpu.memory_space<vmem>> -> memref<1x128x32xf32, #tpu.memory_space<vmem>>
      %dma_start3A_194 = tpu.memref_squeeze %dma_start3A_193 : memref<1x128x32xf32, #tpu.memory_space<vmem>> -> memref<128x32xf32, #tpu.memory_space<vmem>>
      %dma_start3A_195 = arith.constant 0 : i32
      %dma_start3A_196 = tpu.memref_slice %arg8[%add3A_175, %dma_start3A_195] : memref<160x128xi32, #tpu.memory_space<vmem>> -> memref<1x128xi32, #tpu.memory_space<vmem>>
      %dma_start3A_197 = tpu.memref_squeeze %dma_start3A_196 : memref<1x128xi32, #tpu.memory_space<vmem>> -> memref<128xi32, #tpu.memory_space<vmem>>
      %dma_start3A_198 = arith.constant 0 : i32
      %dma_start3A_199 = arith.constant 0 : i32
      %dma_start3A_200 = tpu.memref_slice %arg10[%dma_start3A_198, %dma_start3A_199] : memref<10112x32xf32, #tpu.memory_space<vmem_shared>> -> memref<10112x32xf32, #tpu.memory_space<vmem_shared>>
      tpu.enqueue_indirect_dma source(%dma_start3A_194 : memref<128x32xf32, #tpu.memory_space<vmem>>) target(%dma_start3A_200 : memref<10112x32xf32, #tpu.memory_space<vmem_shared>>) offsets(%dma_start3A_197 : memref<128xi32, #tpu.memory_space<vmem>>) semaphore(%arg21 : memref<!tpu.dma_semaphore, #tpu.memory_space<semaphore_mem>>) {add = true}
      %add3A_201 = arith.constant 1 : i32
      %add3A_202 = arith.addi %mul3A_174, %add3A_201 : i32
      %dma_wait3A_203 = arith.constant 1 : i32
      %dma_wait3A_204 = arith.constant 0 : i32
      %dma_wait3A_205 = arith.constant 0 : i32
      %dma_wait3A_206 = tpu.memref_slice %arg9[%dma_wait3A_203, %dma_wait3A_204, %dma_wait3A_205] : memref<10x128x32xf32, #tpu.memory_space<vmem>> -> memref<1x128x32xf32, #tpu.memory_space<vmem>>
      %dma_wait3A_207 = tpu.memref_squeeze %dma_wait3A_206 : memref<1x128x32xf32, #tpu.memory_space<vmem>> -> memref<128x32xf32, #tpu.memory_space<vmem>>
      %dma_wait3A_208 = arith.constant 0 : i32
      %dma_wait3A_209 = tpu.memref_slice %arg7[%add3A_202, %dma_wait3A_208] : memref<160x128xi32, #tpu.memory_space<vmem>> -> memref<1x128xi32, #tpu.memory_space<vmem>>
      %dma_wait3A_210 = tpu.memref_squeeze %dma_wait3A_209 : memref<1x128xi32, #tpu.memory_space<vmem>> -> memref<128xi32, #tpu.memory_space<vmem>>
      %dma_wait3A_211 = arith.constant 0 : i32
      %dma_wait3A_212 = arith.constant 0 : i32
      %dma_wait3A_213 = tpu.memref_slice %arg2[%arg0, %dma_wait3A_211, %dma_wait3A_212] : memref<2x10112x32xf32, #tpu.memory_space<hbm>> -> memref<1x10112x32xf32, #tpu.memory_space<hbm>>
      %dma_wait3A_214 = tpu.memref_squeeze %dma_wait3A_213 : memref<1x10112x32xf32, #tpu.memory_space<hbm>> -> memref<10112x32xf32, #tpu.memory_space<hbm>>
      %dma_wait3A_215 = arith.constant 0 : i32
      %dma_wait3A_216 = arith.constant 0 : i32
      %dma_wait3A_217 = tpu.memref_slice %dma_wait3A_214[%dma_wait3A_215, %dma_wait3A_216] : memref<10112x32xf32, #tpu.memory_space<hbm>> -> memref<10112x32xf32, #tpu.memory_space<hbm>>
      tpu.wait_indirect_dma semaphore(%arg12 : memref<!tpu.dma_semaphore, #tpu.memory_space<semaphore_mem>>) src(%dma_wait3A_217 : memref<10112x32xf32, #tpu.memory_space<hbm>>) dst(%dma_wait3A_207 : memref<128x32xf32, #tpu.memory_space<vmem>>)
      %dma_start3A_218 = arith.constant 1 : i32
      %dma_start3A_219 = arith.constant 0 : i32
      %dma_start3A_220 = arith.constant 0 : i32
      %dma_start3A_221 = tpu.memref_slice %arg9[%dma_start3A_218, %dma_start3A_219, %dma_start3A_220] : memref<10x128x32xf32, #tpu.memory_space<vmem>> -> memref<1x128x32xf32, #tpu.memory_space<vmem>>
      %dma_start3A_222 = tpu.memref_squeeze %dma_start3A_221 : memref<1x128x32xf32, #tpu.memory_space<vmem>> -> memref<128x32xf32, #tpu.memory_space<vmem>>
      %dma_start3A_223 = arith.constant 0 : i32
      %dma_start3A_224 = tpu.memref_slice %arg8[%add3A_202, %dma_start3A_223] : memref<160x128xi32, #tpu.memory_space<vmem>> -> memref<1x128xi32, #tpu.memory_space<vmem>>
      %dma_start3A_225 = tpu.memref_squeeze %dma_start3A_224 : memref<1x128xi32, #tpu.memory_space<vmem>> -> memref<128xi32, #tpu.memory_space<vmem>>
      %dma_start3A_226 = arith.constant 0 : i32
      %dma_start3A_227 = arith.constant 0 : i32
      %dma_start3A_228 = tpu.memref_slice %arg10[%dma_start3A_226, %dma_start3A_227] : memref<10112x32xf32, #tpu.memory_space<vmem_shared>> -> memref<10112x32xf32, #tpu.memory_space<vmem_shared>>
      tpu.enqueue_indirect_dma source(%dma_start3A_222 : memref<128x32xf32, #tpu.memory_space<vmem>>) target(%dma_start3A_228 : memref<10112x32xf32, #tpu.memory_space<vmem_shared>>) offsets(%dma_start3A_225 : memref<128xi32, #tpu.memory_space<vmem>>) semaphore(%arg22 : memref<!tpu.dma_semaphore, #tpu.memory_space<semaphore_mem>>) {add = true}
      %add3A_229 = arith.constant 2 : i32
      %add3A_230 = arith.addi %mul3A_174, %add3A_229 : i32
      %dma_wait3A_231 = arith.constant 2 : i32
      %dma_wait3A_232 = arith.constant 0 : i32
      %dma_wait3A_233 = arith.constant 0 : i32
      %dma_wait3A_234 = tpu.memref_slice %arg9[%dma_wait3A_231, %dma_wait3A_232, %dma_wait3A_233] : memref<10x128x32xf32, #tpu.memory_space<vmem>> -> memref<1x128x32xf32, #tpu.memory_space<vmem>>
      %dma_wait3A_235 = tpu.memref_squeeze %dma_wait3A_234 : memref<1x128x32xf32, #tpu.memory_space<vmem>> -> memref<128x32xf32, #tpu.memory_space<vmem>>
      %dma_wait3A_236 = arith.constant 0 : i32
      %dma_wait3A_237 = tpu.memref_slice %arg7[%add3A_230, %dma_wait3A_236] : memref<160x128xi32, #tpu.memory_space<vmem>> -> memref<1x128xi32, #tpu.memory_space<vmem>>
      %dma_wait3A_238 = tpu.memref_squeeze %dma_wait3A_237 : memref<1x128xi32, #tpu.memory_space<vmem>> -> memref<128xi32, #tpu.memory_space<vmem>>
      %dma_wait3A_239 = arith.constant 0 : i32
      %dma_wait3A_240 = arith.constant 0 : i32
      %dma_wait3A_241 = tpu.memref_slice %arg2[%arg0, %dma_wait3A_239, %dma_wait3A_240] : memref<2x10112x32xf32, #tpu.memory_space<hbm>> -> memref<1x10112x32xf32, #tpu.memory_space<hbm>>
      %dma_wait3A_242 = tpu.memref_squeeze %dma_wait3A_241 : memref<1x10112x32xf32, #tpu.memory_space<hbm>> -> memref<10112x32xf32, #tpu.memory_space<hbm>>
      %dma_wait3A_243 = arith.constant 0 : i32
      %dma_wait3A_244 = arith.constant 0 : i32
      %dma_wait3A_245 = tpu.memref_slice %dma_wait3A_242[%dma_wait3A_243, %dma_wait3A_244] : memref<10112x32xf32, #tpu.memory_space<hbm>> -> memref<10112x32xf32, #tpu.memory_space<hbm>>
      tpu.wait_indirect_dma semaphore(%arg13 : memref<!tpu.dma_semaphore, #tpu.memory_space<semaphore_mem>>) src(%dma_wait3A_245 : memref<10112x32xf32, #tpu.memory_space<hbm>>) dst(%dma_wait3A_235 : memref<128x32xf32, #tpu.memory_space<vmem>>)
      %dma_start3A_246 = arith.constant 2 : i32
      %dma_start3A_247 = arith.constant 0 : i32
      %dma_start3A_248 = arith.constant 0 : i32
      %dma_start3A_249 = tpu.memref_slice %arg9[%dma_start3A_246, %dma_start3A_247, %dma_start3A_248] : memref<10x128x32xf32, #tpu.memory_space<vmem>> -> memref<1x128x32xf32, #tpu.memory_space<vmem>>
      %dma_start3A_250 = tpu.memref_squeeze %dma_start3A_249 : memref<1x128x32xf32, #tpu.memory_space<vmem>> -> memref<128x32xf32, #tpu.memory_space<vmem>>
      %dma_start3A_251 = arith.constant 0 : i32
      %dma_start3A_252 = tpu.memref_slice %arg8[%add3A_230, %dma_start3A_251] : memref<160x128xi32, #tpu.memory_space<vmem>> -> memref<1x128xi32, #tpu.memory_space<vmem>>
      %dma_start3A_253 = tpu.memref_squeeze %dma_start3A_252 : memref<1x128xi32, #tpu.memory_space<vmem>> -> memref<128xi32, #tpu.memory_space<vmem>>
      %dma_start3A_254 = arith.constant 0 : i32
      %dma_start3A_255 = arith.constant 0 : i32
      %dma_start3A_256 = tpu.memref_slice %arg10[%dma_start3A_254, %dma_start3A_255] : memref<10112x32xf32, #tpu.memory_space<vmem_shared>> -> memref<10112x32xf32, #tpu.memory_space<vmem_shared>>
      tpu.enqueue_indirect_dma source(%dma_start3A_250 : memref<128x32xf32, #tpu.memory_space<vmem>>) target(%dma_start3A_256 : memref<10112x32xf32, #tpu.memory_space<vmem_shared>>) offsets(%dma_start3A_253 : memref<128xi32, #tpu.memory_space<vmem>>) semaphore(%arg23 : memref<!tpu.dma_semaphore, #tpu.memory_space<semaphore_mem>>) {add = true}
      %add3A_257 = arith.constant 3 : i32
      %add3A_258 = arith.addi %mul3A_174, %add3A_257 : i32
      %dma_wait3A_259 = arith.constant 3 : i32
      %dma_wait3A_260 = arith.constant 0 : i32
      %dma_wait3A_261 = arith.constant 0 : i32
      %dma_wait3A_262 = tpu.memref_slice %arg9[%dma_wait3A_259, %dma_wait3A_260, %dma_wait3A_261] : memref<10x128x32xf32, #tpu.memory_space<vmem>> -> memref<1x128x32xf32, #tpu.memory_space<vmem>>
      %dma_wait3A_263 = tpu.memref_squeeze %dma_wait3A_262 : memref<1x128x32xf32, #tpu.memory_space<vmem>> -> memref<128x32xf32, #tpu.memory_space<vmem>>
      %dma_wait3A_264 = arith.constant 0 : i32
      %dma_wait3A_265 = tpu.memref_slice %arg7[%add3A_258, %dma_wait3A_264] : memref<160x128xi32, #tpu.memory_space<vmem>> -> memref<1x128xi32, #tpu.memory_space<vmem>>
      %dma_wait3A_266 = tpu.memref_squeeze %dma_wait3A_265 : memref<1x128xi32, #tpu.memory_space<vmem>> -> memref<128xi32, #tpu.memory_space<vmem>>
      %dma_wait3A_267 = arith.constant 0 : i32
      %dma_wait3A_268 = arith.constant 0 : i32
      %dma_wait3A_269 = tpu.memref_slice %arg2[%arg0, %dma_wait3A_267, %dma_wait3A_268] : memref<2x10112x32xf32, #tpu.memory_space<hbm>> -> memref<1x10112x32xf32, #tpu.memory_space<hbm>>
      %dma_wait3A_270 = tpu.memref_squeeze %dma_wait3A_269 : memref<1x10112x32xf32, #tpu.memory_space<hbm>> -> memref<10112x32xf32, #tpu.memory_space<hbm>>
      %dma_wait3A_271 = arith.constant 0 : i32
      %dma_wait3A_272 = arith.constant 0 : i32
      %dma_wait3A_273 = tpu.memref_slice %dma_wait3A_270[%dma_wait3A_271, %dma_wait3A_272] : memref<10112x32xf32, #tpu.memory_space<hbm>> -> memref<10112x32xf32, #tpu.memory_space<hbm>>
      tpu.wait_indirect_dma semaphore(%arg14 : memref<!tpu.dma_semaphore, #tpu.memory_space<semaphore_mem>>) src(%dma_wait3A_273 : memref<10112x32xf32, #tpu.memory_space<hbm>>) dst(%dma_wait3A_263 : memref<128x32xf32, #tpu.memory_space<vmem>>)
      %dma_start3A_274 = arith.constant 3 : i32
      %dma_start3A_275 = arith.constant 0 : i32
      %dma_start3A_276 = arith.constant 0 : i32
      %dma_start3A_277 = tpu.memref_slice %arg9[%dma_start3A_274, %dma_start3A_275, %dma_start3A_276] : memref<10x128x32xf32, #tpu.memory_space<vmem>> -> memref<1x128x32xf32, #tpu.memory_space<vmem>>
      %dma_start3A_278 = tpu.memref_squeeze %dma_start3A_277 : memref<1x128x32xf32, #tpu.memory_space<vmem>> -> memref<128x32xf32, #tpu.memory_space<vmem>>
      %dma_start3A_279 = arith.constant 0 : i32
      %dma_start3A_280 = tpu.memref_slice %arg8[%add3A_258, %dma_start3A_279] : memref<160x128xi32, #tpu.memory_space<vmem>> -> memref<1x128xi32, #tpu.memory_space<vmem>>
      %dma_start3A_281 = tpu.memref_squeeze %dma_start3A_280 : memref<1x128xi32, #tpu.memory_space<vmem>> -> memref<128xi32, #tpu.memory_space<vmem>>
      %dma_start3A_282 = arith.constant 0 : i32
      %dma_start3A_283 = arith.constant 0 : i32
      %dma_start3A_284 = tpu.memref_slice %arg10[%dma_start3A_282, %dma_start3A_283] : memref<10112x32xf32, #tpu.memory_space<vmem_shared>> -> memref<10112x32xf32, #tpu.memory_space<vmem_shared>>
      tpu.enqueue_indirect_dma source(%dma_start3A_278 : memref<128x32xf32, #tpu.memory_space<vmem>>) target(%dma_start3A_284 : memref<10112x32xf32, #tpu.memory_space<vmem_shared>>) offsets(%dma_start3A_281 : memref<128xi32, #tpu.memory_space<vmem>>) semaphore(%arg24 : memref<!tpu.dma_semaphore, #tpu.memory_space<semaphore_mem>>) {add = true}
      %add3A_285 = arith.constant 4 : i32
      %add3A_286 = arith.addi %mul3A_174, %add3A_285 : i32
      %dma_wait3A_287 = arith.constant 4 : i32
      %dma_wait3A_288 = arith.constant 0 : i32
      %dma_wait3A_289 = arith.constant 0 : i32
      %dma_wait3A_290 = tpu.memref_slice %arg9[%dma_wait3A_287, %dma_wait3A_288, %dma_wait3A_289] : memref<10x128x32xf32, #tpu.memory_space<vmem>> -> memref<1x128x32xf32, #tpu.memory_space<vmem>>
      %dma_wait3A_291 = tpu.memref_squeeze %dma_wait3A_290 : memref<1x128x32xf32, #tpu.memory_space<vmem>> -> memref<128x32xf32, #tpu.memory_space<vmem>>
      %dma_wait3A_292 = arith.constant 0 : i32
      %dma_wait3A_293 = tpu.memref_slice %arg7[%add3A_286, %dma_wait3A_292] : memref<160x128xi32, #tpu.memory_space<vmem>> -> memref<1x128xi32, #tpu.memory_space<vmem>>
      %dma_wait3A_294 = tpu.memref_squeeze %dma_wait3A_293 : memref<1x128xi32, #tpu.memory_space<vmem>> -> memref<128xi32, #tpu.memory_space<vmem>>
      %dma_wait3A_295 = arith.constant 0 : i32
      %dma_wait3A_296 = arith.constant 0 : i32
      %dma_wait3A_297 = tpu.memref_slice %arg2[%arg0, %dma_wait3A_295, %dma_wait3A_296] : memref<2x10112x32xf32, #tpu.memory_space<hbm>> -> memref<1x10112x32xf32, #tpu.memory_space<hbm>>
      %dma_wait3A_298 = tpu.memref_squeeze %dma_wait3A_297 : memref<1x10112x32xf32, #tpu.memory_space<hbm>> -> memref<10112x32xf32, #tpu.memory_space<hbm>>
      %dma_wait3A_299 = arith.constant 0 : i32
      %dma_wait3A_300 = arith.constant 0 : i32
      %dma_wait3A_301 = tpu.memref_slice %dma_wait3A_298[%dma_wait3A_299, %dma_wait3A_300] : memref<10112x32xf32, #tpu.memory_space<hbm>> -> memref<10112x32xf32, #tpu.memory_space<hbm>>
      tpu.wait_indirect_dma semaphore(%arg15 : memref<!tpu.dma_semaphore, #tpu.memory_space<semaphore_mem>>) src(%dma_wait3A_301 : memref<10112x32xf32, #tpu.memory_space<hbm>>) dst(%dma_wait3A_291 : memref<128x32xf32, #tpu.memory_space<vmem>>)
      %dma_start3A_302 = arith.constant 4 : i32
      %dma_start3A_303 = arith.constant 0 : i32
      %dma_start3A_304 = arith.constant 0 : i32
      %dma_start3A_305 = tpu.memref_slice %arg9[%dma_start3A_302, %dma_start3A_303, %dma_start3A_304] : memref<10x128x32xf32, #tpu.memory_space<vmem>> -> memref<1x128x32xf32, #tpu.memory_space<vmem>>
      %dma_start3A_306 = tpu.memref_squeeze %dma_start3A_305 : memref<1x128x32xf32, #tpu.memory_space<vmem>> -> memref<128x32xf32, #tpu.memory_space<vmem>>
      %dma_start3A_307 = arith.constant 0 : i32
      %dma_start3A_308 = tpu.memref_slice %arg8[%add3A_286, %dma_start3A_307] : memref<160x128xi32, #tpu.memory_space<vmem>> -> memref<1x128xi32, #tpu.memory_space<vmem>>
      %dma_start3A_309 = tpu.memref_squeeze %dma_start3A_308 : memref<1x128xi32, #tpu.memory_space<vmem>> -> memref<128xi32, #tpu.memory_space<vmem>>
      %dma_start3A_310 = arith.constant 0 : i32
      %dma_start3A_311 = arith.constant 0 : i32
      %dma_start3A_312 = tpu.memref_slice %arg10[%dma_start3A_310, %dma_start3A_311] : memref<10112x32xf32, #tpu.memory_space<vmem_shared>> -> memref<10112x32xf32, #tpu.memory_space<vmem_shared>>
      tpu.enqueue_indirect_dma source(%dma_start3A_306 : memref<128x32xf32, #tpu.memory_space<vmem>>) target(%dma_start3A_312 : memref<10112x32xf32, #tpu.memory_space<vmem_shared>>) offsets(%dma_start3A_309 : memref<128xi32, #tpu.memory_space<vmem>>) semaphore(%arg25 : memref<!tpu.dma_semaphore, #tpu.memory_space<semaphore_mem>>) {add = true}
      %add3A_313 = arith.constant 5 : i32
      %add3A_314 = arith.addi %mul3A_174, %add3A_313 : i32
      %dma_wait3A_315 = arith.constant 5 : i32
      %dma_wait3A_316 = arith.constant 0 : i32
      %dma_wait3A_317 = arith.constant 0 : i32
      %dma_wait3A_318 = tpu.memref_slice %arg9[%dma_wait3A_315, %dma_wait3A_316, %dma_wait3A_317] : memref<10x128x32xf32, #tpu.memory_space<vmem>> -> memref<1x128x32xf32, #tpu.memory_space<vmem>>
      %dma_wait3A_319 = tpu.memref_squeeze %dma_wait3A_318 : memref<1x128x32xf32, #tpu.memory_space<vmem>> -> memref<128x32xf32, #tpu.memory_space<vmem>>
      %dma_wait3A_320 = arith.constant 0 : i32
      %dma_wait3A_321 = tpu.memref_slice %arg7[%add3A_314, %dma_wait3A_320] : memref<160x128xi32, #tpu.memory_space<vmem>> -> memref<1x128xi32, #tpu.memory_space<vmem>>
      %dma_wait3A_322 = tpu.memref_squeeze %dma_wait3A_321 : memref<1x128xi32, #tpu.memory_space<vmem>> -> memref<128xi32, #tpu.memory_space<vmem>>
      %dma_wait3A_323 = arith.constant 0 : i32
      %dma_wait3A_324 = arith.constant 0 : i32
      %dma_wait3A_325 = tpu.memref_slice %arg2[%arg0, %dma_wait3A_323, %dma_wait3A_324] : memref<2x10112x32xf32, #tpu.memory_space<hbm>> -> memref<1x10112x32xf32, #tpu.memory_space<hbm>>
      %dma_wait3A_326 = tpu.memref_squeeze %dma_wait3A_325 : memref<1x10112x32xf32, #tpu.memory_space<hbm>> -> memref<10112x32xf32, #tpu.memory_space<hbm>>
      %dma_wait3A_327 = arith.constant 0 : i32
      %dma_wait3A_328 = arith.constant 0 : i32
      %dma_wait3A_329 = tpu.memref_slice %dma_wait3A_326[%dma_wait3A_327, %dma_wait3A_328] : memref<10112x32xf32, #tpu.memory_space<hbm>> -> memref<10112x32xf32, #tpu.memory_space<hbm>>
      tpu.wait_indirect_dma semaphore(%arg16 : memref<!tpu.dma_semaphore, #tpu.memory_space<semaphore_mem>>) src(%dma_wait3A_329 : memref<10112x32xf32, #tpu.memory_space<hbm>>) dst(%dma_wait3A_319 : memref<128x32xf32, #tpu.memory_space<vmem>>)
      %dma_start3A_330 = arith.constant 5 : i32
      %dma_start3A_331 = arith.constant 0 : i32
      %dma_start3A_332 = arith.constant 0 : i32
      %dma_start3A_333 = tpu.memref_slice %arg9[%dma_start3A_330, %dma_start3A_331, %dma_start3A_332] : memref<10x128x32xf32, #tpu.memory_space<vmem>> -> memref<1x128x32xf32, #tpu.memory_space<vmem>>
      %dma_start3A_334 = tpu.memref_squeeze %dma_start3A_333 : memref<1x128x32xf32, #tpu.memory_space<vmem>> -> memref<128x32xf32, #tpu.memory_space<vmem>>
      %dma_start3A_335 = arith.constant 0 : i32
      %dma_start3A_336 = tpu.memref_slice %arg8[%add3A_314, %dma_start3A_335] : memref<160x128xi32, #tpu.memory_space<vmem>> -> memref<1x128xi32, #tpu.memory_space<vmem>>
      %dma_start3A_337 = tpu.memref_squeeze %dma_start3A_336 : memref<1x128xi32, #tpu.memory_space<vmem>> -> memref<128xi32, #tpu.memory_space<vmem>>
      %dma_start3A_338 = arith.constant 0 : i32
      %dma_start3A_339 = arith.constant 0 : i32
      %dma_start3A_340 = tpu.memref_slice %arg10[%dma_start3A_338, %dma_start3A_339] : memref<10112x32xf32, #tpu.memory_space<vmem_shared>> -> memref<10112x32xf32, #tpu.memory_space<vmem_shared>>
      tpu.enqueue_indirect_dma source(%dma_start3A_334 : memref<128x32xf32, #tpu.memory_space<vmem>>) target(%dma_start3A_340 : memref<10112x32xf32, #tpu.memory_space<vmem_shared>>) offsets(%dma_start3A_337 : memref<128xi32, #tpu.memory_space<vmem>>) semaphore(%arg26 : memref<!tpu.dma_semaphore, #tpu.memory_space<semaphore_mem>>) {add = true}
      %add3A_341 = arith.constant 6 : i32
      %add3A_342 = arith.addi %mul3A_174, %add3A_341 : i32
      %dma_wait3A_343 = arith.constant 6 : i32
      %dma_wait3A_344 = arith.constant 0 : i32
      %dma_wait3A_345 = arith.constant 0 : i32
      %dma_wait3A_346 = tpu.memref_slice %arg9[%dma_wait3A_343, %dma_wait3A_344, %dma_wait3A_345] : memref<10x128x32xf32, #tpu.memory_space<vmem>> -> memref<1x128x32xf32, #tpu.memory_space<vmem>>
      %dma_wait3A_347 = tpu.memref_squeeze %dma_wait3A_346 : memref<1x128x32xf32, #tpu.memory_space<vmem>> -> memref<128x32xf32, #tpu.memory_space<vmem>>
      %dma_wait3A_348 = arith.constant 0 : i32
      %dma_wait3A_349 = tpu.memref_slice %arg7[%add3A_342, %dma_wait3A_348] : memref<160x128xi32, #tpu.memory_space<vmem>> -> memref<1x128xi32, #tpu.memory_space<vmem>>
      %dma_wait3A_350 = tpu.memref_squeeze %dma_wait3A_349 : memref<1x128xi32, #tpu.memory_space<vmem>> -> memref<128xi32, #tpu.memory_space<vmem>>
      %dma_wait3A_351 = arith.constant 0 : i32
      %dma_wait3A_352 = arith.constant 0 : i32
      %dma_wait3A_353 = tpu.memref_slice %arg2[%arg0, %dma_wait3A_351, %dma_wait3A_352] : memref<2x10112x32xf32, #tpu.memory_space<hbm>> -> memref<1x10112x32xf32, #tpu.memory_space<hbm>>
      %dma_wait3A_354 = tpu.memref_squeeze %dma_wait3A_353 : memref<1x10112x32xf32, #tpu.memory_space<hbm>> -> memref<10112x32xf32, #tpu.memory_space<hbm>>
      %dma_wait3A_355 = arith.constant 0 : i32
      %dma_wait3A_356 = arith.constant 0 : i32
      %dma_wait3A_357 = tpu.memref_slice %dma_wait3A_354[%dma_wait3A_355, %dma_wait3A_356] : memref<10112x32xf32, #tpu.memory_space<hbm>> -> memref<10112x32xf32, #tpu.memory_space<hbm>>
      tpu.wait_indirect_dma semaphore(%arg17 : memref<!tpu.dma_semaphore, #tpu.memory_space<semaphore_mem>>) src(%dma_wait3A_357 : memref<10112x32xf32, #tpu.memory_space<hbm>>) dst(%dma_wait3A_347 : memref<128x32xf32, #tpu.memory_space<vmem>>)
      %dma_start3A_358 = arith.constant 6 : i32
      %dma_start3A_359 = arith.constant 0 : i32
      %dma_start3A_360 = arith.constant 0 : i32
      %dma_start3A_361 = tpu.memref_slice %arg9[%dma_start3A_358, %dma_start3A_359, %dma_start3A_360] : memref<10x128x32xf32, #tpu.memory_space<vmem>> -> memref<1x128x32xf32, #tpu.memory_space<vmem>>
      %dma_start3A_362 = tpu.memref_squeeze %dma_start3A_361 : memref<1x128x32xf32, #tpu.memory_space<vmem>> -> memref<128x32xf32, #tpu.memory_space<vmem>>
      %dma_start3A_363 = arith.constant 0 : i32
      %dma_start3A_364 = tpu.memref_slice %arg8[%add3A_342, %dma_start3A_363] : memref<160x128xi32, #tpu.memory_space<vmem>> -> memref<1x128xi32, #tpu.memory_space<vmem>>
      %dma_start3A_365 = tpu.memref_squeeze %dma_start3A_364 : memref<1x128xi32, #tpu.memory_space<vmem>> -> memref<128xi32, #tpu.memory_space<vmem>>
      %dma_start3A_366 = arith.constant 0 : i32
      %dma_start3A_367 = arith.constant 0 : i32
      %dma_start3A_368 = tpu.memref_slice %arg10[%dma_start3A_366, %dma_start3A_367] : memref<10112x32xf32, #tpu.memory_space<vmem_shared>> -> memref<10112x32xf32, #tpu.memory_space<vmem_shared>>
      tpu.enqueue_indirect_dma source(%dma_start3A_362 : memref<128x32xf32, #tpu.memory_space<vmem>>) target(%dma_start3A_368 : memref<10112x32xf32, #tpu.memory_space<vmem_shared>>) offsets(%dma_start3A_365 : memref<128xi32, #tpu.memory_space<vmem>>) semaphore(%arg27 : memref<!tpu.dma_semaphore, #tpu.memory_space<semaphore_mem>>) {add = true}
      %add3A_369 = arith.constant 7 : i32
      %add3A_370 = arith.addi %mul3A_174, %add3A_369 : i32
      %dma_wait3A_371 = arith.constant 7 : i32
      %dma_wait3A_372 = arith.constant 0 : i32
      %dma_wait3A_373 = arith.constant 0 : i32
      %dma_wait3A_374 = tpu.memref_slice %arg9[%dma_wait3A_371, %dma_wait3A_372, %dma_wait3A_373] : memref<10x128x32xf32, #tpu.memory_space<vmem>> -> memref<1x128x32xf32, #tpu.memory_space<vmem>>
      %dma_wait3A_375 = tpu.memref_squeeze %dma_wait3A_374 : memref<1x128x32xf32, #tpu.memory_space<vmem>> -> memref<128x32xf32, #tpu.memory_space<vmem>>
      %dma_wait3A_376 = arith.constant 0 : i32
      %dma_wait3A_377 = tpu.memref_slice %arg7[%add3A_370, %dma_wait3A_376] : memref<160x128xi32, #tpu.memory_space<vmem>> -> memref<1x128xi32, #tpu.memory_space<vmem>>
      %dma_wait3A_378 = tpu.memref_squeeze %dma_wait3A_377 : memref<1x128xi32, #tpu.memory_space<vmem>> -> memref<128xi32, #tpu.memory_space<vmem>>
      %dma_wait3A_379 = arith.constant 0 : i32
      %dma_wait3A_380 = arith.constant 0 : i32
      %dma_wait3A_381 = tpu.memref_slice %arg2[%arg0, %dma_wait3A_379, %dma_wait3A_380] : memref<2x10112x32xf32, #tpu.memory_space<hbm>> -> memref<1x10112x32xf32, #tpu.memory_space<hbm>>
      %dma_wait3A_382 = tpu.memref_squeeze %dma_wait3A_381 : memref<1x10112x32xf32, #tpu.memory_space<hbm>> -> memref<10112x32xf32, #tpu.memory_space<hbm>>
      %dma_wait3A_383 = arith.constant 0 : i32
      %dma_wait3A_384 = arith.constant 0 : i32
      %dma_wait3A_385 = tpu.memref_slice %dma_wait3A_382[%dma_wait3A_383, %dma_wait3A_384] : memref<10112x32xf32, #tpu.memory_space<hbm>> -> memref<10112x32xf32, #tpu.memory_space<hbm>>
      tpu.wait_indirect_dma semaphore(%arg18 : memref<!tpu.dma_semaphore, #tpu.memory_space<semaphore_mem>>) src(%dma_wait3A_385 : memref<10112x32xf32, #tpu.memory_space<hbm>>) dst(%dma_wait3A_375 : memref<128x32xf32, #tpu.memory_space<vmem>>)
      %dma_start3A_386 = arith.constant 7 : i32
      %dma_start3A_387 = arith.constant 0 : i32
      %dma_start3A_388 = arith.constant 0 : i32
      %dma_start3A_389 = tpu.memref_slice %arg9[%dma_start3A_386, %dma_start3A_387, %dma_start3A_388] : memref<10x128x32xf32, #tpu.memory_space<vmem>> -> memref<1x128x32xf32, #tpu.memory_space<vmem>>
      %dma_start3A_390 = tpu.memref_squeeze %dma_start3A_389 : memref<1x128x32xf32, #tpu.memory_space<vmem>> -> memref<128x32xf32, #tpu.memory_space<vmem>>
      %dma_start3A_391 = arith.constant 0 : i32
      %dma_start3A_392 = tpu.memref_slice %arg8[%add3A_370, %dma_start3A_391] : memref<160x128xi32, #tpu.memory_space<vmem>> -> memref<1x128xi32, #tpu.memory_space<vmem>>
      %dma_start3A_393 = tpu.memref_squeeze %dma_start3A_392 : memref<1x128xi32, #tpu.memory_space<vmem>> -> memref<128xi32, #tpu.memory_space<vmem>>
      %dma_start3A_394 = arith.constant 0 : i32
      %dma_start3A_395 = arith.constant 0 : i32
      %dma_start3A_396 = tpu.memref_slice %arg10[%dma_start3A_394, %dma_start3A_395] : memref<10112x32xf32, #tpu.memory_space<vmem_shared>> -> memref<10112x32xf32, #tpu.memory_space<vmem_shared>>
      tpu.enqueue_indirect_dma source(%dma_start3A_390 : memref<128x32xf32, #tpu.memory_space<vmem>>) target(%dma_start3A_396 : memref<10112x32xf32, #tpu.memory_space<vmem_shared>>) offsets(%dma_start3A_393 : memref<128xi32, #tpu.memory_space<vmem>>) semaphore(%arg28 : memref<!tpu.dma_semaphore, #tpu.memory_space<semaphore_mem>>) {add = true}
      %add3A_397 = arith.constant 8 : i32
      %add3A_398 = arith.addi %mul3A_174, %add3A_397 : i32
      %dma_wait3A_399 = arith.constant 8 : i32
      %dma_wait3A_400 = arith.constant 0 : i32
      %dma_wait3A_401 = arith.constant 0 : i32
      %dma_wait3A_402 = tpu.memref_slice %arg9[%dma_wait3A_399, %dma_wait3A_400, %dma_wait3A_401] : memref<10x128x32xf32, #tpu.memory_space<vmem>> -> memref<1x128x32xf32, #tpu.memory_space<vmem>>
      %dma_wait3A_403 = tpu.memref_squeeze %dma_wait3A_402 : memref<1x128x32xf32, #tpu.memory_space<vmem>> -> memref<128x32xf32, #tpu.memory_space<vmem>>
      %dma_wait3A_404 = arith.constant 0 : i32
      %dma_wait3A_405 = tpu.memref_slice %arg7[%add3A_398, %dma_wait3A_404] : memref<160x128xi32, #tpu.memory_space<vmem>> -> memref<1x128xi32, #tpu.memory_space<vmem>>
      %dma_wait3A_406 = tpu.memref_squeeze %dma_wait3A_405 : memref<1x128xi32, #tpu.memory_space<vmem>> -> memref<128xi32, #tpu.memory_space<vmem>>
      %dma_wait3A_407 = arith.constant 0 : i32
      %dma_wait3A_408 = arith.constant 0 : i32
      %dma_wait3A_409 = tpu.memref_slice %arg2[%arg0, %dma_wait3A_407, %dma_wait3A_408] : memref<2x10112x32xf32, #tpu.memory_space<hbm>> -> memref<1x10112x32xf32, #tpu.memory_space<hbm>>
      %dma_wait3A_410 = tpu.memref_squeeze %dma_wait3A_409 : memref<1x10112x32xf32, #tpu.memory_space<hbm>> -> memref<10112x32xf32, #tpu.memory_space<hbm>>
      %dma_wait3A_411 = arith.constant 0 : i32
      %dma_wait3A_412 = arith.constant 0 : i32
      %dma_wait3A_413 = tpu.memref_slice %dma_wait3A_410[%dma_wait3A_411, %dma_wait3A_412] : memref<10112x32xf32, #tpu.memory_space<hbm>> -> memref<10112x32xf32, #tpu.memory_space<hbm>>
      tpu.wait_indirect_dma semaphore(%arg19 : memref<!tpu.dma_semaphore, #tpu.memory_space<semaphore_mem>>) src(%dma_wait3A_413 : memref<10112x32xf32, #tpu.memory_space<hbm>>) dst(%dma_wait3A_403 : memref<128x32xf32, #tpu.memory_space<vmem>>)
      %dma_start3A_414 = arith.constant 8 : i32
      %dma_start3A_415 = arith.constant 0 : i32
      %dma_start3A_416 = arith.constant 0 : i32
      %dma_start3A_417 = tpu.memref_slice %arg9[%dma_start3A_414, %dma_start3A_415, %dma_start3A_416] : memref<10x128x32xf32, #tpu.memory_space<vmem>> -> memref<1x128x32xf32, #tpu.memory_space<vmem>>
      %dma_start3A_418 = tpu.memref_squeeze %dma_start3A_417 : memref<1x128x32xf32, #tpu.memory_space<vmem>> -> memref<128x32xf32, #tpu.memory_space<vmem>>
      %dma_start3A_419 = arith.constant 0 : i32
      %dma_start3A_420 = tpu.memref_slice %arg8[%add3A_398, %dma_start3A_419] : memref<160x128xi32, #tpu.memory_space<vmem>> -> memref<1x128xi32, #tpu.memory_space<vmem>>
      %dma_start3A_421 = tpu.memref_squeeze %dma_start3A_420 : memref<1x128xi32, #tpu.memory_space<vmem>> -> memref<128xi32, #tpu.memory_space<vmem>>
      %dma_start3A_422 = arith.constant 0 : i32
      %dma_start3A_423 = arith.constant 0 : i32
      %dma_start3A_424 = tpu.memref_slice %arg10[%dma_start3A_422, %dma_start3A_423] : memref<10112x32xf32, #tpu.memory_space<vmem_shared>> -> memref<10112x32xf32, #tpu.memory_space<vmem_shared>>
      tpu.enqueue_indirect_dma source(%dma_start3A_418 : memref<128x32xf32, #tpu.memory_space<vmem>>) target(%dma_start3A_424 : memref<10112x32xf32, #tpu.memory_space<vmem_shared>>) offsets(%dma_start3A_421 : memref<128xi32, #tpu.memory_space<vmem>>) semaphore(%arg29 : memref<!tpu.dma_semaphore, #tpu.memory_space<semaphore_mem>>) {add = true}
      %add3A_425 = arith.constant 9 : i32
      %add3A_426 = arith.addi %mul3A_174, %add3A_425 : i32
      %dma_wait3A_427 = arith.constant 9 : i32
      %dma_wait3A_428 = arith.constant 0 : i32
      %dma_wait3A_429 = arith.constant 0 : i32
      %dma_wait3A_430 = tpu.memref_slice %arg9[%dma_wait3A_427, %dma_wait3A_428, %dma_wait3A_429] : memref<10x128x32xf32, #tpu.memory_space<vmem>> -> memref<1x128x32xf32, #tpu.memory_space<vmem>>
      %dma_wait3A_431 = tpu.memref_squeeze %dma_wait3A_430 : memref<1x128x32xf32, #tpu.memory_space<vmem>> -> memref<128x32xf32, #tpu.memory_space<vmem>>
      %dma_wait3A_432 = arith.constant 0 : i32
      %dma_wait3A_433 = tpu.memref_slice %arg7[%add3A_426, %dma_wait3A_432] : memref<160x128xi32, #tpu.memory_space<vmem>> -> memref<1x128xi32, #tpu.memory_space<vmem>>
      %dma_wait3A_434 = tpu.memref_squeeze %dma_wait3A_433 : memref<1x128xi32, #tpu.memory_space<vmem>> -> memref<128xi32, #tpu.memory_space<vmem>>
      %dma_wait3A_435 = arith.constant 0 : i32
      %dma_wait3A_436 = arith.constant 0 : i32
      %dma_wait3A_437 = tpu.memref_slice %arg2[%arg0, %dma_wait3A_435, %dma_wait3A_436] : memref<2x10112x32xf32, #tpu.memory_space<hbm>> -> memref<1x10112x32xf32, #tpu.memory_space<hbm>>
      %dma_wait3A_438 = tpu.memref_squeeze %dma_wait3A_437 : memref<1x10112x32xf32, #tpu.memory_space<hbm>> -> memref<10112x32xf32, #tpu.memory_space<hbm>>
      %dma_wait3A_439 = arith.constant 0 : i32
      %dma_wait3A_440 = arith.constant 0 : i32
      %dma_wait3A_441 = tpu.memref_slice %dma_wait3A_438[%dma_wait3A_439, %dma_wait3A_440] : memref<10112x32xf32, #tpu.memory_space<hbm>> -> memref<10112x32xf32, #tpu.memory_space<hbm>>
      tpu.wait_indirect_dma semaphore(%arg20 : memref<!tpu.dma_semaphore, #tpu.memory_space<semaphore_mem>>) src(%dma_wait3A_441 : memref<10112x32xf32, #tpu.memory_space<hbm>>) dst(%dma_wait3A_431 : memref<128x32xf32, #tpu.memory_space<vmem>>)
      %dma_start3A_442 = arith.constant 9 : i32
      %dma_start3A_443 = arith.constant 0 : i32
      %dma_start3A_444 = arith.constant 0 : i32
      %dma_start3A_445 = tpu.memref_slice %arg9[%dma_start3A_442, %dma_start3A_443, %dma_start3A_444] : memref<10x128x32xf32, #tpu.memory_space<vmem>> -> memref<1x128x32xf32, #tpu.memory_space<vmem>>
      %dma_start3A_446 = tpu.memref_squeeze %dma_start3A_445 : memref<1x128x32xf32, #tpu.memory_space<vmem>> -> memref<128x32xf32, #tpu.memory_space<vmem>>
      %dma_start3A_447 = arith.constant 0 : i32
      %dma_start3A_448 = tpu.memref_slice %arg8[%add3A_426, %dma_start3A_447] : memref<160x128xi32, #tpu.memory_space<vmem>> -> memref<1x128xi32, #tpu.memory_space<vmem>>
      %dma_start3A_449 = tpu.memref_squeeze %dma_start3A_448 : memref<1x128xi32, #tpu.memory_space<vmem>> -> memref<128xi32, #tpu.memory_space<vmem>>
      %dma_start3A_450 = arith.constant 0 : i32
      %dma_start3A_451 = arith.constant 0 : i32
      %dma_start3A_452 = tpu.memref_slice %arg10[%dma_start3A_450, %dma_start3A_451] : memref<10112x32xf32, #tpu.memory_space<vmem_shared>> -> memref<10112x32xf32, #tpu.memory_space<vmem_shared>>
      tpu.enqueue_indirect_dma source(%dma_start3A_446 : memref<128x32xf32, #tpu.memory_space<vmem>>) target(%dma_start3A_452 : memref<10112x32xf32, #tpu.memory_space<vmem_shared>>) offsets(%dma_start3A_449 : memref<128xi32, #tpu.memory_space<vmem>>) semaphore(%arg30 : memref<!tpu.dma_semaphore, #tpu.memory_space<semaphore_mem>>) {add = true}
      %add3A_453 = arith.constant 1 : i32
      %add3A_454 = arith.addi %scan3A_172, %add3A_453 : i32
      %lt3A = arith.constant 16 : i32
      %lt3A_455 = arith.cmpi slt, %add3A_454, %lt3A : i32
      %convert_element_type3A = arith.extui %lt3A_455 : i1 to i32
      %cond3A = arith.constant 0 : i32
      %cond3A_456 = arith.cmpi ne, %convert_element_type3A, %cond3A : i32
      scf.if %cond3A_456 {
        %add3A_463 = arith.constant 0 : i32
        %add3A_464 = arith.addi %mul3A_174, %add3A_463 : i32
        %dma_wait3A_465 = arith.constant 0 : i32
        %dma_wait3A_466 = arith.constant 0 : i32
        %dma_wait3A_467 = arith.constant 0 : i32
        %dma_wait3A_468 = tpu.memref_slice %arg9[%dma_wait3A_465, %dma_wait3A_466, %dma_wait3A_467] : memref<10x128x32xf32, #tpu.memory_space<vmem>> -> memref<1x128x32xf32, #tpu.memory_space<vmem>>
        %dma_wait3A_469 = tpu.memref_squeeze %dma_wait3A_468 : memref<1x128x32xf32, #tpu.memory_space<vmem>> -> memref<128x32xf32, #tpu.memory_space<vmem>>
        %dma_wait3A_470 = arith.constant 0 : i32
        %dma_wait3A_471 = tpu.memref_slice %arg8[%add3A_464, %dma_wait3A_470] : memref<160x128xi32, #tpu.memory_space<vmem>> -> memref<1x128xi32, #tpu.memory_space<vmem>>
        %dma_wait3A_472 = tpu.memref_squeeze %dma_wait3A_471 : memref<1x128xi32, #tpu.memory_space<vmem>> -> memref<128xi32, #tpu.memory_space<vmem>>
        %dma_wait3A_473 = arith.constant 0 : i32
        %dma_wait3A_474 = arith.constant 0 : i32
        %dma_wait3A_475 = tpu.memref_slice %arg10[%dma_wait3A_473, %dma_wait3A_474] : memref<10112x32xf32, #tpu.memory_space<vmem_shared>> -> memref<10112x32xf32, #tpu.memory_space<vmem_shared>>
        tpu.wait_indirect_dma semaphore(%arg21 : memref<!tpu.dma_semaphore, #tpu.memory_space<semaphore_mem>>) src(%dma_wait3A_469 : memref<128x32xf32, #tpu.memory_space<vmem>>) dst(%dma_wait3A_475 : memref<10112x32xf32, #tpu.memory_space<vmem_shared>>)
        %add3A_476 = arith.constant 10 : i32
        %add3A_477 = arith.addi %add3A_464, %add3A_476 : i32
        %dma_start3A_478 = arith.constant 0 : i32
        %dma_start3A_479 = arith.constant 0 : i32
        %dma_start3A_480 = arith.constant 0 : i32
        %dma_start3A_481 = tpu.memref_slice %arg9[%dma_start3A_478, %dma_start3A_479, %dma_start3A_480] : memref<10x128x32xf32, #tpu.memory_space<vmem>> -> memref<1x128x32xf32, #tpu.memory_space<vmem>>
        %dma_start3A_482 = tpu.memref_squeeze %dma_start3A_481 : memref<1x128x32xf32, #tpu.memory_space<vmem>> -> memref<128x32xf32, #tpu.memory_space<vmem>>
        %dma_start3A_483 = arith.constant 0 : i32
        %dma_start3A_484 = tpu.memref_slice %arg7[%add3A_477, %dma_start3A_483] : memref<160x128xi32, #tpu.memory_space<vmem>> -> memref<1x128xi32, #tpu.memory_space<vmem>>
        %dma_start3A_485 = tpu.memref_squeeze %dma_start3A_484 : memref<1x128xi32, #tpu.memory_space<vmem>> -> memref<128xi32, #tpu.memory_space<vmem>>
        %dma_start3A_486 = arith.constant 0 : i32
        %dma_start3A_487 = arith.constant 0 : i32
        %dma_start3A_488 = tpu.memref_slice %arg2[%arg0, %dma_start3A_486, %dma_start3A_487] : memref<2x10112x32xf32, #tpu.memory_space<hbm>> -> memref<1x10112x32xf32, #tpu.memory_space<hbm>>
        %dma_start3A_489 = tpu.memref_squeeze %dma_start3A_488 : memref<1x10112x32xf32, #tpu.memory_space<hbm>> -> memref<10112x32xf32, #tpu.memory_space<hbm>>
        %dma_start3A_490 = arith.constant 0 : i32
        %dma_start3A_491 = arith.constant 0 : i32
        %dma_start3A_492 = tpu.memref_slice %dma_start3A_489[%dma_start3A_490, %dma_start3A_491] : memref<10112x32xf32, #tpu.memory_space<hbm>> -> memref<10112x32xf32, #tpu.memory_space<hbm>>
        tpu.enqueue_indirect_dma source(%dma_start3A_492 : memref<10112x32xf32, #tpu.memory_space<hbm>>) target(%dma_start3A_482 : memref<128x32xf32, #tpu.memory_space<vmem>>) offsets(%dma_start3A_485 : memref<128xi32, #tpu.memory_space<vmem>>) semaphore(%arg11 : memref<!tpu.dma_semaphore, #tpu.memory_space<semaphore_mem>>)
        %add3A_493 = arith.constant 1 : i32
        %add3A_494 = arith.addi %mul3A_174, %add3A_493 : i32
        %dma_wait3A_495 = arith.constant 1 : i32
        %dma_wait3A_496 = arith.constant 0 : i32
        %dma_wait3A_497 = arith.constant 0 : i32
        %dma_wait3A_498 = tpu.memref_slice %arg9[%dma_wait3A_495, %dma_wait3A_496, %dma_wait3A_497] : memref<10x128x32xf32, #tpu.memory_space<vmem>> -> memref<1x128x32xf32, #tpu.memory_space<vmem>>
        %dma_wait3A_499 = tpu.memref_squeeze %dma_wait3A_498 : memref<1x128x32xf32, #tpu.memory_space<vmem>> -> memref<128x32xf32, #tpu.memory_space<vmem>>
        %dma_wait3A_500 = arith.constant 0 : i32
        %dma_wait3A_501 = tpu.memref_slice %arg8[%add3A_494, %dma_wait3A_500] : memref<160x128xi32, #tpu.memory_space<vmem>> -> memref<1x128xi32, #tpu.memory_space<vmem>>
        %dma_wait3A_502 = tpu.memref_squeeze %dma_wait3A_501 : memref<1x128xi32, #tpu.memory_space<vmem>> -> memref<128xi32, #tpu.memory_space<vmem>>
        %dma_wait3A_503 = arith.constant 0 : i32
        %dma_wait3A_504 = arith.constant 0 : i32
        %dma_wait3A_505 = tpu.memref_slice %arg10[%dma_wait3A_503, %dma_wait3A_504] : memref<10112x32xf32, #tpu.memory_space<vmem_shared>> -> memref<10112x32xf32, #tpu.memory_space<vmem_shared>>
        tpu.wait_indirect_dma semaphore(%arg22 : memref<!tpu.dma_semaphore, #tpu.memory_space<semaphore_mem>>) src(%dma_wait3A_499 : memref<128x32xf32, #tpu.memory_space<vmem>>) dst(%dma_wait3A_505 : memref<10112x32xf32, #tpu.memory_space<vmem_shared>>)
        %add3A_506 = arith.constant 10 : i32
        %add3A_507 = arith.addi %add3A_494, %add3A_506 : i32
        %dma_start3A_508 = arith.constant 1 : i32
        %dma_start3A_509 = arith.constant 0 : i32
        %dma_start3A_510 = arith.constant 0 : i32
        %dma_start3A_511 = tpu.memref_slice %arg9[%dma_start3A_508, %dma_start3A_509, %dma_start3A_510] : memref<10x128x32xf32, #tpu.memory_space<vmem>> -> memref<1x128x32xf32, #tpu.memory_space<vmem>>
        %dma_start3A_512 = tpu.memref_squeeze %dma_start3A_511 : memref<1x128x32xf32, #tpu.memory_space<vmem>> -> memref<128x32xf32, #tpu.memory_space<vmem>>
        %dma_start3A_513 = arith.constant 0 : i32
        %dma_start3A_514 = tpu.memref_slice %arg7[%add3A_507, %dma_start3A_513] : memref<160x128xi32, #tpu.memory_space<vmem>> -> memref<1x128xi32, #tpu.memory_space<vmem>>
        %dma_start3A_515 = tpu.memref_squeeze %dma_start3A_514 : memref<1x128xi32, #tpu.memory_space<vmem>> -> memref<128xi32, #tpu.memory_space<vmem>>
        %dma_start3A_516 = arith.constant 0 : i32
        %dma_start3A_517 = arith.constant 0 : i32
        %dma_start3A_518 = tpu.memref_slice %arg2[%arg0, %dma_start3A_516, %dma_start3A_517] : memref<2x10112x32xf32, #tpu.memory_space<hbm>> -> memref<1x10112x32xf32, #tpu.memory_space<hbm>>
        %dma_start3A_519 = tpu.memref_squeeze %dma_start3A_518 : memref<1x10112x32xf32, #tpu.memory_space<hbm>> -> memref<10112x32xf32, #tpu.memory_space<hbm>>
        %dma_start3A_520 = arith.constant 0 : i32
        %dma_start3A_521 = arith.constant 0 : i32
        %dma_start3A_522 = tpu.memref_slice %dma_start3A_519[%dma_start3A_520, %dma_start3A_521] : memref<10112x32xf32, #tpu.memory_space<hbm>> -> memref<10112x32xf32, #tpu.memory_space<hbm>>
        tpu.enqueue_indirect_dma source(%dma_start3A_522 : memref<10112x32xf32, #tpu.memory_space<hbm>>) target(%dma_start3A_512 : memref<128x32xf32, #tpu.memory_space<vmem>>) offsets(%dma_start3A_515 : memref<128xi32, #tpu.memory_space<vmem>>) semaphore(%arg12 : memref<!tpu.dma_semaphore, #tpu.memory_space<semaphore_mem>>)
        %add3A_523 = arith.constant 2 : i32
        %add3A_524 = arith.addi %mul3A_174, %add3A_523 : i32
        %dma_wait3A_525 = arith.constant 2 : i32
        %dma_wait3A_526 = arith.constant 0 : i32
        %dma_wait3A_527 = arith.constant 0 : i32
        %dma_wait3A_528 = tpu.memref_slice %arg9[%dma_wait3A_525, %dma_wait3A_526, %dma_wait3A_527] : memref<10x128x32xf32, #tpu.memory_space<vmem>> -> memref<1x128x32xf32, #tpu.memory_space<vmem>>
        %dma_wait3A_529 = tpu.memref_squeeze %dma_wait3A_528 : memref<1x128x32xf32, #tpu.memory_space<vmem>> -> memref<128x32xf32, #tpu.memory_space<vmem>>
        %dma_wait3A_530 = arith.constant 0 : i32
        %dma_wait3A_531 = tpu.memref_slice %arg8[%add3A_524, %dma_wait3A_530] : memref<160x128xi32, #tpu.memory_space<vmem>> -> memref<1x128xi32, #tpu.memory_space<vmem>>
        %dma_wait3A_532 = tpu.memref_squeeze %dma_wait3A_531 : memref<1x128xi32, #tpu.memory_space<vmem>> -> memref<128xi32, #tpu.memory_space<vmem>>
        %dma_wait3A_533 = arith.constant 0 : i32
        %dma_wait3A_534 = arith.constant 0 : i32
        %dma_wait3A_535 = tpu.memref_slice %arg10[%dma_wait3A_533, %dma_wait3A_534] : memref<10112x32xf32, #tpu.memory_space<vmem_shared>> -> memref<10112x32xf32, #tpu.memory_space<vmem_shared>>
        tpu.wait_indirect_dma semaphore(%arg23 : memref<!tpu.dma_semaphore, #tpu.memory_space<semaphore_mem>>) src(%dma_wait3A_529 : memref<128x32xf32, #tpu.memory_space<vmem>>) dst(%dma_wait3A_535 : memref<10112x32xf32, #tpu.memory_space<vmem_shared>>)
        %add3A_536 = arith.constant 10 : i32
        %add3A_537 = arith.addi %add3A_524, %add3A_536 : i32
        %dma_start3A_538 = arith.constant 2 : i32
        %dma_start3A_539 = arith.constant 0 : i32
        %dma_start3A_540 = arith.constant 0 : i32
        %dma_start3A_541 = tpu.memref_slice %arg9[%dma_start3A_538, %dma_start3A_539, %dma_start3A_540] : memref<10x128x32xf32, #tpu.memory_space<vmem>> -> memref<1x128x32xf32, #tpu.memory_space<vmem>>
        %dma_start3A_542 = tpu.memref_squeeze %dma_start3A_541 : memref<1x128x32xf32, #tpu.memory_space<vmem>> -> memref<128x32xf32, #tpu.memory_space<vmem>>
        %dma_start3A_543 = arith.constant 0 : i32
        %dma_start3A_544 = tpu.memref_slice %arg7[%add3A_537, %dma_start3A_543] : memref<160x128xi32, #tpu.memory_space<vmem>> -> memref<1x128xi32, #tpu.memory_space<vmem>>
        %dma_start3A_545 = tpu.memref_squeeze %dma_start3A_544 : memref<1x128xi32, #tpu.memory_space<vmem>> -> memref<128xi32, #tpu.memory_space<vmem>>
        %dma_start3A_546 = arith.constant 0 : i32
        %dma_start3A_547 = arith.constant 0 : i32
        %dma_start3A_548 = tpu.memref_slice %arg2[%arg0, %dma_start3A_546, %dma_start3A_547] : memref<2x10112x32xf32, #tpu.memory_space<hbm>> -> memref<1x10112x32xf32, #tpu.memory_space<hbm>>
        %dma_start3A_549 = tpu.memref_squeeze %dma_start3A_548 : memref<1x10112x32xf32, #tpu.memory_space<hbm>> -> memref<10112x32xf32, #tpu.memory_space<hbm>>
        %dma_start3A_550 = arith.constant 0 : i32
        %dma_start3A_551 = arith.constant 0 : i32
        %dma_start3A_552 = tpu.memref_slice %dma_start3A_549[%dma_start3A_550, %dma_start3A_551] : memref<10112x32xf32, #tpu.memory_space<hbm>> -> memref<10112x32xf32, #tpu.memory_space<hbm>>
        tpu.enqueue_indirect_dma source(%dma_start3A_552 : memref<10112x32xf32, #tpu.memory_space<hbm>>) target(%dma_start3A_542 : memref<128x32xf32, #tpu.memory_space<vmem>>) offsets(%dma_start3A_545 : memref<128xi32, #tpu.memory_space<vmem>>) semaphore(%arg13 : memref<!tpu.dma_semaphore, #tpu.memory_space<semaphore_mem>>)
        %add3A_553 = arith.constant 3 : i32
        %add3A_554 = arith.addi %mul3A_174, %add3A_553 : i32
        %dma_wait3A_555 = arith.constant 3 : i32
        %dma_wait3A_556 = arith.constant 0 : i32
        %dma_wait3A_557 = arith.constant 0 : i32
        %dma_wait3A_558 = tpu.memref_slice %arg9[%dma_wait3A_555, %dma_wait3A_556, %dma_wait3A_557] : memref<10x128x32xf32, #tpu.memory_space<vmem>> -> memref<1x128x32xf32, #tpu.memory_space<vmem>>
        %dma_wait3A_559 = tpu.memref_squeeze %dma_wait3A_558 : memref<1x128x32xf32, #tpu.memory_space<vmem>> -> memref<128x32xf32, #tpu.memory_space<vmem>>
        %dma_wait3A_560 = arith.constant 0 : i32
        %dma_wait3A_561 = tpu.memref_slice %arg8[%add3A_554, %dma_wait3A_560] : memref<160x128xi32, #tpu.memory_space<vmem>> -> memref<1x128xi32, #tpu.memory_space<vmem>>
        %dma_wait3A_562 = tpu.memref_squeeze %dma_wait3A_561 : memref<1x128xi32, #tpu.memory_space<vmem>> -> memref<128xi32, #tpu.memory_space<vmem>>
        %dma_wait3A_563 = arith.constant 0 : i32
        %dma_wait3A_564 = arith.constant 0 : i32
        %dma_wait3A_565 = tpu.memref_slice %arg10[%dma_wait3A_563, %dma_wait3A_564] : memref<10112x32xf32, #tpu.memory_space<vmem_shared>> -> memref<10112x32xf32, #tpu.memory_space<vmem_shared>>
        tpu.wait_indirect_dma semaphore(%arg24 : memref<!tpu.dma_semaphore, #tpu.memory_space<semaphore_mem>>) src(%dma_wait3A_559 : memref<128x32xf32, #tpu.memory_space<vmem>>) dst(%dma_wait3A_565 : memref<10112x32xf32, #tpu.memory_space<vmem_shared>>)
        %add3A_566 = arith.constant 10 : i32
        %add3A_567 = arith.addi %add3A_554, %add3A_566 : i32
        %dma_start3A_568 = arith.constant 3 : i32
        %dma_start3A_569 = arith.constant 0 : i32
        %dma_start3A_570 = arith.constant 0 : i32
        %dma_start3A_571 = tpu.memref_slice %arg9[%dma_start3A_568, %dma_start3A_569, %dma_start3A_570] : memref<10x128x32xf32, #tpu.memory_space<vmem>> -> memref<1x128x32xf32, #tpu.memory_space<vmem>>
        %dma_start3A_572 = tpu.memref_squeeze %dma_start3A_571 : memref<1x128x32xf32, #tpu.memory_space<vmem>> -> memref<128x32xf32, #tpu.memory_space<vmem>>
        %dma_start3A_573 = arith.constant 0 : i32
        %dma_start3A_574 = tpu.memref_slice %arg7[%add3A_567, %dma_start3A_573] : memref<160x128xi32, #tpu.memory_space<vmem>> -> memref<1x128xi32, #tpu.memory_space<vmem>>
        %dma_start3A_575 = tpu.memref_squeeze %dma_start3A_574 : memref<1x128xi32, #tpu.memory_space<vmem>> -> memref<128xi32, #tpu.memory_space<vmem>>
        %dma_start3A_576 = arith.constant 0 : i32
        %dma_start3A_577 = arith.constant 0 : i32
        %dma_start3A_578 = tpu.memref_slice %arg2[%arg0, %dma_start3A_576, %dma_start3A_577] : memref<2x10112x32xf32, #tpu.memory_space<hbm>> -> memref<1x10112x32xf32, #tpu.memory_space<hbm>>
        %dma_start3A_579 = tpu.memref_squeeze %dma_start3A_578 : memref<1x10112x32xf32, #tpu.memory_space<hbm>> -> memref<10112x32xf32, #tpu.memory_space<hbm>>
        %dma_start3A_580 = arith.constant 0 : i32
        %dma_start3A_581 = arith.constant 0 : i32
        %dma_start3A_582 = tpu.memref_slice %dma_start3A_579[%dma_start3A_580, %dma_start3A_581] : memref<10112x32xf32, #tpu.memory_space<hbm>> -> memref<10112x32xf32, #tpu.memory_space<hbm>>
        tpu.enqueue_indirect_dma source(%dma_start3A_582 : memref<10112x32xf32, #tpu.memory_space<hbm>>) target(%dma_start3A_572 : memref<128x32xf32, #tpu.memory_space<vmem>>) offsets(%dma_start3A_575 : memref<128xi32, #tpu.memory_space<vmem>>) semaphore(%arg14 : memref<!tpu.dma_semaphore, #tpu.memory_space<semaphore_mem>>)
        %add3A_583 = arith.constant 4 : i32
        %add3A_584 = arith.addi %mul3A_174, %add3A_583 : i32
        %dma_wait3A_585 = arith.constant 4 : i32
        %dma_wait3A_586 = arith.constant 0 : i32
        %dma_wait3A_587 = arith.constant 0 : i32
        %dma_wait3A_588 = tpu.memref_slice %arg9[%dma_wait3A_585, %dma_wait3A_586, %dma_wait3A_587] : memref<10x128x32xf32, #tpu.memory_space<vmem>> -> memref<1x128x32xf32, #tpu.memory_space<vmem>>
        %dma_wait3A_589 = tpu.memref_squeeze %dma_wait3A_588 : memref<1x128x32xf32, #tpu.memory_space<vmem>> -> memref<128x32xf32, #tpu.memory_space<vmem>>
        %dma_wait3A_590 = arith.constant 0 : i32
        %dma_wait3A_591 = tpu.memref_slice %arg8[%add3A_584, %dma_wait3A_590] : memref<160x128xi32, #tpu.memory_space<vmem>> -> memref<1x128xi32, #tpu.memory_space<vmem>>
        %dma_wait3A_592 = tpu.memref_squeeze %dma_wait3A_591 : memref<1x128xi32, #tpu.memory_space<vmem>> -> memref<128xi32, #tpu.memory_space<vmem>>
        %dma_wait3A_593 = arith.constant 0 : i32
        %dma_wait3A_594 = arith.constant 0 : i32
        %dma_wait3A_595 = tpu.memref_slice %arg10[%dma_wait3A_593, %dma_wait3A_594] : memref<10112x32xf32, #tpu.memory_space<vmem_shared>> -> memref<10112x32xf32, #tpu.memory_space<vmem_shared>>
        tpu.wait_indirect_dma semaphore(%arg25 : memref<!tpu.dma_semaphore, #tpu.memory_space<semaphore_mem>>) src(%dma_wait3A_589 : memref<128x32xf32, #tpu.memory_space<vmem>>) dst(%dma_wait3A_595 : memref<10112x32xf32, #tpu.memory_space<vmem_shared>>)
        %add3A_596 = arith.constant 10 : i32
        %add3A_597 = arith.addi %add3A_584, %add3A_596 : i32
        %dma_start3A_598 = arith.constant 4 : i32
        %dma_start3A_599 = arith.constant 0 : i32
        %dma_start3A_600 = arith.constant 0 : i32
        %dma_start3A_601 = tpu.memref_slice %arg9[%dma_start3A_598, %dma_start3A_599, %dma_start3A_600] : memref<10x128x32xf32, #tpu.memory_space<vmem>> -> memref<1x128x32xf32, #tpu.memory_space<vmem>>
        %dma_start3A_602 = tpu.memref_squeeze %dma_start3A_601 : memref<1x128x32xf32, #tpu.memory_space<vmem>> -> memref<128x32xf32, #tpu.memory_space<vmem>>
        %dma_start3A_603 = arith.constant 0 : i32
        %dma_start3A_604 = tpu.memref_slice %arg7[%add3A_597, %dma_start3A_603] : memref<160x128xi32, #tpu.memory_space<vmem>> -> memref<1x128xi32, #tpu.memory_space<vmem>>
        %dma_start3A_605 = tpu.memref_squeeze %dma_start3A_604 : memref<1x128xi32, #tpu.memory_space<vmem>> -> memref<128xi32, #tpu.memory_space<vmem>>
        %dma_start3A_606 = arith.constant 0 : i32
        %dma_start3A_607 = arith.constant 0 : i32
        %dma_start3A_608 = tpu.memref_slice %arg2[%arg0, %dma_start3A_606, %dma_start3A_607] : memref<2x10112x32xf32, #tpu.memory_space<hbm>> -> memref<1x10112x32xf32, #tpu.memory_space<hbm>>
        %dma_start3A_609 = tpu.memref_squeeze %dma_start3A_608 : memref<1x10112x32xf32, #tpu.memory_space<hbm>> -> memref<10112x32xf32, #tpu.memory_space<hbm>>
        %dma_start3A_610 = arith.constant 0 : i32
        %dma_start3A_611 = arith.constant 0 : i32
        %dma_start3A_612 = tpu.memref_slice %dma_start3A_609[%dma_start3A_610, %dma_start3A_611] : memref<10112x32xf32, #tpu.memory_space<hbm>> -> memref<10112x32xf32, #tpu.memory_space<hbm>>
        tpu.enqueue_indirect_dma source(%dma_start3A_612 : memref<10112x32xf32, #tpu.memory_space<hbm>>) target(%dma_start3A_602 : memref<128x32xf32, #tpu.memory_space<vmem>>) offsets(%dma_start3A_605 : memref<128xi32, #tpu.memory_space<vmem>>) semaphore(%arg15 : memref<!tpu.dma_semaphore, #tpu.memory_space<semaphore_mem>>)
        %add3A_613 = arith.constant 5 : i32
        %add3A_614 = arith.addi %mul3A_174, %add3A_613 : i32
        %dma_wait3A_615 = arith.constant 5 : i32
        %dma_wait3A_616 = arith.constant 0 : i32
        %dma_wait3A_617 = arith.constant 0 : i32
        %dma_wait3A_618 = tpu.memref_slice %arg9[%dma_wait3A_615, %dma_wait3A_616, %dma_wait3A_617] : memref<10x128x32xf32, #tpu.memory_space<vmem>> -> memref<1x128x32xf32, #tpu.memory_space<vmem>>
        %dma_wait3A_619 = tpu.memref_squeeze %dma_wait3A_618 : memref<1x128x32xf32, #tpu.memory_space<vmem>> -> memref<128x32xf32, #tpu.memory_space<vmem>>
        %dma_wait3A_620 = arith.constant 0 : i32
        %dma_wait3A_621 = tpu.memref_slice %arg8[%add3A_614, %dma_wait3A_620] : memref<160x128xi32, #tpu.memory_space<vmem>> -> memref<1x128xi32, #tpu.memory_space<vmem>>
        %dma_wait3A_622 = tpu.memref_squeeze %dma_wait3A_621 : memref<1x128xi32, #tpu.memory_space<vmem>> -> memref<128xi32, #tpu.memory_space<vmem>>
        %dma_wait3A_623 = arith.constant 0 : i32
        %dma_wait3A_624 = arith.constant 0 : i32
        %dma_wait3A_625 = tpu.memref_slice %arg10[%dma_wait3A_623, %dma_wait3A_624] : memref<10112x32xf32, #tpu.memory_space<vmem_shared>> -> memref<10112x32xf32, #tpu.memory_space<vmem_shared>>
        tpu.wait_indirect_dma semaphore(%arg26 : memref<!tpu.dma_semaphore, #tpu.memory_space<semaphore_mem>>) src(%dma_wait3A_619 : memref<128x32xf32, #tpu.memory_space<vmem>>) dst(%dma_wait3A_625 : memref<10112x32xf32, #tpu.memory_space<vmem_shared>>)
        %add3A_626 = arith.constant 10 : i32
        %add3A_627 = arith.addi %add3A_614, %add3A_626 : i32
        %dma_start3A_628 = arith.constant 5 : i32
        %dma_start3A_629 = arith.constant 0 : i32
        %dma_start3A_630 = arith.constant 0 : i32
        %dma_start3A_631 = tpu.memref_slice %arg9[%dma_start3A_628, %dma_start3A_629, %dma_start3A_630] : memref<10x128x32xf32, #tpu.memory_space<vmem>> -> memref<1x128x32xf32, #tpu.memory_space<vmem>>
        %dma_start3A_632 = tpu.memref_squeeze %dma_start3A_631 : memref<1x128x32xf32, #tpu.memory_space<vmem>> -> memref<128x32xf32, #tpu.memory_space<vmem>>
        %dma_start3A_633 = arith.constant 0 : i32
        %dma_start3A_634 = tpu.memref_slice %arg7[%add3A_627, %dma_start3A_633] : memref<160x128xi32, #tpu.memory_space<vmem>> -> memref<1x128xi32, #tpu.memory_space<vmem>>
        %dma_start3A_635 = tpu.memref_squeeze %dma_start3A_634 : memref<1x128xi32, #tpu.memory_space<vmem>> -> memref<128xi32, #tpu.memory_space<vmem>>
        %dma_start3A_636 = arith.constant 0 : i32
        %dma_start3A_637 = arith.constant 0 : i32
        %dma_start3A_638 = tpu.memref_slice %arg2[%arg0, %dma_start3A_636, %dma_start3A_637] : memref<2x10112x32xf32, #tpu.memory_space<hbm>> -> memref<1x10112x32xf32, #tpu.memory_space<hbm>>
        %dma_start3A_639 = tpu.memref_squeeze %dma_start3A_638 : memref<1x10112x32xf32, #tpu.memory_space<hbm>> -> memref<10112x32xf32, #tpu.memory_space<hbm>>
        %dma_start3A_640 = arith.constant 0 : i32
        %dma_start3A_641 = arith.constant 0 : i32
        %dma_start3A_642 = tpu.memref_slice %dma_start3A_639[%dma_start3A_640, %dma_start3A_641] : memref<10112x32xf32, #tpu.memory_space<hbm>> -> memref<10112x32xf32, #tpu.memory_space<hbm>>
        tpu.enqueue_indirect_dma source(%dma_start3A_642 : memref<10112x32xf32, #tpu.memory_space<hbm>>) target(%dma_start3A_632 : memref<128x32xf32, #tpu.memory_space<vmem>>) offsets(%dma_start3A_635 : memref<128xi32, #tpu.memory_space<vmem>>) semaphore(%arg16 : memref<!tpu.dma_semaphore, #tpu.memory_space<semaphore_mem>>)
        %add3A_643 = arith.constant 6 : i32
        %add3A_644 = arith.addi %mul3A_174, %add3A_643 : i32
        %dma_wait3A_645 = arith.constant 6 : i32
        %dma_wait3A_646 = arith.constant 0 : i32
        %dma_wait3A_647 = arith.constant 0 : i32
        %dma_wait3A_648 = tpu.memref_slice %arg9[%dma_wait3A_645, %dma_wait3A_646, %dma_wait3A_647] : memref<10x128x32xf32, #tpu.memory_space<vmem>> -> memref<1x128x32xf32, #tpu.memory_space<vmem>>
        %dma_wait3A_649 = tpu.memref_squeeze %dma_wait3A_648 : memref<1x128x32xf32, #tpu.memory_space<vmem>> -> memref<128x32xf32, #tpu.memory_space<vmem>>
        %dma_wait3A_650 = arith.constant 0 : i32
        %dma_wait3A_651 = tpu.memref_slice %arg8[%add3A_644, %dma_wait3A_650] : memref<160x128xi32, #tpu.memory_space<vmem>> -> memref<1x128xi32, #tpu.memory_space<vmem>>
        %dma_wait3A_652 = tpu.memref_squeeze %dma_wait3A_651 : memref<1x128xi32, #tpu.memory_space<vmem>> -> memref<128xi32, #tpu.memory_space<vmem>>
        %dma_wait3A_653 = arith.constant 0 : i32
        %dma_wait3A_654 = arith.constant 0 : i32
        %dma_wait3A_655 = tpu.memref_slice %arg10[%dma_wait3A_653, %dma_wait3A_654] : memref<10112x32xf32, #tpu.memory_space<vmem_shared>> -> memref<10112x32xf32, #tpu.memory_space<vmem_shared>>
        tpu.wait_indirect_dma semaphore(%arg27 : memref<!tpu.dma_semaphore, #tpu.memory_space<semaphore_mem>>) src(%dma_wait3A_649 : memref<128x32xf32, #tpu.memory_space<vmem>>) dst(%dma_wait3A_655 : memref<10112x32xf32, #tpu.memory_space<vmem_shared>>)
        %add3A_656 = arith.constant 10 : i32
        %add3A_657 = arith.addi %add3A_644, %add3A_656 : i32
        %dma_start3A_658 = arith.constant 6 : i32
        %dma_start3A_659 = arith.constant 0 : i32
        %dma_start3A_660 = arith.constant 0 : i32
        %dma_start3A_661 = tpu.memref_slice %arg9[%dma_start3A_658, %dma_start3A_659, %dma_start3A_660] : memref<10x128x32xf32, #tpu.memory_space<vmem>> -> memref<1x128x32xf32, #tpu.memory_space<vmem>>
        %dma_start3A_662 = tpu.memref_squeeze %dma_start3A_661 : memref<1x128x32xf32, #tpu.memory_space<vmem>> -> memref<128x32xf32, #tpu.memory_space<vmem>>
        %dma_start3A_663 = arith.constant 0 : i32
        %dma_start3A_664 = tpu.memref_slice %arg7[%add3A_657, %dma_start3A_663] : memref<160x128xi32, #tpu.memory_space<vmem>> -> memref<1x128xi32, #tpu.memory_space<vmem>>
        %dma_start3A_665 = tpu.memref_squeeze %dma_start3A_664 : memref<1x128xi32, #tpu.memory_space<vmem>> -> memref<128xi32, #tpu.memory_space<vmem>>
        %dma_start3A_666 = arith.constant 0 : i32
        %dma_start3A_667 = arith.constant 0 : i32
        %dma_start3A_668 = tpu.memref_slice %arg2[%arg0, %dma_start3A_666, %dma_start3A_667] : memref<2x10112x32xf32, #tpu.memory_space<hbm>> -> memref<1x10112x32xf32, #tpu.memory_space<hbm>>
        %dma_start3A_669 = tpu.memref_squeeze %dma_start3A_668 : memref<1x10112x32xf32, #tpu.memory_space<hbm>> -> memref<10112x32xf32, #tpu.memory_space<hbm>>
        %dma_start3A_670 = arith.constant 0 : i32
        %dma_start3A_671 = arith.constant 0 : i32
        %dma_start3A_672 = tpu.memref_slice %dma_start3A_669[%dma_start3A_670, %dma_start3A_671] : memref<10112x32xf32, #tpu.memory_space<hbm>> -> memref<10112x32xf32, #tpu.memory_space<hbm>>
        tpu.enqueue_indirect_dma source(%dma_start3A_672 : memref<10112x32xf32, #tpu.memory_space<hbm>>) target(%dma_start3A_662 : memref<128x32xf32, #tpu.memory_space<vmem>>) offsets(%dma_start3A_665 : memref<128xi32, #tpu.memory_space<vmem>>) semaphore(%arg17 : memref<!tpu.dma_semaphore, #tpu.memory_space<semaphore_mem>>)
        %add3A_673 = arith.constant 7 : i32
        %add3A_674 = arith.addi %mul3A_174, %add3A_673 : i32
        %dma_wait3A_675 = arith.constant 7 : i32
        %dma_wait3A_676 = arith.constant 0 : i32
        %dma_wait3A_677 = arith.constant 0 : i32
        %dma_wait3A_678 = tpu.memref_slice %arg9[%dma_wait3A_675, %dma_wait3A_676, %dma_wait3A_677] : memref<10x128x32xf32, #tpu.memory_space<vmem>> -> memref<1x128x32xf32, #tpu.memory_space<vmem>>
        %dma_wait3A_679 = tpu.memref_squeeze %dma_wait3A_678 : memref<1x128x32xf32, #tpu.memory_space<vmem>> -> memref<128x32xf32, #tpu.memory_space<vmem>>
        %dma_wait3A_680 = arith.constant 0 : i32
        %dma_wait3A_681 = tpu.memref_slice %arg8[%add3A_674, %dma_wait3A_680] : memref<160x128xi32, #tpu.memory_space<vmem>> -> memref<1x128xi32, #tpu.memory_space<vmem>>
        %dma_wait3A_682 = tpu.memref_squeeze %dma_wait3A_681 : memref<1x128xi32, #tpu.memory_space<vmem>> -> memref<128xi32, #tpu.memory_space<vmem>>
        %dma_wait3A_683 = arith.constant 0 : i32
        %dma_wait3A_684 = arith.constant 0 : i32
        %dma_wait3A_685 = tpu.memref_slice %arg10[%dma_wait3A_683, %dma_wait3A_684] : memref<10112x32xf32, #tpu.memory_space<vmem_shared>> -> memref<10112x32xf32, #tpu.memory_space<vmem_shared>>
        tpu.wait_indirect_dma semaphore(%arg28 : memref<!tpu.dma_semaphore, #tpu.memory_space<semaphore_mem>>) src(%dma_wait3A_679 : memref<128x32xf32, #tpu.memory_space<vmem>>) dst(%dma_wait3A_685 : memref<10112x32xf32, #tpu.memory_space<vmem_shared>>)
        %add3A_686 = arith.constant 10 : i32
        %add3A_687 = arith.addi %add3A_674, %add3A_686 : i32
        %dma_start3A_688 = arith.constant 7 : i32
        %dma_start3A_689 = arith.constant 0 : i32
        %dma_start3A_690 = arith.constant 0 : i32
        %dma_start3A_691 = tpu.memref_slice %arg9[%dma_start3A_688, %dma_start3A_689, %dma_start3A_690] : memref<10x128x32xf32, #tpu.memory_space<vmem>> -> memref<1x128x32xf32, #tpu.memory_space<vmem>>
        %dma_start3A_692 = tpu.memref_squeeze %dma_start3A_691 : memref<1x128x32xf32, #tpu.memory_space<vmem>> -> memref<128x32xf32, #tpu.memory_space<vmem>>
        %dma_start3A_693 = arith.constant 0 : i32
        %dma_start3A_694 = tpu.memref_slice %arg7[%add3A_687, %dma_start3A_693] : memref<160x128xi32, #tpu.memory_space<vmem>> -> memref<1x128xi32, #tpu.memory_space<vmem>>
        %dma_start3A_695 = tpu.memref_squeeze %dma_start3A_694 : memref<1x128xi32, #tpu.memory_space<vmem>> -> memref<128xi32, #tpu.memory_space<vmem>>
        %dma_start3A_696 = arith.constant 0 : i32
        %dma_start3A_697 = arith.constant 0 : i32
        %dma_start3A_698 = tpu.memref_slice %arg2[%arg0, %dma_start3A_696, %dma_start3A_697] : memref<2x10112x32xf32, #tpu.memory_space<hbm>> -> memref<1x10112x32xf32, #tpu.memory_space<hbm>>
        %dma_start3A_699 = tpu.memref_squeeze %dma_start3A_698 : memref<1x10112x32xf32, #tpu.memory_space<hbm>> -> memref<10112x32xf32, #tpu.memory_space<hbm>>
        %dma_start3A_700 = arith.constant 0 : i32
        %dma_start3A_701 = arith.constant 0 : i32
        %dma_start3A_702 = tpu.memref_slice %dma_start3A_699[%dma_start3A_700, %dma_start3A_701] : memref<10112x32xf32, #tpu.memory_space<hbm>> -> memref<10112x32xf32, #tpu.memory_space<hbm>>
        tpu.enqueue_indirect_dma source(%dma_start3A_702 : memref<10112x32xf32, #tpu.memory_space<hbm>>) target(%dma_start3A_692 : memref<128x32xf32, #tpu.memory_space<vmem>>) offsets(%dma_start3A_695 : memref<128xi32, #tpu.memory_space<vmem>>) semaphore(%arg18 : memref<!tpu.dma_semaphore, #tpu.memory_space<semaphore_mem>>)
        %add3A_703 = arith.constant 8 : i32
        %add3A_704 = arith.addi %mul3A_174, %add3A_703 : i32
        %dma_wait3A_705 = arith.constant 8 : i32
        %dma_wait3A_706 = arith.constant 0 : i32
        %dma_wait3A_707 = arith.constant 0 : i32
        %dma_wait3A_708 = tpu.memref_slice %arg9[%dma_wait3A_705, %dma_wait3A_706, %dma_wait3A_707] : memref<10x128x32xf32, #tpu.memory_space<vmem>> -> memref<1x128x32xf32, #tpu.memory_space<vmem>>
        %dma_wait3A_709 = tpu.memref_squeeze %dma_wait3A_708 : memref<1x128x32xf32, #tpu.memory_space<vmem>> -> memref<128x32xf32, #tpu.memory_space<vmem>>
        %dma_wait3A_710 = arith.constant 0 : i32
        %dma_wait3A_711 = tpu.memref_slice %arg8[%add3A_704, %dma_wait3A_710] : memref<160x128xi32, #tpu.memory_space<vmem>> -> memref<1x128xi32, #tpu.memory_space<vmem>>
        %dma_wait3A_712 = tpu.memref_squeeze %dma_wait3A_711 : memref<1x128xi32, #tpu.memory_space<vmem>> -> memref<128xi32, #tpu.memory_space<vmem>>
        %dma_wait3A_713 = arith.constant 0 : i32
        %dma_wait3A_714 = arith.constant 0 : i32
        %dma_wait3A_715 = tpu.memref_slice %arg10[%dma_wait3A_713, %dma_wait3A_714] : memref<10112x32xf32, #tpu.memory_space<vmem_shared>> -> memref<10112x32xf32, #tpu.memory_space<vmem_shared>>
        tpu.wait_indirect_dma semaphore(%arg29 : memref<!tpu.dma_semaphore, #tpu.memory_space<semaphore_mem>>) src(%dma_wait3A_709 : memref<128x32xf32, #tpu.memory_space<vmem>>) dst(%dma_wait3A_715 : memref<10112x32xf32, #tpu.memory_space<vmem_shared>>)
        %add3A_716 = arith.constant 10 : i32
        %add3A_717 = arith.addi %add3A_704, %add3A_716 : i32
        %dma_start3A_718 = arith.constant 8 : i32
        %dma_start3A_719 = arith.constant 0 : i32
        %dma_start3A_720 = arith.constant 0 : i32
        %dma_start3A_721 = tpu.memref_slice %arg9[%dma_start3A_718, %dma_start3A_719, %dma_start3A_720] : memref<10x128x32xf32, #tpu.memory_space<vmem>> -> memref<1x128x32xf32, #tpu.memory_space<vmem>>
        %dma_start3A_722 = tpu.memref_squeeze %dma_start3A_721 : memref<1x128x32xf32, #tpu.memory_space<vmem>> -> memref<128x32xf32, #tpu.memory_space<vmem>>
        %dma_start3A_723 = arith.constant 0 : i32
        %dma_start3A_724 = tpu.memref_slice %arg7[%add3A_717, %dma_start3A_723] : memref<160x128xi32, #tpu.memory_space<vmem>> -> memref<1x128xi32, #tpu.memory_space<vmem>>
        %dma_start3A_725 = tpu.memref_squeeze %dma_start3A_724 : memref<1x128xi32, #tpu.memory_space<vmem>> -> memref<128xi32, #tpu.memory_space<vmem>>
        %dma_start3A_726 = arith.constant 0 : i32
        %dma_start3A_727 = arith.constant 0 : i32
        %dma_start3A_728 = tpu.memref_slice %arg2[%arg0, %dma_start3A_726, %dma_start3A_727] : memref<2x10112x32xf32, #tpu.memory_space<hbm>> -> memref<1x10112x32xf32, #tpu.memory_space<hbm>>
        %dma_start3A_729 = tpu.memref_squeeze %dma_start3A_728 : memref<1x10112x32xf32, #tpu.memory_space<hbm>> -> memref<10112x32xf32, #tpu.memory_space<hbm>>
        %dma_start3A_730 = arith.constant 0 : i32
        %dma_start3A_731 = arith.constant 0 : i32
        %dma_start3A_732 = tpu.memref_slice %dma_start3A_729[%dma_start3A_730, %dma_start3A_731] : memref<10112x32xf32, #tpu.memory_space<hbm>> -> memref<10112x32xf32, #tpu.memory_space<hbm>>
        tpu.enqueue_indirect_dma source(%dma_start3A_732 : memref<10112x32xf32, #tpu.memory_space<hbm>>) target(%dma_start3A_722 : memref<128x32xf32, #tpu.memory_space<vmem>>) offsets(%dma_start3A_725 : memref<128xi32, #tpu.memory_space<vmem>>) semaphore(%arg19 : memref<!tpu.dma_semaphore, #tpu.memory_space<semaphore_mem>>)
        %add3A_733 = arith.constant 9 : i32
        %add3A_734 = arith.addi %mul3A_174, %add3A_733 : i32
        %dma_wait3A_735 = arith.constant 9 : i32
        %dma_wait3A_736 = arith.constant 0 : i32
        %dma_wait3A_737 = arith.constant 0 : i32
        %dma_wait3A_738 = tpu.memref_slice %arg9[%dma_wait3A_735, %dma_wait3A_736, %dma_wait3A_737] : memref<10x128x32xf32, #tpu.memory_space<vmem>> -> memref<1x128x32xf32, #tpu.memory_space<vmem>>
        %dma_wait3A_739 = tpu.memref_squeeze %dma_wait3A_738 : memref<1x128x32xf32, #tpu.memory_space<vmem>> -> memref<128x32xf32, #tpu.memory_space<vmem>>
        %dma_wait3A_740 = arith.constant 0 : i32
        %dma_wait3A_741 = tpu.memref_slice %arg8[%add3A_734, %dma_wait3A_740] : memref<160x128xi32, #tpu.memory_space<vmem>> -> memref<1x128xi32, #tpu.memory_space<vmem>>
        %dma_wait3A_742 = tpu.memref_squeeze %dma_wait3A_741 : memref<1x128xi32, #tpu.memory_space<vmem>> -> memref<128xi32, #tpu.memory_space<vmem>>
        %dma_wait3A_743 = arith.constant 0 : i32
        %dma_wait3A_744 = arith.constant 0 : i32
        %dma_wait3A_745 = tpu.memref_slice %arg10[%dma_wait3A_743, %dma_wait3A_744] : memref<10112x32xf32, #tpu.memory_space<vmem_shared>> -> memref<10112x32xf32, #tpu.memory_space<vmem_shared>>
        tpu.wait_indirect_dma semaphore(%arg30 : memref<!tpu.dma_semaphore, #tpu.memory_space<semaphore_mem>>) src(%dma_wait3A_739 : memref<128x32xf32, #tpu.memory_space<vmem>>) dst(%dma_wait3A_745 : memref<10112x32xf32, #tpu.memory_space<vmem_shared>>)
        %add3A_746 = arith.constant 10 : i32
        %add3A_747 = arith.addi %add3A_734, %add3A_746 : i32
        %dma_start3A_748 = arith.constant 9 : i32
        %dma_start3A_749 = arith.constant 0 : i32
        %dma_start3A_750 = arith.constant 0 : i32
        %dma_start3A_751 = tpu.memref_slice %arg9[%dma_start3A_748, %dma_start3A_749, %dma_start3A_750] : memref<10x128x32xf32, #tpu.memory_space<vmem>> -> memref<1x128x32xf32, #tpu.memory_space<vmem>>
        %dma_start3A_752 = tpu.memref_squeeze %dma_start3A_751 : memref<1x128x32xf32, #tpu.memory_space<vmem>> -> memref<128x32xf32, #tpu.memory_space<vmem>>
        %dma_start3A_753 = arith.constant 0 : i32
        %dma_start3A_754 = tpu.memref_slice %arg7[%add3A_747, %dma_start3A_753] : memref<160x128xi32, #tpu.memory_space<vmem>> -> memref<1x128xi32, #tpu.memory_space<vmem>>
        %dma_start3A_755 = tpu.memref_squeeze %dma_start3A_754 : memref<1x128xi32, #tpu.memory_space<vmem>> -> memref<128xi32, #tpu.memory_space<vmem>>
        %dma_start3A_756 = arith.constant 0 : i32
        %dma_start3A_757 = arith.constant 0 : i32
        %dma_start3A_758 = tpu.memref_slice %arg2[%arg0, %dma_start3A_756, %dma_start3A_757] : memref<2x10112x32xf32, #tpu.memory_space<hbm>> -> memref<1x10112x32xf32, #tpu.memory_space<hbm>>
        %dma_start3A_759 = tpu.memref_squeeze %dma_start3A_758 : memref<1x10112x32xf32, #tpu.memory_space<hbm>> -> memref<10112x32xf32, #tpu.memory_space<hbm>>
        %dma_start3A_760 = arith.constant 0 : i32
        %dma_start3A_761 = arith.constant 0 : i32
        %dma_start3A_762 = tpu.memref_slice %dma_start3A_759[%dma_start3A_760, %dma_start3A_761] : memref<10112x32xf32, #tpu.memory_space<hbm>> -> memref<10112x32xf32, #tpu.memory_space<hbm>>
        tpu.enqueue_indirect_dma source(%dma_start3A_762 : memref<10112x32xf32, #tpu.memory_space<hbm>>) target(%dma_start3A_752 : memref<128x32xf32, #tpu.memory_space<vmem>>) offsets(%dma_start3A_755 : memref<128xi32, #tpu.memory_space<vmem>>) semaphore(%arg20 : memref<!tpu.dma_semaphore, #tpu.memory_space<semaphore_mem>>)
      } else {
      }
      %add3A_457 = arith.constant 1 : i32
      %add3A_458 = arith.addi %scan3A_172, %add3A_457 : i32
      %ge3A = arith.constant 16 : i32
      %ge3A_459 = arith.cmpi sge, %add3A_458, %ge3A : i32
      %convert_element_type3A_460 = arith.extui %ge3A_459 : i1 to i32
      %cond3A_461 = arith.constant 0 : i32
      %cond3A_462 = arith.cmpi ne, %convert_element_type3A_460, %cond3A_461 : i32
      scf.if %cond3A_462 {
        %add3A_463 = arith.constant 0 : i32
        %add3A_464 = arith.addi %mul3A_174, %add3A_463 : i32
        %dma_wait3A_465 = arith.constant 0 : i32
        %dma_wait3A_466 = arith.constant 0 : i32
        %dma_wait3A_467 = arith.constant 0 : i32
        %dma_wait3A_468 = tpu.memref_slice %arg9[%dma_wait3A_465, %dma_wait3A_466, %dma_wait3A_467] : memref<10x128x32xf32, #tpu.memory_space<vmem>> -> memref<1x128x32xf32, #tpu.memory_space<vmem>>
        %dma_wait3A_469 = tpu.memref_squeeze %dma_wait3A_468 : memref<1x128x32xf32, #tpu.memory_space<vmem>> -> memref<128x32xf32, #tpu.memory_space<vmem>>
        %dma_wait3A_470 = arith.constant 0 : i32
        %dma_wait3A_471 = tpu.memref_slice %arg8[%add3A_464, %dma_wait3A_470] : memref<160x128xi32, #tpu.memory_space<vmem>> -> memref<1x128xi32, #tpu.memory_space<vmem>>
        %dma_wait3A_472 = tpu.memref_squeeze %dma_wait3A_471 : memref<1x128xi32, #tpu.memory_space<vmem>> -> memref<128xi32, #tpu.memory_space<vmem>>
        %dma_wait3A_473 = arith.constant 0 : i32
        %dma_wait3A_474 = arith.constant 0 : i32
        %dma_wait3A_475 = tpu.memref_slice %arg10[%dma_wait3A_473, %dma_wait3A_474] : memref<10112x32xf32, #tpu.memory_space<vmem_shared>> -> memref<10112x32xf32, #tpu.memory_space<vmem_shared>>
        tpu.wait_indirect_dma semaphore(%arg21 : memref<!tpu.dma_semaphore, #tpu.memory_space<semaphore_mem>>) src(%dma_wait3A_469 : memref<128x32xf32, #tpu.memory_space<vmem>>) dst(%dma_wait3A_475 : memref<10112x32xf32, #tpu.memory_space<vmem_shared>>)
        %add3A_476 = arith.constant 1 : i32
        %add3A_477 = arith.addi %mul3A_174, %add3A_476 : i32
        %dma_wait3A_478 = arith.constant 1 : i32
        %dma_wait3A_479 = arith.constant 0 : i32
        %dma_wait3A_480 = arith.constant 0 : i32
        %dma_wait3A_481 = tpu.memref_slice %arg9[%dma_wait3A_478, %dma_wait3A_479, %dma_wait3A_480] : memref<10x128x32xf32, #tpu.memory_space<vmem>> -> memref<1x128x32xf32, #tpu.memory_space<vmem>>
        %dma_wait3A_482 = tpu.memref_squeeze %dma_wait3A_481 : memref<1x128x32xf32, #tpu.memory_space<vmem>> -> memref<128x32xf32, #tpu.memory_space<vmem>>
        %dma_wait3A_483 = arith.constant 0 : i32
        %dma_wait3A_484 = tpu.memref_slice %arg8[%add3A_477, %dma_wait3A_483] : memref<160x128xi32, #tpu.memory_space<vmem>> -> memref<1x128xi32, #tpu.memory_space<vmem>>
        %dma_wait3A_485 = tpu.memref_squeeze %dma_wait3A_484 : memref<1x128xi32, #tpu.memory_space<vmem>> -> memref<128xi32, #tpu.memory_space<vmem>>
        %dma_wait3A_486 = arith.constant 0 : i32
        %dma_wait3A_487 = arith.constant 0 : i32
        %dma_wait3A_488 = tpu.memref_slice %arg10[%dma_wait3A_486, %dma_wait3A_487] : memref<10112x32xf32, #tpu.memory_space<vmem_shared>> -> memref<10112x32xf32, #tpu.memory_space<vmem_shared>>
        tpu.wait_indirect_dma semaphore(%arg22 : memref<!tpu.dma_semaphore, #tpu.memory_space<semaphore_mem>>) src(%dma_wait3A_482 : memref<128x32xf32, #tpu.memory_space<vmem>>) dst(%dma_wait3A_488 : memref<10112x32xf32, #tpu.memory_space<vmem_shared>>)
        %add3A_489 = arith.constant 2 : i32
        %add3A_490 = arith.addi %mul3A_174, %add3A_489 : i32
        %dma_wait3A_491 = arith.constant 2 : i32
        %dma_wait3A_492 = arith.constant 0 : i32
        %dma_wait3A_493 = arith.constant 0 : i32
        %dma_wait3A_494 = tpu.memref_slice %arg9[%dma_wait3A_491, %dma_wait3A_492, %dma_wait3A_493] : memref<10x128x32xf32, #tpu.memory_space<vmem>> -> memref<1x128x32xf32, #tpu.memory_space<vmem>>
        %dma_wait3A_495 = tpu.memref_squeeze %dma_wait3A_494 : memref<1x128x32xf32, #tpu.memory_space<vmem>> -> memref<128x32xf32, #tpu.memory_space<vmem>>
        %dma_wait3A_496 = arith.constant 0 : i32
        %dma_wait3A_497 = tpu.memref_slice %arg8[%add3A_490, %dma_wait3A_496] : memref<160x128xi32, #tpu.memory_space<vmem>> -> memref<1x128xi32, #tpu.memory_space<vmem>>
        %dma_wait3A_498 = tpu.memref_squeeze %dma_wait3A_497 : memref<1x128xi32, #tpu.memory_space<vmem>> -> memref<128xi32, #tpu.memory_space<vmem>>
        %dma_wait3A_499 = arith.constant 0 : i32
        %dma_wait3A_500 = arith.constant 0 : i32
        %dma_wait3A_501 = tpu.memref_slice %arg10[%dma_wait3A_499, %dma_wait3A_500] : memref<10112x32xf32, #tpu.memory_space<vmem_shared>> -> memref<10112x32xf32, #tpu.memory_space<vmem_shared>>
        tpu.wait_indirect_dma semaphore(%arg23 : memref<!tpu.dma_semaphore, #tpu.memory_space<semaphore_mem>>) src(%dma_wait3A_495 : memref<128x32xf32, #tpu.memory_space<vmem>>) dst(%dma_wait3A_501 : memref<10112x32xf32, #tpu.memory_space<vmem_shared>>)
        %add3A_502 = arith.constant 3 : i32
        %add3A_503 = arith.addi %mul3A_174, %add3A_502 : i32
        %dma_wait3A_504 = arith.constant 3 : i32
        %dma_wait3A_505 = arith.constant 0 : i32
        %dma_wait3A_506 = arith.constant 0 : i32
        %dma_wait3A_507 = tpu.memref_slice %arg9[%dma_wait3A_504, %dma_wait3A_505, %dma_wait3A_506] : memref<10x128x32xf32, #tpu.memory_space<vmem>> -> memref<1x128x32xf32, #tpu.memory_space<vmem>>
        %dma_wait3A_508 = tpu.memref_squeeze %dma_wait3A_507 : memref<1x128x32xf32, #tpu.memory_space<vmem>> -> memref<128x32xf32, #tpu.memory_space<vmem>>
        %dma_wait3A_509 = arith.constant 0 : i32
        %dma_wait3A_510 = tpu.memref_slice %arg8[%add3A_503, %dma_wait3A_509] : memref<160x128xi32, #tpu.memory_space<vmem>> -> memref<1x128xi32, #tpu.memory_space<vmem>>
        %dma_wait3A_511 = tpu.memref_squeeze %dma_wait3A_510 : memref<1x128xi32, #tpu.memory_space<vmem>> -> memref<128xi32, #tpu.memory_space<vmem>>
        %dma_wait3A_512 = arith.constant 0 : i32
        %dma_wait3A_513 = arith.constant 0 : i32
        %dma_wait3A_514 = tpu.memref_slice %arg10[%dma_wait3A_512, %dma_wait3A_513] : memref<10112x32xf32, #tpu.memory_space<vmem_shared>> -> memref<10112x32xf32, #tpu.memory_space<vmem_shared>>
        tpu.wait_indirect_dma semaphore(%arg24 : memref<!tpu.dma_semaphore, #tpu.memory_space<semaphore_mem>>) src(%dma_wait3A_508 : memref<128x32xf32, #tpu.memory_space<vmem>>) dst(%dma_wait3A_514 : memref<10112x32xf32, #tpu.memory_space<vmem_shared>>)
        %add3A_515 = arith.constant 4 : i32
        %add3A_516 = arith.addi %mul3A_174, %add3A_515 : i32
        %dma_wait3A_517 = arith.constant 4 : i32
        %dma_wait3A_518 = arith.constant 0 : i32
        %dma_wait3A_519 = arith.constant 0 : i32
        %dma_wait3A_520 = tpu.memref_slice %arg9[%dma_wait3A_517, %dma_wait3A_518, %dma_wait3A_519] : memref<10x128x32xf32, #tpu.memory_space<vmem>> -> memref<1x128x32xf32, #tpu.memory_space<vmem>>
        %dma_wait3A_521 = tpu.memref_squeeze %dma_wait3A_520 : memref<1x128x32xf32, #tpu.memory_space<vmem>> -> memref<128x32xf32, #tpu.memory_space<vmem>>
        %dma_wait3A_522 = arith.constant 0 : i32
        %dma_wait3A_523 = tpu.memref_slice %arg8[%add3A_516, %dma_wait3A_522] : memref<160x128xi32, #tpu.memory_space<vmem>> -> memref<1x128xi32, #tpu.memory_space<vmem>>
        %dma_wait3A_524 = tpu.memref_squeeze %dma_wait3A_523 : memref<1x128xi32, #tpu.memory_space<vmem>> -> memref<128xi32, #tpu.memory_space<vmem>>
        %dma_wait3A_525 = arith.constant 0 : i32
        %dma_wait3A_526 = arith.constant 0 : i32
        %dma_wait3A_527 = tpu.memref_slice %arg10[%dma_wait3A_525, %dma_wait3A_526] : memref<10112x32xf32, #tpu.memory_space<vmem_shared>> -> memref<10112x32xf32, #tpu.memory_space<vmem_shared>>
        tpu.wait_indirect_dma semaphore(%arg25 : memref<!tpu.dma_semaphore, #tpu.memory_space<semaphore_mem>>) src(%dma_wait3A_521 : memref<128x32xf32, #tpu.memory_space<vmem>>) dst(%dma_wait3A_527 : memref<10112x32xf32, #tpu.memory_space<vmem_shared>>)
        %add3A_528 = arith.constant 5 : i32
        %add3A_529 = arith.addi %mul3A_174, %add3A_528 : i32
        %dma_wait3A_530 = arith.constant 5 : i32
        %dma_wait3A_531 = arith.constant 0 : i32
        %dma_wait3A_532 = arith.constant 0 : i32
        %dma_wait3A_533 = tpu.memref_slice %arg9[%dma_wait3A_530, %dma_wait3A_531, %dma_wait3A_532] : memref<10x128x32xf32, #tpu.memory_space<vmem>> -> memref<1x128x32xf32, #tpu.memory_space<vmem>>
        %dma_wait3A_534 = tpu.memref_squeeze %dma_wait3A_533 : memref<1x128x32xf32, #tpu.memory_space<vmem>> -> memref<128x32xf32, #tpu.memory_space<vmem>>
        %dma_wait3A_535 = arith.constant 0 : i32
        %dma_wait3A_536 = tpu.memref_slice %arg8[%add3A_529, %dma_wait3A_535] : memref<160x128xi32, #tpu.memory_space<vmem>> -> memref<1x128xi32, #tpu.memory_space<vmem>>
        %dma_wait3A_537 = tpu.memref_squeeze %dma_wait3A_536 : memref<1x128xi32, #tpu.memory_space<vmem>> -> memref<128xi32, #tpu.memory_space<vmem>>
        %dma_wait3A_538 = arith.constant 0 : i32
        %dma_wait3A_539 = arith.constant 0 : i32
        %dma_wait3A_540 = tpu.memref_slice %arg10[%dma_wait3A_538, %dma_wait3A_539] : memref<10112x32xf32, #tpu.memory_space<vmem_shared>> -> memref<10112x32xf32, #tpu.memory_space<vmem_shared>>
        tpu.wait_indirect_dma semaphore(%arg26 : memref<!tpu.dma_semaphore, #tpu.memory_space<semaphore_mem>>) src(%dma_wait3A_534 : memref<128x32xf32, #tpu.memory_space<vmem>>) dst(%dma_wait3A_540 : memref<10112x32xf32, #tpu.memory_space<vmem_shared>>)
        %add3A_541 = arith.constant 6 : i32
        %add3A_542 = arith.addi %mul3A_174, %add3A_541 : i32
        %dma_wait3A_543 = arith.constant 6 : i32
        %dma_wait3A_544 = arith.constant 0 : i32
        %dma_wait3A_545 = arith.constant 0 : i32
        %dma_wait3A_546 = tpu.memref_slice %arg9[%dma_wait3A_543, %dma_wait3A_544, %dma_wait3A_545] : memref<10x128x32xf32, #tpu.memory_space<vmem>> -> memref<1x128x32xf32, #tpu.memory_space<vmem>>
        %dma_wait3A_547 = tpu.memref_squeeze %dma_wait3A_546 : memref<1x128x32xf32, #tpu.memory_space<vmem>> -> memref<128x32xf32, #tpu.memory_space<vmem>>
        %dma_wait3A_548 = arith.constant 0 : i32
        %dma_wait3A_549 = tpu.memref_slice %arg8[%add3A_542, %dma_wait3A_548] : memref<160x128xi32, #tpu.memory_space<vmem>> -> memref<1x128xi32, #tpu.memory_space<vmem>>
        %dma_wait3A_550 = tpu.memref_squeeze %dma_wait3A_549 : memref<1x128xi32, #tpu.memory_space<vmem>> -> memref<128xi32, #tpu.memory_space<vmem>>
        %dma_wait3A_551 = arith.constant 0 : i32
        %dma_wait3A_552 = arith.constant 0 : i32
        %dma_wait3A_553 = tpu.memref_slice %arg10[%dma_wait3A_551, %dma_wait3A_552] : memref<10112x32xf32, #tpu.memory_space<vmem_shared>> -> memref<10112x32xf32, #tpu.memory_space<vmem_shared>>
        tpu.wait_indirect_dma semaphore(%arg27 : memref<!tpu.dma_semaphore, #tpu.memory_space<semaphore_mem>>) src(%dma_wait3A_547 : memref<128x32xf32, #tpu.memory_space<vmem>>) dst(%dma_wait3A_553 : memref<10112x32xf32, #tpu.memory_space<vmem_shared>>)
        %add3A_554 = arith.constant 7 : i32
        %add3A_555 = arith.addi %mul3A_174, %add3A_554 : i32
        %dma_wait3A_556 = arith.constant 7 : i32
        %dma_wait3A_557 = arith.constant 0 : i32
        %dma_wait3A_558 = arith.constant 0 : i32
        %dma_wait3A_559 = tpu.memref_slice %arg9[%dma_wait3A_556, %dma_wait3A_557, %dma_wait3A_558] : memref<10x128x32xf32, #tpu.memory_space<vmem>> -> memref<1x128x32xf32, #tpu.memory_space<vmem>>
        %dma_wait3A_560 = tpu.memref_squeeze %dma_wait3A_559 : memref<1x128x32xf32, #tpu.memory_space<vmem>> -> memref<128x32xf32, #tpu.memory_space<vmem>>
        %dma_wait3A_561 = arith.constant 0 : i32
        %dma_wait3A_562 = tpu.memref_slice %arg8[%add3A_555, %dma_wait3A_561] : memref<160x128xi32, #tpu.memory_space<vmem>> -> memref<1x128xi32, #tpu.memory_space<vmem>>
        %dma_wait3A_563 = tpu.memref_squeeze %dma_wait3A_562 : memref<1x128xi32, #tpu.memory_space<vmem>> -> memref<128xi32, #tpu.memory_space<vmem>>
        %dma_wait3A_564 = arith.constant 0 : i32
        %dma_wait3A_565 = arith.constant 0 : i32
        %dma_wait3A_566 = tpu.memref_slice %arg10[%dma_wait3A_564, %dma_wait3A_565] : memref<10112x32xf32, #tpu.memory_space<vmem_shared>> -> memref<10112x32xf32, #tpu.memory_space<vmem_shared>>
        tpu.wait_indirect_dma semaphore(%arg28 : memref<!tpu.dma_semaphore, #tpu.memory_space<semaphore_mem>>) src(%dma_wait3A_560 : memref<128x32xf32, #tpu.memory_space<vmem>>) dst(%dma_wait3A_566 : memref<10112x32xf32, #tpu.memory_space<vmem_shared>>)
        %add3A_567 = arith.constant 8 : i32
        %add3A_568 = arith.addi %mul3A_174, %add3A_567 : i32
        %dma_wait3A_569 = arith.constant 8 : i32
        %dma_wait3A_570 = arith.constant 0 : i32
        %dma_wait3A_571 = arith.constant 0 : i32
        %dma_wait3A_572 = tpu.memref_slice %arg9[%dma_wait3A_569, %dma_wait3A_570, %dma_wait3A_571] : memref<10x128x32xf32, #tpu.memory_space<vmem>> -> memref<1x128x32xf32, #tpu.memory_space<vmem>>
        %dma_wait3A_573 = tpu.memref_squeeze %dma_wait3A_572 : memref<1x128x32xf32, #tpu.memory_space<vmem>> -> memref<128x32xf32, #tpu.memory_space<vmem>>
        %dma_wait3A_574 = arith.constant 0 : i32
        %dma_wait3A_575 = tpu.memref_slice %arg8[%add3A_568, %dma_wait3A_574] : memref<160x128xi32, #tpu.memory_space<vmem>> -> memref<1x128xi32, #tpu.memory_space<vmem>>
        %dma_wait3A_576 = tpu.memref_squeeze %dma_wait3A_575 : memref<1x128xi32, #tpu.memory_space<vmem>> -> memref<128xi32, #tpu.memory_space<vmem>>
        %dma_wait3A_577 = arith.constant 0 : i32
        %dma_wait3A_578 = arith.constant 0 : i32
        %dma_wait3A_579 = tpu.memref_slice %arg10[%dma_wait3A_577, %dma_wait3A_578] : memref<10112x32xf32, #tpu.memory_space<vmem_shared>> -> memref<10112x32xf32, #tpu.memory_space<vmem_shared>>
        tpu.wait_indirect_dma semaphore(%arg29 : memref<!tpu.dma_semaphore, #tpu.memory_space<semaphore_mem>>) src(%dma_wait3A_573 : memref<128x32xf32, #tpu.memory_space<vmem>>) dst(%dma_wait3A_579 : memref<10112x32xf32, #tpu.memory_space<vmem_shared>>)
        %add3A_580 = arith.constant 9 : i32
        %add3A_581 = arith.addi %mul3A_174, %add3A_580 : i32
        %dma_wait3A_582 = arith.constant 9 : i32
        %dma_wait3A_583 = arith.constant 0 : i32
        %dma_wait3A_584 = arith.constant 0 : i32
        %dma_wait3A_585 = tpu.memref_slice %arg9[%dma_wait3A_582, %dma_wait3A_583, %dma_wait3A_584] : memref<10x128x32xf32, #tpu.memory_space<vmem>> -> memref<1x128x32xf32, #tpu.memory_space<vmem>>
        %dma_wait3A_586 = tpu.memref_squeeze %dma_wait3A_585 : memref<1x128x32xf32, #tpu.memory_space<vmem>> -> memref<128x32xf32, #tpu.memory_space<vmem>>
        %dma_wait3A_587 = arith.constant 0 : i32
        %dma_wait3A_588 = tpu.memref_slice %arg8[%add3A_581, %dma_wait3A_587] : memref<160x128xi32, #tpu.memory_space<vmem>> -> memref<1x128xi32, #tpu.memory_space<vmem>>
        %dma_wait3A_589 = tpu.memref_squeeze %dma_wait3A_588 : memref<1x128xi32, #tpu.memory_space<vmem>> -> memref<128xi32, #tpu.memory_space<vmem>>
        %dma_wait3A_590 = arith.constant 0 : i32
        %dma_wait3A_591 = arith.constant 0 : i32
        %dma_wait3A_592 = tpu.memref_slice %arg10[%dma_wait3A_590, %dma_wait3A_591] : memref<10112x32xf32, #tpu.memory_space<vmem_shared>> -> memref<10112x32xf32, #tpu.memory_space<vmem_shared>>
        tpu.wait_indirect_dma semaphore(%arg30 : memref<!tpu.dma_semaphore, #tpu.memory_space<semaphore_mem>>) src(%dma_wait3A_586 : memref<128x32xf32, #tpu.memory_space<vmem>>) dst(%dma_wait3A_592 : memref<10112x32xf32, #tpu.memory_space<vmem_shared>>)
      } else {
      }
    }
    %scan3A_166 = arith.constant 16 : i32
    %barrier3A_167 = arith.constant 0 : index
    tpu.barrier barrier_id(%barrier3A_167)
    %mul3A_168 = arith.constant 632 : i32
    %mul3A_169 = arith.muli %arg1, %mul3A_168 : i32
    %mul3A_170 = arith.constant 632 : i32
    %mul3A_171 = arith.muli %arg1, %mul3A_170 : i32
    "tpu.region"() ({
      %run_scoped3A = tpu.sem_alloc : memref<!tpu.dma_semaphore, #tpu.memory_space<semaphore_mem>>
      %dma_start3A_172 = arith.constant 0 : i32
      %dma_start3A_173 = arith.constant 0 : i32
      %dma_start3A_174 = tpu.memref_slice %arg6[%arg0, %dma_start3A_172, %dma_start3A_173] : memref<2x10112x32xf32, #tpu.memory_space<hbm>> -> memref<1x10112x32xf32, #tpu.memory_space<hbm>>
      %dma_start3A_175 = tpu.memref_squeeze %dma_start3A_174 : memref<1x10112x32xf32, #tpu.memory_space<hbm>> -> memref<10112x32xf32, #tpu.memory_space<hbm>>
      %dma_start3A_176 = arith.constant 0 : i32
      %dma_start3A_177 = tpu.memref_slice %dma_start3A_175[%mul3A_171, %dma_start3A_176] : memref<10112x32xf32, #tpu.memory_space<hbm>> -> memref<632x32xf32, #tpu.memory_space<hbm>>
      %dma_start3A_178 = arith.constant 0 : i32
      %dma_start3A_179 = tpu.memref_slice %arg10[%mul3A_169, %dma_start3A_178] : memref<10112x32xf32, #tpu.memory_space<vmem_shared>> -> memref<632x32xf32, #tpu.memory_space<vmem_shared>>
      tpu.enqueue_dma source(%dma_start3A_179 : memref<632x32xf32, #tpu.memory_space<vmem_shared>>) target(%dma_start3A_177 : memref<632x32xf32, #tpu.memory_space<hbm>>) target_semaphore(%run_scoped3A : memref<!tpu.dma_semaphore, #tpu.memory_space<semaphore_mem>>)
      %dma_wait3A = arith.constant 0 : i32
      %dma_wait3A_180 = arith.constant 0 : i32
      %dma_wait3A_181 = tpu.memref_slice %arg6[%arg0, %dma_wait3A, %dma_wait3A_180] : memref<2x10112x32xf32, #tpu.memory_space<hbm>> -> memref<1x10112x32xf32, #tpu.memory_space<hbm>>
      %dma_wait3A_182 = tpu.memref_squeeze %dma_wait3A_181 : memref<1x10112x32xf32, #tpu.memory_space<hbm>> -> memref<10112x32xf32, #tpu.memory_space<hbm>>
      %dma_wait3A_183 = arith.constant 0 : i32
      %dma_wait3A_184 = tpu.memref_slice %dma_wait3A_182[%mul3A_171, %dma_wait3A_183] : memref<10112x32xf32, #tpu.memory_space<hbm>> -> memref<632x32xf32, #tpu.memory_space<hbm>>
      %dma_wait3A_185 = arith.constant 0 : i32
      %dma_wait3A_186 = tpu.memref_slice %arg10[%mul3A_169, %dma_wait3A_185] : memref<10112x32xf32, #tpu.memory_space<vmem_shared>> -> memref<632x32xf32, #tpu.memory_space<vmem_shared>>
      tpu.wait_dma2 semaphore(%run_scoped3A : memref<!tpu.dma_semaphore, #tpu.memory_space<semaphore_mem>>) src(%dma_wait3A_186 : memref<632x32xf32, #tpu.memory_space<vmem_shared>>) dst(%dma_wait3A_184 : memref<632x32xf32, #tpu.memory_space<hbm>>)
      tpu.yield
    }) : () -> ()
    return
  }
}

#map = affine_map<(d0, d1) -> (0, 0, 0)>
#map1 = affine_map<(d0, d1) -> (0, 0)>
module attributes {stable_mosaic.version = 14 : i64} {
  func.func @agg(%arg0: i32, %arg1: i32, %arg2: memref<2x10000x64xf32, #tpu.memory_space<hbm>>, %arg3: memref<16x160x128xi32, #tpu.memory_space<hbm>>, %arg4: memref<16x160x128xi32, #tpu.memory_space<hbm>>, %arg5: memref<10112x64xf32, #tpu.memory_space<hbm>>, %arg6: memref<2x10112x64xf32, #tpu.memory_space<hbm>>, %arg7: memref<160x128xi32, #tpu.memory_space<vmem>>, %arg8: memref<160x128xi32, #tpu.memory_space<vmem>>, %arg9: memref<5x128x64xf32, #tpu.memory_space<vmem>>, %arg10: memref<10112x64xf32, #tpu.memory_space<vmem_shared>>, %arg11: memref<!tpu.dma_semaphore, #tpu.memory_space<semaphore_mem>>, %arg12: memref<!tpu.dma_semaphore, #tpu.memory_space<semaphore_mem>>, %arg13: memref<!tpu.dma_semaphore, #tpu.memory_space<semaphore_mem>>, %arg14: memref<!tpu.dma_semaphore, #tpu.memory_space<semaphore_mem>>, %arg15: memref<!tpu.dma_semaphore, #tpu.memory_space<semaphore_mem>>, %arg16: memref<!tpu.dma_semaphore, #tpu.memory_space<semaphore_mem>>, %arg17: memref<!tpu.dma_semaphore, #tpu.memory_space<semaphore_mem>>, %arg18: memref<!tpu.dma_semaphore, #tpu.memory_space<semaphore_mem>>, %arg19: memref<!tpu.dma_semaphore, #tpu.memory_space<semaphore_mem>>, %arg20: memref<!tpu.dma_semaphore, #tpu.memory_space<semaphore_mem>>) attributes {dimension_semantics = [#tpu.dimension_semantics<core_parallel>, #tpu.dimension_semantics<subcore_parallel>], iteration_bounds = array<i64: 2, 16>, scalar_prefetch = 0 : i64, scratch_operands = 14 : i64, tpu.core_type = #tpu.core_type<sc_vector_subcore>, window_params = [{transform_indices = #map}, {transform_indices = #map}, {transform_indices = #map}, {transform_indices = #map1}, {transform_indices = #map}]} {
    "tpu.region"() ({
      %run_scoped3A = tpu.sem_alloc : memref<!tpu.dma_semaphore, #tpu.memory_space<semaphore_mem>>
      %dma_start3A_92 = arith.constant 0 : i32
      %dma_start3A_93 = arith.constant 0 : i32
      %dma_start3A_94 = tpu.memref_slice %arg3[%arg1, %dma_start3A_92, %dma_start3A_93] : memref<16x160x128xi32, #tpu.memory_space<hbm>> -> memref<1x160x128xi32, #tpu.memory_space<hbm>>
      %dma_start3A_95 = tpu.memref_squeeze %dma_start3A_94 : memref<1x160x128xi32, #tpu.memory_space<hbm>> -> memref<160x128xi32, #tpu.memory_space<hbm>>
      %dma_start3A_96 = arith.constant 0 : i32
      %dma_start3A_97 = arith.constant 0 : i32
      %dma_start3A_98 = tpu.memref_slice %arg3[%arg1, %dma_start3A_96, %dma_start3A_97] : memref<16x160x128xi32, #tpu.memory_space<hbm>> -> memref<1x160x128xi32, #tpu.memory_space<hbm>>
      %dma_start3A_99 = tpu.memref_squeeze %dma_start3A_98 : memref<1x160x128xi32, #tpu.memory_space<hbm>> -> memref<160x128xi32, #tpu.memory_space<hbm>>
      tpu.enqueue_dma source(%dma_start3A_99 : memref<160x128xi32, #tpu.memory_space<hbm>>) target(%arg7 : memref<160x128xi32, #tpu.memory_space<vmem>>) target_semaphore(%run_scoped3A : memref<!tpu.dma_semaphore, #tpu.memory_space<semaphore_mem>>)
      %dma_wait3A = arith.constant 0 : i32
      %dma_wait3A_100 = arith.constant 0 : i32
      %dma_wait3A_101 = tpu.memref_slice %arg3[%arg1, %dma_wait3A, %dma_wait3A_100] : memref<16x160x128xi32, #tpu.memory_space<hbm>> -> memref<1x160x128xi32, #tpu.memory_space<hbm>>
      %dma_wait3A_102 = tpu.memref_squeeze %dma_wait3A_101 : memref<1x160x128xi32, #tpu.memory_space<hbm>> -> memref<160x128xi32, #tpu.memory_space<hbm>>
      %dma_wait3A_103 = arith.constant 0 : i32
      %dma_wait3A_104 = arith.constant 0 : i32
      %dma_wait3A_105 = tpu.memref_slice %arg3[%arg1, %dma_wait3A_103, %dma_wait3A_104] : memref<16x160x128xi32, #tpu.memory_space<hbm>> -> memref<1x160x128xi32, #tpu.memory_space<hbm>>
      %dma_wait3A_106 = tpu.memref_squeeze %dma_wait3A_105 : memref<1x160x128xi32, #tpu.memory_space<hbm>> -> memref<160x128xi32, #tpu.memory_space<hbm>>
      tpu.wait_dma2 semaphore(%run_scoped3A : memref<!tpu.dma_semaphore, #tpu.memory_space<semaphore_mem>>) src(%dma_wait3A_106 : memref<160x128xi32, #tpu.memory_space<hbm>>) dst(%arg7 : memref<160x128xi32, #tpu.memory_space<vmem>>)
      tpu.yield
    }) : () -> ()
    "tpu.region"() ({
      %run_scoped3A = tpu.sem_alloc : memref<!tpu.dma_semaphore, #tpu.memory_space<semaphore_mem>>
      %dma_start3A_92 = arith.constant 0 : i32
      %dma_start3A_93 = arith.constant 0 : i32
      %dma_start3A_94 = tpu.memref_slice %arg4[%arg1, %dma_start3A_92, %dma_start3A_93] : memref<16x160x128xi32, #tpu.memory_space<hbm>> -> memref<1x160x128xi32, #tpu.memory_space<hbm>>
      %dma_start3A_95 = tpu.memref_squeeze %dma_start3A_94 : memref<1x160x128xi32, #tpu.memory_space<hbm>> -> memref<160x128xi32, #tpu.memory_space<hbm>>
      %dma_start3A_96 = arith.constant 0 : i32
      %dma_start3A_97 = arith.constant 0 : i32
      %dma_start3A_98 = tpu.memref_slice %arg4[%arg1, %dma_start3A_96, %dma_start3A_97] : memref<16x160x128xi32, #tpu.memory_space<hbm>> -> memref<1x160x128xi32, #tpu.memory_space<hbm>>
      %dma_start3A_99 = tpu.memref_squeeze %dma_start3A_98 : memref<1x160x128xi32, #tpu.memory_space<hbm>> -> memref<160x128xi32, #tpu.memory_space<hbm>>
      tpu.enqueue_dma source(%dma_start3A_99 : memref<160x128xi32, #tpu.memory_space<hbm>>) target(%arg8 : memref<160x128xi32, #tpu.memory_space<vmem>>) target_semaphore(%run_scoped3A : memref<!tpu.dma_semaphore, #tpu.memory_space<semaphore_mem>>)
      %dma_wait3A = arith.constant 0 : i32
      %dma_wait3A_100 = arith.constant 0 : i32
      %dma_wait3A_101 = tpu.memref_slice %arg4[%arg1, %dma_wait3A, %dma_wait3A_100] : memref<16x160x128xi32, #tpu.memory_space<hbm>> -> memref<1x160x128xi32, #tpu.memory_space<hbm>>
      %dma_wait3A_102 = tpu.memref_squeeze %dma_wait3A_101 : memref<1x160x128xi32, #tpu.memory_space<hbm>> -> memref<160x128xi32, #tpu.memory_space<hbm>>
      %dma_wait3A_103 = arith.constant 0 : i32
      %dma_wait3A_104 = arith.constant 0 : i32
      %dma_wait3A_105 = tpu.memref_slice %arg4[%arg1, %dma_wait3A_103, %dma_wait3A_104] : memref<16x160x128xi32, #tpu.memory_space<hbm>> -> memref<1x160x128xi32, #tpu.memory_space<hbm>>
      %dma_wait3A_106 = tpu.memref_squeeze %dma_wait3A_105 : memref<1x160x128xi32, #tpu.memory_space<hbm>> -> memref<160x128xi32, #tpu.memory_space<hbm>>
      tpu.wait_dma2 semaphore(%run_scoped3A : memref<!tpu.dma_semaphore, #tpu.memory_space<semaphore_mem>>) src(%dma_wait3A_106 : memref<160x128xi32, #tpu.memory_space<hbm>>) dst(%arg8 : memref<160x128xi32, #tpu.memory_space<vmem>>)
      tpu.yield
    }) : () -> ()
    %mul3A = arith.constant 632 : i32
    %mul3A_0 = arith.muli %arg1, %mul3A : i32
    %mul3A_1 = arith.constant 632 : i32
    %mul3A_2 = arith.muli %arg1, %mul3A_1 : i32
    "tpu.region"() ({
      %run_scoped3A = tpu.sem_alloc : memref<!tpu.dma_semaphore, #tpu.memory_space<semaphore_mem>>
      %dma_start3A_92 = arith.constant 0 : i32
      %dma_start3A_93 = tpu.memref_slice %arg10[%mul3A_2, %dma_start3A_92] : memref<10112x64xf32, #tpu.memory_space<vmem_shared>> -> memref<632x64xf32, #tpu.memory_space<vmem_shared>>
      %dma_start3A_94 = arith.constant 0 : i32
      %dma_start3A_95 = tpu.memref_slice %arg5[%mul3A_0, %dma_start3A_94] : memref<10112x64xf32, #tpu.memory_space<hbm>> -> memref<632x64xf32, #tpu.memory_space<hbm>>
      tpu.enqueue_dma source(%dma_start3A_95 : memref<632x64xf32, #tpu.memory_space<hbm>>) target(%dma_start3A_93 : memref<632x64xf32, #tpu.memory_space<vmem_shared>>) target_semaphore(%run_scoped3A : memref<!tpu.dma_semaphore, #tpu.memory_space<semaphore_mem>>)
      %dma_wait3A = arith.constant 0 : i32
      %dma_wait3A_96 = tpu.memref_slice %arg10[%mul3A_2, %dma_wait3A] : memref<10112x64xf32, #tpu.memory_space<vmem_shared>> -> memref<632x64xf32, #tpu.memory_space<vmem_shared>>
      %dma_wait3A_97 = arith.constant 0 : i32
      %dma_wait3A_98 = tpu.memref_slice %arg5[%mul3A_0, %dma_wait3A_97] : memref<10112x64xf32, #tpu.memory_space<hbm>> -> memref<632x64xf32, #tpu.memory_space<hbm>>
      tpu.wait_dma2 semaphore(%run_scoped3A : memref<!tpu.dma_semaphore, #tpu.memory_space<semaphore_mem>>) src(%dma_wait3A_98 : memref<632x64xf32, #tpu.memory_space<hbm>>) dst(%dma_wait3A_96 : memref<632x64xf32, #tpu.memory_space<vmem_shared>>)
      tpu.yield
    }) : () -> ()
    %dma_start3A = arith.constant 0 : i32
    %dma_start3A_3 = arith.constant 0 : i32
    %dma_start3A_4 = arith.constant 0 : i32
    %dma_start3A_5 = arith.constant 0 : i32
    %dma_start3A_6 = tpu.memref_slice %arg9[%dma_start3A_3, %dma_start3A_4, %dma_start3A_5] : memref<5x128x64xf32, #tpu.memory_space<vmem>> -> memref<1x128x64xf32, #tpu.memory_space<vmem>>
    %dma_start3A_7 = tpu.memref_squeeze %dma_start3A_6 : memref<1x128x64xf32, #tpu.memory_space<vmem>> -> memref<128x64xf32, #tpu.memory_space<vmem>>
    %dma_start3A_8 = arith.constant 0 : i32
    %dma_start3A_9 = tpu.memref_slice %arg7[%dma_start3A, %dma_start3A_8] : memref<160x128xi32, #tpu.memory_space<vmem>> -> memref<1x128xi32, #tpu.memory_space<vmem>>
    %dma_start3A_10 = tpu.memref_squeeze %dma_start3A_9 : memref<1x128xi32, #tpu.memory_space<vmem>> -> memref<128xi32, #tpu.memory_space<vmem>>
    %dma_start3A_11 = arith.constant 0 : i32
    %dma_start3A_12 = arith.constant 0 : i32
    %dma_start3A_13 = tpu.memref_slice %arg2[%arg0, %dma_start3A_11, %dma_start3A_12] : memref<2x10000x64xf32, #tpu.memory_space<hbm>> -> memref<1x10000x64xf32, #tpu.memory_space<hbm>>
    %dma_start3A_14 = tpu.memref_squeeze %dma_start3A_13 : memref<1x10000x64xf32, #tpu.memory_space<hbm>> -> memref<10000x64xf32, #tpu.memory_space<hbm>>
    %dma_start3A_15 = arith.constant 0 : i32
    %dma_start3A_16 = arith.constant 0 : i32
    %dma_start3A_17 = tpu.memref_slice %dma_start3A_14[%dma_start3A_15, %dma_start3A_16] : memref<10000x64xf32, #tpu.memory_space<hbm>> -> memref<10000x64xf32, #tpu.memory_space<hbm>>
    tpu.enqueue_indirect_dma source(%dma_start3A_17 : memref<10000x64xf32, #tpu.memory_space<hbm>>) target(%dma_start3A_7 : memref<128x64xf32, #tpu.memory_space<vmem>>) offsets(%dma_start3A_10 : memref<128xi32, #tpu.memory_space<vmem>>) semaphore(%arg11 : memref<!tpu.dma_semaphore, #tpu.memory_space<semaphore_mem>>)
    %dma_start3A_18 = arith.constant 1 : i32
    %dma_start3A_19 = arith.constant 1 : i32
    %dma_start3A_20 = arith.constant 0 : i32
    %dma_start3A_21 = arith.constant 0 : i32
    %dma_start3A_22 = tpu.memref_slice %arg9[%dma_start3A_19, %dma_start3A_20, %dma_start3A_21] : memref<5x128x64xf32, #tpu.memory_space<vmem>> -> memref<1x128x64xf32, #tpu.memory_space<vmem>>
    %dma_start3A_23 = tpu.memref_squeeze %dma_start3A_22 : memref<1x128x64xf32, #tpu.memory_space<vmem>> -> memref<128x64xf32, #tpu.memory_space<vmem>>
    %dma_start3A_24 = arith.constant 0 : i32
    %dma_start3A_25 = tpu.memref_slice %arg7[%dma_start3A_18, %dma_start3A_24] : memref<160x128xi32, #tpu.memory_space<vmem>> -> memref<1x128xi32, #tpu.memory_space<vmem>>
    %dma_start3A_26 = tpu.memref_squeeze %dma_start3A_25 : memref<1x128xi32, #tpu.memory_space<vmem>> -> memref<128xi32, #tpu.memory_space<vmem>>
    %dma_start3A_27 = arith.constant 0 : i32
    %dma_start3A_28 = arith.constant 0 : i32
    %dma_start3A_29 = tpu.memref_slice %arg2[%arg0, %dma_start3A_27, %dma_start3A_28] : memref<2x10000x64xf32, #tpu.memory_space<hbm>> -> memref<1x10000x64xf32, #tpu.memory_space<hbm>>
    %dma_start3A_30 = tpu.memref_squeeze %dma_start3A_29 : memref<1x10000x64xf32, #tpu.memory_space<hbm>> -> memref<10000x64xf32, #tpu.memory_space<hbm>>
    %dma_start3A_31 = arith.constant 0 : i32
    %dma_start3A_32 = arith.constant 0 : i32
    %dma_start3A_33 = tpu.memref_slice %dma_start3A_30[%dma_start3A_31, %dma_start3A_32] : memref<10000x64xf32, #tpu.memory_space<hbm>> -> memref<10000x64xf32, #tpu.memory_space<hbm>>
    tpu.enqueue_indirect_dma source(%dma_start3A_33 : memref<10000x64xf32, #tpu.memory_space<hbm>>) target(%dma_start3A_23 : memref<128x64xf32, #tpu.memory_space<vmem>>) offsets(%dma_start3A_26 : memref<128xi32, #tpu.memory_space<vmem>>) semaphore(%arg12 : memref<!tpu.dma_semaphore, #tpu.memory_space<semaphore_mem>>)
    %dma_start3A_34 = arith.constant 2 : i32
    %dma_start3A_35 = arith.constant 2 : i32
    %dma_start3A_36 = arith.constant 0 : i32
    %dma_start3A_37 = arith.constant 0 : i32
    %dma_start3A_38 = tpu.memref_slice %arg9[%dma_start3A_35, %dma_start3A_36, %dma_start3A_37] : memref<5x128x64xf32, #tpu.memory_space<vmem>> -> memref<1x128x64xf32, #tpu.memory_space<vmem>>
    %dma_start3A_39 = tpu.memref_squeeze %dma_start3A_38 : memref<1x128x64xf32, #tpu.memory_space<vmem>> -> memref<128x64xf32, #tpu.memory_space<vmem>>
    %dma_start3A_40 = arith.constant 0 : i32
    %dma_start3A_41 = tpu.memref_slice %arg7[%dma_start3A_34, %dma_start3A_40] : memref<160x128xi32, #tpu.memory_space<vmem>> -> memref<1x128xi32, #tpu.memory_space<vmem>>
    %dma_start3A_42 = tpu.memref_squeeze %dma_start3A_41 : memref<1x128xi32, #tpu.memory_space<vmem>> -> memref<128xi32, #tpu.memory_space<vmem>>
    %dma_start3A_43 = arith.constant 0 : i32
    %dma_start3A_44 = arith.constant 0 : i32
    %dma_start3A_45 = tpu.memref_slice %arg2[%arg0, %dma_start3A_43, %dma_start3A_44] : memref<2x10000x64xf32, #tpu.memory_space<hbm>> -> memref<1x10000x64xf32, #tpu.memory_space<hbm>>
    %dma_start3A_46 = tpu.memref_squeeze %dma_start3A_45 : memref<1x10000x64xf32, #tpu.memory_space<hbm>> -> memref<10000x64xf32, #tpu.memory_space<hbm>>
    %dma_start3A_47 = arith.constant 0 : i32
    %dma_start3A_48 = arith.constant 0 : i32
    %dma_start3A_49 = tpu.memref_slice %dma_start3A_46[%dma_start3A_47, %dma_start3A_48] : memref<10000x64xf32, #tpu.memory_space<hbm>> -> memref<10000x64xf32, #tpu.memory_space<hbm>>
    tpu.enqueue_indirect_dma source(%dma_start3A_49 : memref<10000x64xf32, #tpu.memory_space<hbm>>) target(%dma_start3A_39 : memref<128x64xf32, #tpu.memory_space<vmem>>) offsets(%dma_start3A_42 : memref<128xi32, #tpu.memory_space<vmem>>) semaphore(%arg13 : memref<!tpu.dma_semaphore, #tpu.memory_space<semaphore_mem>>)
    %dma_start3A_50 = arith.constant 3 : i32
    %dma_start3A_51 = arith.constant 3 : i32
    %dma_start3A_52 = arith.constant 0 : i32
    %dma_start3A_53 = arith.constant 0 : i32
    %dma_start3A_54 = tpu.memref_slice %arg9[%dma_start3A_51, %dma_start3A_52, %dma_start3A_53] : memref<5x128x64xf32, #tpu.memory_space<vmem>> -> memref<1x128x64xf32, #tpu.memory_space<vmem>>
    %dma_start3A_55 = tpu.memref_squeeze %dma_start3A_54 : memref<1x128x64xf32, #tpu.memory_space<vmem>> -> memref<128x64xf32, #tpu.memory_space<vmem>>
    %dma_start3A_56 = arith.constant 0 : i32
    %dma_start3A_57 = tpu.memref_slice %arg7[%dma_start3A_50, %dma_start3A_56] : memref<160x128xi32, #tpu.memory_space<vmem>> -> memref<1x128xi32, #tpu.memory_space<vmem>>
    %dma_start3A_58 = tpu.memref_squeeze %dma_start3A_57 : memref<1x128xi32, #tpu.memory_space<vmem>> -> memref<128xi32, #tpu.memory_space<vmem>>
    %dma_start3A_59 = arith.constant 0 : i32
    %dma_start3A_60 = arith.constant 0 : i32
    %dma_start3A_61 = tpu.memref_slice %arg2[%arg0, %dma_start3A_59, %dma_start3A_60] : memref<2x10000x64xf32, #tpu.memory_space<hbm>> -> memref<1x10000x64xf32, #tpu.memory_space<hbm>>
    %dma_start3A_62 = tpu.memref_squeeze %dma_start3A_61 : memref<1x10000x64xf32, #tpu.memory_space<hbm>> -> memref<10000x64xf32, #tpu.memory_space<hbm>>
    %dma_start3A_63 = arith.constant 0 : i32
    %dma_start3A_64 = arith.constant 0 : i32
    %dma_start3A_65 = tpu.memref_slice %dma_start3A_62[%dma_start3A_63, %dma_start3A_64] : memref<10000x64xf32, #tpu.memory_space<hbm>> -> memref<10000x64xf32, #tpu.memory_space<hbm>>
    tpu.enqueue_indirect_dma source(%dma_start3A_65 : memref<10000x64xf32, #tpu.memory_space<hbm>>) target(%dma_start3A_55 : memref<128x64xf32, #tpu.memory_space<vmem>>) offsets(%dma_start3A_58 : memref<128xi32, #tpu.memory_space<vmem>>) semaphore(%arg14 : memref<!tpu.dma_semaphore, #tpu.memory_space<semaphore_mem>>)
    %dma_start3A_66 = arith.constant 4 : i32
    %dma_start3A_67 = arith.constant 4 : i32
    %dma_start3A_68 = arith.constant 0 : i32
    %dma_start3A_69 = arith.constant 0 : i32
    %dma_start3A_70 = tpu.memref_slice %arg9[%dma_start3A_67, %dma_start3A_68, %dma_start3A_69] : memref<5x128x64xf32, #tpu.memory_space<vmem>> -> memref<1x128x64xf32, #tpu.memory_space<vmem>>
    %dma_start3A_71 = tpu.memref_squeeze %dma_start3A_70 : memref<1x128x64xf32, #tpu.memory_space<vmem>> -> memref<128x64xf32, #tpu.memory_space<vmem>>
    %dma_start3A_72 = arith.constant 0 : i32
    %dma_start3A_73 = tpu.memref_slice %arg7[%dma_start3A_66, %dma_start3A_72] : memref<160x128xi32, #tpu.memory_space<vmem>> -> memref<1x128xi32, #tpu.memory_space<vmem>>
    %dma_start3A_74 = tpu.memref_squeeze %dma_start3A_73 : memref<1x128xi32, #tpu.memory_space<vmem>> -> memref<128xi32, #tpu.memory_space<vmem>>
    %dma_start3A_75 = arith.constant 0 : i32
    %dma_start3A_76 = arith.constant 0 : i32
    %dma_start3A_77 = tpu.memref_slice %arg2[%arg0, %dma_start3A_75, %dma_start3A_76] : memref<2x10000x64xf32, #tpu.memory_space<hbm>> -> memref<1x10000x64xf32, #tpu.memory_space<hbm>>
    %dma_start3A_78 = tpu.memref_squeeze %dma_start3A_77 : memref<1x10000x64xf32, #tpu.memory_space<hbm>> -> memref<10000x64xf32, #tpu.memory_space<hbm>>
    %dma_start3A_79 = arith.constant 0 : i32
    %dma_start3A_80 = arith.constant 0 : i32
    %dma_start3A_81 = tpu.memref_slice %dma_start3A_78[%dma_start3A_79, %dma_start3A_80] : memref<10000x64xf32, #tpu.memory_space<hbm>> -> memref<10000x64xf32, #tpu.memory_space<hbm>>
    tpu.enqueue_indirect_dma source(%dma_start3A_81 : memref<10000x64xf32, #tpu.memory_space<hbm>>) target(%dma_start3A_71 : memref<128x64xf32, #tpu.memory_space<vmem>>) offsets(%dma_start3A_74 : memref<128xi32, #tpu.memory_space<vmem>>) semaphore(%arg15 : memref<!tpu.dma_semaphore, #tpu.memory_space<semaphore_mem>>)
    %barrier3A = arith.constant 0 : index
    tpu.barrier barrier_id(%barrier3A)
    %scan3A = arith.constant 0 : i32
    %scan3A_82 = arith.constant 0 : i32
    %scan3A_83 = arith.constant 32 : i32
    %scan3A_84 = arith.addi %scan3A_82, %scan3A_83 : i32
    %scan3A_85 = arith.constant 1 : i32
    scf.for %scan3A_92 = %scan3A_82 to %scan3A_84 step %scan3A_85  : i32 {
      %mul3A_93 = arith.constant 5 : i32
      %mul3A_94 = arith.muli %mul3A_93, %scan3A_92 : i32
      %add3A = arith.constant 0 : i32
      %add3A_95 = arith.addi %mul3A_94, %add3A : i32
      %dma_wait3A = arith.constant 0 : i32
      %dma_wait3A_96 = arith.constant 0 : i32
      %dma_wait3A_97 = arith.constant 0 : i32
      %dma_wait3A_98 = tpu.memref_slice %arg9[%dma_wait3A, %dma_wait3A_96, %dma_wait3A_97] : memref<5x128x64xf32, #tpu.memory_space<vmem>> -> memref<1x128x64xf32, #tpu.memory_space<vmem>>
      %dma_wait3A_99 = tpu.memref_squeeze %dma_wait3A_98 : memref<1x128x64xf32, #tpu.memory_space<vmem>> -> memref<128x64xf32, #tpu.memory_space<vmem>>
      %dma_wait3A_100 = arith.constant 0 : i32
      %dma_wait3A_101 = tpu.memref_slice %arg7[%add3A_95, %dma_wait3A_100] : memref<160x128xi32, #tpu.memory_space<vmem>> -> memref<1x128xi32, #tpu.memory_space<vmem>>
      %dma_wait3A_102 = tpu.memref_squeeze %dma_wait3A_101 : memref<1x128xi32, #tpu.memory_space<vmem>> -> memref<128xi32, #tpu.memory_space<vmem>>
      %dma_wait3A_103 = arith.constant 0 : i32
      %dma_wait3A_104 = arith.constant 0 : i32
      %dma_wait3A_105 = tpu.memref_slice %arg2[%arg0, %dma_wait3A_103, %dma_wait3A_104] : memref<2x10000x64xf32, #tpu.memory_space<hbm>> -> memref<1x10000x64xf32, #tpu.memory_space<hbm>>
      %dma_wait3A_106 = tpu.memref_squeeze %dma_wait3A_105 : memref<1x10000x64xf32, #tpu.memory_space<hbm>> -> memref<10000x64xf32, #tpu.memory_space<hbm>>
      %dma_wait3A_107 = arith.constant 0 : i32
      %dma_wait3A_108 = arith.constant 0 : i32
      %dma_wait3A_109 = tpu.memref_slice %dma_wait3A_106[%dma_wait3A_107, %dma_wait3A_108] : memref<10000x64xf32, #tpu.memory_space<hbm>> -> memref<10000x64xf32, #tpu.memory_space<hbm>>
      tpu.wait_indirect_dma semaphore(%arg11 : memref<!tpu.dma_semaphore, #tpu.memory_space<semaphore_mem>>) src(%dma_wait3A_109 : memref<10000x64xf32, #tpu.memory_space<hbm>>) dst(%dma_wait3A_99 : memref<128x64xf32, #tpu.memory_space<vmem>>)
      %dma_start3A_110 = arith.constant 0 : i32
      %dma_start3A_111 = arith.constant 0 : i32
      %dma_start3A_112 = arith.constant 0 : i32
      %dma_start3A_113 = tpu.memref_slice %arg9[%dma_start3A_110, %dma_start3A_111, %dma_start3A_112] : memref<5x128x64xf32, #tpu.memory_space<vmem>> -> memref<1x128x64xf32, #tpu.memory_space<vmem>>
      %dma_start3A_114 = tpu.memref_squeeze %dma_start3A_113 : memref<1x128x64xf32, #tpu.memory_space<vmem>> -> memref<128x64xf32, #tpu.memory_space<vmem>>
      %dma_start3A_115 = arith.constant 0 : i32
      %dma_start3A_116 = tpu.memref_slice %arg8[%add3A_95, %dma_start3A_115] : memref<160x128xi32, #tpu.memory_space<vmem>> -> memref<1x128xi32, #tpu.memory_space<vmem>>
      %dma_start3A_117 = tpu.memref_squeeze %dma_start3A_116 : memref<1x128xi32, #tpu.memory_space<vmem>> -> memref<128xi32, #tpu.memory_space<vmem>>
      %dma_start3A_118 = arith.constant 0 : i32
      %dma_start3A_119 = arith.constant 0 : i32
      %dma_start3A_120 = tpu.memref_slice %arg10[%dma_start3A_118, %dma_start3A_119] : memref<10112x64xf32, #tpu.memory_space<vmem_shared>> -> memref<10112x64xf32, #tpu.memory_space<vmem_shared>>
      tpu.enqueue_indirect_dma source(%dma_start3A_114 : memref<128x64xf32, #tpu.memory_space<vmem>>) target(%dma_start3A_120 : memref<10112x64xf32, #tpu.memory_space<vmem_shared>>) offsets(%dma_start3A_117 : memref<128xi32, #tpu.memory_space<vmem>>) semaphore(%arg16 : memref<!tpu.dma_semaphore, #tpu.memory_space<semaphore_mem>>) {add = true}
      %add3A_121 = arith.constant 1 : i32
      %add3A_122 = arith.addi %mul3A_94, %add3A_121 : i32
      %dma_wait3A_123 = arith.constant 1 : i32
      %dma_wait3A_124 = arith.constant 0 : i32
      %dma_wait3A_125 = arith.constant 0 : i32
      %dma_wait3A_126 = tpu.memref_slice %arg9[%dma_wait3A_123, %dma_wait3A_124, %dma_wait3A_125] : memref<5x128x64xf32, #tpu.memory_space<vmem>> -> memref<1x128x64xf32, #tpu.memory_space<vmem>>
      %dma_wait3A_127 = tpu.memref_squeeze %dma_wait3A_126 : memref<1x128x64xf32, #tpu.memory_space<vmem>> -> memref<128x64xf32, #tpu.memory_space<vmem>>
      %dma_wait3A_128 = arith.constant 0 : i32
      %dma_wait3A_129 = tpu.memref_slice %arg7[%add3A_122, %dma_wait3A_128] : memref<160x128xi32, #tpu.memory_space<vmem>> -> memref<1x128xi32, #tpu.memory_space<vmem>>
      %dma_wait3A_130 = tpu.memref_squeeze %dma_wait3A_129 : memref<1x128xi32, #tpu.memory_space<vmem>> -> memref<128xi32, #tpu.memory_space<vmem>>
      %dma_wait3A_131 = arith.constant 0 : i32
      %dma_wait3A_132 = arith.constant 0 : i32
      %dma_wait3A_133 = tpu.memref_slice %arg2[%arg0, %dma_wait3A_131, %dma_wait3A_132] : memref<2x10000x64xf32, #tpu.memory_space<hbm>> -> memref<1x10000x64xf32, #tpu.memory_space<hbm>>
      %dma_wait3A_134 = tpu.memref_squeeze %dma_wait3A_133 : memref<1x10000x64xf32, #tpu.memory_space<hbm>> -> memref<10000x64xf32, #tpu.memory_space<hbm>>
      %dma_wait3A_135 = arith.constant 0 : i32
      %dma_wait3A_136 = arith.constant 0 : i32
      %dma_wait3A_137 = tpu.memref_slice %dma_wait3A_134[%dma_wait3A_135, %dma_wait3A_136] : memref<10000x64xf32, #tpu.memory_space<hbm>> -> memref<10000x64xf32, #tpu.memory_space<hbm>>
      tpu.wait_indirect_dma semaphore(%arg12 : memref<!tpu.dma_semaphore, #tpu.memory_space<semaphore_mem>>) src(%dma_wait3A_137 : memref<10000x64xf32, #tpu.memory_space<hbm>>) dst(%dma_wait3A_127 : memref<128x64xf32, #tpu.memory_space<vmem>>)
      %dma_start3A_138 = arith.constant 1 : i32
      %dma_start3A_139 = arith.constant 0 : i32
      %dma_start3A_140 = arith.constant 0 : i32
      %dma_start3A_141 = tpu.memref_slice %arg9[%dma_start3A_138, %dma_start3A_139, %dma_start3A_140] : memref<5x128x64xf32, #tpu.memory_space<vmem>> -> memref<1x128x64xf32, #tpu.memory_space<vmem>>
      %dma_start3A_142 = tpu.memref_squeeze %dma_start3A_141 : memref<1x128x64xf32, #tpu.memory_space<vmem>> -> memref<128x64xf32, #tpu.memory_space<vmem>>
      %dma_start3A_143 = arith.constant 0 : i32
      %dma_start3A_144 = tpu.memref_slice %arg8[%add3A_122, %dma_start3A_143] : memref<160x128xi32, #tpu.memory_space<vmem>> -> memref<1x128xi32, #tpu.memory_space<vmem>>
      %dma_start3A_145 = tpu.memref_squeeze %dma_start3A_144 : memref<1x128xi32, #tpu.memory_space<vmem>> -> memref<128xi32, #tpu.memory_space<vmem>>
      %dma_start3A_146 = arith.constant 0 : i32
      %dma_start3A_147 = arith.constant 0 : i32
      %dma_start3A_148 = tpu.memref_slice %arg10[%dma_start3A_146, %dma_start3A_147] : memref<10112x64xf32, #tpu.memory_space<vmem_shared>> -> memref<10112x64xf32, #tpu.memory_space<vmem_shared>>
      tpu.enqueue_indirect_dma source(%dma_start3A_142 : memref<128x64xf32, #tpu.memory_space<vmem>>) target(%dma_start3A_148 : memref<10112x64xf32, #tpu.memory_space<vmem_shared>>) offsets(%dma_start3A_145 : memref<128xi32, #tpu.memory_space<vmem>>) semaphore(%arg17 : memref<!tpu.dma_semaphore, #tpu.memory_space<semaphore_mem>>) {add = true}
      %add3A_149 = arith.constant 2 : i32
      %add3A_150 = arith.addi %mul3A_94, %add3A_149 : i32
      %dma_wait3A_151 = arith.constant 2 : i32
      %dma_wait3A_152 = arith.constant 0 : i32
      %dma_wait3A_153 = arith.constant 0 : i32
      %dma_wait3A_154 = tpu.memref_slice %arg9[%dma_wait3A_151, %dma_wait3A_152, %dma_wait3A_153] : memref<5x128x64xf32, #tpu.memory_space<vmem>> -> memref<1x128x64xf32, #tpu.memory_space<vmem>>
      %dma_wait3A_155 = tpu.memref_squeeze %dma_wait3A_154 : memref<1x128x64xf32, #tpu.memory_space<vmem>> -> memref<128x64xf32, #tpu.memory_space<vmem>>
      %dma_wait3A_156 = arith.constant 0 : i32
      %dma_wait3A_157 = tpu.memref_slice %arg7[%add3A_150, %dma_wait3A_156] : memref<160x128xi32, #tpu.memory_space<vmem>> -> memref<1x128xi32, #tpu.memory_space<vmem>>
      %dma_wait3A_158 = tpu.memref_squeeze %dma_wait3A_157 : memref<1x128xi32, #tpu.memory_space<vmem>> -> memref<128xi32, #tpu.memory_space<vmem>>
      %dma_wait3A_159 = arith.constant 0 : i32
      %dma_wait3A_160 = arith.constant 0 : i32
      %dma_wait3A_161 = tpu.memref_slice %arg2[%arg0, %dma_wait3A_159, %dma_wait3A_160] : memref<2x10000x64xf32, #tpu.memory_space<hbm>> -> memref<1x10000x64xf32, #tpu.memory_space<hbm>>
      %dma_wait3A_162 = tpu.memref_squeeze %dma_wait3A_161 : memref<1x10000x64xf32, #tpu.memory_space<hbm>> -> memref<10000x64xf32, #tpu.memory_space<hbm>>
      %dma_wait3A_163 = arith.constant 0 : i32
      %dma_wait3A_164 = arith.constant 0 : i32
      %dma_wait3A_165 = tpu.memref_slice %dma_wait3A_162[%dma_wait3A_163, %dma_wait3A_164] : memref<10000x64xf32, #tpu.memory_space<hbm>> -> memref<10000x64xf32, #tpu.memory_space<hbm>>
      tpu.wait_indirect_dma semaphore(%arg13 : memref<!tpu.dma_semaphore, #tpu.memory_space<semaphore_mem>>) src(%dma_wait3A_165 : memref<10000x64xf32, #tpu.memory_space<hbm>>) dst(%dma_wait3A_155 : memref<128x64xf32, #tpu.memory_space<vmem>>)
      %dma_start3A_166 = arith.constant 2 : i32
      %dma_start3A_167 = arith.constant 0 : i32
      %dma_start3A_168 = arith.constant 0 : i32
      %dma_start3A_169 = tpu.memref_slice %arg9[%dma_start3A_166, %dma_start3A_167, %dma_start3A_168] : memref<5x128x64xf32, #tpu.memory_space<vmem>> -> memref<1x128x64xf32, #tpu.memory_space<vmem>>
      %dma_start3A_170 = tpu.memref_squeeze %dma_start3A_169 : memref<1x128x64xf32, #tpu.memory_space<vmem>> -> memref<128x64xf32, #tpu.memory_space<vmem>>
      %dma_start3A_171 = arith.constant 0 : i32
      %dma_start3A_172 = tpu.memref_slice %arg8[%add3A_150, %dma_start3A_171] : memref<160x128xi32, #tpu.memory_space<vmem>> -> memref<1x128xi32, #tpu.memory_space<vmem>>
      %dma_start3A_173 = tpu.memref_squeeze %dma_start3A_172 : memref<1x128xi32, #tpu.memory_space<vmem>> -> memref<128xi32, #tpu.memory_space<vmem>>
      %dma_start3A_174 = arith.constant 0 : i32
      %dma_start3A_175 = arith.constant 0 : i32
      %dma_start3A_176 = tpu.memref_slice %arg10[%dma_start3A_174, %dma_start3A_175] : memref<10112x64xf32, #tpu.memory_space<vmem_shared>> -> memref<10112x64xf32, #tpu.memory_space<vmem_shared>>
      tpu.enqueue_indirect_dma source(%dma_start3A_170 : memref<128x64xf32, #tpu.memory_space<vmem>>) target(%dma_start3A_176 : memref<10112x64xf32, #tpu.memory_space<vmem_shared>>) offsets(%dma_start3A_173 : memref<128xi32, #tpu.memory_space<vmem>>) semaphore(%arg18 : memref<!tpu.dma_semaphore, #tpu.memory_space<semaphore_mem>>) {add = true}
      %add3A_177 = arith.constant 3 : i32
      %add3A_178 = arith.addi %mul3A_94, %add3A_177 : i32
      %dma_wait3A_179 = arith.constant 3 : i32
      %dma_wait3A_180 = arith.constant 0 : i32
      %dma_wait3A_181 = arith.constant 0 : i32
      %dma_wait3A_182 = tpu.memref_slice %arg9[%dma_wait3A_179, %dma_wait3A_180, %dma_wait3A_181] : memref<5x128x64xf32, #tpu.memory_space<vmem>> -> memref<1x128x64xf32, #tpu.memory_space<vmem>>
      %dma_wait3A_183 = tpu.memref_squeeze %dma_wait3A_182 : memref<1x128x64xf32, #tpu.memory_space<vmem>> -> memref<128x64xf32, #tpu.memory_space<vmem>>
      %dma_wait3A_184 = arith.constant 0 : i32
      %dma_wait3A_185 = tpu.memref_slice %arg7[%add3A_178, %dma_wait3A_184] : memref<160x128xi32, #tpu.memory_space<vmem>> -> memref<1x128xi32, #tpu.memory_space<vmem>>
      %dma_wait3A_186 = tpu.memref_squeeze %dma_wait3A_185 : memref<1x128xi32, #tpu.memory_space<vmem>> -> memref<128xi32, #tpu.memory_space<vmem>>
      %dma_wait3A_187 = arith.constant 0 : i32
      %dma_wait3A_188 = arith.constant 0 : i32
      %dma_wait3A_189 = tpu.memref_slice %arg2[%arg0, %dma_wait3A_187, %dma_wait3A_188] : memref<2x10000x64xf32, #tpu.memory_space<hbm>> -> memref<1x10000x64xf32, #tpu.memory_space<hbm>>
      %dma_wait3A_190 = tpu.memref_squeeze %dma_wait3A_189 : memref<1x10000x64xf32, #tpu.memory_space<hbm>> -> memref<10000x64xf32, #tpu.memory_space<hbm>>
      %dma_wait3A_191 = arith.constant 0 : i32
      %dma_wait3A_192 = arith.constant 0 : i32
      %dma_wait3A_193 = tpu.memref_slice %dma_wait3A_190[%dma_wait3A_191, %dma_wait3A_192] : memref<10000x64xf32, #tpu.memory_space<hbm>> -> memref<10000x64xf32, #tpu.memory_space<hbm>>
      tpu.wait_indirect_dma semaphore(%arg14 : memref<!tpu.dma_semaphore, #tpu.memory_space<semaphore_mem>>) src(%dma_wait3A_193 : memref<10000x64xf32, #tpu.memory_space<hbm>>) dst(%dma_wait3A_183 : memref<128x64xf32, #tpu.memory_space<vmem>>)
      %dma_start3A_194 = arith.constant 3 : i32
      %dma_start3A_195 = arith.constant 0 : i32
      %dma_start3A_196 = arith.constant 0 : i32
      %dma_start3A_197 = tpu.memref_slice %arg9[%dma_start3A_194, %dma_start3A_195, %dma_start3A_196] : memref<5x128x64xf32, #tpu.memory_space<vmem>> -> memref<1x128x64xf32, #tpu.memory_space<vmem>>
      %dma_start3A_198 = tpu.memref_squeeze %dma_start3A_197 : memref<1x128x64xf32, #tpu.memory_space<vmem>> -> memref<128x64xf32, #tpu.memory_space<vmem>>
      %dma_start3A_199 = arith.constant 0 : i32
      %dma_start3A_200 = tpu.memref_slice %arg8[%add3A_178, %dma_start3A_199] : memref<160x128xi32, #tpu.memory_space<vmem>> -> memref<1x128xi32, #tpu.memory_space<vmem>>
      %dma_start3A_201 = tpu.memref_squeeze %dma_start3A_200 : memref<1x128xi32, #tpu.memory_space<vmem>> -> memref<128xi32, #tpu.memory_space<vmem>>
      %dma_start3A_202 = arith.constant 0 : i32
      %dma_start3A_203 = arith.constant 0 : i32
      %dma_start3A_204 = tpu.memref_slice %arg10[%dma_start3A_202, %dma_start3A_203] : memref<10112x64xf32, #tpu.memory_space<vmem_shared>> -> memref<10112x64xf32, #tpu.memory_space<vmem_shared>>
      tpu.enqueue_indirect_dma source(%dma_start3A_198 : memref<128x64xf32, #tpu.memory_space<vmem>>) target(%dma_start3A_204 : memref<10112x64xf32, #tpu.memory_space<vmem_shared>>) offsets(%dma_start3A_201 : memref<128xi32, #tpu.memory_space<vmem>>) semaphore(%arg19 : memref<!tpu.dma_semaphore, #tpu.memory_space<semaphore_mem>>) {add = true}
      %add3A_205 = arith.constant 4 : i32
      %add3A_206 = arith.addi %mul3A_94, %add3A_205 : i32
      %dma_wait3A_207 = arith.constant 4 : i32
      %dma_wait3A_208 = arith.constant 0 : i32
      %dma_wait3A_209 = arith.constant 0 : i32
      %dma_wait3A_210 = tpu.memref_slice %arg9[%dma_wait3A_207, %dma_wait3A_208, %dma_wait3A_209] : memref<5x128x64xf32, #tpu.memory_space<vmem>> -> memref<1x128x64xf32, #tpu.memory_space<vmem>>
      %dma_wait3A_211 = tpu.memref_squeeze %dma_wait3A_210 : memref<1x128x64xf32, #tpu.memory_space<vmem>> -> memref<128x64xf32, #tpu.memory_space<vmem>>
      %dma_wait3A_212 = arith.constant 0 : i32
      %dma_wait3A_213 = tpu.memref_slice %arg7[%add3A_206, %dma_wait3A_212] : memref<160x128xi32, #tpu.memory_space<vmem>> -> memref<1x128xi32, #tpu.memory_space<vmem>>
      %dma_wait3A_214 = tpu.memref_squeeze %dma_wait3A_213 : memref<1x128xi32, #tpu.memory_space<vmem>> -> memref<128xi32, #tpu.memory_space<vmem>>
      %dma_wait3A_215 = arith.constant 0 : i32
      %dma_wait3A_216 = arith.constant 0 : i32
      %dma_wait3A_217 = tpu.memref_slice %arg2[%arg0, %dma_wait3A_215, %dma_wait3A_216] : memref<2x10000x64xf32, #tpu.memory_space<hbm>> -> memref<1x10000x64xf32, #tpu.memory_space<hbm>>
      %dma_wait3A_218 = tpu.memref_squeeze %dma_wait3A_217 : memref<1x10000x64xf32, #tpu.memory_space<hbm>> -> memref<10000x64xf32, #tpu.memory_space<hbm>>
      %dma_wait3A_219 = arith.constant 0 : i32
      %dma_wait3A_220 = arith.constant 0 : i32
      %dma_wait3A_221 = tpu.memref_slice %dma_wait3A_218[%dma_wait3A_219, %dma_wait3A_220] : memref<10000x64xf32, #tpu.memory_space<hbm>> -> memref<10000x64xf32, #tpu.memory_space<hbm>>
      tpu.wait_indirect_dma semaphore(%arg15 : memref<!tpu.dma_semaphore, #tpu.memory_space<semaphore_mem>>) src(%dma_wait3A_221 : memref<10000x64xf32, #tpu.memory_space<hbm>>) dst(%dma_wait3A_211 : memref<128x64xf32, #tpu.memory_space<vmem>>)
      %dma_start3A_222 = arith.constant 4 : i32
      %dma_start3A_223 = arith.constant 0 : i32
      %dma_start3A_224 = arith.constant 0 : i32
      %dma_start3A_225 = tpu.memref_slice %arg9[%dma_start3A_222, %dma_start3A_223, %dma_start3A_224] : memref<5x128x64xf32, #tpu.memory_space<vmem>> -> memref<1x128x64xf32, #tpu.memory_space<vmem>>
      %dma_start3A_226 = tpu.memref_squeeze %dma_start3A_225 : memref<1x128x64xf32, #tpu.memory_space<vmem>> -> memref<128x64xf32, #tpu.memory_space<vmem>>
      %dma_start3A_227 = arith.constant 0 : i32
      %dma_start3A_228 = tpu.memref_slice %arg8[%add3A_206, %dma_start3A_227] : memref<160x128xi32, #tpu.memory_space<vmem>> -> memref<1x128xi32, #tpu.memory_space<vmem>>
      %dma_start3A_229 = tpu.memref_squeeze %dma_start3A_228 : memref<1x128xi32, #tpu.memory_space<vmem>> -> memref<128xi32, #tpu.memory_space<vmem>>
      %dma_start3A_230 = arith.constant 0 : i32
      %dma_start3A_231 = arith.constant 0 : i32
      %dma_start3A_232 = tpu.memref_slice %arg10[%dma_start3A_230, %dma_start3A_231] : memref<10112x64xf32, #tpu.memory_space<vmem_shared>> -> memref<10112x64xf32, #tpu.memory_space<vmem_shared>>
      tpu.enqueue_indirect_dma source(%dma_start3A_226 : memref<128x64xf32, #tpu.memory_space<vmem>>) target(%dma_start3A_232 : memref<10112x64xf32, #tpu.memory_space<vmem_shared>>) offsets(%dma_start3A_229 : memref<128xi32, #tpu.memory_space<vmem>>) semaphore(%arg20 : memref<!tpu.dma_semaphore, #tpu.memory_space<semaphore_mem>>) {add = true}
      %add3A_233 = arith.constant 1 : i32
      %add3A_234 = arith.addi %scan3A_92, %add3A_233 : i32
      %lt3A = arith.constant 32 : i32
      %lt3A_235 = arith.cmpi slt, %add3A_234, %lt3A : i32
      %convert_element_type3A = arith.extui %lt3A_235 : i1 to i32
      %cond3A = arith.constant 0 : i32
      %cond3A_236 = arith.cmpi ne, %convert_element_type3A, %cond3A : i32
      scf.if %cond3A_236 {
        %add3A_243 = arith.constant 0 : i32
        %add3A_244 = arith.addi %mul3A_94, %add3A_243 : i32
        %dma_wait3A_245 = arith.constant 0 : i32
        %dma_wait3A_246 = arith.constant 0 : i32
        %dma_wait3A_247 = arith.constant 0 : i32
        %dma_wait3A_248 = tpu.memref_slice %arg9[%dma_wait3A_245, %dma_wait3A_246, %dma_wait3A_247] : memref<5x128x64xf32, #tpu.memory_space<vmem>> -> memref<1x128x64xf32, #tpu.memory_space<vmem>>
        %dma_wait3A_249 = tpu.memref_squeeze %dma_wait3A_248 : memref<1x128x64xf32, #tpu.memory_space<vmem>> -> memref<128x64xf32, #tpu.memory_space<vmem>>
        %dma_wait3A_250 = arith.constant 0 : i32
        %dma_wait3A_251 = tpu.memref_slice %arg8[%add3A_244, %dma_wait3A_250] : memref<160x128xi32, #tpu.memory_space<vmem>> -> memref<1x128xi32, #tpu.memory_space<vmem>>
        %dma_wait3A_252 = tpu.memref_squeeze %dma_wait3A_251 : memref<1x128xi32, #tpu.memory_space<vmem>> -> memref<128xi32, #tpu.memory_space<vmem>>
        %dma_wait3A_253 = arith.constant 0 : i32
        %dma_wait3A_254 = arith.constant 0 : i32
        %dma_wait3A_255 = tpu.memref_slice %arg10[%dma_wait3A_253, %dma_wait3A_254] : memref<10112x64xf32, #tpu.memory_space<vmem_shared>> -> memref<10112x64xf32, #tpu.memory_space<vmem_shared>>
        tpu.wait_indirect_dma semaphore(%arg16 : memref<!tpu.dma_semaphore, #tpu.memory_space<semaphore_mem>>) src(%dma_wait3A_249 : memref<128x64xf32, #tpu.memory_space<vmem>>) dst(%dma_wait3A_255 : memref<10112x64xf32, #tpu.memory_space<vmem_shared>>)
        %add3A_256 = arith.constant 5 : i32
        %add3A_257 = arith.addi %add3A_244, %add3A_256 : i32
        %dma_start3A_258 = arith.constant 0 : i32
        %dma_start3A_259 = arith.constant 0 : i32
        %dma_start3A_260 = arith.constant 0 : i32
        %dma_start3A_261 = tpu.memref_slice %arg9[%dma_start3A_258, %dma_start3A_259, %dma_start3A_260] : memref<5x128x64xf32, #tpu.memory_space<vmem>> -> memref<1x128x64xf32, #tpu.memory_space<vmem>>
        %dma_start3A_262 = tpu.memref_squeeze %dma_start3A_261 : memref<1x128x64xf32, #tpu.memory_space<vmem>> -> memref<128x64xf32, #tpu.memory_space<vmem>>
        %dma_start3A_263 = arith.constant 0 : i32
        %dma_start3A_264 = tpu.memref_slice %arg7[%add3A_257, %dma_start3A_263] : memref<160x128xi32, #tpu.memory_space<vmem>> -> memref<1x128xi32, #tpu.memory_space<vmem>>
        %dma_start3A_265 = tpu.memref_squeeze %dma_start3A_264 : memref<1x128xi32, #tpu.memory_space<vmem>> -> memref<128xi32, #tpu.memory_space<vmem>>
        %dma_start3A_266 = arith.constant 0 : i32
        %dma_start3A_267 = arith.constant 0 : i32
        %dma_start3A_268 = tpu.memref_slice %arg2[%arg0, %dma_start3A_266, %dma_start3A_267] : memref<2x10000x64xf32, #tpu.memory_space<hbm>> -> memref<1x10000x64xf32, #tpu.memory_space<hbm>>
        %dma_start3A_269 = tpu.memref_squeeze %dma_start3A_268 : memref<1x10000x64xf32, #tpu.memory_space<hbm>> -> memref<10000x64xf32, #tpu.memory_space<hbm>>
        %dma_start3A_270 = arith.constant 0 : i32
        %dma_start3A_271 = arith.constant 0 : i32
        %dma_start3A_272 = tpu.memref_slice %dma_start3A_269[%dma_start3A_270, %dma_start3A_271] : memref<10000x64xf32, #tpu.memory_space<hbm>> -> memref<10000x64xf32, #tpu.memory_space<hbm>>
        tpu.enqueue_indirect_dma source(%dma_start3A_272 : memref<10000x64xf32, #tpu.memory_space<hbm>>) target(%dma_start3A_262 : memref<128x64xf32, #tpu.memory_space<vmem>>) offsets(%dma_start3A_265 : memref<128xi32, #tpu.memory_space<vmem>>) semaphore(%arg11 : memref<!tpu.dma_semaphore, #tpu.memory_space<semaphore_mem>>)
        %add3A_273 = arith.constant 1 : i32
        %add3A_274 = arith.addi %mul3A_94, %add3A_273 : i32
        %dma_wait3A_275 = arith.constant 1 : i32
        %dma_wait3A_276 = arith.constant 0 : i32
        %dma_wait3A_277 = arith.constant 0 : i32
        %dma_wait3A_278 = tpu.memref_slice %arg9[%dma_wait3A_275, %dma_wait3A_276, %dma_wait3A_277] : memref<5x128x64xf32, #tpu.memory_space<vmem>> -> memref<1x128x64xf32, #tpu.memory_space<vmem>>
        %dma_wait3A_279 = tpu.memref_squeeze %dma_wait3A_278 : memref<1x128x64xf32, #tpu.memory_space<vmem>> -> memref<128x64xf32, #tpu.memory_space<vmem>>
        %dma_wait3A_280 = arith.constant 0 : i32
        %dma_wait3A_281 = tpu.memref_slice %arg8[%add3A_274, %dma_wait3A_280] : memref<160x128xi32, #tpu.memory_space<vmem>> -> memref<1x128xi32, #tpu.memory_space<vmem>>
        %dma_wait3A_282 = tpu.memref_squeeze %dma_wait3A_281 : memref<1x128xi32, #tpu.memory_space<vmem>> -> memref<128xi32, #tpu.memory_space<vmem>>
        %dma_wait3A_283 = arith.constant 0 : i32
        %dma_wait3A_284 = arith.constant 0 : i32
        %dma_wait3A_285 = tpu.memref_slice %arg10[%dma_wait3A_283, %dma_wait3A_284] : memref<10112x64xf32, #tpu.memory_space<vmem_shared>> -> memref<10112x64xf32, #tpu.memory_space<vmem_shared>>
        tpu.wait_indirect_dma semaphore(%arg17 : memref<!tpu.dma_semaphore, #tpu.memory_space<semaphore_mem>>) src(%dma_wait3A_279 : memref<128x64xf32, #tpu.memory_space<vmem>>) dst(%dma_wait3A_285 : memref<10112x64xf32, #tpu.memory_space<vmem_shared>>)
        %add3A_286 = arith.constant 5 : i32
        %add3A_287 = arith.addi %add3A_274, %add3A_286 : i32
        %dma_start3A_288 = arith.constant 1 : i32
        %dma_start3A_289 = arith.constant 0 : i32
        %dma_start3A_290 = arith.constant 0 : i32
        %dma_start3A_291 = tpu.memref_slice %arg9[%dma_start3A_288, %dma_start3A_289, %dma_start3A_290] : memref<5x128x64xf32, #tpu.memory_space<vmem>> -> memref<1x128x64xf32, #tpu.memory_space<vmem>>
        %dma_start3A_292 = tpu.memref_squeeze %dma_start3A_291 : memref<1x128x64xf32, #tpu.memory_space<vmem>> -> memref<128x64xf32, #tpu.memory_space<vmem>>
        %dma_start3A_293 = arith.constant 0 : i32
        %dma_start3A_294 = tpu.memref_slice %arg7[%add3A_287, %dma_start3A_293] : memref<160x128xi32, #tpu.memory_space<vmem>> -> memref<1x128xi32, #tpu.memory_space<vmem>>
        %dma_start3A_295 = tpu.memref_squeeze %dma_start3A_294 : memref<1x128xi32, #tpu.memory_space<vmem>> -> memref<128xi32, #tpu.memory_space<vmem>>
        %dma_start3A_296 = arith.constant 0 : i32
        %dma_start3A_297 = arith.constant 0 : i32
        %dma_start3A_298 = tpu.memref_slice %arg2[%arg0, %dma_start3A_296, %dma_start3A_297] : memref<2x10000x64xf32, #tpu.memory_space<hbm>> -> memref<1x10000x64xf32, #tpu.memory_space<hbm>>
        %dma_start3A_299 = tpu.memref_squeeze %dma_start3A_298 : memref<1x10000x64xf32, #tpu.memory_space<hbm>> -> memref<10000x64xf32, #tpu.memory_space<hbm>>
        %dma_start3A_300 = arith.constant 0 : i32
        %dma_start3A_301 = arith.constant 0 : i32
        %dma_start3A_302 = tpu.memref_slice %dma_start3A_299[%dma_start3A_300, %dma_start3A_301] : memref<10000x64xf32, #tpu.memory_space<hbm>> -> memref<10000x64xf32, #tpu.memory_space<hbm>>
        tpu.enqueue_indirect_dma source(%dma_start3A_302 : memref<10000x64xf32, #tpu.memory_space<hbm>>) target(%dma_start3A_292 : memref<128x64xf32, #tpu.memory_space<vmem>>) offsets(%dma_start3A_295 : memref<128xi32, #tpu.memory_space<vmem>>) semaphore(%arg12 : memref<!tpu.dma_semaphore, #tpu.memory_space<semaphore_mem>>)
        %add3A_303 = arith.constant 2 : i32
        %add3A_304 = arith.addi %mul3A_94, %add3A_303 : i32
        %dma_wait3A_305 = arith.constant 2 : i32
        %dma_wait3A_306 = arith.constant 0 : i32
        %dma_wait3A_307 = arith.constant 0 : i32
        %dma_wait3A_308 = tpu.memref_slice %arg9[%dma_wait3A_305, %dma_wait3A_306, %dma_wait3A_307] : memref<5x128x64xf32, #tpu.memory_space<vmem>> -> memref<1x128x64xf32, #tpu.memory_space<vmem>>
        %dma_wait3A_309 = tpu.memref_squeeze %dma_wait3A_308 : memref<1x128x64xf32, #tpu.memory_space<vmem>> -> memref<128x64xf32, #tpu.memory_space<vmem>>
        %dma_wait3A_310 = arith.constant 0 : i32
        %dma_wait3A_311 = tpu.memref_slice %arg8[%add3A_304, %dma_wait3A_310] : memref<160x128xi32, #tpu.memory_space<vmem>> -> memref<1x128xi32, #tpu.memory_space<vmem>>
        %dma_wait3A_312 = tpu.memref_squeeze %dma_wait3A_311 : memref<1x128xi32, #tpu.memory_space<vmem>> -> memref<128xi32, #tpu.memory_space<vmem>>
        %dma_wait3A_313 = arith.constant 0 : i32
        %dma_wait3A_314 = arith.constant 0 : i32
        %dma_wait3A_315 = tpu.memref_slice %arg10[%dma_wait3A_313, %dma_wait3A_314] : memref<10112x64xf32, #tpu.memory_space<vmem_shared>> -> memref<10112x64xf32, #tpu.memory_space<vmem_shared>>
        tpu.wait_indirect_dma semaphore(%arg18 : memref<!tpu.dma_semaphore, #tpu.memory_space<semaphore_mem>>) src(%dma_wait3A_309 : memref<128x64xf32, #tpu.memory_space<vmem>>) dst(%dma_wait3A_315 : memref<10112x64xf32, #tpu.memory_space<vmem_shared>>)
        %add3A_316 = arith.constant 5 : i32
        %add3A_317 = arith.addi %add3A_304, %add3A_316 : i32
        %dma_start3A_318 = arith.constant 2 : i32
        %dma_start3A_319 = arith.constant 0 : i32
        %dma_start3A_320 = arith.constant 0 : i32
        %dma_start3A_321 = tpu.memref_slice %arg9[%dma_start3A_318, %dma_start3A_319, %dma_start3A_320] : memref<5x128x64xf32, #tpu.memory_space<vmem>> -> memref<1x128x64xf32, #tpu.memory_space<vmem>>
        %dma_start3A_322 = tpu.memref_squeeze %dma_start3A_321 : memref<1x128x64xf32, #tpu.memory_space<vmem>> -> memref<128x64xf32, #tpu.memory_space<vmem>>
        %dma_start3A_323 = arith.constant 0 : i32
        %dma_start3A_324 = tpu.memref_slice %arg7[%add3A_317, %dma_start3A_323] : memref<160x128xi32, #tpu.memory_space<vmem>> -> memref<1x128xi32, #tpu.memory_space<vmem>>
        %dma_start3A_325 = tpu.memref_squeeze %dma_start3A_324 : memref<1x128xi32, #tpu.memory_space<vmem>> -> memref<128xi32, #tpu.memory_space<vmem>>
        %dma_start3A_326 = arith.constant 0 : i32
        %dma_start3A_327 = arith.constant 0 : i32
        %dma_start3A_328 = tpu.memref_slice %arg2[%arg0, %dma_start3A_326, %dma_start3A_327] : memref<2x10000x64xf32, #tpu.memory_space<hbm>> -> memref<1x10000x64xf32, #tpu.memory_space<hbm>>
        %dma_start3A_329 = tpu.memref_squeeze %dma_start3A_328 : memref<1x10000x64xf32, #tpu.memory_space<hbm>> -> memref<10000x64xf32, #tpu.memory_space<hbm>>
        %dma_start3A_330 = arith.constant 0 : i32
        %dma_start3A_331 = arith.constant 0 : i32
        %dma_start3A_332 = tpu.memref_slice %dma_start3A_329[%dma_start3A_330, %dma_start3A_331] : memref<10000x64xf32, #tpu.memory_space<hbm>> -> memref<10000x64xf32, #tpu.memory_space<hbm>>
        tpu.enqueue_indirect_dma source(%dma_start3A_332 : memref<10000x64xf32, #tpu.memory_space<hbm>>) target(%dma_start3A_322 : memref<128x64xf32, #tpu.memory_space<vmem>>) offsets(%dma_start3A_325 : memref<128xi32, #tpu.memory_space<vmem>>) semaphore(%arg13 : memref<!tpu.dma_semaphore, #tpu.memory_space<semaphore_mem>>)
        %add3A_333 = arith.constant 3 : i32
        %add3A_334 = arith.addi %mul3A_94, %add3A_333 : i32
        %dma_wait3A_335 = arith.constant 3 : i32
        %dma_wait3A_336 = arith.constant 0 : i32
        %dma_wait3A_337 = arith.constant 0 : i32
        %dma_wait3A_338 = tpu.memref_slice %arg9[%dma_wait3A_335, %dma_wait3A_336, %dma_wait3A_337] : memref<5x128x64xf32, #tpu.memory_space<vmem>> -> memref<1x128x64xf32, #tpu.memory_space<vmem>>
        %dma_wait3A_339 = tpu.memref_squeeze %dma_wait3A_338 : memref<1x128x64xf32, #tpu.memory_space<vmem>> -> memref<128x64xf32, #tpu.memory_space<vmem>>
        %dma_wait3A_340 = arith.constant 0 : i32
        %dma_wait3A_341 = tpu.memref_slice %arg8[%add3A_334, %dma_wait3A_340] : memref<160x128xi32, #tpu.memory_space<vmem>> -> memref<1x128xi32, #tpu.memory_space<vmem>>
        %dma_wait3A_342 = tpu.memref_squeeze %dma_wait3A_341 : memref<1x128xi32, #tpu.memory_space<vmem>> -> memref<128xi32, #tpu.memory_space<vmem>>
        %dma_wait3A_343 = arith.constant 0 : i32
        %dma_wait3A_344 = arith.constant 0 : i32
        %dma_wait3A_345 = tpu.memref_slice %arg10[%dma_wait3A_343, %dma_wait3A_344] : memref<10112x64xf32, #tpu.memory_space<vmem_shared>> -> memref<10112x64xf32, #tpu.memory_space<vmem_shared>>
        tpu.wait_indirect_dma semaphore(%arg19 : memref<!tpu.dma_semaphore, #tpu.memory_space<semaphore_mem>>) src(%dma_wait3A_339 : memref<128x64xf32, #tpu.memory_space<vmem>>) dst(%dma_wait3A_345 : memref<10112x64xf32, #tpu.memory_space<vmem_shared>>)
        %add3A_346 = arith.constant 5 : i32
        %add3A_347 = arith.addi %add3A_334, %add3A_346 : i32
        %dma_start3A_348 = arith.constant 3 : i32
        %dma_start3A_349 = arith.constant 0 : i32
        %dma_start3A_350 = arith.constant 0 : i32
        %dma_start3A_351 = tpu.memref_slice %arg9[%dma_start3A_348, %dma_start3A_349, %dma_start3A_350] : memref<5x128x64xf32, #tpu.memory_space<vmem>> -> memref<1x128x64xf32, #tpu.memory_space<vmem>>
        %dma_start3A_352 = tpu.memref_squeeze %dma_start3A_351 : memref<1x128x64xf32, #tpu.memory_space<vmem>> -> memref<128x64xf32, #tpu.memory_space<vmem>>
        %dma_start3A_353 = arith.constant 0 : i32
        %dma_start3A_354 = tpu.memref_slice %arg7[%add3A_347, %dma_start3A_353] : memref<160x128xi32, #tpu.memory_space<vmem>> -> memref<1x128xi32, #tpu.memory_space<vmem>>
        %dma_start3A_355 = tpu.memref_squeeze %dma_start3A_354 : memref<1x128xi32, #tpu.memory_space<vmem>> -> memref<128xi32, #tpu.memory_space<vmem>>
        %dma_start3A_356 = arith.constant 0 : i32
        %dma_start3A_357 = arith.constant 0 : i32
        %dma_start3A_358 = tpu.memref_slice %arg2[%arg0, %dma_start3A_356, %dma_start3A_357] : memref<2x10000x64xf32, #tpu.memory_space<hbm>> -> memref<1x10000x64xf32, #tpu.memory_space<hbm>>
        %dma_start3A_359 = tpu.memref_squeeze %dma_start3A_358 : memref<1x10000x64xf32, #tpu.memory_space<hbm>> -> memref<10000x64xf32, #tpu.memory_space<hbm>>
        %dma_start3A_360 = arith.constant 0 : i32
        %dma_start3A_361 = arith.constant 0 : i32
        %dma_start3A_362 = tpu.memref_slice %dma_start3A_359[%dma_start3A_360, %dma_start3A_361] : memref<10000x64xf32, #tpu.memory_space<hbm>> -> memref<10000x64xf32, #tpu.memory_space<hbm>>
        tpu.enqueue_indirect_dma source(%dma_start3A_362 : memref<10000x64xf32, #tpu.memory_space<hbm>>) target(%dma_start3A_352 : memref<128x64xf32, #tpu.memory_space<vmem>>) offsets(%dma_start3A_355 : memref<128xi32, #tpu.memory_space<vmem>>) semaphore(%arg14 : memref<!tpu.dma_semaphore, #tpu.memory_space<semaphore_mem>>)
        %add3A_363 = arith.constant 4 : i32
        %add3A_364 = arith.addi %mul3A_94, %add3A_363 : i32
        %dma_wait3A_365 = arith.constant 4 : i32
        %dma_wait3A_366 = arith.constant 0 : i32
        %dma_wait3A_367 = arith.constant 0 : i32
        %dma_wait3A_368 = tpu.memref_slice %arg9[%dma_wait3A_365, %dma_wait3A_366, %dma_wait3A_367] : memref<5x128x64xf32, #tpu.memory_space<vmem>> -> memref<1x128x64xf32, #tpu.memory_space<vmem>>
        %dma_wait3A_369 = tpu.memref_squeeze %dma_wait3A_368 : memref<1x128x64xf32, #tpu.memory_space<vmem>> -> memref<128x64xf32, #tpu.memory_space<vmem>>
        %dma_wait3A_370 = arith.constant 0 : i32
        %dma_wait3A_371 = tpu.memref_slice %arg8[%add3A_364, %dma_wait3A_370] : memref<160x128xi32, #tpu.memory_space<vmem>> -> memref<1x128xi32, #tpu.memory_space<vmem>>
        %dma_wait3A_372 = tpu.memref_squeeze %dma_wait3A_371 : memref<1x128xi32, #tpu.memory_space<vmem>> -> memref<128xi32, #tpu.memory_space<vmem>>
        %dma_wait3A_373 = arith.constant 0 : i32
        %dma_wait3A_374 = arith.constant 0 : i32
        %dma_wait3A_375 = tpu.memref_slice %arg10[%dma_wait3A_373, %dma_wait3A_374] : memref<10112x64xf32, #tpu.memory_space<vmem_shared>> -> memref<10112x64xf32, #tpu.memory_space<vmem_shared>>
        tpu.wait_indirect_dma semaphore(%arg20 : memref<!tpu.dma_semaphore, #tpu.memory_space<semaphore_mem>>) src(%dma_wait3A_369 : memref<128x64xf32, #tpu.memory_space<vmem>>) dst(%dma_wait3A_375 : memref<10112x64xf32, #tpu.memory_space<vmem_shared>>)
        %add3A_376 = arith.constant 5 : i32
        %add3A_377 = arith.addi %add3A_364, %add3A_376 : i32
        %dma_start3A_378 = arith.constant 4 : i32
        %dma_start3A_379 = arith.constant 0 : i32
        %dma_start3A_380 = arith.constant 0 : i32
        %dma_start3A_381 = tpu.memref_slice %arg9[%dma_start3A_378, %dma_start3A_379, %dma_start3A_380] : memref<5x128x64xf32, #tpu.memory_space<vmem>> -> memref<1x128x64xf32, #tpu.memory_space<vmem>>
        %dma_start3A_382 = tpu.memref_squeeze %dma_start3A_381 : memref<1x128x64xf32, #tpu.memory_space<vmem>> -> memref<128x64xf32, #tpu.memory_space<vmem>>
        %dma_start3A_383 = arith.constant 0 : i32
        %dma_start3A_384 = tpu.memref_slice %arg7[%add3A_377, %dma_start3A_383] : memref<160x128xi32, #tpu.memory_space<vmem>> -> memref<1x128xi32, #tpu.memory_space<vmem>>
        %dma_start3A_385 = tpu.memref_squeeze %dma_start3A_384 : memref<1x128xi32, #tpu.memory_space<vmem>> -> memref<128xi32, #tpu.memory_space<vmem>>
        %dma_start3A_386 = arith.constant 0 : i32
        %dma_start3A_387 = arith.constant 0 : i32
        %dma_start3A_388 = tpu.memref_slice %arg2[%arg0, %dma_start3A_386, %dma_start3A_387] : memref<2x10000x64xf32, #tpu.memory_space<hbm>> -> memref<1x10000x64xf32, #tpu.memory_space<hbm>>
        %dma_start3A_389 = tpu.memref_squeeze %dma_start3A_388 : memref<1x10000x64xf32, #tpu.memory_space<hbm>> -> memref<10000x64xf32, #tpu.memory_space<hbm>>
        %dma_start3A_390 = arith.constant 0 : i32
        %dma_start3A_391 = arith.constant 0 : i32
        %dma_start3A_392 = tpu.memref_slice %dma_start3A_389[%dma_start3A_390, %dma_start3A_391] : memref<10000x64xf32, #tpu.memory_space<hbm>> -> memref<10000x64xf32, #tpu.memory_space<hbm>>
        tpu.enqueue_indirect_dma source(%dma_start3A_392 : memref<10000x64xf32, #tpu.memory_space<hbm>>) target(%dma_start3A_382 : memref<128x64xf32, #tpu.memory_space<vmem>>) offsets(%dma_start3A_385 : memref<128xi32, #tpu.memory_space<vmem>>) semaphore(%arg15 : memref<!tpu.dma_semaphore, #tpu.memory_space<semaphore_mem>>)
      } else {
      }
      %add3A_237 = arith.constant 1 : i32
      %add3A_238 = arith.addi %scan3A_92, %add3A_237 : i32
      %ge3A = arith.constant 32 : i32
      %ge3A_239 = arith.cmpi sge, %add3A_238, %ge3A : i32
      %convert_element_type3A_240 = arith.extui %ge3A_239 : i1 to i32
      %cond3A_241 = arith.constant 0 : i32
      %cond3A_242 = arith.cmpi ne, %convert_element_type3A_240, %cond3A_241 : i32
      scf.if %cond3A_242 {
        %add3A_243 = arith.constant 0 : i32
        %add3A_244 = arith.addi %mul3A_94, %add3A_243 : i32
        %dma_wait3A_245 = arith.constant 0 : i32
        %dma_wait3A_246 = arith.constant 0 : i32
        %dma_wait3A_247 = arith.constant 0 : i32
        %dma_wait3A_248 = tpu.memref_slice %arg9[%dma_wait3A_245, %dma_wait3A_246, %dma_wait3A_247] : memref<5x128x64xf32, #tpu.memory_space<vmem>> -> memref<1x128x64xf32, #tpu.memory_space<vmem>>
        %dma_wait3A_249 = tpu.memref_squeeze %dma_wait3A_248 : memref<1x128x64xf32, #tpu.memory_space<vmem>> -> memref<128x64xf32, #tpu.memory_space<vmem>>
        %dma_wait3A_250 = arith.constant 0 : i32
        %dma_wait3A_251 = tpu.memref_slice %arg8[%add3A_244, %dma_wait3A_250] : memref<160x128xi32, #tpu.memory_space<vmem>> -> memref<1x128xi32, #tpu.memory_space<vmem>>
        %dma_wait3A_252 = tpu.memref_squeeze %dma_wait3A_251 : memref<1x128xi32, #tpu.memory_space<vmem>> -> memref<128xi32, #tpu.memory_space<vmem>>
        %dma_wait3A_253 = arith.constant 0 : i32
        %dma_wait3A_254 = arith.constant 0 : i32
        %dma_wait3A_255 = tpu.memref_slice %arg10[%dma_wait3A_253, %dma_wait3A_254] : memref<10112x64xf32, #tpu.memory_space<vmem_shared>> -> memref<10112x64xf32, #tpu.memory_space<vmem_shared>>
        tpu.wait_indirect_dma semaphore(%arg16 : memref<!tpu.dma_semaphore, #tpu.memory_space<semaphore_mem>>) src(%dma_wait3A_249 : memref<128x64xf32, #tpu.memory_space<vmem>>) dst(%dma_wait3A_255 : memref<10112x64xf32, #tpu.memory_space<vmem_shared>>)
        %add3A_256 = arith.constant 1 : i32
        %add3A_257 = arith.addi %mul3A_94, %add3A_256 : i32
        %dma_wait3A_258 = arith.constant 1 : i32
        %dma_wait3A_259 = arith.constant 0 : i32
        %dma_wait3A_260 = arith.constant 0 : i32
        %dma_wait3A_261 = tpu.memref_slice %arg9[%dma_wait3A_258, %dma_wait3A_259, %dma_wait3A_260] : memref<5x128x64xf32, #tpu.memory_space<vmem>> -> memref<1x128x64xf32, #tpu.memory_space<vmem>>
        %dma_wait3A_262 = tpu.memref_squeeze %dma_wait3A_261 : memref<1x128x64xf32, #tpu.memory_space<vmem>> -> memref<128x64xf32, #tpu.memory_space<vmem>>
        %dma_wait3A_263 = arith.constant 0 : i32
        %dma_wait3A_264 = tpu.memref_slice %arg8[%add3A_257, %dma_wait3A_263] : memref<160x128xi32, #tpu.memory_space<vmem>> -> memref<1x128xi32, #tpu.memory_space<vmem>>
        %dma_wait3A_265 = tpu.memref_squeeze %dma_wait3A_264 : memref<1x128xi32, #tpu.memory_space<vmem>> -> memref<128xi32, #tpu.memory_space<vmem>>
        %dma_wait3A_266 = arith.constant 0 : i32
        %dma_wait3A_267 = arith.constant 0 : i32
        %dma_wait3A_268 = tpu.memref_slice %arg10[%dma_wait3A_266, %dma_wait3A_267] : memref<10112x64xf32, #tpu.memory_space<vmem_shared>> -> memref<10112x64xf32, #tpu.memory_space<vmem_shared>>
        tpu.wait_indirect_dma semaphore(%arg17 : memref<!tpu.dma_semaphore, #tpu.memory_space<semaphore_mem>>) src(%dma_wait3A_262 : memref<128x64xf32, #tpu.memory_space<vmem>>) dst(%dma_wait3A_268 : memref<10112x64xf32, #tpu.memory_space<vmem_shared>>)
        %add3A_269 = arith.constant 2 : i32
        %add3A_270 = arith.addi %mul3A_94, %add3A_269 : i32
        %dma_wait3A_271 = arith.constant 2 : i32
        %dma_wait3A_272 = arith.constant 0 : i32
        %dma_wait3A_273 = arith.constant 0 : i32
        %dma_wait3A_274 = tpu.memref_slice %arg9[%dma_wait3A_271, %dma_wait3A_272, %dma_wait3A_273] : memref<5x128x64xf32, #tpu.memory_space<vmem>> -> memref<1x128x64xf32, #tpu.memory_space<vmem>>
        %dma_wait3A_275 = tpu.memref_squeeze %dma_wait3A_274 : memref<1x128x64xf32, #tpu.memory_space<vmem>> -> memref<128x64xf32, #tpu.memory_space<vmem>>
        %dma_wait3A_276 = arith.constant 0 : i32
        %dma_wait3A_277 = tpu.memref_slice %arg8[%add3A_270, %dma_wait3A_276] : memref<160x128xi32, #tpu.memory_space<vmem>> -> memref<1x128xi32, #tpu.memory_space<vmem>>
        %dma_wait3A_278 = tpu.memref_squeeze %dma_wait3A_277 : memref<1x128xi32, #tpu.memory_space<vmem>> -> memref<128xi32, #tpu.memory_space<vmem>>
        %dma_wait3A_279 = arith.constant 0 : i32
        %dma_wait3A_280 = arith.constant 0 : i32
        %dma_wait3A_281 = tpu.memref_slice %arg10[%dma_wait3A_279, %dma_wait3A_280] : memref<10112x64xf32, #tpu.memory_space<vmem_shared>> -> memref<10112x64xf32, #tpu.memory_space<vmem_shared>>
        tpu.wait_indirect_dma semaphore(%arg18 : memref<!tpu.dma_semaphore, #tpu.memory_space<semaphore_mem>>) src(%dma_wait3A_275 : memref<128x64xf32, #tpu.memory_space<vmem>>) dst(%dma_wait3A_281 : memref<10112x64xf32, #tpu.memory_space<vmem_shared>>)
        %add3A_282 = arith.constant 3 : i32
        %add3A_283 = arith.addi %mul3A_94, %add3A_282 : i32
        %dma_wait3A_284 = arith.constant 3 : i32
        %dma_wait3A_285 = arith.constant 0 : i32
        %dma_wait3A_286 = arith.constant 0 : i32
        %dma_wait3A_287 = tpu.memref_slice %arg9[%dma_wait3A_284, %dma_wait3A_285, %dma_wait3A_286] : memref<5x128x64xf32, #tpu.memory_space<vmem>> -> memref<1x128x64xf32, #tpu.memory_space<vmem>>
        %dma_wait3A_288 = tpu.memref_squeeze %dma_wait3A_287 : memref<1x128x64xf32, #tpu.memory_space<vmem>> -> memref<128x64xf32, #tpu.memory_space<vmem>>
        %dma_wait3A_289 = arith.constant 0 : i32
        %dma_wait3A_290 = tpu.memref_slice %arg8[%add3A_283, %dma_wait3A_289] : memref<160x128xi32, #tpu.memory_space<vmem>> -> memref<1x128xi32, #tpu.memory_space<vmem>>
        %dma_wait3A_291 = tpu.memref_squeeze %dma_wait3A_290 : memref<1x128xi32, #tpu.memory_space<vmem>> -> memref<128xi32, #tpu.memory_space<vmem>>
        %dma_wait3A_292 = arith.constant 0 : i32
        %dma_wait3A_293 = arith.constant 0 : i32
        %dma_wait3A_294 = tpu.memref_slice %arg10[%dma_wait3A_292, %dma_wait3A_293] : memref<10112x64xf32, #tpu.memory_space<vmem_shared>> -> memref<10112x64xf32, #tpu.memory_space<vmem_shared>>
        tpu.wait_indirect_dma semaphore(%arg19 : memref<!tpu.dma_semaphore, #tpu.memory_space<semaphore_mem>>) src(%dma_wait3A_288 : memref<128x64xf32, #tpu.memory_space<vmem>>) dst(%dma_wait3A_294 : memref<10112x64xf32, #tpu.memory_space<vmem_shared>>)
        %add3A_295 = arith.constant 4 : i32
        %add3A_296 = arith.addi %mul3A_94, %add3A_295 : i32
        %dma_wait3A_297 = arith.constant 4 : i32
        %dma_wait3A_298 = arith.constant 0 : i32
        %dma_wait3A_299 = arith.constant 0 : i32
        %dma_wait3A_300 = tpu.memref_slice %arg9[%dma_wait3A_297, %dma_wait3A_298, %dma_wait3A_299] : memref<5x128x64xf32, #tpu.memory_space<vmem>> -> memref<1x128x64xf32, #tpu.memory_space<vmem>>
        %dma_wait3A_301 = tpu.memref_squeeze %dma_wait3A_300 : memref<1x128x64xf32, #tpu.memory_space<vmem>> -> memref<128x64xf32, #tpu.memory_space<vmem>>
        %dma_wait3A_302 = arith.constant 0 : i32
        %dma_wait3A_303 = tpu.memref_slice %arg8[%add3A_296, %dma_wait3A_302] : memref<160x128xi32, #tpu.memory_space<vmem>> -> memref<1x128xi32, #tpu.memory_space<vmem>>
        %dma_wait3A_304 = tpu.memref_squeeze %dma_wait3A_303 : memref<1x128xi32, #tpu.memory_space<vmem>> -> memref<128xi32, #tpu.memory_space<vmem>>
        %dma_wait3A_305 = arith.constant 0 : i32
        %dma_wait3A_306 = arith.constant 0 : i32
        %dma_wait3A_307 = tpu.memref_slice %arg10[%dma_wait3A_305, %dma_wait3A_306] : memref<10112x64xf32, #tpu.memory_space<vmem_shared>> -> memref<10112x64xf32, #tpu.memory_space<vmem_shared>>
        tpu.wait_indirect_dma semaphore(%arg20 : memref<!tpu.dma_semaphore, #tpu.memory_space<semaphore_mem>>) src(%dma_wait3A_301 : memref<128x64xf32, #tpu.memory_space<vmem>>) dst(%dma_wait3A_307 : memref<10112x64xf32, #tpu.memory_space<vmem_shared>>)
      } else {
      }
    }
    %scan3A_86 = arith.constant 32 : i32
    %barrier3A_87 = arith.constant 0 : index
    tpu.barrier barrier_id(%barrier3A_87)
    %mul3A_88 = arith.constant 632 : i32
    %mul3A_89 = arith.muli %arg1, %mul3A_88 : i32
    %mul3A_90 = arith.constant 632 : i32
    %mul3A_91 = arith.muli %arg1, %mul3A_90 : i32
    "tpu.region"() ({
      %run_scoped3A = tpu.sem_alloc : memref<!tpu.dma_semaphore, #tpu.memory_space<semaphore_mem>>
      %dma_start3A_92 = arith.constant 0 : i32
      %dma_start3A_93 = arith.constant 0 : i32
      %dma_start3A_94 = tpu.memref_slice %arg6[%arg0, %dma_start3A_92, %dma_start3A_93] : memref<2x10112x64xf32, #tpu.memory_space<hbm>> -> memref<1x10112x64xf32, #tpu.memory_space<hbm>>
      %dma_start3A_95 = tpu.memref_squeeze %dma_start3A_94 : memref<1x10112x64xf32, #tpu.memory_space<hbm>> -> memref<10112x64xf32, #tpu.memory_space<hbm>>
      %dma_start3A_96 = arith.constant 0 : i32
      %dma_start3A_97 = tpu.memref_slice %dma_start3A_95[%mul3A_91, %dma_start3A_96] : memref<10112x64xf32, #tpu.memory_space<hbm>> -> memref<632x64xf32, #tpu.memory_space<hbm>>
      %dma_start3A_98 = arith.constant 0 : i32
      %dma_start3A_99 = tpu.memref_slice %arg10[%mul3A_89, %dma_start3A_98] : memref<10112x64xf32, #tpu.memory_space<vmem_shared>> -> memref<632x64xf32, #tpu.memory_space<vmem_shared>>
      tpu.enqueue_dma source(%dma_start3A_99 : memref<632x64xf32, #tpu.memory_space<vmem_shared>>) target(%dma_start3A_97 : memref<632x64xf32, #tpu.memory_space<hbm>>) target_semaphore(%run_scoped3A : memref<!tpu.dma_semaphore, #tpu.memory_space<semaphore_mem>>)
      %dma_wait3A = arith.constant 0 : i32
      %dma_wait3A_100 = arith.constant 0 : i32
      %dma_wait3A_101 = tpu.memref_slice %arg6[%arg0, %dma_wait3A, %dma_wait3A_100] : memref<2x10112x64xf32, #tpu.memory_space<hbm>> -> memref<1x10112x64xf32, #tpu.memory_space<hbm>>
      %dma_wait3A_102 = tpu.memref_squeeze %dma_wait3A_101 : memref<1x10112x64xf32, #tpu.memory_space<hbm>> -> memref<10112x64xf32, #tpu.memory_space<hbm>>
      %dma_wait3A_103 = arith.constant 0 : i32
      %dma_wait3A_104 = tpu.memref_slice %dma_wait3A_102[%mul3A_91, %dma_wait3A_103] : memref<10112x64xf32, #tpu.memory_space<hbm>> -> memref<632x64xf32, #tpu.memory_space<hbm>>
      %dma_wait3A_105 = arith.constant 0 : i32
      %dma_wait3A_106 = tpu.memref_slice %arg10[%mul3A_89, %dma_wait3A_105] : memref<10112x64xf32, #tpu.memory_space<vmem_shared>> -> memref<632x64xf32, #tpu.memory_space<vmem_shared>>
      tpu.wait_dma2 semaphore(%run_scoped3A : memref<!tpu.dma_semaphore, #tpu.memory_space<semaphore_mem>>) src(%dma_wait3A_106 : memref<632x64xf32, #tpu.memory_space<vmem_shared>>) dst(%dma_wait3A_104 : memref<632x64xf32, #tpu.memory_space<hbm>>)
      tpu.yield
    }) : () -> ()
    return
  }
}

#map = affine_map<(d0, d1) -> (0, 0, 0)>
#map1 = affine_map<(d0, d1) -> (0, 0)>
module attributes {stable_mosaic.version = 14 : i64} {
  func.func @agg(%arg0: i32, %arg1: i32, %arg2: memref<2x10112x16xf32, #tpu.memory_space<hbm>>, %arg3: memref<16x160x128xi32, #tpu.memory_space<hbm>>, %arg4: memref<16x160x128xi32, #tpu.memory_space<hbm>>, %arg5: memref<10112x16xf32, #tpu.memory_space<hbm>>, %arg6: memref<16x5x128xi32, #tpu.memory_space<hbm>>, %arg7: memref<128x16xf32, #tpu.memory_space<hbm>>, %arg8: memref<2x32x16xf32, #tpu.memory_space<hbm>>, %arg9: memref<2x32x16xf32, #tpu.memory_space<hbm>>, %arg10: memref<160x128xi32, #tpu.memory_space<vmem>>, %arg11: memref<160x128xi32, #tpu.memory_space<vmem>>, %arg12: memref<10x128x16xf32, #tpu.memory_space<vmem>>, %arg13: memref<640x16xf32, #tpu.memory_space<vmem>>, %arg14: memref<5x128xi32, #tpu.memory_space<vmem>>, %arg15: memref<128x16xf32, #tpu.memory_space<vmem>>, %arg16: memref<10112x16xf32, #tpu.memory_space<vmem_shared>>, %arg17: memref<40x16xf32, #tpu.memory_space<vmem_shared>>, %arg18: memref<40x16xf32, #tpu.memory_space<vmem_shared>>, %arg19: memref<!tpu.dma_semaphore, #tpu.memory_space<semaphore_mem>>, %arg20: memref<!tpu.dma_semaphore, #tpu.memory_space<semaphore_mem>>, %arg21: memref<!tpu.dma_semaphore, #tpu.memory_space<semaphore_mem>>, %arg22: memref<!tpu.dma_semaphore, #tpu.memory_space<semaphore_mem>>, %arg23: memref<!tpu.dma_semaphore, #tpu.memory_space<semaphore_mem>>, %arg24: memref<!tpu.dma_semaphore, #tpu.memory_space<semaphore_mem>>, %arg25: memref<!tpu.dma_semaphore, #tpu.memory_space<semaphore_mem>>, %arg26: memref<!tpu.dma_semaphore, #tpu.memory_space<semaphore_mem>>, %arg27: memref<!tpu.dma_semaphore, #tpu.memory_space<semaphore_mem>>, %arg28: memref<!tpu.dma_semaphore, #tpu.memory_space<semaphore_mem>>, %arg29: memref<!tpu.dma_semaphore, #tpu.memory_space<semaphore_mem>>, %arg30: memref<!tpu.dma_semaphore, #tpu.memory_space<semaphore_mem>>, %arg31: memref<!tpu.dma_semaphore, #tpu.memory_space<semaphore_mem>>, %arg32: memref<!tpu.dma_semaphore, #tpu.memory_space<semaphore_mem>>, %arg33: memref<!tpu.dma_semaphore, #tpu.memory_space<semaphore_mem>>, %arg34: memref<!tpu.dma_semaphore, #tpu.memory_space<semaphore_mem>>, %arg35: memref<!tpu.dma_semaphore, #tpu.memory_space<semaphore_mem>>, %arg36: memref<!tpu.dma_semaphore, #tpu.memory_space<semaphore_mem>>, %arg37: memref<!tpu.dma_semaphore, #tpu.memory_space<semaphore_mem>>, %arg38: memref<!tpu.dma_semaphore, #tpu.memory_space<semaphore_mem>>) attributes {dimension_semantics = [#tpu.dimension_semantics<core_parallel>, #tpu.dimension_semantics<subcore_parallel>], iteration_bounds = array<i64: 2, 16>, scalar_prefetch = 0 : i64, scratch_operands = 29 : i64, tpu.core_type = #tpu.core_type<sc_vector_subcore>, window_params = [{transform_indices = #map}, {transform_indices = #map}, {transform_indices = #map}, {transform_indices = #map1}, {transform_indices = #map}, {transform_indices = #map1}, {transform_indices = #map}, {transform_indices = #map}]} {
    "tpu.region"() ({
      %run_scoped3A = tpu.sem_alloc : memref<!tpu.dma_semaphore, #tpu.memory_space<semaphore_mem>>
      %dma_start3A_347 = arith.constant 0 : i32
      %dma_start3A_348 = arith.constant 0 : i32
      %dma_start3A_349 = tpu.memref_slice %arg3[%arg1, %dma_start3A_347, %dma_start3A_348] : memref<16x160x128xi32, #tpu.memory_space<hbm>> -> memref<1x160x128xi32, #tpu.memory_space<hbm>>
      %dma_start3A_350 = tpu.memref_squeeze %dma_start3A_349 : memref<1x160x128xi32, #tpu.memory_space<hbm>> -> memref<160x128xi32, #tpu.memory_space<hbm>>
      %dma_start3A_351 = arith.constant 0 : i32
      %dma_start3A_352 = arith.constant 0 : i32
      %dma_start3A_353 = tpu.memref_slice %arg3[%arg1, %dma_start3A_351, %dma_start3A_352] : memref<16x160x128xi32, #tpu.memory_space<hbm>> -> memref<1x160x128xi32, #tpu.memory_space<hbm>>
      %dma_start3A_354 = tpu.memref_squeeze %dma_start3A_353 : memref<1x160x128xi32, #tpu.memory_space<hbm>> -> memref<160x128xi32, #tpu.memory_space<hbm>>
      tpu.enqueue_dma source(%dma_start3A_354 : memref<160x128xi32, #tpu.memory_space<hbm>>) target(%arg10 : memref<160x128xi32, #tpu.memory_space<vmem>>) target_semaphore(%run_scoped3A : memref<!tpu.dma_semaphore, #tpu.memory_space<semaphore_mem>>)
      %dma_wait3A_355 = arith.constant 0 : i32
      %dma_wait3A_356 = arith.constant 0 : i32
      %dma_wait3A_357 = tpu.memref_slice %arg3[%arg1, %dma_wait3A_355, %dma_wait3A_356] : memref<16x160x128xi32, #tpu.memory_space<hbm>> -> memref<1x160x128xi32, #tpu.memory_space<hbm>>
      %dma_wait3A_358 = tpu.memref_squeeze %dma_wait3A_357 : memref<1x160x128xi32, #tpu.memory_space<hbm>> -> memref<160x128xi32, #tpu.memory_space<hbm>>
      %dma_wait3A_359 = arith.constant 0 : i32
      %dma_wait3A_360 = arith.constant 0 : i32
      %dma_wait3A_361 = tpu.memref_slice %arg3[%arg1, %dma_wait3A_359, %dma_wait3A_360] : memref<16x160x128xi32, #tpu.memory_space<hbm>> -> memref<1x160x128xi32, #tpu.memory_space<hbm>>
      %dma_wait3A_362 = tpu.memref_squeeze %dma_wait3A_361 : memref<1x160x128xi32, #tpu.memory_space<hbm>> -> memref<160x128xi32, #tpu.memory_space<hbm>>
      tpu.wait_dma2 semaphore(%run_scoped3A : memref<!tpu.dma_semaphore, #tpu.memory_space<semaphore_mem>>) src(%dma_wait3A_362 : memref<160x128xi32, #tpu.memory_space<hbm>>) dst(%arg10 : memref<160x128xi32, #tpu.memory_space<vmem>>)
      tpu.yield
    }) : () -> ()
    %dma_start3A = arith.constant 0 : i32
    %dma_start3A_0 = arith.constant 0 : i32
    %dma_start3A_1 = arith.constant 0 : i32
    %dma_start3A_2 = arith.constant 0 : i32
    %dma_start3A_3 = tpu.memref_slice %arg12[%dma_start3A_0, %dma_start3A_1, %dma_start3A_2] : memref<10x128x16xf32, #tpu.memory_space<vmem>> -> memref<1x128x16xf32, #tpu.memory_space<vmem>>
    %dma_start3A_4 = tpu.memref_squeeze %dma_start3A_3 : memref<1x128x16xf32, #tpu.memory_space<vmem>> -> memref<128x16xf32, #tpu.memory_space<vmem>>
    %dma_start3A_5 = arith.constant 0 : i32
    %dma_start3A_6 = tpu.memref_slice %arg10[%dma_start3A, %dma_start3A_5] : memref<160x128xi32, #tpu.memory_space<vmem>> -> memref<1x128xi32, #tpu.memory_space<vmem>>
    %dma_start3A_7 = tpu.memref_squeeze %dma_start3A_6 : memref<1x128xi32, #tpu.memory_space<vmem>> -> memref<128xi32, #tpu.memory_space<vmem>>
    %dma_start3A_8 = arith.constant 0 : i32
    %dma_start3A_9 = arith.constant 0 : i32
    %dma_start3A_10 = tpu.memref_slice %arg2[%arg0, %dma_start3A_8, %dma_start3A_9] : memref<2x10112x16xf32, #tpu.memory_space<hbm>> -> memref<1x10112x16xf32, #tpu.memory_space<hbm>>
    %dma_start3A_11 = tpu.memref_squeeze %dma_start3A_10 : memref<1x10112x16xf32, #tpu.memory_space<hbm>> -> memref<10112x16xf32, #tpu.memory_space<hbm>>
    %dma_start3A_12 = arith.constant 0 : i32
    %dma_start3A_13 = arith.constant 0 : i32
    %dma_start3A_14 = tpu.memref_slice %dma_start3A_11[%dma_start3A_12, %dma_start3A_13] : memref<10112x16xf32, #tpu.memory_space<hbm>> -> memref<10112x16xf32, #tpu.memory_space<hbm>>
    tpu.enqueue_indirect_dma source(%dma_start3A_14 : memref<10112x16xf32, #tpu.memory_space<hbm>>) target(%dma_start3A_4 : memref<128x16xf32, #tpu.memory_space<vmem>>) offsets(%dma_start3A_7 : memref<128xi32, #tpu.memory_space<vmem>>) semaphore(%arg19 : memref<!tpu.dma_semaphore, #tpu.memory_space<semaphore_mem>>)
    %dma_start3A_15 = arith.constant 1 : i32
    %dma_start3A_16 = arith.constant 1 : i32
    %dma_start3A_17 = arith.constant 0 : i32
    %dma_start3A_18 = arith.constant 0 : i32
    %dma_start3A_19 = tpu.memref_slice %arg12[%dma_start3A_16, %dma_start3A_17, %dma_start3A_18] : memref<10x128x16xf32, #tpu.memory_space<vmem>> -> memref<1x128x16xf32, #tpu.memory_space<vmem>>
    %dma_start3A_20 = tpu.memref_squeeze %dma_start3A_19 : memref<1x128x16xf32, #tpu.memory_space<vmem>> -> memref<128x16xf32, #tpu.memory_space<vmem>>
    %dma_start3A_21 = arith.constant 0 : i32
    %dma_start3A_22 = tpu.memref_slice %arg10[%dma_start3A_15, %dma_start3A_21] : memref<160x128xi32, #tpu.memory_space<vmem>> -> memref<1x128xi32, #tpu.memory_space<vmem>>
    %dma_start3A_23 = tpu.memref_squeeze %dma_start3A_22 : memref<1x128xi32, #tpu.memory_space<vmem>> -> memref<128xi32, #tpu.memory_space<vmem>>
    %dma_start3A_24 = arith.constant 0 : i32
    %dma_start3A_25 = arith.constant 0 : i32
    %dma_start3A_26 = tpu.memref_slice %arg2[%arg0, %dma_start3A_24, %dma_start3A_25] : memref<2x10112x16xf32, #tpu.memory_space<hbm>> -> memref<1x10112x16xf32, #tpu.memory_space<hbm>>
    %dma_start3A_27 = tpu.memref_squeeze %dma_start3A_26 : memref<1x10112x16xf32, #tpu.memory_space<hbm>> -> memref<10112x16xf32, #tpu.memory_space<hbm>>
    %dma_start3A_28 = arith.constant 0 : i32
    %dma_start3A_29 = arith.constant 0 : i32
    %dma_start3A_30 = tpu.memref_slice %dma_start3A_27[%dma_start3A_28, %dma_start3A_29] : memref<10112x16xf32, #tpu.memory_space<hbm>> -> memref<10112x16xf32, #tpu.memory_space<hbm>>
    tpu.enqueue_indirect_dma source(%dma_start3A_30 : memref<10112x16xf32, #tpu.memory_space<hbm>>) target(%dma_start3A_20 : memref<128x16xf32, #tpu.memory_space<vmem>>) offsets(%dma_start3A_23 : memref<128xi32, #tpu.memory_space<vmem>>) semaphore(%arg20 : memref<!tpu.dma_semaphore, #tpu.memory_space<semaphore_mem>>)
    %dma_start3A_31 = arith.constant 2 : i32
    %dma_start3A_32 = arith.constant 2 : i32
    %dma_start3A_33 = arith.constant 0 : i32
    %dma_start3A_34 = arith.constant 0 : i32
    %dma_start3A_35 = tpu.memref_slice %arg12[%dma_start3A_32, %dma_start3A_33, %dma_start3A_34] : memref<10x128x16xf32, #tpu.memory_space<vmem>> -> memref<1x128x16xf32, #tpu.memory_space<vmem>>
    %dma_start3A_36 = tpu.memref_squeeze %dma_start3A_35 : memref<1x128x16xf32, #tpu.memory_space<vmem>> -> memref<128x16xf32, #tpu.memory_space<vmem>>
    %dma_start3A_37 = arith.constant 0 : i32
    %dma_start3A_38 = tpu.memref_slice %arg10[%dma_start3A_31, %dma_start3A_37] : memref<160x128xi32, #tpu.memory_space<vmem>> -> memref<1x128xi32, #tpu.memory_space<vmem>>
    %dma_start3A_39 = tpu.memref_squeeze %dma_start3A_38 : memref<1x128xi32, #tpu.memory_space<vmem>> -> memref<128xi32, #tpu.memory_space<vmem>>
    %dma_start3A_40 = arith.constant 0 : i32
    %dma_start3A_41 = arith.constant 0 : i32
    %dma_start3A_42 = tpu.memref_slice %arg2[%arg0, %dma_start3A_40, %dma_start3A_41] : memref<2x10112x16xf32, #tpu.memory_space<hbm>> -> memref<1x10112x16xf32, #tpu.memory_space<hbm>>
    %dma_start3A_43 = tpu.memref_squeeze %dma_start3A_42 : memref<1x10112x16xf32, #tpu.memory_space<hbm>> -> memref<10112x16xf32, #tpu.memory_space<hbm>>
    %dma_start3A_44 = arith.constant 0 : i32
    %dma_start3A_45 = arith.constant 0 : i32
    %dma_start3A_46 = tpu.memref_slice %dma_start3A_43[%dma_start3A_44, %dma_start3A_45] : memref<10112x16xf32, #tpu.memory_space<hbm>> -> memref<10112x16xf32, #tpu.memory_space<hbm>>
    tpu.enqueue_indirect_dma source(%dma_start3A_46 : memref<10112x16xf32, #tpu.memory_space<hbm>>) target(%dma_start3A_36 : memref<128x16xf32, #tpu.memory_space<vmem>>) offsets(%dma_start3A_39 : memref<128xi32, #tpu.memory_space<vmem>>) semaphore(%arg21 : memref<!tpu.dma_semaphore, #tpu.memory_space<semaphore_mem>>)
    %dma_start3A_47 = arith.constant 3 : i32
    %dma_start3A_48 = arith.constant 3 : i32
    %dma_start3A_49 = arith.constant 0 : i32
    %dma_start3A_50 = arith.constant 0 : i32
    %dma_start3A_51 = tpu.memref_slice %arg12[%dma_start3A_48, %dma_start3A_49, %dma_start3A_50] : memref<10x128x16xf32, #tpu.memory_space<vmem>> -> memref<1x128x16xf32, #tpu.memory_space<vmem>>
    %dma_start3A_52 = tpu.memref_squeeze %dma_start3A_51 : memref<1x128x16xf32, #tpu.memory_space<vmem>> -> memref<128x16xf32, #tpu.memory_space<vmem>>
    %dma_start3A_53 = arith.constant 0 : i32
    %dma_start3A_54 = tpu.memref_slice %arg10[%dma_start3A_47, %dma_start3A_53] : memref<160x128xi32, #tpu.memory_space<vmem>> -> memref<1x128xi32, #tpu.memory_space<vmem>>
    %dma_start3A_55 = tpu.memref_squeeze %dma_start3A_54 : memref<1x128xi32, #tpu.memory_space<vmem>> -> memref<128xi32, #tpu.memory_space<vmem>>
    %dma_start3A_56 = arith.constant 0 : i32
    %dma_start3A_57 = arith.constant 0 : i32
    %dma_start3A_58 = tpu.memref_slice %arg2[%arg0, %dma_start3A_56, %dma_start3A_57] : memref<2x10112x16xf32, #tpu.memory_space<hbm>> -> memref<1x10112x16xf32, #tpu.memory_space<hbm>>
    %dma_start3A_59 = tpu.memref_squeeze %dma_start3A_58 : memref<1x10112x16xf32, #tpu.memory_space<hbm>> -> memref<10112x16xf32, #tpu.memory_space<hbm>>
    %dma_start3A_60 = arith.constant 0 : i32
    %dma_start3A_61 = arith.constant 0 : i32
    %dma_start3A_62 = tpu.memref_slice %dma_start3A_59[%dma_start3A_60, %dma_start3A_61] : memref<10112x16xf32, #tpu.memory_space<hbm>> -> memref<10112x16xf32, #tpu.memory_space<hbm>>
    tpu.enqueue_indirect_dma source(%dma_start3A_62 : memref<10112x16xf32, #tpu.memory_space<hbm>>) target(%dma_start3A_52 : memref<128x16xf32, #tpu.memory_space<vmem>>) offsets(%dma_start3A_55 : memref<128xi32, #tpu.memory_space<vmem>>) semaphore(%arg22 : memref<!tpu.dma_semaphore, #tpu.memory_space<semaphore_mem>>)
    %dma_start3A_63 = arith.constant 4 : i32
    %dma_start3A_64 = arith.constant 4 : i32
    %dma_start3A_65 = arith.constant 0 : i32
    %dma_start3A_66 = arith.constant 0 : i32
    %dma_start3A_67 = tpu.memref_slice %arg12[%dma_start3A_64, %dma_start3A_65, %dma_start3A_66] : memref<10x128x16xf32, #tpu.memory_space<vmem>> -> memref<1x128x16xf32, #tpu.memory_space<vmem>>
    %dma_start3A_68 = tpu.memref_squeeze %dma_start3A_67 : memref<1x128x16xf32, #tpu.memory_space<vmem>> -> memref<128x16xf32, #tpu.memory_space<vmem>>
    %dma_start3A_69 = arith.constant 0 : i32
    %dma_start3A_70 = tpu.memref_slice %arg10[%dma_start3A_63, %dma_start3A_69] : memref<160x128xi32, #tpu.memory_space<vmem>> -> memref<1x128xi32, #tpu.memory_space<vmem>>
    %dma_start3A_71 = tpu.memref_squeeze %dma_start3A_70 : memref<1x128xi32, #tpu.memory_space<vmem>> -> memref<128xi32, #tpu.memory_space<vmem>>
    %dma_start3A_72 = arith.constant 0 : i32
    %dma_start3A_73 = arith.constant 0 : i32
    %dma_start3A_74 = tpu.memref_slice %arg2[%arg0, %dma_start3A_72, %dma_start3A_73] : memref<2x10112x16xf32, #tpu.memory_space<hbm>> -> memref<1x10112x16xf32, #tpu.memory_space<hbm>>
    %dma_start3A_75 = tpu.memref_squeeze %dma_start3A_74 : memref<1x10112x16xf32, #tpu.memory_space<hbm>> -> memref<10112x16xf32, #tpu.memory_space<hbm>>
    %dma_start3A_76 = arith.constant 0 : i32
    %dma_start3A_77 = arith.constant 0 : i32
    %dma_start3A_78 = tpu.memref_slice %dma_start3A_75[%dma_start3A_76, %dma_start3A_77] : memref<10112x16xf32, #tpu.memory_space<hbm>> -> memref<10112x16xf32, #tpu.memory_space<hbm>>
    tpu.enqueue_indirect_dma source(%dma_start3A_78 : memref<10112x16xf32, #tpu.memory_space<hbm>>) target(%dma_start3A_68 : memref<128x16xf32, #tpu.memory_space<vmem>>) offsets(%dma_start3A_71 : memref<128xi32, #tpu.memory_space<vmem>>) semaphore(%arg23 : memref<!tpu.dma_semaphore, #tpu.memory_space<semaphore_mem>>)
    %dma_start3A_79 = arith.constant 5 : i32
    %dma_start3A_80 = arith.constant 5 : i32
    %dma_start3A_81 = arith.constant 0 : i32
    %dma_start3A_82 = arith.constant 0 : i32
    %dma_start3A_83 = tpu.memref_slice %arg12[%dma_start3A_80, %dma_start3A_81, %dma_start3A_82] : memref<10x128x16xf32, #tpu.memory_space<vmem>> -> memref<1x128x16xf32, #tpu.memory_space<vmem>>
    %dma_start3A_84 = tpu.memref_squeeze %dma_start3A_83 : memref<1x128x16xf32, #tpu.memory_space<vmem>> -> memref<128x16xf32, #tpu.memory_space<vmem>>
    %dma_start3A_85 = arith.constant 0 : i32
    %dma_start3A_86 = tpu.memref_slice %arg10[%dma_start3A_79, %dma_start3A_85] : memref<160x128xi32, #tpu.memory_space<vmem>> -> memref<1x128xi32, #tpu.memory_space<vmem>>
    %dma_start3A_87 = tpu.memref_squeeze %dma_start3A_86 : memref<1x128xi32, #tpu.memory_space<vmem>> -> memref<128xi32, #tpu.memory_space<vmem>>
    %dma_start3A_88 = arith.constant 0 : i32
    %dma_start3A_89 = arith.constant 0 : i32
    %dma_start3A_90 = tpu.memref_slice %arg2[%arg0, %dma_start3A_88, %dma_start3A_89] : memref<2x10112x16xf32, #tpu.memory_space<hbm>> -> memref<1x10112x16xf32, #tpu.memory_space<hbm>>
    %dma_start3A_91 = tpu.memref_squeeze %dma_start3A_90 : memref<1x10112x16xf32, #tpu.memory_space<hbm>> -> memref<10112x16xf32, #tpu.memory_space<hbm>>
    %dma_start3A_92 = arith.constant 0 : i32
    %dma_start3A_93 = arith.constant 0 : i32
    %dma_start3A_94 = tpu.memref_slice %dma_start3A_91[%dma_start3A_92, %dma_start3A_93] : memref<10112x16xf32, #tpu.memory_space<hbm>> -> memref<10112x16xf32, #tpu.memory_space<hbm>>
    tpu.enqueue_indirect_dma source(%dma_start3A_94 : memref<10112x16xf32, #tpu.memory_space<hbm>>) target(%dma_start3A_84 : memref<128x16xf32, #tpu.memory_space<vmem>>) offsets(%dma_start3A_87 : memref<128xi32, #tpu.memory_space<vmem>>) semaphore(%arg24 : memref<!tpu.dma_semaphore, #tpu.memory_space<semaphore_mem>>)
    %dma_start3A_95 = arith.constant 6 : i32
    %dma_start3A_96 = arith.constant 6 : i32
    %dma_start3A_97 = arith.constant 0 : i32
    %dma_start3A_98 = arith.constant 0 : i32
    %dma_start3A_99 = tpu.memref_slice %arg12[%dma_start3A_96, %dma_start3A_97, %dma_start3A_98] : memref<10x128x16xf32, #tpu.memory_space<vmem>> -> memref<1x128x16xf32, #tpu.memory_space<vmem>>
    %dma_start3A_100 = tpu.memref_squeeze %dma_start3A_99 : memref<1x128x16xf32, #tpu.memory_space<vmem>> -> memref<128x16xf32, #tpu.memory_space<vmem>>
    %dma_start3A_101 = arith.constant 0 : i32
    %dma_start3A_102 = tpu.memref_slice %arg10[%dma_start3A_95, %dma_start3A_101] : memref<160x128xi32, #tpu.memory_space<vmem>> -> memref<1x128xi32, #tpu.memory_space<vmem>>
    %dma_start3A_103 = tpu.memref_squeeze %dma_start3A_102 : memref<1x128xi32, #tpu.memory_space<vmem>> -> memref<128xi32, #tpu.memory_space<vmem>>
    %dma_start3A_104 = arith.constant 0 : i32
    %dma_start3A_105 = arith.constant 0 : i32
    %dma_start3A_106 = tpu.memref_slice %arg2[%arg0, %dma_start3A_104, %dma_start3A_105] : memref<2x10112x16xf32, #tpu.memory_space<hbm>> -> memref<1x10112x16xf32, #tpu.memory_space<hbm>>
    %dma_start3A_107 = tpu.memref_squeeze %dma_start3A_106 : memref<1x10112x16xf32, #tpu.memory_space<hbm>> -> memref<10112x16xf32, #tpu.memory_space<hbm>>
    %dma_start3A_108 = arith.constant 0 : i32
    %dma_start3A_109 = arith.constant 0 : i32
    %dma_start3A_110 = tpu.memref_slice %dma_start3A_107[%dma_start3A_108, %dma_start3A_109] : memref<10112x16xf32, #tpu.memory_space<hbm>> -> memref<10112x16xf32, #tpu.memory_space<hbm>>
    tpu.enqueue_indirect_dma source(%dma_start3A_110 : memref<10112x16xf32, #tpu.memory_space<hbm>>) target(%dma_start3A_100 : memref<128x16xf32, #tpu.memory_space<vmem>>) offsets(%dma_start3A_103 : memref<128xi32, #tpu.memory_space<vmem>>) semaphore(%arg25 : memref<!tpu.dma_semaphore, #tpu.memory_space<semaphore_mem>>)
    %dma_start3A_111 = arith.constant 7 : i32
    %dma_start3A_112 = arith.constant 7 : i32
    %dma_start3A_113 = arith.constant 0 : i32
    %dma_start3A_114 = arith.constant 0 : i32
    %dma_start3A_115 = tpu.memref_slice %arg12[%dma_start3A_112, %dma_start3A_113, %dma_start3A_114] : memref<10x128x16xf32, #tpu.memory_space<vmem>> -> memref<1x128x16xf32, #tpu.memory_space<vmem>>
    %dma_start3A_116 = tpu.memref_squeeze %dma_start3A_115 : memref<1x128x16xf32, #tpu.memory_space<vmem>> -> memref<128x16xf32, #tpu.memory_space<vmem>>
    %dma_start3A_117 = arith.constant 0 : i32
    %dma_start3A_118 = tpu.memref_slice %arg10[%dma_start3A_111, %dma_start3A_117] : memref<160x128xi32, #tpu.memory_space<vmem>> -> memref<1x128xi32, #tpu.memory_space<vmem>>
    %dma_start3A_119 = tpu.memref_squeeze %dma_start3A_118 : memref<1x128xi32, #tpu.memory_space<vmem>> -> memref<128xi32, #tpu.memory_space<vmem>>
    %dma_start3A_120 = arith.constant 0 : i32
    %dma_start3A_121 = arith.constant 0 : i32
    %dma_start3A_122 = tpu.memref_slice %arg2[%arg0, %dma_start3A_120, %dma_start3A_121] : memref<2x10112x16xf32, #tpu.memory_space<hbm>> -> memref<1x10112x16xf32, #tpu.memory_space<hbm>>
    %dma_start3A_123 = tpu.memref_squeeze %dma_start3A_122 : memref<1x10112x16xf32, #tpu.memory_space<hbm>> -> memref<10112x16xf32, #tpu.memory_space<hbm>>
    %dma_start3A_124 = arith.constant 0 : i32
    %dma_start3A_125 = arith.constant 0 : i32
    %dma_start3A_126 = tpu.memref_slice %dma_start3A_123[%dma_start3A_124, %dma_start3A_125] : memref<10112x16xf32, #tpu.memory_space<hbm>> -> memref<10112x16xf32, #tpu.memory_space<hbm>>
    tpu.enqueue_indirect_dma source(%dma_start3A_126 : memref<10112x16xf32, #tpu.memory_space<hbm>>) target(%dma_start3A_116 : memref<128x16xf32, #tpu.memory_space<vmem>>) offsets(%dma_start3A_119 : memref<128xi32, #tpu.memory_space<vmem>>) semaphore(%arg26 : memref<!tpu.dma_semaphore, #tpu.memory_space<semaphore_mem>>)
    %dma_start3A_127 = arith.constant 8 : i32
    %dma_start3A_128 = arith.constant 8 : i32
    %dma_start3A_129 = arith.constant 0 : i32
    %dma_start3A_130 = arith.constant 0 : i32
    %dma_start3A_131 = tpu.memref_slice %arg12[%dma_start3A_128, %dma_start3A_129, %dma_start3A_130] : memref<10x128x16xf32, #tpu.memory_space<vmem>> -> memref<1x128x16xf32, #tpu.memory_space<vmem>>
    %dma_start3A_132 = tpu.memref_squeeze %dma_start3A_131 : memref<1x128x16xf32, #tpu.memory_space<vmem>> -> memref<128x16xf32, #tpu.memory_space<vmem>>
    %dma_start3A_133 = arith.constant 0 : i32
    %dma_start3A_134 = tpu.memref_slice %arg10[%dma_start3A_127, %dma_start3A_133] : memref<160x128xi32, #tpu.memory_space<vmem>> -> memref<1x128xi32, #tpu.memory_space<vmem>>
    %dma_start3A_135 = tpu.memref_squeeze %dma_start3A_134 : memref<1x128xi32, #tpu.memory_space<vmem>> -> memref<128xi32, #tpu.memory_space<vmem>>
    %dma_start3A_136 = arith.constant 0 : i32
    %dma_start3A_137 = arith.constant 0 : i32
    %dma_start3A_138 = tpu.memref_slice %arg2[%arg0, %dma_start3A_136, %dma_start3A_137] : memref<2x10112x16xf32, #tpu.memory_space<hbm>> -> memref<1x10112x16xf32, #tpu.memory_space<hbm>>
    %dma_start3A_139 = tpu.memref_squeeze %dma_start3A_138 : memref<1x10112x16xf32, #tpu.memory_space<hbm>> -> memref<10112x16xf32, #tpu.memory_space<hbm>>
    %dma_start3A_140 = arith.constant 0 : i32
    %dma_start3A_141 = arith.constant 0 : i32
    %dma_start3A_142 = tpu.memref_slice %dma_start3A_139[%dma_start3A_140, %dma_start3A_141] : memref<10112x16xf32, #tpu.memory_space<hbm>> -> memref<10112x16xf32, #tpu.memory_space<hbm>>
    tpu.enqueue_indirect_dma source(%dma_start3A_142 : memref<10112x16xf32, #tpu.memory_space<hbm>>) target(%dma_start3A_132 : memref<128x16xf32, #tpu.memory_space<vmem>>) offsets(%dma_start3A_135 : memref<128xi32, #tpu.memory_space<vmem>>) semaphore(%arg27 : memref<!tpu.dma_semaphore, #tpu.memory_space<semaphore_mem>>)
    %dma_start3A_143 = arith.constant 9 : i32
    %dma_start3A_144 = arith.constant 9 : i32
    %dma_start3A_145 = arith.constant 0 : i32
    %dma_start3A_146 = arith.constant 0 : i32
    %dma_start3A_147 = tpu.memref_slice %arg12[%dma_start3A_144, %dma_start3A_145, %dma_start3A_146] : memref<10x128x16xf32, #tpu.memory_space<vmem>> -> memref<1x128x16xf32, #tpu.memory_space<vmem>>
    %dma_start3A_148 = tpu.memref_squeeze %dma_start3A_147 : memref<1x128x16xf32, #tpu.memory_space<vmem>> -> memref<128x16xf32, #tpu.memory_space<vmem>>
    %dma_start3A_149 = arith.constant 0 : i32
    %dma_start3A_150 = tpu.memref_slice %arg10[%dma_start3A_143, %dma_start3A_149] : memref<160x128xi32, #tpu.memory_space<vmem>> -> memref<1x128xi32, #tpu.memory_space<vmem>>
    %dma_start3A_151 = tpu.memref_squeeze %dma_start3A_150 : memref<1x128xi32, #tpu.memory_space<vmem>> -> memref<128xi32, #tpu.memory_space<vmem>>
    %dma_start3A_152 = arith.constant 0 : i32
    %dma_start3A_153 = arith.constant 0 : i32
    %dma_start3A_154 = tpu.memref_slice %arg2[%arg0, %dma_start3A_152, %dma_start3A_153] : memref<2x10112x16xf32, #tpu.memory_space<hbm>> -> memref<1x10112x16xf32, #tpu.memory_space<hbm>>
    %dma_start3A_155 = tpu.memref_squeeze %dma_start3A_154 : memref<1x10112x16xf32, #tpu.memory_space<hbm>> -> memref<10112x16xf32, #tpu.memory_space<hbm>>
    %dma_start3A_156 = arith.constant 0 : i32
    %dma_start3A_157 = arith.constant 0 : i32
    %dma_start3A_158 = tpu.memref_slice %dma_start3A_155[%dma_start3A_156, %dma_start3A_157] : memref<10112x16xf32, #tpu.memory_space<hbm>> -> memref<10112x16xf32, #tpu.memory_space<hbm>>
    tpu.enqueue_indirect_dma source(%dma_start3A_158 : memref<10112x16xf32, #tpu.memory_space<hbm>>) target(%dma_start3A_148 : memref<128x16xf32, #tpu.memory_space<vmem>>) offsets(%dma_start3A_151 : memref<128xi32, #tpu.memory_space<vmem>>) semaphore(%arg28 : memref<!tpu.dma_semaphore, #tpu.memory_space<semaphore_mem>>)
    "tpu.region"() ({
      %run_scoped3A = tpu.sem_alloc : memref<!tpu.dma_semaphore, #tpu.memory_space<semaphore_mem>>
      %dma_start3A_347 = arith.constant 0 : i32
      %dma_start3A_348 = arith.constant 0 : i32
      %dma_start3A_349 = tpu.memref_slice %arg4[%arg1, %dma_start3A_347, %dma_start3A_348] : memref<16x160x128xi32, #tpu.memory_space<hbm>> -> memref<1x160x128xi32, #tpu.memory_space<hbm>>
      %dma_start3A_350 = tpu.memref_squeeze %dma_start3A_349 : memref<1x160x128xi32, #tpu.memory_space<hbm>> -> memref<160x128xi32, #tpu.memory_space<hbm>>
      %dma_start3A_351 = arith.constant 0 : i32
      %dma_start3A_352 = arith.constant 0 : i32
      %dma_start3A_353 = tpu.memref_slice %arg4[%arg1, %dma_start3A_351, %dma_start3A_352] : memref<16x160x128xi32, #tpu.memory_space<hbm>> -> memref<1x160x128xi32, #tpu.memory_space<hbm>>
      %dma_start3A_354 = tpu.memref_squeeze %dma_start3A_353 : memref<1x160x128xi32, #tpu.memory_space<hbm>> -> memref<160x128xi32, #tpu.memory_space<hbm>>
      tpu.enqueue_dma source(%dma_start3A_354 : memref<160x128xi32, #tpu.memory_space<hbm>>) target(%arg11 : memref<160x128xi32, #tpu.memory_space<vmem>>) target_semaphore(%run_scoped3A : memref<!tpu.dma_semaphore, #tpu.memory_space<semaphore_mem>>)
      %dma_wait3A_355 = arith.constant 0 : i32
      %dma_wait3A_356 = arith.constant 0 : i32
      %dma_wait3A_357 = tpu.memref_slice %arg4[%arg1, %dma_wait3A_355, %dma_wait3A_356] : memref<16x160x128xi32, #tpu.memory_space<hbm>> -> memref<1x160x128xi32, #tpu.memory_space<hbm>>
      %dma_wait3A_358 = tpu.memref_squeeze %dma_wait3A_357 : memref<1x160x128xi32, #tpu.memory_space<hbm>> -> memref<160x128xi32, #tpu.memory_space<hbm>>
      %dma_wait3A_359 = arith.constant 0 : i32
      %dma_wait3A_360 = arith.constant 0 : i32
      %dma_wait3A_361 = tpu.memref_slice %arg4[%arg1, %dma_wait3A_359, %dma_wait3A_360] : memref<16x160x128xi32, #tpu.memory_space<hbm>> -> memref<1x160x128xi32, #tpu.memory_space<hbm>>
      %dma_wait3A_362 = tpu.memref_squeeze %dma_wait3A_361 : memref<1x160x128xi32, #tpu.memory_space<hbm>> -> memref<160x128xi32, #tpu.memory_space<hbm>>
      tpu.wait_dma2 semaphore(%run_scoped3A : memref<!tpu.dma_semaphore, #tpu.memory_space<semaphore_mem>>) src(%dma_wait3A_362 : memref<160x128xi32, #tpu.memory_space<hbm>>) dst(%arg11 : memref<160x128xi32, #tpu.memory_space<vmem>>)
      tpu.yield
    }) : () -> ()
    %mul3A = arith.constant 632 : i32
    %mul3A_159 = arith.muli %arg1, %mul3A : i32
    %mul3A_160 = arith.constant 632 : i32
    %mul3A_161 = arith.muli %arg1, %mul3A_160 : i32
    "tpu.region"() ({
      %run_scoped3A = tpu.sem_alloc : memref<!tpu.dma_semaphore, #tpu.memory_space<semaphore_mem>>
      %dma_start3A_347 = arith.constant 0 : i32
      %dma_start3A_348 = tpu.memref_slice %arg16[%mul3A_161, %dma_start3A_347] : memref<10112x16xf32, #tpu.memory_space<vmem_shared>> -> memref<632x16xf32, #tpu.memory_space<vmem_shared>>
      %dma_start3A_349 = arith.constant 0 : i32
      %dma_start3A_350 = tpu.memref_slice %arg5[%mul3A_159, %dma_start3A_349] : memref<10112x16xf32, #tpu.memory_space<hbm>> -> memref<632x16xf32, #tpu.memory_space<hbm>>
      tpu.enqueue_dma source(%dma_start3A_350 : memref<632x16xf32, #tpu.memory_space<hbm>>) target(%dma_start3A_348 : memref<632x16xf32, #tpu.memory_space<vmem_shared>>) target_semaphore(%run_scoped3A : memref<!tpu.dma_semaphore, #tpu.memory_space<semaphore_mem>>)
      %dma_wait3A_351 = arith.constant 0 : i32
      %dma_wait3A_352 = tpu.memref_slice %arg16[%mul3A_161, %dma_wait3A_351] : memref<10112x16xf32, #tpu.memory_space<vmem_shared>> -> memref<632x16xf32, #tpu.memory_space<vmem_shared>>
      %dma_wait3A_353 = arith.constant 0 : i32
      %dma_wait3A_354 = tpu.memref_slice %arg5[%mul3A_159, %dma_wait3A_353] : memref<10112x16xf32, #tpu.memory_space<hbm>> -> memref<632x16xf32, #tpu.memory_space<hbm>>
      tpu.wait_dma2 semaphore(%run_scoped3A : memref<!tpu.dma_semaphore, #tpu.memory_space<semaphore_mem>>) src(%dma_wait3A_354 : memref<632x16xf32, #tpu.memory_space<hbm>>) dst(%dma_wait3A_352 : memref<632x16xf32, #tpu.memory_space<vmem_shared>>)
      tpu.yield
    }) : () -> ()
    "tpu.region"() ({
      %run_scoped3A = tpu.sem_alloc : memref<!tpu.dma_semaphore, #tpu.memory_space<semaphore_mem>>
      %dma_start3A_347 = arith.constant 0 : i32
      %dma_start3A_348 = arith.constant 0 : i32
      %dma_start3A_349 = tpu.memref_slice %arg6[%arg1, %dma_start3A_347, %dma_start3A_348] : memref<16x5x128xi32, #tpu.memory_space<hbm>> -> memref<1x5x128xi32, #tpu.memory_space<hbm>>
      %dma_start3A_350 = tpu.memref_squeeze %dma_start3A_349 : memref<1x5x128xi32, #tpu.memory_space<hbm>> -> memref<5x128xi32, #tpu.memory_space<hbm>>
      %dma_start3A_351 = arith.constant 0 : i32
      %dma_start3A_352 = arith.constant 0 : i32
      %dma_start3A_353 = tpu.memref_slice %arg6[%arg1, %dma_start3A_351, %dma_start3A_352] : memref<16x5x128xi32, #tpu.memory_space<hbm>> -> memref<1x5x128xi32, #tpu.memory_space<hbm>>
      %dma_start3A_354 = tpu.memref_squeeze %dma_start3A_353 : memref<1x5x128xi32, #tpu.memory_space<hbm>> -> memref<5x128xi32, #tpu.memory_space<hbm>>
      tpu.enqueue_dma source(%dma_start3A_354 : memref<5x128xi32, #tpu.memory_space<hbm>>) target(%arg14 : memref<5x128xi32, #tpu.memory_space<vmem>>) target_semaphore(%run_scoped3A : memref<!tpu.dma_semaphore, #tpu.memory_space<semaphore_mem>>)
      %dma_wait3A_355 = arith.constant 0 : i32
      %dma_wait3A_356 = arith.constant 0 : i32
      %dma_wait3A_357 = tpu.memref_slice %arg6[%arg1, %dma_wait3A_355, %dma_wait3A_356] : memref<16x5x128xi32, #tpu.memory_space<hbm>> -> memref<1x5x128xi32, #tpu.memory_space<hbm>>
      %dma_wait3A_358 = tpu.memref_squeeze %dma_wait3A_357 : memref<1x5x128xi32, #tpu.memory_space<hbm>> -> memref<5x128xi32, #tpu.memory_space<hbm>>
      %dma_wait3A_359 = arith.constant 0 : i32
      %dma_wait3A_360 = arith.constant 0 : i32
      %dma_wait3A_361 = tpu.memref_slice %arg6[%arg1, %dma_wait3A_359, %dma_wait3A_360] : memref<16x5x128xi32, #tpu.memory_space<hbm>> -> memref<1x5x128xi32, #tpu.memory_space<hbm>>
      %dma_wait3A_362 = tpu.memref_squeeze %dma_wait3A_361 : memref<1x5x128xi32, #tpu.memory_space<hbm>> -> memref<5x128xi32, #tpu.memory_space<hbm>>
      tpu.wait_dma2 semaphore(%run_scoped3A : memref<!tpu.dma_semaphore, #tpu.memory_space<semaphore_mem>>) src(%dma_wait3A_362 : memref<5x128xi32, #tpu.memory_space<hbm>>) dst(%arg14 : memref<5x128xi32, #tpu.memory_space<vmem>>)
      tpu.yield
    }) : () -> ()
    "tpu.region"() ({
      %run_scoped3A = tpu.sem_alloc : memref<!tpu.dma_semaphore, #tpu.memory_space<semaphore_mem>>
      tpu.enqueue_dma source(%arg7 : memref<128x16xf32, #tpu.memory_space<hbm>>) target(%arg15 : memref<128x16xf32, #tpu.memory_space<vmem>>) target_semaphore(%run_scoped3A : memref<!tpu.dma_semaphore, #tpu.memory_space<semaphore_mem>>)
      tpu.wait_dma2 semaphore(%run_scoped3A : memref<!tpu.dma_semaphore, #tpu.memory_space<semaphore_mem>>) src(%arg7 : memref<128x16xf32, #tpu.memory_space<hbm>>) dst(%arg15 : memref<128x16xf32, #tpu.memory_space<vmem>>)
      tpu.yield
    }) : () -> ()
    %eq3A = arith.constant 0 : i32
    %eq3A_162 = arith.cmpi eq, %arg1, %eq3A : i32
    %convert_element_type3A = arith.extui %eq3A_162 : i1 to i32
    %cond3A = arith.constant 0 : i32
    %cond3A_163 = arith.cmpi ne, %convert_element_type3A, %cond3A : i32
    scf.if %cond3A_163 {
      "tpu.region"() ({
        %run_scoped3A = tpu.sem_alloc : memref<!tpu.dma_semaphore, #tpu.memory_space<semaphore_mem>>
        %dma_start3A_347 = arith.constant 0 : i32
        %dma_start3A_348 = arith.constant 0 : i32
        %dma_start3A_349 = tpu.memref_slice %arg5[%dma_start3A_347, %dma_start3A_348] : memref<10112x16xf32, #tpu.memory_space<hbm>> -> memref<40x16xf32, #tpu.memory_space<hbm>>
        tpu.enqueue_dma source(%dma_start3A_349 : memref<40x16xf32, #tpu.memory_space<hbm>>) target(%arg17 : memref<40x16xf32, #tpu.memory_space<vmem_shared>>) target_semaphore(%run_scoped3A : memref<!tpu.dma_semaphore, #tpu.memory_space<semaphore_mem>>)
        %dma_wait3A_350 = arith.constant 0 : i32
        %dma_wait3A_351 = arith.constant 0 : i32
        %dma_wait3A_352 = tpu.memref_slice %arg5[%dma_wait3A_350, %dma_wait3A_351] : memref<10112x16xf32, #tpu.memory_space<hbm>> -> memref<40x16xf32, #tpu.memory_space<hbm>>
        tpu.wait_dma2 semaphore(%run_scoped3A : memref<!tpu.dma_semaphore, #tpu.memory_space<semaphore_mem>>) src(%dma_wait3A_352 : memref<40x16xf32, #tpu.memory_space<hbm>>) dst(%arg17 : memref<40x16xf32, #tpu.memory_space<vmem_shared>>)
        tpu.yield
      }) : () -> ()
      "tpu.region"() ({
        %run_scoped3A = tpu.sem_alloc : memref<!tpu.dma_semaphore, #tpu.memory_space<semaphore_mem>>
        %dma_start3A_347 = arith.constant 40 : i32
        %dma_start3A_348 = arith.constant 0 : i32
        %dma_start3A_349 = tpu.memref_slice %arg5[%dma_start3A_347, %dma_start3A_348] : memref<10112x16xf32, #tpu.memory_space<hbm>> -> memref<40x16xf32, #tpu.memory_space<hbm>>
        tpu.enqueue_dma source(%dma_start3A_349 : memref<40x16xf32, #tpu.memory_space<hbm>>) target(%arg18 : memref<40x16xf32, #tpu.memory_space<vmem_shared>>) target_semaphore(%run_scoped3A : memref<!tpu.dma_semaphore, #tpu.memory_space<semaphore_mem>>)
        %dma_wait3A_350 = arith.constant 40 : i32
        %dma_wait3A_351 = arith.constant 0 : i32
        %dma_wait3A_352 = tpu.memref_slice %arg5[%dma_wait3A_350, %dma_wait3A_351] : memref<10112x16xf32, #tpu.memory_space<hbm>> -> memref<40x16xf32, #tpu.memory_space<hbm>>
        tpu.wait_dma2 semaphore(%run_scoped3A : memref<!tpu.dma_semaphore, #tpu.memory_space<semaphore_mem>>) src(%dma_wait3A_352 : memref<40x16xf32, #tpu.memory_space<hbm>>) dst(%arg18 : memref<40x16xf32, #tpu.memory_space<vmem_shared>>)
        tpu.yield
      }) : () -> ()
    } else {
    }
    %barrier3A = arith.constant 0 : index
    tpu.barrier barrier_id(%barrier3A)
    %scan3A = arith.constant 0 : i32
    %scan3A_164 = arith.constant 0 : i32
    %scan3A_165 = arith.constant 16 : i32
    %scan3A_166 = arith.addi %scan3A_164, %scan3A_165 : i32
    %scan3A_167 = arith.constant 1 : i32
    scf.for %scan3A_347 = %scan3A_164 to %scan3A_166 step %scan3A_167  : i32 {
      %mul3A_348 = arith.constant 10 : i32
      %mul3A_349 = arith.muli %mul3A_348, %scan3A_347 : i32
      %add3A = arith.constant 0 : i32
      %add3A_350 = arith.addi %mul3A_349, %add3A : i32
      %dma_wait3A_351 = arith.constant 0 : i32
      %dma_wait3A_352 = arith.constant 0 : i32
      %dma_wait3A_353 = arith.constant 0 : i32
      %dma_wait3A_354 = tpu.memref_slice %arg12[%dma_wait3A_351, %dma_wait3A_352, %dma_wait3A_353] : memref<10x128x16xf32, #tpu.memory_space<vmem>> -> memref<1x128x16xf32, #tpu.memory_space<vmem>>
      %dma_wait3A_355 = tpu.memref_squeeze %dma_wait3A_354 : memref<1x128x16xf32, #tpu.memory_space<vmem>> -> memref<128x16xf32, #tpu.memory_space<vmem>>
      %dma_wait3A_356 = arith.constant 0 : i32
      %dma_wait3A_357 = tpu.memref_slice %arg10[%add3A_350, %dma_wait3A_356] : memref<160x128xi32, #tpu.memory_space<vmem>> -> memref<1x128xi32, #tpu.memory_space<vmem>>
      %dma_wait3A_358 = tpu.memref_squeeze %dma_wait3A_357 : memref<1x128xi32, #tpu.memory_space<vmem>> -> memref<128xi32, #tpu.memory_space<vmem>>
      %dma_wait3A_359 = arith.constant 0 : i32
      %dma_wait3A_360 = arith.constant 0 : i32
      %dma_wait3A_361 = tpu.memref_slice %arg2[%arg0, %dma_wait3A_359, %dma_wait3A_360] : memref<2x10112x16xf32, #tpu.memory_space<hbm>> -> memref<1x10112x16xf32, #tpu.memory_space<hbm>>
      %dma_wait3A_362 = tpu.memref_squeeze %dma_wait3A_361 : memref<1x10112x16xf32, #tpu.memory_space<hbm>> -> memref<10112x16xf32, #tpu.memory_space<hbm>>
      %dma_wait3A_363 = arith.constant 0 : i32
      %dma_wait3A_364 = arith.constant 0 : i32
      %dma_wait3A_365 = tpu.memref_slice %dma_wait3A_362[%dma_wait3A_363, %dma_wait3A_364] : memref<10112x16xf32, #tpu.memory_space<hbm>> -> memref<10112x16xf32, #tpu.memory_space<hbm>>
      tpu.wait_indirect_dma semaphore(%arg19 : memref<!tpu.dma_semaphore, #tpu.memory_space<semaphore_mem>>) src(%dma_wait3A_365 : memref<10112x16xf32, #tpu.memory_space<hbm>>) dst(%dma_wait3A_355 : memref<128x16xf32, #tpu.memory_space<vmem>>)
      %dma_start3A_366 = arith.constant 0 : i32
      %dma_start3A_367 = arith.constant 0 : i32
      %dma_start3A_368 = arith.constant 0 : i32
      %dma_start3A_369 = tpu.memref_slice %arg12[%dma_start3A_366, %dma_start3A_367, %dma_start3A_368] : memref<10x128x16xf32, #tpu.memory_space<vmem>> -> memref<1x128x16xf32, #tpu.memory_space<vmem>>
      %dma_start3A_370 = tpu.memref_squeeze %dma_start3A_369 : memref<1x128x16xf32, #tpu.memory_space<vmem>> -> memref<128x16xf32, #tpu.memory_space<vmem>>
      %dma_start3A_371 = arith.constant 0 : i32
      %dma_start3A_372 = tpu.memref_slice %arg11[%add3A_350, %dma_start3A_371] : memref<160x128xi32, #tpu.memory_space<vmem>> -> memref<1x128xi32, #tpu.memory_space<vmem>>
      %dma_start3A_373 = tpu.memref_squeeze %dma_start3A_372 : memref<1x128xi32, #tpu.memory_space<vmem>> -> memref<128xi32, #tpu.memory_space<vmem>>
      %dma_start3A_374 = arith.constant 0 : i32
      %dma_start3A_375 = arith.constant 0 : i32
      %dma_start3A_376 = tpu.memref_slice %arg16[%dma_start3A_374, %dma_start3A_375] : memref<10112x16xf32, #tpu.memory_space<vmem_shared>> -> memref<10112x16xf32, #tpu.memory_space<vmem_shared>>
      tpu.enqueue_indirect_dma source(%dma_start3A_370 : memref<128x16xf32, #tpu.memory_space<vmem>>) target(%dma_start3A_376 : memref<10112x16xf32, #tpu.memory_space<vmem_shared>>) offsets(%dma_start3A_373 : memref<128xi32, #tpu.memory_space<vmem>>) semaphore(%arg29 : memref<!tpu.dma_semaphore, #tpu.memory_space<semaphore_mem>>) {add = true}
      %add3A_377 = arith.constant 1 : i32
      %add3A_378 = arith.addi %mul3A_349, %add3A_377 : i32
      %dma_wait3A_379 = arith.constant 1 : i32
      %dma_wait3A_380 = arith.constant 0 : i32
      %dma_wait3A_381 = arith.constant 0 : i32
      %dma_wait3A_382 = tpu.memref_slice %arg12[%dma_wait3A_379, %dma_wait3A_380, %dma_wait3A_381] : memref<10x128x16xf32, #tpu.memory_space<vmem>> -> memref<1x128x16xf32, #tpu.memory_space<vmem>>
      %dma_wait3A_383 = tpu.memref_squeeze %dma_wait3A_382 : memref<1x128x16xf32, #tpu.memory_space<vmem>> -> memref<128x16xf32, #tpu.memory_space<vmem>>
      %dma_wait3A_384 = arith.constant 0 : i32
      %dma_wait3A_385 = tpu.memref_slice %arg10[%add3A_378, %dma_wait3A_384] : memref<160x128xi32, #tpu.memory_space<vmem>> -> memref<1x128xi32, #tpu.memory_space<vmem>>
      %dma_wait3A_386 = tpu.memref_squeeze %dma_wait3A_385 : memref<1x128xi32, #tpu.memory_space<vmem>> -> memref<128xi32, #tpu.memory_space<vmem>>
      %dma_wait3A_387 = arith.constant 0 : i32
      %dma_wait3A_388 = arith.constant 0 : i32
      %dma_wait3A_389 = tpu.memref_slice %arg2[%arg0, %dma_wait3A_387, %dma_wait3A_388] : memref<2x10112x16xf32, #tpu.memory_space<hbm>> -> memref<1x10112x16xf32, #tpu.memory_space<hbm>>
      %dma_wait3A_390 = tpu.memref_squeeze %dma_wait3A_389 : memref<1x10112x16xf32, #tpu.memory_space<hbm>> -> memref<10112x16xf32, #tpu.memory_space<hbm>>
      %dma_wait3A_391 = arith.constant 0 : i32
      %dma_wait3A_392 = arith.constant 0 : i32
      %dma_wait3A_393 = tpu.memref_slice %dma_wait3A_390[%dma_wait3A_391, %dma_wait3A_392] : memref<10112x16xf32, #tpu.memory_space<hbm>> -> memref<10112x16xf32, #tpu.memory_space<hbm>>
      tpu.wait_indirect_dma semaphore(%arg20 : memref<!tpu.dma_semaphore, #tpu.memory_space<semaphore_mem>>) src(%dma_wait3A_393 : memref<10112x16xf32, #tpu.memory_space<hbm>>) dst(%dma_wait3A_383 : memref<128x16xf32, #tpu.memory_space<vmem>>)
      %dma_start3A_394 = arith.constant 1 : i32
      %dma_start3A_395 = arith.constant 0 : i32
      %dma_start3A_396 = arith.constant 0 : i32
      %dma_start3A_397 = tpu.memref_slice %arg12[%dma_start3A_394, %dma_start3A_395, %dma_start3A_396] : memref<10x128x16xf32, #tpu.memory_space<vmem>> -> memref<1x128x16xf32, #tpu.memory_space<vmem>>
      %dma_start3A_398 = tpu.memref_squeeze %dma_start3A_397 : memref<1x128x16xf32, #tpu.memory_space<vmem>> -> memref<128x16xf32, #tpu.memory_space<vmem>>
      %dma_start3A_399 = arith.constant 0 : i32
      %dma_start3A_400 = tpu.memref_slice %arg11[%add3A_378, %dma_start3A_399] : memref<160x128xi32, #tpu.memory_space<vmem>> -> memref<1x128xi32, #tpu.memory_space<vmem>>
      %dma_start3A_401 = tpu.memref_squeeze %dma_start3A_400 : memref<1x128xi32, #tpu.memory_space<vmem>> -> memref<128xi32, #tpu.memory_space<vmem>>
      %dma_start3A_402 = arith.constant 0 : i32
      %dma_start3A_403 = arith.constant 0 : i32
      %dma_start3A_404 = tpu.memref_slice %arg16[%dma_start3A_402, %dma_start3A_403] : memref<10112x16xf32, #tpu.memory_space<vmem_shared>> -> memref<10112x16xf32, #tpu.memory_space<vmem_shared>>
      tpu.enqueue_indirect_dma source(%dma_start3A_398 : memref<128x16xf32, #tpu.memory_space<vmem>>) target(%dma_start3A_404 : memref<10112x16xf32, #tpu.memory_space<vmem_shared>>) offsets(%dma_start3A_401 : memref<128xi32, #tpu.memory_space<vmem>>) semaphore(%arg30 : memref<!tpu.dma_semaphore, #tpu.memory_space<semaphore_mem>>) {add = true}
      %add3A_405 = arith.constant 2 : i32
      %add3A_406 = arith.addi %mul3A_349, %add3A_405 : i32
      %dma_wait3A_407 = arith.constant 2 : i32
      %dma_wait3A_408 = arith.constant 0 : i32
      %dma_wait3A_409 = arith.constant 0 : i32
      %dma_wait3A_410 = tpu.memref_slice %arg12[%dma_wait3A_407, %dma_wait3A_408, %dma_wait3A_409] : memref<10x128x16xf32, #tpu.memory_space<vmem>> -> memref<1x128x16xf32, #tpu.memory_space<vmem>>
      %dma_wait3A_411 = tpu.memref_squeeze %dma_wait3A_410 : memref<1x128x16xf32, #tpu.memory_space<vmem>> -> memref<128x16xf32, #tpu.memory_space<vmem>>
      %dma_wait3A_412 = arith.constant 0 : i32
      %dma_wait3A_413 = tpu.memref_slice %arg10[%add3A_406, %dma_wait3A_412] : memref<160x128xi32, #tpu.memory_space<vmem>> -> memref<1x128xi32, #tpu.memory_space<vmem>>
      %dma_wait3A_414 = tpu.memref_squeeze %dma_wait3A_413 : memref<1x128xi32, #tpu.memory_space<vmem>> -> memref<128xi32, #tpu.memory_space<vmem>>
      %dma_wait3A_415 = arith.constant 0 : i32
      %dma_wait3A_416 = arith.constant 0 : i32
      %dma_wait3A_417 = tpu.memref_slice %arg2[%arg0, %dma_wait3A_415, %dma_wait3A_416] : memref<2x10112x16xf32, #tpu.memory_space<hbm>> -> memref<1x10112x16xf32, #tpu.memory_space<hbm>>
      %dma_wait3A_418 = tpu.memref_squeeze %dma_wait3A_417 : memref<1x10112x16xf32, #tpu.memory_space<hbm>> -> memref<10112x16xf32, #tpu.memory_space<hbm>>
      %dma_wait3A_419 = arith.constant 0 : i32
      %dma_wait3A_420 = arith.constant 0 : i32
      %dma_wait3A_421 = tpu.memref_slice %dma_wait3A_418[%dma_wait3A_419, %dma_wait3A_420] : memref<10112x16xf32, #tpu.memory_space<hbm>> -> memref<10112x16xf32, #tpu.memory_space<hbm>>
      tpu.wait_indirect_dma semaphore(%arg21 : memref<!tpu.dma_semaphore, #tpu.memory_space<semaphore_mem>>) src(%dma_wait3A_421 : memref<10112x16xf32, #tpu.memory_space<hbm>>) dst(%dma_wait3A_411 : memref<128x16xf32, #tpu.memory_space<vmem>>)
      %dma_start3A_422 = arith.constant 2 : i32
      %dma_start3A_423 = arith.constant 0 : i32
      %dma_start3A_424 = arith.constant 0 : i32
      %dma_start3A_425 = tpu.memref_slice %arg12[%dma_start3A_422, %dma_start3A_423, %dma_start3A_424] : memref<10x128x16xf32, #tpu.memory_space<vmem>> -> memref<1x128x16xf32, #tpu.memory_space<vmem>>
      %dma_start3A_426 = tpu.memref_squeeze %dma_start3A_425 : memref<1x128x16xf32, #tpu.memory_space<vmem>> -> memref<128x16xf32, #tpu.memory_space<vmem>>
      %dma_start3A_427 = arith.constant 0 : i32
      %dma_start3A_428 = tpu.memref_slice %arg11[%add3A_406, %dma_start3A_427] : memref<160x128xi32, #tpu.memory_space<vmem>> -> memref<1x128xi32, #tpu.memory_space<vmem>>
      %dma_start3A_429 = tpu.memref_squeeze %dma_start3A_428 : memref<1x128xi32, #tpu.memory_space<vmem>> -> memref<128xi32, #tpu.memory_space<vmem>>
      %dma_start3A_430 = arith.constant 0 : i32
      %dma_start3A_431 = arith.constant 0 : i32
      %dma_start3A_432 = tpu.memref_slice %arg16[%dma_start3A_430, %dma_start3A_431] : memref<10112x16xf32, #tpu.memory_space<vmem_shared>> -> memref<10112x16xf32, #tpu.memory_space<vmem_shared>>
      tpu.enqueue_indirect_dma source(%dma_start3A_426 : memref<128x16xf32, #tpu.memory_space<vmem>>) target(%dma_start3A_432 : memref<10112x16xf32, #tpu.memory_space<vmem_shared>>) offsets(%dma_start3A_429 : memref<128xi32, #tpu.memory_space<vmem>>) semaphore(%arg31 : memref<!tpu.dma_semaphore, #tpu.memory_space<semaphore_mem>>) {add = true}
      %add3A_433 = arith.constant 3 : i32
      %add3A_434 = arith.addi %mul3A_349, %add3A_433 : i32
      %dma_wait3A_435 = arith.constant 3 : i32
      %dma_wait3A_436 = arith.constant 0 : i32
      %dma_wait3A_437 = arith.constant 0 : i32
      %dma_wait3A_438 = tpu.memref_slice %arg12[%dma_wait3A_435, %dma_wait3A_436, %dma_wait3A_437] : memref<10x128x16xf32, #tpu.memory_space<vmem>> -> memref<1x128x16xf32, #tpu.memory_space<vmem>>
      %dma_wait3A_439 = tpu.memref_squeeze %dma_wait3A_438 : memref<1x128x16xf32, #tpu.memory_space<vmem>> -> memref<128x16xf32, #tpu.memory_space<vmem>>
      %dma_wait3A_440 = arith.constant 0 : i32
      %dma_wait3A_441 = tpu.memref_slice %arg10[%add3A_434, %dma_wait3A_440] : memref<160x128xi32, #tpu.memory_space<vmem>> -> memref<1x128xi32, #tpu.memory_space<vmem>>
      %dma_wait3A_442 = tpu.memref_squeeze %dma_wait3A_441 : memref<1x128xi32, #tpu.memory_space<vmem>> -> memref<128xi32, #tpu.memory_space<vmem>>
      %dma_wait3A_443 = arith.constant 0 : i32
      %dma_wait3A_444 = arith.constant 0 : i32
      %dma_wait3A_445 = tpu.memref_slice %arg2[%arg0, %dma_wait3A_443, %dma_wait3A_444] : memref<2x10112x16xf32, #tpu.memory_space<hbm>> -> memref<1x10112x16xf32, #tpu.memory_space<hbm>>
      %dma_wait3A_446 = tpu.memref_squeeze %dma_wait3A_445 : memref<1x10112x16xf32, #tpu.memory_space<hbm>> -> memref<10112x16xf32, #tpu.memory_space<hbm>>
      %dma_wait3A_447 = arith.constant 0 : i32
      %dma_wait3A_448 = arith.constant 0 : i32
      %dma_wait3A_449 = tpu.memref_slice %dma_wait3A_446[%dma_wait3A_447, %dma_wait3A_448] : memref<10112x16xf32, #tpu.memory_space<hbm>> -> memref<10112x16xf32, #tpu.memory_space<hbm>>
      tpu.wait_indirect_dma semaphore(%arg22 : memref<!tpu.dma_semaphore, #tpu.memory_space<semaphore_mem>>) src(%dma_wait3A_449 : memref<10112x16xf32, #tpu.memory_space<hbm>>) dst(%dma_wait3A_439 : memref<128x16xf32, #tpu.memory_space<vmem>>)
      %dma_start3A_450 = arith.constant 3 : i32
      %dma_start3A_451 = arith.constant 0 : i32
      %dma_start3A_452 = arith.constant 0 : i32
      %dma_start3A_453 = tpu.memref_slice %arg12[%dma_start3A_450, %dma_start3A_451, %dma_start3A_452] : memref<10x128x16xf32, #tpu.memory_space<vmem>> -> memref<1x128x16xf32, #tpu.memory_space<vmem>>
      %dma_start3A_454 = tpu.memref_squeeze %dma_start3A_453 : memref<1x128x16xf32, #tpu.memory_space<vmem>> -> memref<128x16xf32, #tpu.memory_space<vmem>>
      %dma_start3A_455 = arith.constant 0 : i32
      %dma_start3A_456 = tpu.memref_slice %arg11[%add3A_434, %dma_start3A_455] : memref<160x128xi32, #tpu.memory_space<vmem>> -> memref<1x128xi32, #tpu.memory_space<vmem>>
      %dma_start3A_457 = tpu.memref_squeeze %dma_start3A_456 : memref<1x128xi32, #tpu.memory_space<vmem>> -> memref<128xi32, #tpu.memory_space<vmem>>
      %dma_start3A_458 = arith.constant 0 : i32
      %dma_start3A_459 = arith.constant 0 : i32
      %dma_start3A_460 = tpu.memref_slice %arg16[%dma_start3A_458, %dma_start3A_459] : memref<10112x16xf32, #tpu.memory_space<vmem_shared>> -> memref<10112x16xf32, #tpu.memory_space<vmem_shared>>
      tpu.enqueue_indirect_dma source(%dma_start3A_454 : memref<128x16xf32, #tpu.memory_space<vmem>>) target(%dma_start3A_460 : memref<10112x16xf32, #tpu.memory_space<vmem_shared>>) offsets(%dma_start3A_457 : memref<128xi32, #tpu.memory_space<vmem>>) semaphore(%arg32 : memref<!tpu.dma_semaphore, #tpu.memory_space<semaphore_mem>>) {add = true}
      %add3A_461 = arith.constant 4 : i32
      %add3A_462 = arith.addi %mul3A_349, %add3A_461 : i32
      %dma_wait3A_463 = arith.constant 4 : i32
      %dma_wait3A_464 = arith.constant 0 : i32
      %dma_wait3A_465 = arith.constant 0 : i32
      %dma_wait3A_466 = tpu.memref_slice %arg12[%dma_wait3A_463, %dma_wait3A_464, %dma_wait3A_465] : memref<10x128x16xf32, #tpu.memory_space<vmem>> -> memref<1x128x16xf32, #tpu.memory_space<vmem>>
      %dma_wait3A_467 = tpu.memref_squeeze %dma_wait3A_466 : memref<1x128x16xf32, #tpu.memory_space<vmem>> -> memref<128x16xf32, #tpu.memory_space<vmem>>
      %dma_wait3A_468 = arith.constant 0 : i32
      %dma_wait3A_469 = tpu.memref_slice %arg10[%add3A_462, %dma_wait3A_468] : memref<160x128xi32, #tpu.memory_space<vmem>> -> memref<1x128xi32, #tpu.memory_space<vmem>>
      %dma_wait3A_470 = tpu.memref_squeeze %dma_wait3A_469 : memref<1x128xi32, #tpu.memory_space<vmem>> -> memref<128xi32, #tpu.memory_space<vmem>>
      %dma_wait3A_471 = arith.constant 0 : i32
      %dma_wait3A_472 = arith.constant 0 : i32
      %dma_wait3A_473 = tpu.memref_slice %arg2[%arg0, %dma_wait3A_471, %dma_wait3A_472] : memref<2x10112x16xf32, #tpu.memory_space<hbm>> -> memref<1x10112x16xf32, #tpu.memory_space<hbm>>
      %dma_wait3A_474 = tpu.memref_squeeze %dma_wait3A_473 : memref<1x10112x16xf32, #tpu.memory_space<hbm>> -> memref<10112x16xf32, #tpu.memory_space<hbm>>
      %dma_wait3A_475 = arith.constant 0 : i32
      %dma_wait3A_476 = arith.constant 0 : i32
      %dma_wait3A_477 = tpu.memref_slice %dma_wait3A_474[%dma_wait3A_475, %dma_wait3A_476] : memref<10112x16xf32, #tpu.memory_space<hbm>> -> memref<10112x16xf32, #tpu.memory_space<hbm>>
      tpu.wait_indirect_dma semaphore(%arg23 : memref<!tpu.dma_semaphore, #tpu.memory_space<semaphore_mem>>) src(%dma_wait3A_477 : memref<10112x16xf32, #tpu.memory_space<hbm>>) dst(%dma_wait3A_467 : memref<128x16xf32, #tpu.memory_space<vmem>>)
      %dma_start3A_478 = arith.constant 4 : i32
      %dma_start3A_479 = arith.constant 0 : i32
      %dma_start3A_480 = arith.constant 0 : i32
      %dma_start3A_481 = tpu.memref_slice %arg12[%dma_start3A_478, %dma_start3A_479, %dma_start3A_480] : memref<10x128x16xf32, #tpu.memory_space<vmem>> -> memref<1x128x16xf32, #tpu.memory_space<vmem>>
      %dma_start3A_482 = tpu.memref_squeeze %dma_start3A_481 : memref<1x128x16xf32, #tpu.memory_space<vmem>> -> memref<128x16xf32, #tpu.memory_space<vmem>>
      %dma_start3A_483 = arith.constant 0 : i32
      %dma_start3A_484 = tpu.memref_slice %arg11[%add3A_462, %dma_start3A_483] : memref<160x128xi32, #tpu.memory_space<vmem>> -> memref<1x128xi32, #tpu.memory_space<vmem>>
      %dma_start3A_485 = tpu.memref_squeeze %dma_start3A_484 : memref<1x128xi32, #tpu.memory_space<vmem>> -> memref<128xi32, #tpu.memory_space<vmem>>
      %dma_start3A_486 = arith.constant 0 : i32
      %dma_start3A_487 = arith.constant 0 : i32
      %dma_start3A_488 = tpu.memref_slice %arg16[%dma_start3A_486, %dma_start3A_487] : memref<10112x16xf32, #tpu.memory_space<vmem_shared>> -> memref<10112x16xf32, #tpu.memory_space<vmem_shared>>
      tpu.enqueue_indirect_dma source(%dma_start3A_482 : memref<128x16xf32, #tpu.memory_space<vmem>>) target(%dma_start3A_488 : memref<10112x16xf32, #tpu.memory_space<vmem_shared>>) offsets(%dma_start3A_485 : memref<128xi32, #tpu.memory_space<vmem>>) semaphore(%arg33 : memref<!tpu.dma_semaphore, #tpu.memory_space<semaphore_mem>>) {add = true}
      %add3A_489 = arith.constant 5 : i32
      %add3A_490 = arith.addi %mul3A_349, %add3A_489 : i32
      %dma_wait3A_491 = arith.constant 5 : i32
      %dma_wait3A_492 = arith.constant 0 : i32
      %dma_wait3A_493 = arith.constant 0 : i32
      %dma_wait3A_494 = tpu.memref_slice %arg12[%dma_wait3A_491, %dma_wait3A_492, %dma_wait3A_493] : memref<10x128x16xf32, #tpu.memory_space<vmem>> -> memref<1x128x16xf32, #tpu.memory_space<vmem>>
      %dma_wait3A_495 = tpu.memref_squeeze %dma_wait3A_494 : memref<1x128x16xf32, #tpu.memory_space<vmem>> -> memref<128x16xf32, #tpu.memory_space<vmem>>
      %dma_wait3A_496 = arith.constant 0 : i32
      %dma_wait3A_497 = tpu.memref_slice %arg10[%add3A_490, %dma_wait3A_496] : memref<160x128xi32, #tpu.memory_space<vmem>> -> memref<1x128xi32, #tpu.memory_space<vmem>>
      %dma_wait3A_498 = tpu.memref_squeeze %dma_wait3A_497 : memref<1x128xi32, #tpu.memory_space<vmem>> -> memref<128xi32, #tpu.memory_space<vmem>>
      %dma_wait3A_499 = arith.constant 0 : i32
      %dma_wait3A_500 = arith.constant 0 : i32
      %dma_wait3A_501 = tpu.memref_slice %arg2[%arg0, %dma_wait3A_499, %dma_wait3A_500] : memref<2x10112x16xf32, #tpu.memory_space<hbm>> -> memref<1x10112x16xf32, #tpu.memory_space<hbm>>
      %dma_wait3A_502 = tpu.memref_squeeze %dma_wait3A_501 : memref<1x10112x16xf32, #tpu.memory_space<hbm>> -> memref<10112x16xf32, #tpu.memory_space<hbm>>
      %dma_wait3A_503 = arith.constant 0 : i32
      %dma_wait3A_504 = arith.constant 0 : i32
      %dma_wait3A_505 = tpu.memref_slice %dma_wait3A_502[%dma_wait3A_503, %dma_wait3A_504] : memref<10112x16xf32, #tpu.memory_space<hbm>> -> memref<10112x16xf32, #tpu.memory_space<hbm>>
      tpu.wait_indirect_dma semaphore(%arg24 : memref<!tpu.dma_semaphore, #tpu.memory_space<semaphore_mem>>) src(%dma_wait3A_505 : memref<10112x16xf32, #tpu.memory_space<hbm>>) dst(%dma_wait3A_495 : memref<128x16xf32, #tpu.memory_space<vmem>>)
      %dma_start3A_506 = arith.constant 5 : i32
      %dma_start3A_507 = arith.constant 0 : i32
      %dma_start3A_508 = arith.constant 0 : i32
      %dma_start3A_509 = tpu.memref_slice %arg12[%dma_start3A_506, %dma_start3A_507, %dma_start3A_508] : memref<10x128x16xf32, #tpu.memory_space<vmem>> -> memref<1x128x16xf32, #tpu.memory_space<vmem>>
      %dma_start3A_510 = tpu.memref_squeeze %dma_start3A_509 : memref<1x128x16xf32, #tpu.memory_space<vmem>> -> memref<128x16xf32, #tpu.memory_space<vmem>>
      %dma_start3A_511 = arith.constant 0 : i32
      %dma_start3A_512 = tpu.memref_slice %arg11[%add3A_490, %dma_start3A_511] : memref<160x128xi32, #tpu.memory_space<vmem>> -> memref<1x128xi32, #tpu.memory_space<vmem>>
      %dma_start3A_513 = tpu.memref_squeeze %dma_start3A_512 : memref<1x128xi32, #tpu.memory_space<vmem>> -> memref<128xi32, #tpu.memory_space<vmem>>
      %dma_start3A_514 = arith.constant 0 : i32
      %dma_start3A_515 = arith.constant 0 : i32
      %dma_start3A_516 = tpu.memref_slice %arg16[%dma_start3A_514, %dma_start3A_515] : memref<10112x16xf32, #tpu.memory_space<vmem_shared>> -> memref<10112x16xf32, #tpu.memory_space<vmem_shared>>
      tpu.enqueue_indirect_dma source(%dma_start3A_510 : memref<128x16xf32, #tpu.memory_space<vmem>>) target(%dma_start3A_516 : memref<10112x16xf32, #tpu.memory_space<vmem_shared>>) offsets(%dma_start3A_513 : memref<128xi32, #tpu.memory_space<vmem>>) semaphore(%arg34 : memref<!tpu.dma_semaphore, #tpu.memory_space<semaphore_mem>>) {add = true}
      %add3A_517 = arith.constant 6 : i32
      %add3A_518 = arith.addi %mul3A_349, %add3A_517 : i32
      %dma_wait3A_519 = arith.constant 6 : i32
      %dma_wait3A_520 = arith.constant 0 : i32
      %dma_wait3A_521 = arith.constant 0 : i32
      %dma_wait3A_522 = tpu.memref_slice %arg12[%dma_wait3A_519, %dma_wait3A_520, %dma_wait3A_521] : memref<10x128x16xf32, #tpu.memory_space<vmem>> -> memref<1x128x16xf32, #tpu.memory_space<vmem>>
      %dma_wait3A_523 = tpu.memref_squeeze %dma_wait3A_522 : memref<1x128x16xf32, #tpu.memory_space<vmem>> -> memref<128x16xf32, #tpu.memory_space<vmem>>
      %dma_wait3A_524 = arith.constant 0 : i32
      %dma_wait3A_525 = tpu.memref_slice %arg10[%add3A_518, %dma_wait3A_524] : memref<160x128xi32, #tpu.memory_space<vmem>> -> memref<1x128xi32, #tpu.memory_space<vmem>>
      %dma_wait3A_526 = tpu.memref_squeeze %dma_wait3A_525 : memref<1x128xi32, #tpu.memory_space<vmem>> -> memref<128xi32, #tpu.memory_space<vmem>>
      %dma_wait3A_527 = arith.constant 0 : i32
      %dma_wait3A_528 = arith.constant 0 : i32
      %dma_wait3A_529 = tpu.memref_slice %arg2[%arg0, %dma_wait3A_527, %dma_wait3A_528] : memref<2x10112x16xf32, #tpu.memory_space<hbm>> -> memref<1x10112x16xf32, #tpu.memory_space<hbm>>
      %dma_wait3A_530 = tpu.memref_squeeze %dma_wait3A_529 : memref<1x10112x16xf32, #tpu.memory_space<hbm>> -> memref<10112x16xf32, #tpu.memory_space<hbm>>
      %dma_wait3A_531 = arith.constant 0 : i32
      %dma_wait3A_532 = arith.constant 0 : i32
      %dma_wait3A_533 = tpu.memref_slice %dma_wait3A_530[%dma_wait3A_531, %dma_wait3A_532] : memref<10112x16xf32, #tpu.memory_space<hbm>> -> memref<10112x16xf32, #tpu.memory_space<hbm>>
      tpu.wait_indirect_dma semaphore(%arg25 : memref<!tpu.dma_semaphore, #tpu.memory_space<semaphore_mem>>) src(%dma_wait3A_533 : memref<10112x16xf32, #tpu.memory_space<hbm>>) dst(%dma_wait3A_523 : memref<128x16xf32, #tpu.memory_space<vmem>>)
      %dma_start3A_534 = arith.constant 6 : i32
      %dma_start3A_535 = arith.constant 0 : i32
      %dma_start3A_536 = arith.constant 0 : i32
      %dma_start3A_537 = tpu.memref_slice %arg12[%dma_start3A_534, %dma_start3A_535, %dma_start3A_536] : memref<10x128x16xf32, #tpu.memory_space<vmem>> -> memref<1x128x16xf32, #tpu.memory_space<vmem>>
      %dma_start3A_538 = tpu.memref_squeeze %dma_start3A_537 : memref<1x128x16xf32, #tpu.memory_space<vmem>> -> memref<128x16xf32, #tpu.memory_space<vmem>>
      %dma_start3A_539 = arith.constant 0 : i32
      %dma_start3A_540 = tpu.memref_slice %arg11[%add3A_518, %dma_start3A_539] : memref<160x128xi32, #tpu.memory_space<vmem>> -> memref<1x128xi32, #tpu.memory_space<vmem>>
      %dma_start3A_541 = tpu.memref_squeeze %dma_start3A_540 : memref<1x128xi32, #tpu.memory_space<vmem>> -> memref<128xi32, #tpu.memory_space<vmem>>
      %dma_start3A_542 = arith.constant 0 : i32
      %dma_start3A_543 = arith.constant 0 : i32
      %dma_start3A_544 = tpu.memref_slice %arg16[%dma_start3A_542, %dma_start3A_543] : memref<10112x16xf32, #tpu.memory_space<vmem_shared>> -> memref<10112x16xf32, #tpu.memory_space<vmem_shared>>
      tpu.enqueue_indirect_dma source(%dma_start3A_538 : memref<128x16xf32, #tpu.memory_space<vmem>>) target(%dma_start3A_544 : memref<10112x16xf32, #tpu.memory_space<vmem_shared>>) offsets(%dma_start3A_541 : memref<128xi32, #tpu.memory_space<vmem>>) semaphore(%arg35 : memref<!tpu.dma_semaphore, #tpu.memory_space<semaphore_mem>>) {add = true}
      %add3A_545 = arith.constant 7 : i32
      %add3A_546 = arith.addi %mul3A_349, %add3A_545 : i32
      %dma_wait3A_547 = arith.constant 7 : i32
      %dma_wait3A_548 = arith.constant 0 : i32
      %dma_wait3A_549 = arith.constant 0 : i32
      %dma_wait3A_550 = tpu.memref_slice %arg12[%dma_wait3A_547, %dma_wait3A_548, %dma_wait3A_549] : memref<10x128x16xf32, #tpu.memory_space<vmem>> -> memref<1x128x16xf32, #tpu.memory_space<vmem>>
      %dma_wait3A_551 = tpu.memref_squeeze %dma_wait3A_550 : memref<1x128x16xf32, #tpu.memory_space<vmem>> -> memref<128x16xf32, #tpu.memory_space<vmem>>
      %dma_wait3A_552 = arith.constant 0 : i32
      %dma_wait3A_553 = tpu.memref_slice %arg10[%add3A_546, %dma_wait3A_552] : memref<160x128xi32, #tpu.memory_space<vmem>> -> memref<1x128xi32, #tpu.memory_space<vmem>>
      %dma_wait3A_554 = tpu.memref_squeeze %dma_wait3A_553 : memref<1x128xi32, #tpu.memory_space<vmem>> -> memref<128xi32, #tpu.memory_space<vmem>>
      %dma_wait3A_555 = arith.constant 0 : i32
      %dma_wait3A_556 = arith.constant 0 : i32
      %dma_wait3A_557 = tpu.memref_slice %arg2[%arg0, %dma_wait3A_555, %dma_wait3A_556] : memref<2x10112x16xf32, #tpu.memory_space<hbm>> -> memref<1x10112x16xf32, #tpu.memory_space<hbm>>
      %dma_wait3A_558 = tpu.memref_squeeze %dma_wait3A_557 : memref<1x10112x16xf32, #tpu.memory_space<hbm>> -> memref<10112x16xf32, #tpu.memory_space<hbm>>
      %dma_wait3A_559 = arith.constant 0 : i32
      %dma_wait3A_560 = arith.constant 0 : i32
      %dma_wait3A_561 = tpu.memref_slice %dma_wait3A_558[%dma_wait3A_559, %dma_wait3A_560] : memref<10112x16xf32, #tpu.memory_space<hbm>> -> memref<10112x16xf32, #tpu.memory_space<hbm>>
      tpu.wait_indirect_dma semaphore(%arg26 : memref<!tpu.dma_semaphore, #tpu.memory_space<semaphore_mem>>) src(%dma_wait3A_561 : memref<10112x16xf32, #tpu.memory_space<hbm>>) dst(%dma_wait3A_551 : memref<128x16xf32, #tpu.memory_space<vmem>>)
      %dma_start3A_562 = arith.constant 7 : i32
      %dma_start3A_563 = arith.constant 0 : i32
      %dma_start3A_564 = arith.constant 0 : i32
      %dma_start3A_565 = tpu.memref_slice %arg12[%dma_start3A_562, %dma_start3A_563, %dma_start3A_564] : memref<10x128x16xf32, #tpu.memory_space<vmem>> -> memref<1x128x16xf32, #tpu.memory_space<vmem>>
      %dma_start3A_566 = tpu.memref_squeeze %dma_start3A_565 : memref<1x128x16xf32, #tpu.memory_space<vmem>> -> memref<128x16xf32, #tpu.memory_space<vmem>>
      %dma_start3A_567 = arith.constant 0 : i32
      %dma_start3A_568 = tpu.memref_slice %arg11[%add3A_546, %dma_start3A_567] : memref<160x128xi32, #tpu.memory_space<vmem>> -> memref<1x128xi32, #tpu.memory_space<vmem>>
      %dma_start3A_569 = tpu.memref_squeeze %dma_start3A_568 : memref<1x128xi32, #tpu.memory_space<vmem>> -> memref<128xi32, #tpu.memory_space<vmem>>
      %dma_start3A_570 = arith.constant 0 : i32
      %dma_start3A_571 = arith.constant 0 : i32
      %dma_start3A_572 = tpu.memref_slice %arg16[%dma_start3A_570, %dma_start3A_571] : memref<10112x16xf32, #tpu.memory_space<vmem_shared>> -> memref<10112x16xf32, #tpu.memory_space<vmem_shared>>
      tpu.enqueue_indirect_dma source(%dma_start3A_566 : memref<128x16xf32, #tpu.memory_space<vmem>>) target(%dma_start3A_572 : memref<10112x16xf32, #tpu.memory_space<vmem_shared>>) offsets(%dma_start3A_569 : memref<128xi32, #tpu.memory_space<vmem>>) semaphore(%arg36 : memref<!tpu.dma_semaphore, #tpu.memory_space<semaphore_mem>>) {add = true}
      %add3A_573 = arith.constant 8 : i32
      %add3A_574 = arith.addi %mul3A_349, %add3A_573 : i32
      %dma_wait3A_575 = arith.constant 8 : i32
      %dma_wait3A_576 = arith.constant 0 : i32
      %dma_wait3A_577 = arith.constant 0 : i32
      %dma_wait3A_578 = tpu.memref_slice %arg12[%dma_wait3A_575, %dma_wait3A_576, %dma_wait3A_577] : memref<10x128x16xf32, #tpu.memory_space<vmem>> -> memref<1x128x16xf32, #tpu.memory_space<vmem>>
      %dma_wait3A_579 = tpu.memref_squeeze %dma_wait3A_578 : memref<1x128x16xf32, #tpu.memory_space<vmem>> -> memref<128x16xf32, #tpu.memory_space<vmem>>
      %dma_wait3A_580 = arith.constant 0 : i32
      %dma_wait3A_581 = tpu.memref_slice %arg10[%add3A_574, %dma_wait3A_580] : memref<160x128xi32, #tpu.memory_space<vmem>> -> memref<1x128xi32, #tpu.memory_space<vmem>>
      %dma_wait3A_582 = tpu.memref_squeeze %dma_wait3A_581 : memref<1x128xi32, #tpu.memory_space<vmem>> -> memref<128xi32, #tpu.memory_space<vmem>>
      %dma_wait3A_583 = arith.constant 0 : i32
      %dma_wait3A_584 = arith.constant 0 : i32
      %dma_wait3A_585 = tpu.memref_slice %arg2[%arg0, %dma_wait3A_583, %dma_wait3A_584] : memref<2x10112x16xf32, #tpu.memory_space<hbm>> -> memref<1x10112x16xf32, #tpu.memory_space<hbm>>
      %dma_wait3A_586 = tpu.memref_squeeze %dma_wait3A_585 : memref<1x10112x16xf32, #tpu.memory_space<hbm>> -> memref<10112x16xf32, #tpu.memory_space<hbm>>
      %dma_wait3A_587 = arith.constant 0 : i32
      %dma_wait3A_588 = arith.constant 0 : i32
      %dma_wait3A_589 = tpu.memref_slice %dma_wait3A_586[%dma_wait3A_587, %dma_wait3A_588] : memref<10112x16xf32, #tpu.memory_space<hbm>> -> memref<10112x16xf32, #tpu.memory_space<hbm>>
      tpu.wait_indirect_dma semaphore(%arg27 : memref<!tpu.dma_semaphore, #tpu.memory_space<semaphore_mem>>) src(%dma_wait3A_589 : memref<10112x16xf32, #tpu.memory_space<hbm>>) dst(%dma_wait3A_579 : memref<128x16xf32, #tpu.memory_space<vmem>>)
      %dma_start3A_590 = arith.constant 8 : i32
      %dma_start3A_591 = arith.constant 0 : i32
      %dma_start3A_592 = arith.constant 0 : i32
      %dma_start3A_593 = tpu.memref_slice %arg12[%dma_start3A_590, %dma_start3A_591, %dma_start3A_592] : memref<10x128x16xf32, #tpu.memory_space<vmem>> -> memref<1x128x16xf32, #tpu.memory_space<vmem>>
      %dma_start3A_594 = tpu.memref_squeeze %dma_start3A_593 : memref<1x128x16xf32, #tpu.memory_space<vmem>> -> memref<128x16xf32, #tpu.memory_space<vmem>>
      %dma_start3A_595 = arith.constant 0 : i32
      %dma_start3A_596 = tpu.memref_slice %arg11[%add3A_574, %dma_start3A_595] : memref<160x128xi32, #tpu.memory_space<vmem>> -> memref<1x128xi32, #tpu.memory_space<vmem>>
      %dma_start3A_597 = tpu.memref_squeeze %dma_start3A_596 : memref<1x128xi32, #tpu.memory_space<vmem>> -> memref<128xi32, #tpu.memory_space<vmem>>
      %dma_start3A_598 = arith.constant 0 : i32
      %dma_start3A_599 = arith.constant 0 : i32
      %dma_start3A_600 = tpu.memref_slice %arg16[%dma_start3A_598, %dma_start3A_599] : memref<10112x16xf32, #tpu.memory_space<vmem_shared>> -> memref<10112x16xf32, #tpu.memory_space<vmem_shared>>
      tpu.enqueue_indirect_dma source(%dma_start3A_594 : memref<128x16xf32, #tpu.memory_space<vmem>>) target(%dma_start3A_600 : memref<10112x16xf32, #tpu.memory_space<vmem_shared>>) offsets(%dma_start3A_597 : memref<128xi32, #tpu.memory_space<vmem>>) semaphore(%arg37 : memref<!tpu.dma_semaphore, #tpu.memory_space<semaphore_mem>>) {add = true}
      %add3A_601 = arith.constant 9 : i32
      %add3A_602 = arith.addi %mul3A_349, %add3A_601 : i32
      %dma_wait3A_603 = arith.constant 9 : i32
      %dma_wait3A_604 = arith.constant 0 : i32
      %dma_wait3A_605 = arith.constant 0 : i32
      %dma_wait3A_606 = tpu.memref_slice %arg12[%dma_wait3A_603, %dma_wait3A_604, %dma_wait3A_605] : memref<10x128x16xf32, #tpu.memory_space<vmem>> -> memref<1x128x16xf32, #tpu.memory_space<vmem>>
      %dma_wait3A_607 = tpu.memref_squeeze %dma_wait3A_606 : memref<1x128x16xf32, #tpu.memory_space<vmem>> -> memref<128x16xf32, #tpu.memory_space<vmem>>
      %dma_wait3A_608 = arith.constant 0 : i32
      %dma_wait3A_609 = tpu.memref_slice %arg10[%add3A_602, %dma_wait3A_608] : memref<160x128xi32, #tpu.memory_space<vmem>> -> memref<1x128xi32, #tpu.memory_space<vmem>>
      %dma_wait3A_610 = tpu.memref_squeeze %dma_wait3A_609 : memref<1x128xi32, #tpu.memory_space<vmem>> -> memref<128xi32, #tpu.memory_space<vmem>>
      %dma_wait3A_611 = arith.constant 0 : i32
      %dma_wait3A_612 = arith.constant 0 : i32
      %dma_wait3A_613 = tpu.memref_slice %arg2[%arg0, %dma_wait3A_611, %dma_wait3A_612] : memref<2x10112x16xf32, #tpu.memory_space<hbm>> -> memref<1x10112x16xf32, #tpu.memory_space<hbm>>
      %dma_wait3A_614 = tpu.memref_squeeze %dma_wait3A_613 : memref<1x10112x16xf32, #tpu.memory_space<hbm>> -> memref<10112x16xf32, #tpu.memory_space<hbm>>
      %dma_wait3A_615 = arith.constant 0 : i32
      %dma_wait3A_616 = arith.constant 0 : i32
      %dma_wait3A_617 = tpu.memref_slice %dma_wait3A_614[%dma_wait3A_615, %dma_wait3A_616] : memref<10112x16xf32, #tpu.memory_space<hbm>> -> memref<10112x16xf32, #tpu.memory_space<hbm>>
      tpu.wait_indirect_dma semaphore(%arg28 : memref<!tpu.dma_semaphore, #tpu.memory_space<semaphore_mem>>) src(%dma_wait3A_617 : memref<10112x16xf32, #tpu.memory_space<hbm>>) dst(%dma_wait3A_607 : memref<128x16xf32, #tpu.memory_space<vmem>>)
      %dma_start3A_618 = arith.constant 9 : i32
      %dma_start3A_619 = arith.constant 0 : i32
      %dma_start3A_620 = arith.constant 0 : i32
      %dma_start3A_621 = tpu.memref_slice %arg12[%dma_start3A_618, %dma_start3A_619, %dma_start3A_620] : memref<10x128x16xf32, #tpu.memory_space<vmem>> -> memref<1x128x16xf32, #tpu.memory_space<vmem>>
      %dma_start3A_622 = tpu.memref_squeeze %dma_start3A_621 : memref<1x128x16xf32, #tpu.memory_space<vmem>> -> memref<128x16xf32, #tpu.memory_space<vmem>>
      %dma_start3A_623 = arith.constant 0 : i32
      %dma_start3A_624 = tpu.memref_slice %arg11[%add3A_602, %dma_start3A_623] : memref<160x128xi32, #tpu.memory_space<vmem>> -> memref<1x128xi32, #tpu.memory_space<vmem>>
      %dma_start3A_625 = tpu.memref_squeeze %dma_start3A_624 : memref<1x128xi32, #tpu.memory_space<vmem>> -> memref<128xi32, #tpu.memory_space<vmem>>
      %dma_start3A_626 = arith.constant 0 : i32
      %dma_start3A_627 = arith.constant 0 : i32
      %dma_start3A_628 = tpu.memref_slice %arg16[%dma_start3A_626, %dma_start3A_627] : memref<10112x16xf32, #tpu.memory_space<vmem_shared>> -> memref<10112x16xf32, #tpu.memory_space<vmem_shared>>
      tpu.enqueue_indirect_dma source(%dma_start3A_622 : memref<128x16xf32, #tpu.memory_space<vmem>>) target(%dma_start3A_628 : memref<10112x16xf32, #tpu.memory_space<vmem_shared>>) offsets(%dma_start3A_625 : memref<128xi32, #tpu.memory_space<vmem>>) semaphore(%arg38 : memref<!tpu.dma_semaphore, #tpu.memory_space<semaphore_mem>>) {add = true}
      %add3A_629 = arith.constant 1 : i32
      %add3A_630 = arith.addi %scan3A_347, %add3A_629 : i32
      %lt3A = arith.constant 16 : i32
      %lt3A_631 = arith.cmpi slt, %add3A_630, %lt3A : i32
      %convert_element_type3A_632 = arith.extui %lt3A_631 : i1 to i32
      %cond3A_633 = arith.constant 0 : i32
      %cond3A_634 = arith.cmpi ne, %convert_element_type3A_632, %cond3A_633 : i32
      scf.if %cond3A_634 {
        %add3A_641 = arith.constant 0 : i32
        %add3A_642 = arith.addi %mul3A_349, %add3A_641 : i32
        %dma_wait3A_643 = arith.constant 0 : i32
        %dma_wait3A_644 = arith.constant 0 : i32
        %dma_wait3A_645 = arith.constant 0 : i32
        %dma_wait3A_646 = tpu.memref_slice %arg12[%dma_wait3A_643, %dma_wait3A_644, %dma_wait3A_645] : memref<10x128x16xf32, #tpu.memory_space<vmem>> -> memref<1x128x16xf32, #tpu.memory_space<vmem>>
        %dma_wait3A_647 = tpu.memref_squeeze %dma_wait3A_646 : memref<1x128x16xf32, #tpu.memory_space<vmem>> -> memref<128x16xf32, #tpu.memory_space<vmem>>
        %dma_wait3A_648 = arith.constant 0 : i32
        %dma_wait3A_649 = tpu.memref_slice %arg11[%add3A_642, %dma_wait3A_648] : memref<160x128xi32, #tpu.memory_space<vmem>> -> memref<1x128xi32, #tpu.memory_space<vmem>>
        %dma_wait3A_650 = tpu.memref_squeeze %dma_wait3A_649 : memref<1x128xi32, #tpu.memory_space<vmem>> -> memref<128xi32, #tpu.memory_space<vmem>>
        %dma_wait3A_651 = arith.constant 0 : i32
        %dma_wait3A_652 = arith.constant 0 : i32
        %dma_wait3A_653 = tpu.memref_slice %arg16[%dma_wait3A_651, %dma_wait3A_652] : memref<10112x16xf32, #tpu.memory_space<vmem_shared>> -> memref<10112x16xf32, #tpu.memory_space<vmem_shared>>
        tpu.wait_indirect_dma semaphore(%arg29 : memref<!tpu.dma_semaphore, #tpu.memory_space<semaphore_mem>>) src(%dma_wait3A_647 : memref<128x16xf32, #tpu.memory_space<vmem>>) dst(%dma_wait3A_653 : memref<10112x16xf32, #tpu.memory_space<vmem_shared>>)
        %add3A_654 = arith.constant 10 : i32
        %add3A_655 = arith.addi %add3A_642, %add3A_654 : i32
        %dma_start3A_656 = arith.constant 0 : i32
        %dma_start3A_657 = arith.constant 0 : i32
        %dma_start3A_658 = arith.constant 0 : i32
        %dma_start3A_659 = tpu.memref_slice %arg12[%dma_start3A_656, %dma_start3A_657, %dma_start3A_658] : memref<10x128x16xf32, #tpu.memory_space<vmem>> -> memref<1x128x16xf32, #tpu.memory_space<vmem>>
        %dma_start3A_660 = tpu.memref_squeeze %dma_start3A_659 : memref<1x128x16xf32, #tpu.memory_space<vmem>> -> memref<128x16xf32, #tpu.memory_space<vmem>>
        %dma_start3A_661 = arith.constant 0 : i32
        %dma_start3A_662 = tpu.memref_slice %arg10[%add3A_655, %dma_start3A_661] : memref<160x128xi32, #tpu.memory_space<vmem>> -> memref<1x128xi32, #tpu.memory_space<vmem>>
        %dma_start3A_663 = tpu.memref_squeeze %dma_start3A_662 : memref<1x128xi32, #tpu.memory_space<vmem>> -> memref<128xi32, #tpu.memory_space<vmem>>
        %dma_start3A_664 = arith.constant 0 : i32
        %dma_start3A_665 = arith.constant 0 : i32
        %dma_start3A_666 = tpu.memref_slice %arg2[%arg0, %dma_start3A_664, %dma_start3A_665] : memref<2x10112x16xf32, #tpu.memory_space<hbm>> -> memref<1x10112x16xf32, #tpu.memory_space<hbm>>
        %dma_start3A_667 = tpu.memref_squeeze %dma_start3A_666 : memref<1x10112x16xf32, #tpu.memory_space<hbm>> -> memref<10112x16xf32, #tpu.memory_space<hbm>>
        %dma_start3A_668 = arith.constant 0 : i32
        %dma_start3A_669 = arith.constant 0 : i32
        %dma_start3A_670 = tpu.memref_slice %dma_start3A_667[%dma_start3A_668, %dma_start3A_669] : memref<10112x16xf32, #tpu.memory_space<hbm>> -> memref<10112x16xf32, #tpu.memory_space<hbm>>
        tpu.enqueue_indirect_dma source(%dma_start3A_670 : memref<10112x16xf32, #tpu.memory_space<hbm>>) target(%dma_start3A_660 : memref<128x16xf32, #tpu.memory_space<vmem>>) offsets(%dma_start3A_663 : memref<128xi32, #tpu.memory_space<vmem>>) semaphore(%arg19 : memref<!tpu.dma_semaphore, #tpu.memory_space<semaphore_mem>>)
        %add3A_671 = arith.constant 1 : i32
        %add3A_672 = arith.addi %mul3A_349, %add3A_671 : i32
        %dma_wait3A_673 = arith.constant 1 : i32
        %dma_wait3A_674 = arith.constant 0 : i32
        %dma_wait3A_675 = arith.constant 0 : i32
        %dma_wait3A_676 = tpu.memref_slice %arg12[%dma_wait3A_673, %dma_wait3A_674, %dma_wait3A_675] : memref<10x128x16xf32, #tpu.memory_space<vmem>> -> memref<1x128x16xf32, #tpu.memory_space<vmem>>
        %dma_wait3A_677 = tpu.memref_squeeze %dma_wait3A_676 : memref<1x128x16xf32, #tpu.memory_space<vmem>> -> memref<128x16xf32, #tpu.memory_space<vmem>>
        %dma_wait3A_678 = arith.constant 0 : i32
        %dma_wait3A_679 = tpu.memref_slice %arg11[%add3A_672, %dma_wait3A_678] : memref<160x128xi32, #tpu.memory_space<vmem>> -> memref<1x128xi32, #tpu.memory_space<vmem>>
        %dma_wait3A_680 = tpu.memref_squeeze %dma_wait3A_679 : memref<1x128xi32, #tpu.memory_space<vmem>> -> memref<128xi32, #tpu.memory_space<vmem>>
        %dma_wait3A_681 = arith.constant 0 : i32
        %dma_wait3A_682 = arith.constant 0 : i32
        %dma_wait3A_683 = tpu.memref_slice %arg16[%dma_wait3A_681, %dma_wait3A_682] : memref<10112x16xf32, #tpu.memory_space<vmem_shared>> -> memref<10112x16xf32, #tpu.memory_space<vmem_shared>>
        tpu.wait_indirect_dma semaphore(%arg30 : memref<!tpu.dma_semaphore, #tpu.memory_space<semaphore_mem>>) src(%dma_wait3A_677 : memref<128x16xf32, #tpu.memory_space<vmem>>) dst(%dma_wait3A_683 : memref<10112x16xf32, #tpu.memory_space<vmem_shared>>)
        %add3A_684 = arith.constant 10 : i32
        %add3A_685 = arith.addi %add3A_672, %add3A_684 : i32
        %dma_start3A_686 = arith.constant 1 : i32
        %dma_start3A_687 = arith.constant 0 : i32
        %dma_start3A_688 = arith.constant 0 : i32
        %dma_start3A_689 = tpu.memref_slice %arg12[%dma_start3A_686, %dma_start3A_687, %dma_start3A_688] : memref<10x128x16xf32, #tpu.memory_space<vmem>> -> memref<1x128x16xf32, #tpu.memory_space<vmem>>
        %dma_start3A_690 = tpu.memref_squeeze %dma_start3A_689 : memref<1x128x16xf32, #tpu.memory_space<vmem>> -> memref<128x16xf32, #tpu.memory_space<vmem>>
        %dma_start3A_691 = arith.constant 0 : i32
        %dma_start3A_692 = tpu.memref_slice %arg10[%add3A_685, %dma_start3A_691] : memref<160x128xi32, #tpu.memory_space<vmem>> -> memref<1x128xi32, #tpu.memory_space<vmem>>
        %dma_start3A_693 = tpu.memref_squeeze %dma_start3A_692 : memref<1x128xi32, #tpu.memory_space<vmem>> -> memref<128xi32, #tpu.memory_space<vmem>>
        %dma_start3A_694 = arith.constant 0 : i32
        %dma_start3A_695 = arith.constant 0 : i32
        %dma_start3A_696 = tpu.memref_slice %arg2[%arg0, %dma_start3A_694, %dma_start3A_695] : memref<2x10112x16xf32, #tpu.memory_space<hbm>> -> memref<1x10112x16xf32, #tpu.memory_space<hbm>>
        %dma_start3A_697 = tpu.memref_squeeze %dma_start3A_696 : memref<1x10112x16xf32, #tpu.memory_space<hbm>> -> memref<10112x16xf32, #tpu.memory_space<hbm>>
        %dma_start3A_698 = arith.constant 0 : i32
        %dma_start3A_699 = arith.constant 0 : i32
        %dma_start3A_700 = tpu.memref_slice %dma_start3A_697[%dma_start3A_698, %dma_start3A_699] : memref<10112x16xf32, #tpu.memory_space<hbm>> -> memref<10112x16xf32, #tpu.memory_space<hbm>>
        tpu.enqueue_indirect_dma source(%dma_start3A_700 : memref<10112x16xf32, #tpu.memory_space<hbm>>) target(%dma_start3A_690 : memref<128x16xf32, #tpu.memory_space<vmem>>) offsets(%dma_start3A_693 : memref<128xi32, #tpu.memory_space<vmem>>) semaphore(%arg20 : memref<!tpu.dma_semaphore, #tpu.memory_space<semaphore_mem>>)
        %add3A_701 = arith.constant 2 : i32
        %add3A_702 = arith.addi %mul3A_349, %add3A_701 : i32
        %dma_wait3A_703 = arith.constant 2 : i32
        %dma_wait3A_704 = arith.constant 0 : i32
        %dma_wait3A_705 = arith.constant 0 : i32
        %dma_wait3A_706 = tpu.memref_slice %arg12[%dma_wait3A_703, %dma_wait3A_704, %dma_wait3A_705] : memref<10x128x16xf32, #tpu.memory_space<vmem>> -> memref<1x128x16xf32, #tpu.memory_space<vmem>>
        %dma_wait3A_707 = tpu.memref_squeeze %dma_wait3A_706 : memref<1x128x16xf32, #tpu.memory_space<vmem>> -> memref<128x16xf32, #tpu.memory_space<vmem>>
        %dma_wait3A_708 = arith.constant 0 : i32
        %dma_wait3A_709 = tpu.memref_slice %arg11[%add3A_702, %dma_wait3A_708] : memref<160x128xi32, #tpu.memory_space<vmem>> -> memref<1x128xi32, #tpu.memory_space<vmem>>
        %dma_wait3A_710 = tpu.memref_squeeze %dma_wait3A_709 : memref<1x128xi32, #tpu.memory_space<vmem>> -> memref<128xi32, #tpu.memory_space<vmem>>
        %dma_wait3A_711 = arith.constant 0 : i32
        %dma_wait3A_712 = arith.constant 0 : i32
        %dma_wait3A_713 = tpu.memref_slice %arg16[%dma_wait3A_711, %dma_wait3A_712] : memref<10112x16xf32, #tpu.memory_space<vmem_shared>> -> memref<10112x16xf32, #tpu.memory_space<vmem_shared>>
        tpu.wait_indirect_dma semaphore(%arg31 : memref<!tpu.dma_semaphore, #tpu.memory_space<semaphore_mem>>) src(%dma_wait3A_707 : memref<128x16xf32, #tpu.memory_space<vmem>>) dst(%dma_wait3A_713 : memref<10112x16xf32, #tpu.memory_space<vmem_shared>>)
        %add3A_714 = arith.constant 10 : i32
        %add3A_715 = arith.addi %add3A_702, %add3A_714 : i32
        %dma_start3A_716 = arith.constant 2 : i32
        %dma_start3A_717 = arith.constant 0 : i32
        %dma_start3A_718 = arith.constant 0 : i32
        %dma_start3A_719 = tpu.memref_slice %arg12[%dma_start3A_716, %dma_start3A_717, %dma_start3A_718] : memref<10x128x16xf32, #tpu.memory_space<vmem>> -> memref<1x128x16xf32, #tpu.memory_space<vmem>>
        %dma_start3A_720 = tpu.memref_squeeze %dma_start3A_719 : memref<1x128x16xf32, #tpu.memory_space<vmem>> -> memref<128x16xf32, #tpu.memory_space<vmem>>
        %dma_start3A_721 = arith.constant 0 : i32
        %dma_start3A_722 = tpu.memref_slice %arg10[%add3A_715, %dma_start3A_721] : memref<160x128xi32, #tpu.memory_space<vmem>> -> memref<1x128xi32, #tpu.memory_space<vmem>>
        %dma_start3A_723 = tpu.memref_squeeze %dma_start3A_722 : memref<1x128xi32, #tpu.memory_space<vmem>> -> memref<128xi32, #tpu.memory_space<vmem>>
        %dma_start3A_724 = arith.constant 0 : i32
        %dma_start3A_725 = arith.constant 0 : i32
        %dma_start3A_726 = tpu.memref_slice %arg2[%arg0, %dma_start3A_724, %dma_start3A_725] : memref<2x10112x16xf32, #tpu.memory_space<hbm>> -> memref<1x10112x16xf32, #tpu.memory_space<hbm>>
        %dma_start3A_727 = tpu.memref_squeeze %dma_start3A_726 : memref<1x10112x16xf32, #tpu.memory_space<hbm>> -> memref<10112x16xf32, #tpu.memory_space<hbm>>
        %dma_start3A_728 = arith.constant 0 : i32
        %dma_start3A_729 = arith.constant 0 : i32
        %dma_start3A_730 = tpu.memref_slice %dma_start3A_727[%dma_start3A_728, %dma_start3A_729] : memref<10112x16xf32, #tpu.memory_space<hbm>> -> memref<10112x16xf32, #tpu.memory_space<hbm>>
        tpu.enqueue_indirect_dma source(%dma_start3A_730 : memref<10112x16xf32, #tpu.memory_space<hbm>>) target(%dma_start3A_720 : memref<128x16xf32, #tpu.memory_space<vmem>>) offsets(%dma_start3A_723 : memref<128xi32, #tpu.memory_space<vmem>>) semaphore(%arg21 : memref<!tpu.dma_semaphore, #tpu.memory_space<semaphore_mem>>)
        %add3A_731 = arith.constant 3 : i32
        %add3A_732 = arith.addi %mul3A_349, %add3A_731 : i32
        %dma_wait3A_733 = arith.constant 3 : i32
        %dma_wait3A_734 = arith.constant 0 : i32
        %dma_wait3A_735 = arith.constant 0 : i32
        %dma_wait3A_736 = tpu.memref_slice %arg12[%dma_wait3A_733, %dma_wait3A_734, %dma_wait3A_735] : memref<10x128x16xf32, #tpu.memory_space<vmem>> -> memref<1x128x16xf32, #tpu.memory_space<vmem>>
        %dma_wait3A_737 = tpu.memref_squeeze %dma_wait3A_736 : memref<1x128x16xf32, #tpu.memory_space<vmem>> -> memref<128x16xf32, #tpu.memory_space<vmem>>
        %dma_wait3A_738 = arith.constant 0 : i32
        %dma_wait3A_739 = tpu.memref_slice %arg11[%add3A_732, %dma_wait3A_738] : memref<160x128xi32, #tpu.memory_space<vmem>> -> memref<1x128xi32, #tpu.memory_space<vmem>>
        %dma_wait3A_740 = tpu.memref_squeeze %dma_wait3A_739 : memref<1x128xi32, #tpu.memory_space<vmem>> -> memref<128xi32, #tpu.memory_space<vmem>>
        %dma_wait3A_741 = arith.constant 0 : i32
        %dma_wait3A_742 = arith.constant 0 : i32
        %dma_wait3A_743 = tpu.memref_slice %arg16[%dma_wait3A_741, %dma_wait3A_742] : memref<10112x16xf32, #tpu.memory_space<vmem_shared>> -> memref<10112x16xf32, #tpu.memory_space<vmem_shared>>
        tpu.wait_indirect_dma semaphore(%arg32 : memref<!tpu.dma_semaphore, #tpu.memory_space<semaphore_mem>>) src(%dma_wait3A_737 : memref<128x16xf32, #tpu.memory_space<vmem>>) dst(%dma_wait3A_743 : memref<10112x16xf32, #tpu.memory_space<vmem_shared>>)
        %add3A_744 = arith.constant 10 : i32
        %add3A_745 = arith.addi %add3A_732, %add3A_744 : i32
        %dma_start3A_746 = arith.constant 3 : i32
        %dma_start3A_747 = arith.constant 0 : i32
        %dma_start3A_748 = arith.constant 0 : i32
        %dma_start3A_749 = tpu.memref_slice %arg12[%dma_start3A_746, %dma_start3A_747, %dma_start3A_748] : memref<10x128x16xf32, #tpu.memory_space<vmem>> -> memref<1x128x16xf32, #tpu.memory_space<vmem>>
        %dma_start3A_750 = tpu.memref_squeeze %dma_start3A_749 : memref<1x128x16xf32, #tpu.memory_space<vmem>> -> memref<128x16xf32, #tpu.memory_space<vmem>>
        %dma_start3A_751 = arith.constant 0 : i32
        %dma_start3A_752 = tpu.memref_slice %arg10[%add3A_745, %dma_start3A_751] : memref<160x128xi32, #tpu.memory_space<vmem>> -> memref<1x128xi32, #tpu.memory_space<vmem>>
        %dma_start3A_753 = tpu.memref_squeeze %dma_start3A_752 : memref<1x128xi32, #tpu.memory_space<vmem>> -> memref<128xi32, #tpu.memory_space<vmem>>
        %dma_start3A_754 = arith.constant 0 : i32
        %dma_start3A_755 = arith.constant 0 : i32
        %dma_start3A_756 = tpu.memref_slice %arg2[%arg0, %dma_start3A_754, %dma_start3A_755] : memref<2x10112x16xf32, #tpu.memory_space<hbm>> -> memref<1x10112x16xf32, #tpu.memory_space<hbm>>
        %dma_start3A_757 = tpu.memref_squeeze %dma_start3A_756 : memref<1x10112x16xf32, #tpu.memory_space<hbm>> -> memref<10112x16xf32, #tpu.memory_space<hbm>>
        %dma_start3A_758 = arith.constant 0 : i32
        %dma_start3A_759 = arith.constant 0 : i32
        %dma_start3A_760 = tpu.memref_slice %dma_start3A_757[%dma_start3A_758, %dma_start3A_759] : memref<10112x16xf32, #tpu.memory_space<hbm>> -> memref<10112x16xf32, #tpu.memory_space<hbm>>
        tpu.enqueue_indirect_dma source(%dma_start3A_760 : memref<10112x16xf32, #tpu.memory_space<hbm>>) target(%dma_start3A_750 : memref<128x16xf32, #tpu.memory_space<vmem>>) offsets(%dma_start3A_753 : memref<128xi32, #tpu.memory_space<vmem>>) semaphore(%arg22 : memref<!tpu.dma_semaphore, #tpu.memory_space<semaphore_mem>>)
        %add3A_761 = arith.constant 4 : i32
        %add3A_762 = arith.addi %mul3A_349, %add3A_761 : i32
        %dma_wait3A_763 = arith.constant 4 : i32
        %dma_wait3A_764 = arith.constant 0 : i32
        %dma_wait3A_765 = arith.constant 0 : i32
        %dma_wait3A_766 = tpu.memref_slice %arg12[%dma_wait3A_763, %dma_wait3A_764, %dma_wait3A_765] : memref<10x128x16xf32, #tpu.memory_space<vmem>> -> memref<1x128x16xf32, #tpu.memory_space<vmem>>
        %dma_wait3A_767 = tpu.memref_squeeze %dma_wait3A_766 : memref<1x128x16xf32, #tpu.memory_space<vmem>> -> memref<128x16xf32, #tpu.memory_space<vmem>>
        %dma_wait3A_768 = arith.constant 0 : i32
        %dma_wait3A_769 = tpu.memref_slice %arg11[%add3A_762, %dma_wait3A_768] : memref<160x128xi32, #tpu.memory_space<vmem>> -> memref<1x128xi32, #tpu.memory_space<vmem>>
        %dma_wait3A_770 = tpu.memref_squeeze %dma_wait3A_769 : memref<1x128xi32, #tpu.memory_space<vmem>> -> memref<128xi32, #tpu.memory_space<vmem>>
        %dma_wait3A_771 = arith.constant 0 : i32
        %dma_wait3A_772 = arith.constant 0 : i32
        %dma_wait3A_773 = tpu.memref_slice %arg16[%dma_wait3A_771, %dma_wait3A_772] : memref<10112x16xf32, #tpu.memory_space<vmem_shared>> -> memref<10112x16xf32, #tpu.memory_space<vmem_shared>>
        tpu.wait_indirect_dma semaphore(%arg33 : memref<!tpu.dma_semaphore, #tpu.memory_space<semaphore_mem>>) src(%dma_wait3A_767 : memref<128x16xf32, #tpu.memory_space<vmem>>) dst(%dma_wait3A_773 : memref<10112x16xf32, #tpu.memory_space<vmem_shared>>)
        %add3A_774 = arith.constant 10 : i32
        %add3A_775 = arith.addi %add3A_762, %add3A_774 : i32
        %dma_start3A_776 = arith.constant 4 : i32
        %dma_start3A_777 = arith.constant 0 : i32
        %dma_start3A_778 = arith.constant 0 : i32
        %dma_start3A_779 = tpu.memref_slice %arg12[%dma_start3A_776, %dma_start3A_777, %dma_start3A_778] : memref<10x128x16xf32, #tpu.memory_space<vmem>> -> memref<1x128x16xf32, #tpu.memory_space<vmem>>
        %dma_start3A_780 = tpu.memref_squeeze %dma_start3A_779 : memref<1x128x16xf32, #tpu.memory_space<vmem>> -> memref<128x16xf32, #tpu.memory_space<vmem>>
        %dma_start3A_781 = arith.constant 0 : i32
        %dma_start3A_782 = tpu.memref_slice %arg10[%add3A_775, %dma_start3A_781] : memref<160x128xi32, #tpu.memory_space<vmem>> -> memref<1x128xi32, #tpu.memory_space<vmem>>
        %dma_start3A_783 = tpu.memref_squeeze %dma_start3A_782 : memref<1x128xi32, #tpu.memory_space<vmem>> -> memref<128xi32, #tpu.memory_space<vmem>>
        %dma_start3A_784 = arith.constant 0 : i32
        %dma_start3A_785 = arith.constant 0 : i32
        %dma_start3A_786 = tpu.memref_slice %arg2[%arg0, %dma_start3A_784, %dma_start3A_785] : memref<2x10112x16xf32, #tpu.memory_space<hbm>> -> memref<1x10112x16xf32, #tpu.memory_space<hbm>>
        %dma_start3A_787 = tpu.memref_squeeze %dma_start3A_786 : memref<1x10112x16xf32, #tpu.memory_space<hbm>> -> memref<10112x16xf32, #tpu.memory_space<hbm>>
        %dma_start3A_788 = arith.constant 0 : i32
        %dma_start3A_789 = arith.constant 0 : i32
        %dma_start3A_790 = tpu.memref_slice %dma_start3A_787[%dma_start3A_788, %dma_start3A_789] : memref<10112x16xf32, #tpu.memory_space<hbm>> -> memref<10112x16xf32, #tpu.memory_space<hbm>>
        tpu.enqueue_indirect_dma source(%dma_start3A_790 : memref<10112x16xf32, #tpu.memory_space<hbm>>) target(%dma_start3A_780 : memref<128x16xf32, #tpu.memory_space<vmem>>) offsets(%dma_start3A_783 : memref<128xi32, #tpu.memory_space<vmem>>) semaphore(%arg23 : memref<!tpu.dma_semaphore, #tpu.memory_space<semaphore_mem>>)
        %add3A_791 = arith.constant 5 : i32
        %add3A_792 = arith.addi %mul3A_349, %add3A_791 : i32
        %dma_wait3A_793 = arith.constant 5 : i32
        %dma_wait3A_794 = arith.constant 0 : i32
        %dma_wait3A_795 = arith.constant 0 : i32
        %dma_wait3A_796 = tpu.memref_slice %arg12[%dma_wait3A_793, %dma_wait3A_794, %dma_wait3A_795] : memref<10x128x16xf32, #tpu.memory_space<vmem>> -> memref<1x128x16xf32, #tpu.memory_space<vmem>>
        %dma_wait3A_797 = tpu.memref_squeeze %dma_wait3A_796 : memref<1x128x16xf32, #tpu.memory_space<vmem>> -> memref<128x16xf32, #tpu.memory_space<vmem>>
        %dma_wait3A_798 = arith.constant 0 : i32
        %dma_wait3A_799 = tpu.memref_slice %arg11[%add3A_792, %dma_wait3A_798] : memref<160x128xi32, #tpu.memory_space<vmem>> -> memref<1x128xi32, #tpu.memory_space<vmem>>
        %dma_wait3A_800 = tpu.memref_squeeze %dma_wait3A_799 : memref<1x128xi32, #tpu.memory_space<vmem>> -> memref<128xi32, #tpu.memory_space<vmem>>
        %dma_wait3A_801 = arith.constant 0 : i32
        %dma_wait3A_802 = arith.constant 0 : i32
        %dma_wait3A_803 = tpu.memref_slice %arg16[%dma_wait3A_801, %dma_wait3A_802] : memref<10112x16xf32, #tpu.memory_space<vmem_shared>> -> memref<10112x16xf32, #tpu.memory_space<vmem_shared>>
        tpu.wait_indirect_dma semaphore(%arg34 : memref<!tpu.dma_semaphore, #tpu.memory_space<semaphore_mem>>) src(%dma_wait3A_797 : memref<128x16xf32, #tpu.memory_space<vmem>>) dst(%dma_wait3A_803 : memref<10112x16xf32, #tpu.memory_space<vmem_shared>>)
        %add3A_804 = arith.constant 10 : i32
        %add3A_805 = arith.addi %add3A_792, %add3A_804 : i32
        %dma_start3A_806 = arith.constant 5 : i32
        %dma_start3A_807 = arith.constant 0 : i32
        %dma_start3A_808 = arith.constant 0 : i32
        %dma_start3A_809 = tpu.memref_slice %arg12[%dma_start3A_806, %dma_start3A_807, %dma_start3A_808] : memref<10x128x16xf32, #tpu.memory_space<vmem>> -> memref<1x128x16xf32, #tpu.memory_space<vmem>>
        %dma_start3A_810 = tpu.memref_squeeze %dma_start3A_809 : memref<1x128x16xf32, #tpu.memory_space<vmem>> -> memref<128x16xf32, #tpu.memory_space<vmem>>
        %dma_start3A_811 = arith.constant 0 : i32
        %dma_start3A_812 = tpu.memref_slice %arg10[%add3A_805, %dma_start3A_811] : memref<160x128xi32, #tpu.memory_space<vmem>> -> memref<1x128xi32, #tpu.memory_space<vmem>>
        %dma_start3A_813 = tpu.memref_squeeze %dma_start3A_812 : memref<1x128xi32, #tpu.memory_space<vmem>> -> memref<128xi32, #tpu.memory_space<vmem>>
        %dma_start3A_814 = arith.constant 0 : i32
        %dma_start3A_815 = arith.constant 0 : i32
        %dma_start3A_816 = tpu.memref_slice %arg2[%arg0, %dma_start3A_814, %dma_start3A_815] : memref<2x10112x16xf32, #tpu.memory_space<hbm>> -> memref<1x10112x16xf32, #tpu.memory_space<hbm>>
        %dma_start3A_817 = tpu.memref_squeeze %dma_start3A_816 : memref<1x10112x16xf32, #tpu.memory_space<hbm>> -> memref<10112x16xf32, #tpu.memory_space<hbm>>
        %dma_start3A_818 = arith.constant 0 : i32
        %dma_start3A_819 = arith.constant 0 : i32
        %dma_start3A_820 = tpu.memref_slice %dma_start3A_817[%dma_start3A_818, %dma_start3A_819] : memref<10112x16xf32, #tpu.memory_space<hbm>> -> memref<10112x16xf32, #tpu.memory_space<hbm>>
        tpu.enqueue_indirect_dma source(%dma_start3A_820 : memref<10112x16xf32, #tpu.memory_space<hbm>>) target(%dma_start3A_810 : memref<128x16xf32, #tpu.memory_space<vmem>>) offsets(%dma_start3A_813 : memref<128xi32, #tpu.memory_space<vmem>>) semaphore(%arg24 : memref<!tpu.dma_semaphore, #tpu.memory_space<semaphore_mem>>)
        %add3A_821 = arith.constant 6 : i32
        %add3A_822 = arith.addi %mul3A_349, %add3A_821 : i32
        %dma_wait3A_823 = arith.constant 6 : i32
        %dma_wait3A_824 = arith.constant 0 : i32
        %dma_wait3A_825 = arith.constant 0 : i32
        %dma_wait3A_826 = tpu.memref_slice %arg12[%dma_wait3A_823, %dma_wait3A_824, %dma_wait3A_825] : memref<10x128x16xf32, #tpu.memory_space<vmem>> -> memref<1x128x16xf32, #tpu.memory_space<vmem>>
        %dma_wait3A_827 = tpu.memref_squeeze %dma_wait3A_826 : memref<1x128x16xf32, #tpu.memory_space<vmem>> -> memref<128x16xf32, #tpu.memory_space<vmem>>
        %dma_wait3A_828 = arith.constant 0 : i32
        %dma_wait3A_829 = tpu.memref_slice %arg11[%add3A_822, %dma_wait3A_828] : memref<160x128xi32, #tpu.memory_space<vmem>> -> memref<1x128xi32, #tpu.memory_space<vmem>>
        %dma_wait3A_830 = tpu.memref_squeeze %dma_wait3A_829 : memref<1x128xi32, #tpu.memory_space<vmem>> -> memref<128xi32, #tpu.memory_space<vmem>>
        %dma_wait3A_831 = arith.constant 0 : i32
        %dma_wait3A_832 = arith.constant 0 : i32
        %dma_wait3A_833 = tpu.memref_slice %arg16[%dma_wait3A_831, %dma_wait3A_832] : memref<10112x16xf32, #tpu.memory_space<vmem_shared>> -> memref<10112x16xf32, #tpu.memory_space<vmem_shared>>
        tpu.wait_indirect_dma semaphore(%arg35 : memref<!tpu.dma_semaphore, #tpu.memory_space<semaphore_mem>>) src(%dma_wait3A_827 : memref<128x16xf32, #tpu.memory_space<vmem>>) dst(%dma_wait3A_833 : memref<10112x16xf32, #tpu.memory_space<vmem_shared>>)
        %add3A_834 = arith.constant 10 : i32
        %add3A_835 = arith.addi %add3A_822, %add3A_834 : i32
        %dma_start3A_836 = arith.constant 6 : i32
        %dma_start3A_837 = arith.constant 0 : i32
        %dma_start3A_838 = arith.constant 0 : i32
        %dma_start3A_839 = tpu.memref_slice %arg12[%dma_start3A_836, %dma_start3A_837, %dma_start3A_838] : memref<10x128x16xf32, #tpu.memory_space<vmem>> -> memref<1x128x16xf32, #tpu.memory_space<vmem>>
        %dma_start3A_840 = tpu.memref_squeeze %dma_start3A_839 : memref<1x128x16xf32, #tpu.memory_space<vmem>> -> memref<128x16xf32, #tpu.memory_space<vmem>>
        %dma_start3A_841 = arith.constant 0 : i32
        %dma_start3A_842 = tpu.memref_slice %arg10[%add3A_835, %dma_start3A_841] : memref<160x128xi32, #tpu.memory_space<vmem>> -> memref<1x128xi32, #tpu.memory_space<vmem>>
        %dma_start3A_843 = tpu.memref_squeeze %dma_start3A_842 : memref<1x128xi32, #tpu.memory_space<vmem>> -> memref<128xi32, #tpu.memory_space<vmem>>
        %dma_start3A_844 = arith.constant 0 : i32
        %dma_start3A_845 = arith.constant 0 : i32
        %dma_start3A_846 = tpu.memref_slice %arg2[%arg0, %dma_start3A_844, %dma_start3A_845] : memref<2x10112x16xf32, #tpu.memory_space<hbm>> -> memref<1x10112x16xf32, #tpu.memory_space<hbm>>
        %dma_start3A_847 = tpu.memref_squeeze %dma_start3A_846 : memref<1x10112x16xf32, #tpu.memory_space<hbm>> -> memref<10112x16xf32, #tpu.memory_space<hbm>>
        %dma_start3A_848 = arith.constant 0 : i32
        %dma_start3A_849 = arith.constant 0 : i32
        %dma_start3A_850 = tpu.memref_slice %dma_start3A_847[%dma_start3A_848, %dma_start3A_849] : memref<10112x16xf32, #tpu.memory_space<hbm>> -> memref<10112x16xf32, #tpu.memory_space<hbm>>
        tpu.enqueue_indirect_dma source(%dma_start3A_850 : memref<10112x16xf32, #tpu.memory_space<hbm>>) target(%dma_start3A_840 : memref<128x16xf32, #tpu.memory_space<vmem>>) offsets(%dma_start3A_843 : memref<128xi32, #tpu.memory_space<vmem>>) semaphore(%arg25 : memref<!tpu.dma_semaphore, #tpu.memory_space<semaphore_mem>>)
        %add3A_851 = arith.constant 7 : i32
        %add3A_852 = arith.addi %mul3A_349, %add3A_851 : i32
        %dma_wait3A_853 = arith.constant 7 : i32
        %dma_wait3A_854 = arith.constant 0 : i32
        %dma_wait3A_855 = arith.constant 0 : i32
        %dma_wait3A_856 = tpu.memref_slice %arg12[%dma_wait3A_853, %dma_wait3A_854, %dma_wait3A_855] : memref<10x128x16xf32, #tpu.memory_space<vmem>> -> memref<1x128x16xf32, #tpu.memory_space<vmem>>
        %dma_wait3A_857 = tpu.memref_squeeze %dma_wait3A_856 : memref<1x128x16xf32, #tpu.memory_space<vmem>> -> memref<128x16xf32, #tpu.memory_space<vmem>>
        %dma_wait3A_858 = arith.constant 0 : i32
        %dma_wait3A_859 = tpu.memref_slice %arg11[%add3A_852, %dma_wait3A_858] : memref<160x128xi32, #tpu.memory_space<vmem>> -> memref<1x128xi32, #tpu.memory_space<vmem>>
        %dma_wait3A_860 = tpu.memref_squeeze %dma_wait3A_859 : memref<1x128xi32, #tpu.memory_space<vmem>> -> memref<128xi32, #tpu.memory_space<vmem>>
        %dma_wait3A_861 = arith.constant 0 : i32
        %dma_wait3A_862 = arith.constant 0 : i32
        %dma_wait3A_863 = tpu.memref_slice %arg16[%dma_wait3A_861, %dma_wait3A_862] : memref<10112x16xf32, #tpu.memory_space<vmem_shared>> -> memref<10112x16xf32, #tpu.memory_space<vmem_shared>>
        tpu.wait_indirect_dma semaphore(%arg36 : memref<!tpu.dma_semaphore, #tpu.memory_space<semaphore_mem>>) src(%dma_wait3A_857 : memref<128x16xf32, #tpu.memory_space<vmem>>) dst(%dma_wait3A_863 : memref<10112x16xf32, #tpu.memory_space<vmem_shared>>)
        %add3A_864 = arith.constant 10 : i32
        %add3A_865 = arith.addi %add3A_852, %add3A_864 : i32
        %dma_start3A_866 = arith.constant 7 : i32
        %dma_start3A_867 = arith.constant 0 : i32
        %dma_start3A_868 = arith.constant 0 : i32
        %dma_start3A_869 = tpu.memref_slice %arg12[%dma_start3A_866, %dma_start3A_867, %dma_start3A_868] : memref<10x128x16xf32, #tpu.memory_space<vmem>> -> memref<1x128x16xf32, #tpu.memory_space<vmem>>
        %dma_start3A_870 = tpu.memref_squeeze %dma_start3A_869 : memref<1x128x16xf32, #tpu.memory_space<vmem>> -> memref<128x16xf32, #tpu.memory_space<vmem>>
        %dma_start3A_871 = arith.constant 0 : i32
        %dma_start3A_872 = tpu.memref_slice %arg10[%add3A_865, %dma_start3A_871] : memref<160x128xi32, #tpu.memory_space<vmem>> -> memref<1x128xi32, #tpu.memory_space<vmem>>
        %dma_start3A_873 = tpu.memref_squeeze %dma_start3A_872 : memref<1x128xi32, #tpu.memory_space<vmem>> -> memref<128xi32, #tpu.memory_space<vmem>>
        %dma_start3A_874 = arith.constant 0 : i32
        %dma_start3A_875 = arith.constant 0 : i32
        %dma_start3A_876 = tpu.memref_slice %arg2[%arg0, %dma_start3A_874, %dma_start3A_875] : memref<2x10112x16xf32, #tpu.memory_space<hbm>> -> memref<1x10112x16xf32, #tpu.memory_space<hbm>>
        %dma_start3A_877 = tpu.memref_squeeze %dma_start3A_876 : memref<1x10112x16xf32, #tpu.memory_space<hbm>> -> memref<10112x16xf32, #tpu.memory_space<hbm>>
        %dma_start3A_878 = arith.constant 0 : i32
        %dma_start3A_879 = arith.constant 0 : i32
        %dma_start3A_880 = tpu.memref_slice %dma_start3A_877[%dma_start3A_878, %dma_start3A_879] : memref<10112x16xf32, #tpu.memory_space<hbm>> -> memref<10112x16xf32, #tpu.memory_space<hbm>>
        tpu.enqueue_indirect_dma source(%dma_start3A_880 : memref<10112x16xf32, #tpu.memory_space<hbm>>) target(%dma_start3A_870 : memref<128x16xf32, #tpu.memory_space<vmem>>) offsets(%dma_start3A_873 : memref<128xi32, #tpu.memory_space<vmem>>) semaphore(%arg26 : memref<!tpu.dma_semaphore, #tpu.memory_space<semaphore_mem>>)
        %add3A_881 = arith.constant 8 : i32
        %add3A_882 = arith.addi %mul3A_349, %add3A_881 : i32
        %dma_wait3A_883 = arith.constant 8 : i32
        %dma_wait3A_884 = arith.constant 0 : i32
        %dma_wait3A_885 = arith.constant 0 : i32
        %dma_wait3A_886 = tpu.memref_slice %arg12[%dma_wait3A_883, %dma_wait3A_884, %dma_wait3A_885] : memref<10x128x16xf32, #tpu.memory_space<vmem>> -> memref<1x128x16xf32, #tpu.memory_space<vmem>>
        %dma_wait3A_887 = tpu.memref_squeeze %dma_wait3A_886 : memref<1x128x16xf32, #tpu.memory_space<vmem>> -> memref<128x16xf32, #tpu.memory_space<vmem>>
        %dma_wait3A_888 = arith.constant 0 : i32
        %dma_wait3A_889 = tpu.memref_slice %arg11[%add3A_882, %dma_wait3A_888] : memref<160x128xi32, #tpu.memory_space<vmem>> -> memref<1x128xi32, #tpu.memory_space<vmem>>
        %dma_wait3A_890 = tpu.memref_squeeze %dma_wait3A_889 : memref<1x128xi32, #tpu.memory_space<vmem>> -> memref<128xi32, #tpu.memory_space<vmem>>
        %dma_wait3A_891 = arith.constant 0 : i32
        %dma_wait3A_892 = arith.constant 0 : i32
        %dma_wait3A_893 = tpu.memref_slice %arg16[%dma_wait3A_891, %dma_wait3A_892] : memref<10112x16xf32, #tpu.memory_space<vmem_shared>> -> memref<10112x16xf32, #tpu.memory_space<vmem_shared>>
        tpu.wait_indirect_dma semaphore(%arg37 : memref<!tpu.dma_semaphore, #tpu.memory_space<semaphore_mem>>) src(%dma_wait3A_887 : memref<128x16xf32, #tpu.memory_space<vmem>>) dst(%dma_wait3A_893 : memref<10112x16xf32, #tpu.memory_space<vmem_shared>>)
        %add3A_894 = arith.constant 10 : i32
        %add3A_895 = arith.addi %add3A_882, %add3A_894 : i32
        %dma_start3A_896 = arith.constant 8 : i32
        %dma_start3A_897 = arith.constant 0 : i32
        %dma_start3A_898 = arith.constant 0 : i32
        %dma_start3A_899 = tpu.memref_slice %arg12[%dma_start3A_896, %dma_start3A_897, %dma_start3A_898] : memref<10x128x16xf32, #tpu.memory_space<vmem>> -> memref<1x128x16xf32, #tpu.memory_space<vmem>>
        %dma_start3A_900 = tpu.memref_squeeze %dma_start3A_899 : memref<1x128x16xf32, #tpu.memory_space<vmem>> -> memref<128x16xf32, #tpu.memory_space<vmem>>
        %dma_start3A_901 = arith.constant 0 : i32
        %dma_start3A_902 = tpu.memref_slice %arg10[%add3A_895, %dma_start3A_901] : memref<160x128xi32, #tpu.memory_space<vmem>> -> memref<1x128xi32, #tpu.memory_space<vmem>>
        %dma_start3A_903 = tpu.memref_squeeze %dma_start3A_902 : memref<1x128xi32, #tpu.memory_space<vmem>> -> memref<128xi32, #tpu.memory_space<vmem>>
        %dma_start3A_904 = arith.constant 0 : i32
        %dma_start3A_905 = arith.constant 0 : i32
        %dma_start3A_906 = tpu.memref_slice %arg2[%arg0, %dma_start3A_904, %dma_start3A_905] : memref<2x10112x16xf32, #tpu.memory_space<hbm>> -> memref<1x10112x16xf32, #tpu.memory_space<hbm>>
        %dma_start3A_907 = tpu.memref_squeeze %dma_start3A_906 : memref<1x10112x16xf32, #tpu.memory_space<hbm>> -> memref<10112x16xf32, #tpu.memory_space<hbm>>
        %dma_start3A_908 = arith.constant 0 : i32
        %dma_start3A_909 = arith.constant 0 : i32
        %dma_start3A_910 = tpu.memref_slice %dma_start3A_907[%dma_start3A_908, %dma_start3A_909] : memref<10112x16xf32, #tpu.memory_space<hbm>> -> memref<10112x16xf32, #tpu.memory_space<hbm>>
        tpu.enqueue_indirect_dma source(%dma_start3A_910 : memref<10112x16xf32, #tpu.memory_space<hbm>>) target(%dma_start3A_900 : memref<128x16xf32, #tpu.memory_space<vmem>>) offsets(%dma_start3A_903 : memref<128xi32, #tpu.memory_space<vmem>>) semaphore(%arg27 : memref<!tpu.dma_semaphore, #tpu.memory_space<semaphore_mem>>)
        %add3A_911 = arith.constant 9 : i32
        %add3A_912 = arith.addi %mul3A_349, %add3A_911 : i32
        %dma_wait3A_913 = arith.constant 9 : i32
        %dma_wait3A_914 = arith.constant 0 : i32
        %dma_wait3A_915 = arith.constant 0 : i32
        %dma_wait3A_916 = tpu.memref_slice %arg12[%dma_wait3A_913, %dma_wait3A_914, %dma_wait3A_915] : memref<10x128x16xf32, #tpu.memory_space<vmem>> -> memref<1x128x16xf32, #tpu.memory_space<vmem>>
        %dma_wait3A_917 = tpu.memref_squeeze %dma_wait3A_916 : memref<1x128x16xf32, #tpu.memory_space<vmem>> -> memref<128x16xf32, #tpu.memory_space<vmem>>
        %dma_wait3A_918 = arith.constant 0 : i32
        %dma_wait3A_919 = tpu.memref_slice %arg11[%add3A_912, %dma_wait3A_918] : memref<160x128xi32, #tpu.memory_space<vmem>> -> memref<1x128xi32, #tpu.memory_space<vmem>>
        %dma_wait3A_920 = tpu.memref_squeeze %dma_wait3A_919 : memref<1x128xi32, #tpu.memory_space<vmem>> -> memref<128xi32, #tpu.memory_space<vmem>>
        %dma_wait3A_921 = arith.constant 0 : i32
        %dma_wait3A_922 = arith.constant 0 : i32
        %dma_wait3A_923 = tpu.memref_slice %arg16[%dma_wait3A_921, %dma_wait3A_922] : memref<10112x16xf32, #tpu.memory_space<vmem_shared>> -> memref<10112x16xf32, #tpu.memory_space<vmem_shared>>
        tpu.wait_indirect_dma semaphore(%arg38 : memref<!tpu.dma_semaphore, #tpu.memory_space<semaphore_mem>>) src(%dma_wait3A_917 : memref<128x16xf32, #tpu.memory_space<vmem>>) dst(%dma_wait3A_923 : memref<10112x16xf32, #tpu.memory_space<vmem_shared>>)
        %add3A_924 = arith.constant 10 : i32
        %add3A_925 = arith.addi %add3A_912, %add3A_924 : i32
        %dma_start3A_926 = arith.constant 9 : i32
        %dma_start3A_927 = arith.constant 0 : i32
        %dma_start3A_928 = arith.constant 0 : i32
        %dma_start3A_929 = tpu.memref_slice %arg12[%dma_start3A_926, %dma_start3A_927, %dma_start3A_928] : memref<10x128x16xf32, #tpu.memory_space<vmem>> -> memref<1x128x16xf32, #tpu.memory_space<vmem>>
        %dma_start3A_930 = tpu.memref_squeeze %dma_start3A_929 : memref<1x128x16xf32, #tpu.memory_space<vmem>> -> memref<128x16xf32, #tpu.memory_space<vmem>>
        %dma_start3A_931 = arith.constant 0 : i32
        %dma_start3A_932 = tpu.memref_slice %arg10[%add3A_925, %dma_start3A_931] : memref<160x128xi32, #tpu.memory_space<vmem>> -> memref<1x128xi32, #tpu.memory_space<vmem>>
        %dma_start3A_933 = tpu.memref_squeeze %dma_start3A_932 : memref<1x128xi32, #tpu.memory_space<vmem>> -> memref<128xi32, #tpu.memory_space<vmem>>
        %dma_start3A_934 = arith.constant 0 : i32
        %dma_start3A_935 = arith.constant 0 : i32
        %dma_start3A_936 = tpu.memref_slice %arg2[%arg0, %dma_start3A_934, %dma_start3A_935] : memref<2x10112x16xf32, #tpu.memory_space<hbm>> -> memref<1x10112x16xf32, #tpu.memory_space<hbm>>
        %dma_start3A_937 = tpu.memref_squeeze %dma_start3A_936 : memref<1x10112x16xf32, #tpu.memory_space<hbm>> -> memref<10112x16xf32, #tpu.memory_space<hbm>>
        %dma_start3A_938 = arith.constant 0 : i32
        %dma_start3A_939 = arith.constant 0 : i32
        %dma_start3A_940 = tpu.memref_slice %dma_start3A_937[%dma_start3A_938, %dma_start3A_939] : memref<10112x16xf32, #tpu.memory_space<hbm>> -> memref<10112x16xf32, #tpu.memory_space<hbm>>
        tpu.enqueue_indirect_dma source(%dma_start3A_940 : memref<10112x16xf32, #tpu.memory_space<hbm>>) target(%dma_start3A_930 : memref<128x16xf32, #tpu.memory_space<vmem>>) offsets(%dma_start3A_933 : memref<128xi32, #tpu.memory_space<vmem>>) semaphore(%arg28 : memref<!tpu.dma_semaphore, #tpu.memory_space<semaphore_mem>>)
      } else {
      }
      %add3A_635 = arith.constant 1 : i32
      %add3A_636 = arith.addi %scan3A_347, %add3A_635 : i32
      %ge3A = arith.constant 16 : i32
      %ge3A_637 = arith.cmpi sge, %add3A_636, %ge3A : i32
      %convert_element_type3A_638 = arith.extui %ge3A_637 : i1 to i32
      %cond3A_639 = arith.constant 0 : i32
      %cond3A_640 = arith.cmpi ne, %convert_element_type3A_638, %cond3A_639 : i32
      scf.if %cond3A_640 {
        %add3A_641 = arith.constant 0 : i32
        %add3A_642 = arith.addi %mul3A_349, %add3A_641 : i32
        %dma_wait3A_643 = arith.constant 0 : i32
        %dma_wait3A_644 = arith.constant 0 : i32
        %dma_wait3A_645 = arith.constant 0 : i32
        %dma_wait3A_646 = tpu.memref_slice %arg12[%dma_wait3A_643, %dma_wait3A_644, %dma_wait3A_645] : memref<10x128x16xf32, #tpu.memory_space<vmem>> -> memref<1x128x16xf32, #tpu.memory_space<vmem>>
        %dma_wait3A_647 = tpu.memref_squeeze %dma_wait3A_646 : memref<1x128x16xf32, #tpu.memory_space<vmem>> -> memref<128x16xf32, #tpu.memory_space<vmem>>
        %dma_wait3A_648 = arith.constant 0 : i32
        %dma_wait3A_649 = tpu.memref_slice %arg11[%add3A_642, %dma_wait3A_648] : memref<160x128xi32, #tpu.memory_space<vmem>> -> memref<1x128xi32, #tpu.memory_space<vmem>>
        %dma_wait3A_650 = tpu.memref_squeeze %dma_wait3A_649 : memref<1x128xi32, #tpu.memory_space<vmem>> -> memref<128xi32, #tpu.memory_space<vmem>>
        %dma_wait3A_651 = arith.constant 0 : i32
        %dma_wait3A_652 = arith.constant 0 : i32
        %dma_wait3A_653 = tpu.memref_slice %arg16[%dma_wait3A_651, %dma_wait3A_652] : memref<10112x16xf32, #tpu.memory_space<vmem_shared>> -> memref<10112x16xf32, #tpu.memory_space<vmem_shared>>
        tpu.wait_indirect_dma semaphore(%arg29 : memref<!tpu.dma_semaphore, #tpu.memory_space<semaphore_mem>>) src(%dma_wait3A_647 : memref<128x16xf32, #tpu.memory_space<vmem>>) dst(%dma_wait3A_653 : memref<10112x16xf32, #tpu.memory_space<vmem_shared>>)
        %add3A_654 = arith.constant 1 : i32
        %add3A_655 = arith.addi %mul3A_349, %add3A_654 : i32
        %dma_wait3A_656 = arith.constant 1 : i32
        %dma_wait3A_657 = arith.constant 0 : i32
        %dma_wait3A_658 = arith.constant 0 : i32
        %dma_wait3A_659 = tpu.memref_slice %arg12[%dma_wait3A_656, %dma_wait3A_657, %dma_wait3A_658] : memref<10x128x16xf32, #tpu.memory_space<vmem>> -> memref<1x128x16xf32, #tpu.memory_space<vmem>>
        %dma_wait3A_660 = tpu.memref_squeeze %dma_wait3A_659 : memref<1x128x16xf32, #tpu.memory_space<vmem>> -> memref<128x16xf32, #tpu.memory_space<vmem>>
        %dma_wait3A_661 = arith.constant 0 : i32
        %dma_wait3A_662 = tpu.memref_slice %arg11[%add3A_655, %dma_wait3A_661] : memref<160x128xi32, #tpu.memory_space<vmem>> -> memref<1x128xi32, #tpu.memory_space<vmem>>
        %dma_wait3A_663 = tpu.memref_squeeze %dma_wait3A_662 : memref<1x128xi32, #tpu.memory_space<vmem>> -> memref<128xi32, #tpu.memory_space<vmem>>
        %dma_wait3A_664 = arith.constant 0 : i32
        %dma_wait3A_665 = arith.constant 0 : i32
        %dma_wait3A_666 = tpu.memref_slice %arg16[%dma_wait3A_664, %dma_wait3A_665] : memref<10112x16xf32, #tpu.memory_space<vmem_shared>> -> memref<10112x16xf32, #tpu.memory_space<vmem_shared>>
        tpu.wait_indirect_dma semaphore(%arg30 : memref<!tpu.dma_semaphore, #tpu.memory_space<semaphore_mem>>) src(%dma_wait3A_660 : memref<128x16xf32, #tpu.memory_space<vmem>>) dst(%dma_wait3A_666 : memref<10112x16xf32, #tpu.memory_space<vmem_shared>>)
        %add3A_667 = arith.constant 2 : i32
        %add3A_668 = arith.addi %mul3A_349, %add3A_667 : i32
        %dma_wait3A_669 = arith.constant 2 : i32
        %dma_wait3A_670 = arith.constant 0 : i32
        %dma_wait3A_671 = arith.constant 0 : i32
        %dma_wait3A_672 = tpu.memref_slice %arg12[%dma_wait3A_669, %dma_wait3A_670, %dma_wait3A_671] : memref<10x128x16xf32, #tpu.memory_space<vmem>> -> memref<1x128x16xf32, #tpu.memory_space<vmem>>
        %dma_wait3A_673 = tpu.memref_squeeze %dma_wait3A_672 : memref<1x128x16xf32, #tpu.memory_space<vmem>> -> memref<128x16xf32, #tpu.memory_space<vmem>>
        %dma_wait3A_674 = arith.constant 0 : i32
        %dma_wait3A_675 = tpu.memref_slice %arg11[%add3A_668, %dma_wait3A_674] : memref<160x128xi32, #tpu.memory_space<vmem>> -> memref<1x128xi32, #tpu.memory_space<vmem>>
        %dma_wait3A_676 = tpu.memref_squeeze %dma_wait3A_675 : memref<1x128xi32, #tpu.memory_space<vmem>> -> memref<128xi32, #tpu.memory_space<vmem>>
        %dma_wait3A_677 = arith.constant 0 : i32
        %dma_wait3A_678 = arith.constant 0 : i32
        %dma_wait3A_679 = tpu.memref_slice %arg16[%dma_wait3A_677, %dma_wait3A_678] : memref<10112x16xf32, #tpu.memory_space<vmem_shared>> -> memref<10112x16xf32, #tpu.memory_space<vmem_shared>>
        tpu.wait_indirect_dma semaphore(%arg31 : memref<!tpu.dma_semaphore, #tpu.memory_space<semaphore_mem>>) src(%dma_wait3A_673 : memref<128x16xf32, #tpu.memory_space<vmem>>) dst(%dma_wait3A_679 : memref<10112x16xf32, #tpu.memory_space<vmem_shared>>)
        %add3A_680 = arith.constant 3 : i32
        %add3A_681 = arith.addi %mul3A_349, %add3A_680 : i32
        %dma_wait3A_682 = arith.constant 3 : i32
        %dma_wait3A_683 = arith.constant 0 : i32
        %dma_wait3A_684 = arith.constant 0 : i32
        %dma_wait3A_685 = tpu.memref_slice %arg12[%dma_wait3A_682, %dma_wait3A_683, %dma_wait3A_684] : memref<10x128x16xf32, #tpu.memory_space<vmem>> -> memref<1x128x16xf32, #tpu.memory_space<vmem>>
        %dma_wait3A_686 = tpu.memref_squeeze %dma_wait3A_685 : memref<1x128x16xf32, #tpu.memory_space<vmem>> -> memref<128x16xf32, #tpu.memory_space<vmem>>
        %dma_wait3A_687 = arith.constant 0 : i32
        %dma_wait3A_688 = tpu.memref_slice %arg11[%add3A_681, %dma_wait3A_687] : memref<160x128xi32, #tpu.memory_space<vmem>> -> memref<1x128xi32, #tpu.memory_space<vmem>>
        %dma_wait3A_689 = tpu.memref_squeeze %dma_wait3A_688 : memref<1x128xi32, #tpu.memory_space<vmem>> -> memref<128xi32, #tpu.memory_space<vmem>>
        %dma_wait3A_690 = arith.constant 0 : i32
        %dma_wait3A_691 = arith.constant 0 : i32
        %dma_wait3A_692 = tpu.memref_slice %arg16[%dma_wait3A_690, %dma_wait3A_691] : memref<10112x16xf32, #tpu.memory_space<vmem_shared>> -> memref<10112x16xf32, #tpu.memory_space<vmem_shared>>
        tpu.wait_indirect_dma semaphore(%arg32 : memref<!tpu.dma_semaphore, #tpu.memory_space<semaphore_mem>>) src(%dma_wait3A_686 : memref<128x16xf32, #tpu.memory_space<vmem>>) dst(%dma_wait3A_692 : memref<10112x16xf32, #tpu.memory_space<vmem_shared>>)
        %add3A_693 = arith.constant 4 : i32
        %add3A_694 = arith.addi %mul3A_349, %add3A_693 : i32
        %dma_wait3A_695 = arith.constant 4 : i32
        %dma_wait3A_696 = arith.constant 0 : i32
        %dma_wait3A_697 = arith.constant 0 : i32
        %dma_wait3A_698 = tpu.memref_slice %arg12[%dma_wait3A_695, %dma_wait3A_696, %dma_wait3A_697] : memref<10x128x16xf32, #tpu.memory_space<vmem>> -> memref<1x128x16xf32, #tpu.memory_space<vmem>>
        %dma_wait3A_699 = tpu.memref_squeeze %dma_wait3A_698 : memref<1x128x16xf32, #tpu.memory_space<vmem>> -> memref<128x16xf32, #tpu.memory_space<vmem>>
        %dma_wait3A_700 = arith.constant 0 : i32
        %dma_wait3A_701 = tpu.memref_slice %arg11[%add3A_694, %dma_wait3A_700] : memref<160x128xi32, #tpu.memory_space<vmem>> -> memref<1x128xi32, #tpu.memory_space<vmem>>
        %dma_wait3A_702 = tpu.memref_squeeze %dma_wait3A_701 : memref<1x128xi32, #tpu.memory_space<vmem>> -> memref<128xi32, #tpu.memory_space<vmem>>
        %dma_wait3A_703 = arith.constant 0 : i32
        %dma_wait3A_704 = arith.constant 0 : i32
        %dma_wait3A_705 = tpu.memref_slice %arg16[%dma_wait3A_703, %dma_wait3A_704] : memref<10112x16xf32, #tpu.memory_space<vmem_shared>> -> memref<10112x16xf32, #tpu.memory_space<vmem_shared>>
        tpu.wait_indirect_dma semaphore(%arg33 : memref<!tpu.dma_semaphore, #tpu.memory_space<semaphore_mem>>) src(%dma_wait3A_699 : memref<128x16xf32, #tpu.memory_space<vmem>>) dst(%dma_wait3A_705 : memref<10112x16xf32, #tpu.memory_space<vmem_shared>>)
        %add3A_706 = arith.constant 5 : i32
        %add3A_707 = arith.addi %mul3A_349, %add3A_706 : i32
        %dma_wait3A_708 = arith.constant 5 : i32
        %dma_wait3A_709 = arith.constant 0 : i32
        %dma_wait3A_710 = arith.constant 0 : i32
        %dma_wait3A_711 = tpu.memref_slice %arg12[%dma_wait3A_708, %dma_wait3A_709, %dma_wait3A_710] : memref<10x128x16xf32, #tpu.memory_space<vmem>> -> memref<1x128x16xf32, #tpu.memory_space<vmem>>
        %dma_wait3A_712 = tpu.memref_squeeze %dma_wait3A_711 : memref<1x128x16xf32, #tpu.memory_space<vmem>> -> memref<128x16xf32, #tpu.memory_space<vmem>>
        %dma_wait3A_713 = arith.constant 0 : i32
        %dma_wait3A_714 = tpu.memref_slice %arg11[%add3A_707, %dma_wait3A_713] : memref<160x128xi32, #tpu.memory_space<vmem>> -> memref<1x128xi32, #tpu.memory_space<vmem>>
        %dma_wait3A_715 = tpu.memref_squeeze %dma_wait3A_714 : memref<1x128xi32, #tpu.memory_space<vmem>> -> memref<128xi32, #tpu.memory_space<vmem>>
        %dma_wait3A_716 = arith.constant 0 : i32
        %dma_wait3A_717 = arith.constant 0 : i32
        %dma_wait3A_718 = tpu.memref_slice %arg16[%dma_wait3A_716, %dma_wait3A_717] : memref<10112x16xf32, #tpu.memory_space<vmem_shared>> -> memref<10112x16xf32, #tpu.memory_space<vmem_shared>>
        tpu.wait_indirect_dma semaphore(%arg34 : memref<!tpu.dma_semaphore, #tpu.memory_space<semaphore_mem>>) src(%dma_wait3A_712 : memref<128x16xf32, #tpu.memory_space<vmem>>) dst(%dma_wait3A_718 : memref<10112x16xf32, #tpu.memory_space<vmem_shared>>)
        %add3A_719 = arith.constant 6 : i32
        %add3A_720 = arith.addi %mul3A_349, %add3A_719 : i32
        %dma_wait3A_721 = arith.constant 6 : i32
        %dma_wait3A_722 = arith.constant 0 : i32
        %dma_wait3A_723 = arith.constant 0 : i32
        %dma_wait3A_724 = tpu.memref_slice %arg12[%dma_wait3A_721, %dma_wait3A_722, %dma_wait3A_723] : memref<10x128x16xf32, #tpu.memory_space<vmem>> -> memref<1x128x16xf32, #tpu.memory_space<vmem>>
        %dma_wait3A_725 = tpu.memref_squeeze %dma_wait3A_724 : memref<1x128x16xf32, #tpu.memory_space<vmem>> -> memref<128x16xf32, #tpu.memory_space<vmem>>
        %dma_wait3A_726 = arith.constant 0 : i32
        %dma_wait3A_727 = tpu.memref_slice %arg11[%add3A_720, %dma_wait3A_726] : memref<160x128xi32, #tpu.memory_space<vmem>> -> memref<1x128xi32, #tpu.memory_space<vmem>>
        %dma_wait3A_728 = tpu.memref_squeeze %dma_wait3A_727 : memref<1x128xi32, #tpu.memory_space<vmem>> -> memref<128xi32, #tpu.memory_space<vmem>>
        %dma_wait3A_729 = arith.constant 0 : i32
        %dma_wait3A_730 = arith.constant 0 : i32
        %dma_wait3A_731 = tpu.memref_slice %arg16[%dma_wait3A_729, %dma_wait3A_730] : memref<10112x16xf32, #tpu.memory_space<vmem_shared>> -> memref<10112x16xf32, #tpu.memory_space<vmem_shared>>
        tpu.wait_indirect_dma semaphore(%arg35 : memref<!tpu.dma_semaphore, #tpu.memory_space<semaphore_mem>>) src(%dma_wait3A_725 : memref<128x16xf32, #tpu.memory_space<vmem>>) dst(%dma_wait3A_731 : memref<10112x16xf32, #tpu.memory_space<vmem_shared>>)
        %add3A_732 = arith.constant 7 : i32
        %add3A_733 = arith.addi %mul3A_349, %add3A_732 : i32
        %dma_wait3A_734 = arith.constant 7 : i32
        %dma_wait3A_735 = arith.constant 0 : i32
        %dma_wait3A_736 = arith.constant 0 : i32
        %dma_wait3A_737 = tpu.memref_slice %arg12[%dma_wait3A_734, %dma_wait3A_735, %dma_wait3A_736] : memref<10x128x16xf32, #tpu.memory_space<vmem>> -> memref<1x128x16xf32, #tpu.memory_space<vmem>>
        %dma_wait3A_738 = tpu.memref_squeeze %dma_wait3A_737 : memref<1x128x16xf32, #tpu.memory_space<vmem>> -> memref<128x16xf32, #tpu.memory_space<vmem>>
        %dma_wait3A_739 = arith.constant 0 : i32
        %dma_wait3A_740 = tpu.memref_slice %arg11[%add3A_733, %dma_wait3A_739] : memref<160x128xi32, #tpu.memory_space<vmem>> -> memref<1x128xi32, #tpu.memory_space<vmem>>
        %dma_wait3A_741 = tpu.memref_squeeze %dma_wait3A_740 : memref<1x128xi32, #tpu.memory_space<vmem>> -> memref<128xi32, #tpu.memory_space<vmem>>
        %dma_wait3A_742 = arith.constant 0 : i32
        %dma_wait3A_743 = arith.constant 0 : i32
        %dma_wait3A_744 = tpu.memref_slice %arg16[%dma_wait3A_742, %dma_wait3A_743] : memref<10112x16xf32, #tpu.memory_space<vmem_shared>> -> memref<10112x16xf32, #tpu.memory_space<vmem_shared>>
        tpu.wait_indirect_dma semaphore(%arg36 : memref<!tpu.dma_semaphore, #tpu.memory_space<semaphore_mem>>) src(%dma_wait3A_738 : memref<128x16xf32, #tpu.memory_space<vmem>>) dst(%dma_wait3A_744 : memref<10112x16xf32, #tpu.memory_space<vmem_shared>>)
        %add3A_745 = arith.constant 8 : i32
        %add3A_746 = arith.addi %mul3A_349, %add3A_745 : i32
        %dma_wait3A_747 = arith.constant 8 : i32
        %dma_wait3A_748 = arith.constant 0 : i32
        %dma_wait3A_749 = arith.constant 0 : i32
        %dma_wait3A_750 = tpu.memref_slice %arg12[%dma_wait3A_747, %dma_wait3A_748, %dma_wait3A_749] : memref<10x128x16xf32, #tpu.memory_space<vmem>> -> memref<1x128x16xf32, #tpu.memory_space<vmem>>
        %dma_wait3A_751 = tpu.memref_squeeze %dma_wait3A_750 : memref<1x128x16xf32, #tpu.memory_space<vmem>> -> memref<128x16xf32, #tpu.memory_space<vmem>>
        %dma_wait3A_752 = arith.constant 0 : i32
        %dma_wait3A_753 = tpu.memref_slice %arg11[%add3A_746, %dma_wait3A_752] : memref<160x128xi32, #tpu.memory_space<vmem>> -> memref<1x128xi32, #tpu.memory_space<vmem>>
        %dma_wait3A_754 = tpu.memref_squeeze %dma_wait3A_753 : memref<1x128xi32, #tpu.memory_space<vmem>> -> memref<128xi32, #tpu.memory_space<vmem>>
        %dma_wait3A_755 = arith.constant 0 : i32
        %dma_wait3A_756 = arith.constant 0 : i32
        %dma_wait3A_757 = tpu.memref_slice %arg16[%dma_wait3A_755, %dma_wait3A_756] : memref<10112x16xf32, #tpu.memory_space<vmem_shared>> -> memref<10112x16xf32, #tpu.memory_space<vmem_shared>>
        tpu.wait_indirect_dma semaphore(%arg37 : memref<!tpu.dma_semaphore, #tpu.memory_space<semaphore_mem>>) src(%dma_wait3A_751 : memref<128x16xf32, #tpu.memory_space<vmem>>) dst(%dma_wait3A_757 : memref<10112x16xf32, #tpu.memory_space<vmem_shared>>)
        %add3A_758 = arith.constant 9 : i32
        %add3A_759 = arith.addi %mul3A_349, %add3A_758 : i32
        %dma_wait3A_760 = arith.constant 9 : i32
        %dma_wait3A_761 = arith.constant 0 : i32
        %dma_wait3A_762 = arith.constant 0 : i32
        %dma_wait3A_763 = tpu.memref_slice %arg12[%dma_wait3A_760, %dma_wait3A_761, %dma_wait3A_762] : memref<10x128x16xf32, #tpu.memory_space<vmem>> -> memref<1x128x16xf32, #tpu.memory_space<vmem>>
        %dma_wait3A_764 = tpu.memref_squeeze %dma_wait3A_763 : memref<1x128x16xf32, #tpu.memory_space<vmem>> -> memref<128x16xf32, #tpu.memory_space<vmem>>
        %dma_wait3A_765 = arith.constant 0 : i32
        %dma_wait3A_766 = tpu.memref_slice %arg11[%add3A_759, %dma_wait3A_765] : memref<160x128xi32, #tpu.memory_space<vmem>> -> memref<1x128xi32, #tpu.memory_space<vmem>>
        %dma_wait3A_767 = tpu.memref_squeeze %dma_wait3A_766 : memref<1x128xi32, #tpu.memory_space<vmem>> -> memref<128xi32, #tpu.memory_space<vmem>>
        %dma_wait3A_768 = arith.constant 0 : i32
        %dma_wait3A_769 = arith.constant 0 : i32
        %dma_wait3A_770 = tpu.memref_slice %arg16[%dma_wait3A_768, %dma_wait3A_769] : memref<10112x16xf32, #tpu.memory_space<vmem_shared>> -> memref<10112x16xf32, #tpu.memory_space<vmem_shared>>
        tpu.wait_indirect_dma semaphore(%arg38 : memref<!tpu.dma_semaphore, #tpu.memory_space<semaphore_mem>>) src(%dma_wait3A_764 : memref<128x16xf32, #tpu.memory_space<vmem>>) dst(%dma_wait3A_770 : memref<10112x16xf32, #tpu.memory_space<vmem_shared>>)
      } else {
      }
    }
    %scan3A_168 = arith.constant 16 : i32
    %barrier3A_169 = arith.constant 0 : index
    tpu.barrier barrier_id(%barrier3A_169)
    %mul3A_170 = arith.constant 632 : i32
    %mul3A_171 = arith.muli %arg1, %mul3A_170 : i32
    "tpu.region"() ({
      %run_scoped3A = tpu.sem_alloc : memref<!tpu.dma_semaphore, #tpu.memory_space<semaphore_mem>>
      %dma_start3A_347 = arith.constant 0 : i32
      %dma_start3A_348 = arith.constant 0 : i32
      %dma_start3A_349 = tpu.memref_slice %arg13[%dma_start3A_347, %dma_start3A_348] : memref<640x16xf32, #tpu.memory_space<vmem>> -> memref<632x16xf32, #tpu.memory_space<vmem>>
      %dma_start3A_350 = arith.constant 0 : i32
      %dma_start3A_351 = tpu.memref_slice %arg16[%mul3A_171, %dma_start3A_350] : memref<10112x16xf32, #tpu.memory_space<vmem_shared>> -> memref<632x16xf32, #tpu.memory_space<vmem_shared>>
      %dma_start3A_352 = arith.constant 0 : i32
      %dma_start3A_353 = arith.constant 0 : i32
      %dma_start3A_354 = tpu.memref_slice %arg13[%dma_start3A_352, %dma_start3A_353] : memref<640x16xf32, #tpu.memory_space<vmem>> -> memref<632x16xf32, #tpu.memory_space<vmem>>
      %dma_start3A_355 = arith.constant 0 : i32
      %dma_start3A_356 = tpu.memref_slice %arg16[%mul3A_171, %dma_start3A_355] : memref<10112x16xf32, #tpu.memory_space<vmem_shared>> -> memref<632x16xf32, #tpu.memory_space<vmem_shared>>
      tpu.enqueue_dma source(%dma_start3A_356 : memref<632x16xf32, #tpu.memory_space<vmem_shared>>) target(%dma_start3A_354 : memref<632x16xf32, #tpu.memory_space<vmem>>) target_semaphore(%run_scoped3A : memref<!tpu.dma_semaphore, #tpu.memory_space<semaphore_mem>>)
      %dma_wait3A_357 = arith.constant 0 : i32
      %dma_wait3A_358 = arith.constant 0 : i32
      %dma_wait3A_359 = tpu.memref_slice %arg13[%dma_wait3A_357, %dma_wait3A_358] : memref<640x16xf32, #tpu.memory_space<vmem>> -> memref<632x16xf32, #tpu.memory_space<vmem>>
      %dma_wait3A_360 = arith.constant 0 : i32
      %dma_wait3A_361 = tpu.memref_slice %arg16[%mul3A_171, %dma_wait3A_360] : memref<10112x16xf32, #tpu.memory_space<vmem_shared>> -> memref<632x16xf32, #tpu.memory_space<vmem_shared>>
      %dma_wait3A_362 = arith.constant 0 : i32
      %dma_wait3A_363 = arith.constant 0 : i32
      %dma_wait3A_364 = tpu.memref_slice %arg13[%dma_wait3A_362, %dma_wait3A_363] : memref<640x16xf32, #tpu.memory_space<vmem>> -> memref<632x16xf32, #tpu.memory_space<vmem>>
      %dma_wait3A_365 = arith.constant 0 : i32
      %dma_wait3A_366 = tpu.memref_slice %arg16[%mul3A_171, %dma_wait3A_365] : memref<10112x16xf32, #tpu.memory_space<vmem_shared>> -> memref<632x16xf32, #tpu.memory_space<vmem_shared>>
      tpu.wait_dma2 semaphore(%run_scoped3A : memref<!tpu.dma_semaphore, #tpu.memory_space<semaphore_mem>>) src(%dma_wait3A_366 : memref<632x16xf32, #tpu.memory_space<vmem_shared>>) dst(%dma_wait3A_364 : memref<632x16xf32, #tpu.memory_space<vmem>>)
      tpu.yield
    }) : () -> ()
    "tpu.region"() ({
      %run_scoped3A = tpu.sem_alloc : memref<!tpu.dma_semaphore, #tpu.memory_space<semaphore_mem>>
      %dma_start3A_347 = arith.constant 632 : i32
      %dma_start3A_348 = arith.constant 0 : i32
      %dma_start3A_349 = tpu.memref_slice %arg13[%dma_start3A_347, %dma_start3A_348] : memref<640x16xf32, #tpu.memory_space<vmem>> -> memref<8x16xf32, #tpu.memory_space<vmem>>
      %dma_start3A_350 = arith.constant 0 : i32
      %dma_start3A_351 = arith.constant 0 : i32
      %dma_start3A_352 = tpu.memref_slice %arg16[%dma_start3A_350, %dma_start3A_351] : memref<10112x16xf32, #tpu.memory_space<vmem_shared>> -> memref<8x16xf32, #tpu.memory_space<vmem_shared>>
      %dma_start3A_353 = arith.constant 632 : i32
      %dma_start3A_354 = arith.constant 0 : i32
      %dma_start3A_355 = tpu.memref_slice %arg13[%dma_start3A_353, %dma_start3A_354] : memref<640x16xf32, #tpu.memory_space<vmem>> -> memref<8x16xf32, #tpu.memory_space<vmem>>
      %dma_start3A_356 = arith.constant 0 : i32
      %dma_start3A_357 = arith.constant 0 : i32
      %dma_start3A_358 = tpu.memref_slice %arg16[%dma_start3A_356, %dma_start3A_357] : memref<10112x16xf32, #tpu.memory_space<vmem_shared>> -> memref<8x16xf32, #tpu.memory_space<vmem_shared>>
      tpu.enqueue_dma source(%dma_start3A_358 : memref<8x16xf32, #tpu.memory_space<vmem_shared>>) target(%dma_start3A_355 : memref<8x16xf32, #tpu.memory_space<vmem>>) target_semaphore(%run_scoped3A : memref<!tpu.dma_semaphore, #tpu.memory_space<semaphore_mem>>)
      %dma_wait3A_359 = arith.constant 632 : i32
      %dma_wait3A_360 = arith.constant 0 : i32
      %dma_wait3A_361 = tpu.memref_slice %arg13[%dma_wait3A_359, %dma_wait3A_360] : memref<640x16xf32, #tpu.memory_space<vmem>> -> memref<8x16xf32, #tpu.memory_space<vmem>>
      %dma_wait3A_362 = arith.constant 0 : i32
      %dma_wait3A_363 = arith.constant 0 : i32
      %dma_wait3A_364 = tpu.memref_slice %arg16[%dma_wait3A_362, %dma_wait3A_363] : memref<10112x16xf32, #tpu.memory_space<vmem_shared>> -> memref<8x16xf32, #tpu.memory_space<vmem_shared>>
      %dma_wait3A_365 = arith.constant 632 : i32
      %dma_wait3A_366 = arith.constant 0 : i32
      %dma_wait3A_367 = tpu.memref_slice %arg13[%dma_wait3A_365, %dma_wait3A_366] : memref<640x16xf32, #tpu.memory_space<vmem>> -> memref<8x16xf32, #tpu.memory_space<vmem>>
      %dma_wait3A_368 = arith.constant 0 : i32
      %dma_wait3A_369 = arith.constant 0 : i32
      %dma_wait3A_370 = tpu.memref_slice %arg16[%dma_wait3A_368, %dma_wait3A_369] : memref<10112x16xf32, #tpu.memory_space<vmem_shared>> -> memref<8x16xf32, #tpu.memory_space<vmem_shared>>
      tpu.wait_dma2 semaphore(%run_scoped3A : memref<!tpu.dma_semaphore, #tpu.memory_space<semaphore_mem>>) src(%dma_wait3A_370 : memref<8x16xf32, #tpu.memory_space<vmem_shared>>) dst(%dma_wait3A_367 : memref<8x16xf32, #tpu.memory_space<vmem>>)
      tpu.yield
    }) : () -> ()
    %dma_start3A_172 = arith.constant 0 : i32
    %dma_start3A_173 = arith.constant 0 : i32
    %dma_start3A_174 = arith.constant 0 : i32
    %dma_start3A_175 = tpu.memref_slice %arg13[%dma_start3A_173, %dma_start3A_174] : memref<640x16xf32, #tpu.memory_space<vmem>> -> memref<128x16xf32, #tpu.memory_space<vmem>>
    %dma_start3A_176 = arith.constant 0 : i32
    %dma_start3A_177 = tpu.memref_slice %arg14[%dma_start3A_172, %dma_start3A_176] : memref<5x128xi32, #tpu.memory_space<vmem>> -> memref<1x128xi32, #tpu.memory_space<vmem>>
    %dma_start3A_178 = tpu.memref_squeeze %dma_start3A_177 : memref<1x128xi32, #tpu.memory_space<vmem>> -> memref<128xi32, #tpu.memory_space<vmem>>
    %dma_start3A_179 = arith.constant 0 : i32
    %dma_start3A_180 = arith.constant 0 : i32
    %dma_start3A_181 = tpu.memref_slice %arg17[%dma_start3A_179, %dma_start3A_180] : memref<40x16xf32, #tpu.memory_space<vmem_shared>> -> memref<40x16xf32, #tpu.memory_space<vmem_shared>>
    tpu.enqueue_indirect_dma source(%dma_start3A_175 : memref<128x16xf32, #tpu.memory_space<vmem>>) target(%dma_start3A_181 : memref<40x16xf32, #tpu.memory_space<vmem_shared>>) offsets(%dma_start3A_178 : memref<128xi32, #tpu.memory_space<vmem>>) semaphore(%arg19 : memref<!tpu.dma_semaphore, #tpu.memory_space<semaphore_mem>>) {add = true}
    %dma_start3A_182 = arith.constant 0 : i32
    %dma_start3A_183 = arith.constant 0 : i32
    %dma_start3A_184 = tpu.memref_slice %arg14[%dma_start3A_182, %dma_start3A_183] : memref<5x128xi32, #tpu.memory_space<vmem>> -> memref<1x128xi32, #tpu.memory_space<vmem>>
    %dma_start3A_185 = tpu.memref_squeeze %dma_start3A_184 : memref<1x128xi32, #tpu.memory_space<vmem>> -> memref<128xi32, #tpu.memory_space<vmem>>
    %dma_start3A_186 = arith.constant 0 : i32
    %dma_start3A_187 = arith.constant 0 : i32
    %dma_start3A_188 = tpu.memref_slice %arg18[%dma_start3A_186, %dma_start3A_187] : memref<40x16xf32, #tpu.memory_space<vmem_shared>> -> memref<40x16xf32, #tpu.memory_space<vmem_shared>>
    tpu.enqueue_indirect_dma source(%arg15 : memref<128x16xf32, #tpu.memory_space<vmem>>) target(%dma_start3A_188 : memref<40x16xf32, #tpu.memory_space<vmem_shared>>) offsets(%dma_start3A_185 : memref<128xi32, #tpu.memory_space<vmem>>) semaphore(%arg29 : memref<!tpu.dma_semaphore, #tpu.memory_space<semaphore_mem>>) {add = true}
    %dma_start3A_189 = arith.constant 1 : i32
    %dma_start3A_190 = arith.constant 128 : i32
    %dma_start3A_191 = arith.constant 0 : i32
    %dma_start3A_192 = tpu.memref_slice %arg13[%dma_start3A_190, %dma_start3A_191] : memref<640x16xf32, #tpu.memory_space<vmem>> -> memref<128x16xf32, #tpu.memory_space<vmem>>
    %dma_start3A_193 = arith.constant 0 : i32
    %dma_start3A_194 = tpu.memref_slice %arg14[%dma_start3A_189, %dma_start3A_193] : memref<5x128xi32, #tpu.memory_space<vmem>> -> memref<1x128xi32, #tpu.memory_space<vmem>>
    %dma_start3A_195 = tpu.memref_squeeze %dma_start3A_194 : memref<1x128xi32, #tpu.memory_space<vmem>> -> memref<128xi32, #tpu.memory_space<vmem>>
    %dma_start3A_196 = arith.constant 0 : i32
    %dma_start3A_197 = arith.constant 0 : i32
    %dma_start3A_198 = tpu.memref_slice %arg17[%dma_start3A_196, %dma_start3A_197] : memref<40x16xf32, #tpu.memory_space<vmem_shared>> -> memref<40x16xf32, #tpu.memory_space<vmem_shared>>
    tpu.enqueue_indirect_dma source(%dma_start3A_192 : memref<128x16xf32, #tpu.memory_space<vmem>>) target(%dma_start3A_198 : memref<40x16xf32, #tpu.memory_space<vmem_shared>>) offsets(%dma_start3A_195 : memref<128xi32, #tpu.memory_space<vmem>>) semaphore(%arg20 : memref<!tpu.dma_semaphore, #tpu.memory_space<semaphore_mem>>) {add = true}
    %dma_start3A_199 = arith.constant 1 : i32
    %dma_start3A_200 = arith.constant 0 : i32
    %dma_start3A_201 = tpu.memref_slice %arg14[%dma_start3A_199, %dma_start3A_200] : memref<5x128xi32, #tpu.memory_space<vmem>> -> memref<1x128xi32, #tpu.memory_space<vmem>>
    %dma_start3A_202 = tpu.memref_squeeze %dma_start3A_201 : memref<1x128xi32, #tpu.memory_space<vmem>> -> memref<128xi32, #tpu.memory_space<vmem>>
    %dma_start3A_203 = arith.constant 0 : i32
    %dma_start3A_204 = arith.constant 0 : i32
    %dma_start3A_205 = tpu.memref_slice %arg18[%dma_start3A_203, %dma_start3A_204] : memref<40x16xf32, #tpu.memory_space<vmem_shared>> -> memref<40x16xf32, #tpu.memory_space<vmem_shared>>
    tpu.enqueue_indirect_dma source(%arg15 : memref<128x16xf32, #tpu.memory_space<vmem>>) target(%dma_start3A_205 : memref<40x16xf32, #tpu.memory_space<vmem_shared>>) offsets(%dma_start3A_202 : memref<128xi32, #tpu.memory_space<vmem>>) semaphore(%arg30 : memref<!tpu.dma_semaphore, #tpu.memory_space<semaphore_mem>>) {add = true}
    %dma_start3A_206 = arith.constant 2 : i32
    %dma_start3A_207 = arith.constant 256 : i32
    %dma_start3A_208 = arith.constant 0 : i32
    %dma_start3A_209 = tpu.memref_slice %arg13[%dma_start3A_207, %dma_start3A_208] : memref<640x16xf32, #tpu.memory_space<vmem>> -> memref<128x16xf32, #tpu.memory_space<vmem>>
    %dma_start3A_210 = arith.constant 0 : i32
    %dma_start3A_211 = tpu.memref_slice %arg14[%dma_start3A_206, %dma_start3A_210] : memref<5x128xi32, #tpu.memory_space<vmem>> -> memref<1x128xi32, #tpu.memory_space<vmem>>
    %dma_start3A_212 = tpu.memref_squeeze %dma_start3A_211 : memref<1x128xi32, #tpu.memory_space<vmem>> -> memref<128xi32, #tpu.memory_space<vmem>>
    %dma_start3A_213 = arith.constant 0 : i32
    %dma_start3A_214 = arith.constant 0 : i32
    %dma_start3A_215 = tpu.memref_slice %arg17[%dma_start3A_213, %dma_start3A_214] : memref<40x16xf32, #tpu.memory_space<vmem_shared>> -> memref<40x16xf32, #tpu.memory_space<vmem_shared>>
    tpu.enqueue_indirect_dma source(%dma_start3A_209 : memref<128x16xf32, #tpu.memory_space<vmem>>) target(%dma_start3A_215 : memref<40x16xf32, #tpu.memory_space<vmem_shared>>) offsets(%dma_start3A_212 : memref<128xi32, #tpu.memory_space<vmem>>) semaphore(%arg21 : memref<!tpu.dma_semaphore, #tpu.memory_space<semaphore_mem>>) {add = true}
    %dma_start3A_216 = arith.constant 2 : i32
    %dma_start3A_217 = arith.constant 0 : i32
    %dma_start3A_218 = tpu.memref_slice %arg14[%dma_start3A_216, %dma_start3A_217] : memref<5x128xi32, #tpu.memory_space<vmem>> -> memref<1x128xi32, #tpu.memory_space<vmem>>
    %dma_start3A_219 = tpu.memref_squeeze %dma_start3A_218 : memref<1x128xi32, #tpu.memory_space<vmem>> -> memref<128xi32, #tpu.memory_space<vmem>>
    %dma_start3A_220 = arith.constant 0 : i32
    %dma_start3A_221 = arith.constant 0 : i32
    %dma_start3A_222 = tpu.memref_slice %arg18[%dma_start3A_220, %dma_start3A_221] : memref<40x16xf32, #tpu.memory_space<vmem_shared>> -> memref<40x16xf32, #tpu.memory_space<vmem_shared>>
    tpu.enqueue_indirect_dma source(%arg15 : memref<128x16xf32, #tpu.memory_space<vmem>>) target(%dma_start3A_222 : memref<40x16xf32, #tpu.memory_space<vmem_shared>>) offsets(%dma_start3A_219 : memref<128xi32, #tpu.memory_space<vmem>>) semaphore(%arg31 : memref<!tpu.dma_semaphore, #tpu.memory_space<semaphore_mem>>) {add = true}
    %dma_start3A_223 = arith.constant 3 : i32
    %dma_start3A_224 = arith.constant 384 : i32
    %dma_start3A_225 = arith.constant 0 : i32
    %dma_start3A_226 = tpu.memref_slice %arg13[%dma_start3A_224, %dma_start3A_225] : memref<640x16xf32, #tpu.memory_space<vmem>> -> memref<128x16xf32, #tpu.memory_space<vmem>>
    %dma_start3A_227 = arith.constant 0 : i32
    %dma_start3A_228 = tpu.memref_slice %arg14[%dma_start3A_223, %dma_start3A_227] : memref<5x128xi32, #tpu.memory_space<vmem>> -> memref<1x128xi32, #tpu.memory_space<vmem>>
    %dma_start3A_229 = tpu.memref_squeeze %dma_start3A_228 : memref<1x128xi32, #tpu.memory_space<vmem>> -> memref<128xi32, #tpu.memory_space<vmem>>
    %dma_start3A_230 = arith.constant 0 : i32
    %dma_start3A_231 = arith.constant 0 : i32
    %dma_start3A_232 = tpu.memref_slice %arg17[%dma_start3A_230, %dma_start3A_231] : memref<40x16xf32, #tpu.memory_space<vmem_shared>> -> memref<40x16xf32, #tpu.memory_space<vmem_shared>>
    tpu.enqueue_indirect_dma source(%dma_start3A_226 : memref<128x16xf32, #tpu.memory_space<vmem>>) target(%dma_start3A_232 : memref<40x16xf32, #tpu.memory_space<vmem_shared>>) offsets(%dma_start3A_229 : memref<128xi32, #tpu.memory_space<vmem>>) semaphore(%arg22 : memref<!tpu.dma_semaphore, #tpu.memory_space<semaphore_mem>>) {add = true}
    %dma_start3A_233 = arith.constant 3 : i32
    %dma_start3A_234 = arith.constant 0 : i32
    %dma_start3A_235 = tpu.memref_slice %arg14[%dma_start3A_233, %dma_start3A_234] : memref<5x128xi32, #tpu.memory_space<vmem>> -> memref<1x128xi32, #tpu.memory_space<vmem>>
    %dma_start3A_236 = tpu.memref_squeeze %dma_start3A_235 : memref<1x128xi32, #tpu.memory_space<vmem>> -> memref<128xi32, #tpu.memory_space<vmem>>
    %dma_start3A_237 = arith.constant 0 : i32
    %dma_start3A_238 = arith.constant 0 : i32
    %dma_start3A_239 = tpu.memref_slice %arg18[%dma_start3A_237, %dma_start3A_238] : memref<40x16xf32, #tpu.memory_space<vmem_shared>> -> memref<40x16xf32, #tpu.memory_space<vmem_shared>>
    tpu.enqueue_indirect_dma source(%arg15 : memref<128x16xf32, #tpu.memory_space<vmem>>) target(%dma_start3A_239 : memref<40x16xf32, #tpu.memory_space<vmem_shared>>) offsets(%dma_start3A_236 : memref<128xi32, #tpu.memory_space<vmem>>) semaphore(%arg32 : memref<!tpu.dma_semaphore, #tpu.memory_space<semaphore_mem>>) {add = true}
    %dma_start3A_240 = arith.constant 4 : i32
    %dma_start3A_241 = arith.constant 512 : i32
    %dma_start3A_242 = arith.constant 0 : i32
    %dma_start3A_243 = tpu.memref_slice %arg13[%dma_start3A_241, %dma_start3A_242] : memref<640x16xf32, #tpu.memory_space<vmem>> -> memref<128x16xf32, #tpu.memory_space<vmem>>
    %dma_start3A_244 = arith.constant 0 : i32
    %dma_start3A_245 = tpu.memref_slice %arg14[%dma_start3A_240, %dma_start3A_244] : memref<5x128xi32, #tpu.memory_space<vmem>> -> memref<1x128xi32, #tpu.memory_space<vmem>>
    %dma_start3A_246 = tpu.memref_squeeze %dma_start3A_245 : memref<1x128xi32, #tpu.memory_space<vmem>> -> memref<128xi32, #tpu.memory_space<vmem>>
    %dma_start3A_247 = arith.constant 0 : i32
    %dma_start3A_248 = arith.constant 0 : i32
    %dma_start3A_249 = tpu.memref_slice %arg17[%dma_start3A_247, %dma_start3A_248] : memref<40x16xf32, #tpu.memory_space<vmem_shared>> -> memref<40x16xf32, #tpu.memory_space<vmem_shared>>
    tpu.enqueue_indirect_dma source(%dma_start3A_243 : memref<128x16xf32, #tpu.memory_space<vmem>>) target(%dma_start3A_249 : memref<40x16xf32, #tpu.memory_space<vmem_shared>>) offsets(%dma_start3A_246 : memref<128xi32, #tpu.memory_space<vmem>>) semaphore(%arg23 : memref<!tpu.dma_semaphore, #tpu.memory_space<semaphore_mem>>) {add = true}
    %dma_start3A_250 = arith.constant 4 : i32
    %dma_start3A_251 = arith.constant 0 : i32
    %dma_start3A_252 = tpu.memref_slice %arg14[%dma_start3A_250, %dma_start3A_251] : memref<5x128xi32, #tpu.memory_space<vmem>> -> memref<1x128xi32, #tpu.memory_space<vmem>>
    %dma_start3A_253 = tpu.memref_squeeze %dma_start3A_252 : memref<1x128xi32, #tpu.memory_space<vmem>> -> memref<128xi32, #tpu.memory_space<vmem>>
    %dma_start3A_254 = arith.constant 0 : i32
    %dma_start3A_255 = arith.constant 0 : i32
    %dma_start3A_256 = tpu.memref_slice %arg18[%dma_start3A_254, %dma_start3A_255] : memref<40x16xf32, #tpu.memory_space<vmem_shared>> -> memref<40x16xf32, #tpu.memory_space<vmem_shared>>
    tpu.enqueue_indirect_dma source(%arg15 : memref<128x16xf32, #tpu.memory_space<vmem>>) target(%dma_start3A_256 : memref<40x16xf32, #tpu.memory_space<vmem_shared>>) offsets(%dma_start3A_253 : memref<128xi32, #tpu.memory_space<vmem>>) semaphore(%arg33 : memref<!tpu.dma_semaphore, #tpu.memory_space<semaphore_mem>>) {add = true}
    %dma_wait3A = arith.constant 0 : i32
    %dma_wait3A_257 = arith.constant 0 : i32
    %dma_wait3A_258 = arith.constant 0 : i32
    %dma_wait3A_259 = tpu.memref_slice %arg13[%dma_wait3A_257, %dma_wait3A_258] : memref<640x16xf32, #tpu.memory_space<vmem>> -> memref<128x16xf32, #tpu.memory_space<vmem>>
    %dma_wait3A_260 = arith.constant 0 : i32
    %dma_wait3A_261 = tpu.memref_slice %arg14[%dma_wait3A, %dma_wait3A_260] : memref<5x128xi32, #tpu.memory_space<vmem>> -> memref<1x128xi32, #tpu.memory_space<vmem>>
    %dma_wait3A_262 = tpu.memref_squeeze %dma_wait3A_261 : memref<1x128xi32, #tpu.memory_space<vmem>> -> memref<128xi32, #tpu.memory_space<vmem>>
    %dma_wait3A_263 = arith.constant 0 : i32
    %dma_wait3A_264 = arith.constant 0 : i32
    %dma_wait3A_265 = tpu.memref_slice %arg17[%dma_wait3A_263, %dma_wait3A_264] : memref<40x16xf32, #tpu.memory_space<vmem_shared>> -> memref<40x16xf32, #tpu.memory_space<vmem_shared>>
    tpu.wait_indirect_dma semaphore(%arg19 : memref<!tpu.dma_semaphore, #tpu.memory_space<semaphore_mem>>) src(%dma_wait3A_259 : memref<128x16xf32, #tpu.memory_space<vmem>>) dst(%dma_wait3A_265 : memref<40x16xf32, #tpu.memory_space<vmem_shared>>)
    %dma_wait3A_266 = arith.constant 0 : i32
    %dma_wait3A_267 = arith.constant 0 : i32
    %dma_wait3A_268 = tpu.memref_slice %arg14[%dma_wait3A_266, %dma_wait3A_267] : memref<5x128xi32, #tpu.memory_space<vmem>> -> memref<1x128xi32, #tpu.memory_space<vmem>>
    %dma_wait3A_269 = tpu.memref_squeeze %dma_wait3A_268 : memref<1x128xi32, #tpu.memory_space<vmem>> -> memref<128xi32, #tpu.memory_space<vmem>>
    %dma_wait3A_270 = arith.constant 0 : i32
    %dma_wait3A_271 = arith.constant 0 : i32
    %dma_wait3A_272 = tpu.memref_slice %arg18[%dma_wait3A_270, %dma_wait3A_271] : memref<40x16xf32, #tpu.memory_space<vmem_shared>> -> memref<40x16xf32, #tpu.memory_space<vmem_shared>>
    tpu.wait_indirect_dma semaphore(%arg29 : memref<!tpu.dma_semaphore, #tpu.memory_space<semaphore_mem>>) src(%arg15 : memref<128x16xf32, #tpu.memory_space<vmem>>) dst(%dma_wait3A_272 : memref<40x16xf32, #tpu.memory_space<vmem_shared>>)
    %dma_wait3A_273 = arith.constant 1 : i32
    %dma_wait3A_274 = arith.constant 128 : i32
    %dma_wait3A_275 = arith.constant 0 : i32
    %dma_wait3A_276 = tpu.memref_slice %arg13[%dma_wait3A_274, %dma_wait3A_275] : memref<640x16xf32, #tpu.memory_space<vmem>> -> memref<128x16xf32, #tpu.memory_space<vmem>>
    %dma_wait3A_277 = arith.constant 0 : i32
    %dma_wait3A_278 = tpu.memref_slice %arg14[%dma_wait3A_273, %dma_wait3A_277] : memref<5x128xi32, #tpu.memory_space<vmem>> -> memref<1x128xi32, #tpu.memory_space<vmem>>
    %dma_wait3A_279 = tpu.memref_squeeze %dma_wait3A_278 : memref<1x128xi32, #tpu.memory_space<vmem>> -> memref<128xi32, #tpu.memory_space<vmem>>
    %dma_wait3A_280 = arith.constant 0 : i32
    %dma_wait3A_281 = arith.constant 0 : i32
    %dma_wait3A_282 = tpu.memref_slice %arg17[%dma_wait3A_280, %dma_wait3A_281] : memref<40x16xf32, #tpu.memory_space<vmem_shared>> -> memref<40x16xf32, #tpu.memory_space<vmem_shared>>
    tpu.wait_indirect_dma semaphore(%arg20 : memref<!tpu.dma_semaphore, #tpu.memory_space<semaphore_mem>>) src(%dma_wait3A_276 : memref<128x16xf32, #tpu.memory_space<vmem>>) dst(%dma_wait3A_282 : memref<40x16xf32, #tpu.memory_space<vmem_shared>>)
    %dma_wait3A_283 = arith.constant 1 : i32
    %dma_wait3A_284 = arith.constant 0 : i32
    %dma_wait3A_285 = tpu.memref_slice %arg14[%dma_wait3A_283, %dma_wait3A_284] : memref<5x128xi32, #tpu.memory_space<vmem>> -> memref<1x128xi32, #tpu.memory_space<vmem>>
    %dma_wait3A_286 = tpu.memref_squeeze %dma_wait3A_285 : memref<1x128xi32, #tpu.memory_space<vmem>> -> memref<128xi32, #tpu.memory_space<vmem>>
    %dma_wait3A_287 = arith.constant 0 : i32
    %dma_wait3A_288 = arith.constant 0 : i32
    %dma_wait3A_289 = tpu.memref_slice %arg18[%dma_wait3A_287, %dma_wait3A_288] : memref<40x16xf32, #tpu.memory_space<vmem_shared>> -> memref<40x16xf32, #tpu.memory_space<vmem_shared>>
    tpu.wait_indirect_dma semaphore(%arg30 : memref<!tpu.dma_semaphore, #tpu.memory_space<semaphore_mem>>) src(%arg15 : memref<128x16xf32, #tpu.memory_space<vmem>>) dst(%dma_wait3A_289 : memref<40x16xf32, #tpu.memory_space<vmem_shared>>)
    %dma_wait3A_290 = arith.constant 2 : i32
    %dma_wait3A_291 = arith.constant 256 : i32
    %dma_wait3A_292 = arith.constant 0 : i32
    %dma_wait3A_293 = tpu.memref_slice %arg13[%dma_wait3A_291, %dma_wait3A_292] : memref<640x16xf32, #tpu.memory_space<vmem>> -> memref<128x16xf32, #tpu.memory_space<vmem>>
    %dma_wait3A_294 = arith.constant 0 : i32
    %dma_wait3A_295 = tpu.memref_slice %arg14[%dma_wait3A_290, %dma_wait3A_294] : memref<5x128xi32, #tpu.memory_space<vmem>> -> memref<1x128xi32, #tpu.memory_space<vmem>>
    %dma_wait3A_296 = tpu.memref_squeeze %dma_wait3A_295 : memref<1x128xi32, #tpu.memory_space<vmem>> -> memref<128xi32, #tpu.memory_space<vmem>>
    %dma_wait3A_297 = arith.constant 0 : i32
    %dma_wait3A_298 = arith.constant 0 : i32
    %dma_wait3A_299 = tpu.memref_slice %arg17[%dma_wait3A_297, %dma_wait3A_298] : memref<40x16xf32, #tpu.memory_space<vmem_shared>> -> memref<40x16xf32, #tpu.memory_space<vmem_shared>>
    tpu.wait_indirect_dma semaphore(%arg21 : memref<!tpu.dma_semaphore, #tpu.memory_space<semaphore_mem>>) src(%dma_wait3A_293 : memref<128x16xf32, #tpu.memory_space<vmem>>) dst(%dma_wait3A_299 : memref<40x16xf32, #tpu.memory_space<vmem_shared>>)
    %dma_wait3A_300 = arith.constant 2 : i32
    %dma_wait3A_301 = arith.constant 0 : i32
    %dma_wait3A_302 = tpu.memref_slice %arg14[%dma_wait3A_300, %dma_wait3A_301] : memref<5x128xi32, #tpu.memory_space<vmem>> -> memref<1x128xi32, #tpu.memory_space<vmem>>
    %dma_wait3A_303 = tpu.memref_squeeze %dma_wait3A_302 : memref<1x128xi32, #tpu.memory_space<vmem>> -> memref<128xi32, #tpu.memory_space<vmem>>
    %dma_wait3A_304 = arith.constant 0 : i32
    %dma_wait3A_305 = arith.constant 0 : i32
    %dma_wait3A_306 = tpu.memref_slice %arg18[%dma_wait3A_304, %dma_wait3A_305] : memref<40x16xf32, #tpu.memory_space<vmem_shared>> -> memref<40x16xf32, #tpu.memory_space<vmem_shared>>
    tpu.wait_indirect_dma semaphore(%arg31 : memref<!tpu.dma_semaphore, #tpu.memory_space<semaphore_mem>>) src(%arg15 : memref<128x16xf32, #tpu.memory_space<vmem>>) dst(%dma_wait3A_306 : memref<40x16xf32, #tpu.memory_space<vmem_shared>>)
    %dma_wait3A_307 = arith.constant 3 : i32
    %dma_wait3A_308 = arith.constant 384 : i32
    %dma_wait3A_309 = arith.constant 0 : i32
    %dma_wait3A_310 = tpu.memref_slice %arg13[%dma_wait3A_308, %dma_wait3A_309] : memref<640x16xf32, #tpu.memory_space<vmem>> -> memref<128x16xf32, #tpu.memory_space<vmem>>
    %dma_wait3A_311 = arith.constant 0 : i32
    %dma_wait3A_312 = tpu.memref_slice %arg14[%dma_wait3A_307, %dma_wait3A_311] : memref<5x128xi32, #tpu.memory_space<vmem>> -> memref<1x128xi32, #tpu.memory_space<vmem>>
    %dma_wait3A_313 = tpu.memref_squeeze %dma_wait3A_312 : memref<1x128xi32, #tpu.memory_space<vmem>> -> memref<128xi32, #tpu.memory_space<vmem>>
    %dma_wait3A_314 = arith.constant 0 : i32
    %dma_wait3A_315 = arith.constant 0 : i32
    %dma_wait3A_316 = tpu.memref_slice %arg17[%dma_wait3A_314, %dma_wait3A_315] : memref<40x16xf32, #tpu.memory_space<vmem_shared>> -> memref<40x16xf32, #tpu.memory_space<vmem_shared>>
    tpu.wait_indirect_dma semaphore(%arg22 : memref<!tpu.dma_semaphore, #tpu.memory_space<semaphore_mem>>) src(%dma_wait3A_310 : memref<128x16xf32, #tpu.memory_space<vmem>>) dst(%dma_wait3A_316 : memref<40x16xf32, #tpu.memory_space<vmem_shared>>)
    %dma_wait3A_317 = arith.constant 3 : i32
    %dma_wait3A_318 = arith.constant 0 : i32
    %dma_wait3A_319 = tpu.memref_slice %arg14[%dma_wait3A_317, %dma_wait3A_318] : memref<5x128xi32, #tpu.memory_space<vmem>> -> memref<1x128xi32, #tpu.memory_space<vmem>>
    %dma_wait3A_320 = tpu.memref_squeeze %dma_wait3A_319 : memref<1x128xi32, #tpu.memory_space<vmem>> -> memref<128xi32, #tpu.memory_space<vmem>>
    %dma_wait3A_321 = arith.constant 0 : i32
    %dma_wait3A_322 = arith.constant 0 : i32
    %dma_wait3A_323 = tpu.memref_slice %arg18[%dma_wait3A_321, %dma_wait3A_322] : memref<40x16xf32, #tpu.memory_space<vmem_shared>> -> memref<40x16xf32, #tpu.memory_space<vmem_shared>>
    tpu.wait_indirect_dma semaphore(%arg32 : memref<!tpu.dma_semaphore, #tpu.memory_space<semaphore_mem>>) src(%arg15 : memref<128x16xf32, #tpu.memory_space<vmem>>) dst(%dma_wait3A_323 : memref<40x16xf32, #tpu.memory_space<vmem_shared>>)
    %dma_wait3A_324 = arith.constant 4 : i32
    %dma_wait3A_325 = arith.constant 512 : i32
    %dma_wait3A_326 = arith.constant 0 : i32
    %dma_wait3A_327 = tpu.memref_slice %arg13[%dma_wait3A_325, %dma_wait3A_326] : memref<640x16xf32, #tpu.memory_space<vmem>> -> memref<128x16xf32, #tpu.memory_space<vmem>>
    %dma_wait3A_328 = arith.constant 0 : i32
    %dma_wait3A_329 = tpu.memref_slice %arg14[%dma_wait3A_324, %dma_wait3A_328] : memref<5x128xi32, #tpu.memory_space<vmem>> -> memref<1x128xi32, #tpu.memory_space<vmem>>
    %dma_wait3A_330 = tpu.memref_squeeze %dma_wait3A_329 : memref<1x128xi32, #tpu.memory_space<vmem>> -> memref<128xi32, #tpu.memory_space<vmem>>
    %dma_wait3A_331 = arith.constant 0 : i32
    %dma_wait3A_332 = arith.constant 0 : i32
    %dma_wait3A_333 = tpu.memref_slice %arg17[%dma_wait3A_331, %dma_wait3A_332] : memref<40x16xf32, #tpu.memory_space<vmem_shared>> -> memref<40x16xf32, #tpu.memory_space<vmem_shared>>
    tpu.wait_indirect_dma semaphore(%arg23 : memref<!tpu.dma_semaphore, #tpu.memory_space<semaphore_mem>>) src(%dma_wait3A_327 : memref<128x16xf32, #tpu.memory_space<vmem>>) dst(%dma_wait3A_333 : memref<40x16xf32, #tpu.memory_space<vmem_shared>>)
    %dma_wait3A_334 = arith.constant 4 : i32
    %dma_wait3A_335 = arith.constant 0 : i32
    %dma_wait3A_336 = tpu.memref_slice %arg14[%dma_wait3A_334, %dma_wait3A_335] : memref<5x128xi32, #tpu.memory_space<vmem>> -> memref<1x128xi32, #tpu.memory_space<vmem>>
    %dma_wait3A_337 = tpu.memref_squeeze %dma_wait3A_336 : memref<1x128xi32, #tpu.memory_space<vmem>> -> memref<128xi32, #tpu.memory_space<vmem>>
    %dma_wait3A_338 = arith.constant 0 : i32
    %dma_wait3A_339 = arith.constant 0 : i32
    %dma_wait3A_340 = tpu.memref_slice %arg18[%dma_wait3A_338, %dma_wait3A_339] : memref<40x16xf32, #tpu.memory_space<vmem_shared>> -> memref<40x16xf32, #tpu.memory_space<vmem_shared>>
    tpu.wait_indirect_dma semaphore(%arg33 : memref<!tpu.dma_semaphore, #tpu.memory_space<semaphore_mem>>) src(%arg15 : memref<128x16xf32, #tpu.memory_space<vmem>>) dst(%dma_wait3A_340 : memref<40x16xf32, #tpu.memory_space<vmem_shared>>)
    %barrier3A_341 = arith.constant 0 : index
    tpu.barrier barrier_id(%barrier3A_341)
    %eq3A_342 = arith.constant 0 : i32
    %eq3A_343 = arith.cmpi eq, %arg1, %eq3A_342 : i32
    %convert_element_type3A_344 = arith.extui %eq3A_343 : i1 to i32
    %cond3A_345 = arith.constant 0 : i32
    %cond3A_346 = arith.cmpi ne, %convert_element_type3A_344, %cond3A_345 : i32
    scf.if %cond3A_346 {
      "tpu.region"() ({
        %run_scoped3A = tpu.sem_alloc : memref<!tpu.dma_semaphore, #tpu.memory_space<semaphore_mem>>
        %dma_start3A_347 = arith.constant 0 : i32
        %dma_start3A_348 = arith.constant 0 : i32
        %dma_start3A_349 = tpu.memref_slice %arg8[%arg0, %dma_start3A_347, %dma_start3A_348] : memref<2x32x16xf32, #tpu.memory_space<hbm>> -> memref<1x32x16xf32, #tpu.memory_space<hbm>>
        %dma_start3A_350 = tpu.memref_squeeze %dma_start3A_349 : memref<1x32x16xf32, #tpu.memory_space<hbm>> -> memref<32x16xf32, #tpu.memory_space<hbm>>
        %dma_start3A_351 = arith.constant 0 : i32
        %dma_start3A_352 = arith.constant 0 : i32
        %dma_start3A_353 = tpu.memref_slice %arg17[%dma_start3A_351, %dma_start3A_352] : memref<40x16xf32, #tpu.memory_space<vmem_shared>> -> memref<32x16xf32, #tpu.memory_space<vmem_shared>>
        tpu.enqueue_dma source(%dma_start3A_353 : memref<32x16xf32, #tpu.memory_space<vmem_shared>>) target(%dma_start3A_350 : memref<32x16xf32, #tpu.memory_space<hbm>>) target_semaphore(%run_scoped3A : memref<!tpu.dma_semaphore, #tpu.memory_space<semaphore_mem>>)
        %dma_wait3A_354 = arith.constant 0 : i32
        %dma_wait3A_355 = arith.constant 0 : i32
        %dma_wait3A_356 = tpu.memref_slice %arg8[%arg0, %dma_wait3A_354, %dma_wait3A_355] : memref<2x32x16xf32, #tpu.memory_space<hbm>> -> memref<1x32x16xf32, #tpu.memory_space<hbm>>
        %dma_wait3A_357 = tpu.memref_squeeze %dma_wait3A_356 : memref<1x32x16xf32, #tpu.memory_space<hbm>> -> memref<32x16xf32, #tpu.memory_space<hbm>>
        %dma_wait3A_358 = arith.constant 0 : i32
        %dma_wait3A_359 = arith.constant 0 : i32
        %dma_wait3A_360 = tpu.memref_slice %arg17[%dma_wait3A_358, %dma_wait3A_359] : memref<40x16xf32, #tpu.memory_space<vmem_shared>> -> memref<32x16xf32, #tpu.memory_space<vmem_shared>>
        tpu.wait_dma2 semaphore(%run_scoped3A : memref<!tpu.dma_semaphore, #tpu.memory_space<semaphore_mem>>) src(%dma_wait3A_360 : memref<32x16xf32, #tpu.memory_space<vmem_shared>>) dst(%dma_wait3A_357 : memref<32x16xf32, #tpu.memory_space<hbm>>)
        tpu.yield
      }) : () -> ()
      "tpu.region"() ({
        %run_scoped3A = tpu.sem_alloc : memref<!tpu.dma_semaphore, #tpu.memory_space<semaphore_mem>>
        %dma_start3A_347 = arith.constant 0 : i32
        %dma_start3A_348 = arith.constant 0 : i32
        %dma_start3A_349 = tpu.memref_slice %arg9[%arg0, %dma_start3A_347, %dma_start3A_348] : memref<2x32x16xf32, #tpu.memory_space<hbm>> -> memref<1x32x16xf32, #tpu.memory_space<hbm>>
        %dma_start3A_350 = tpu.memref_squeeze %dma_start3A_349 : memref<1x32x16xf32, #tpu.memory_space<hbm>> -> memref<32x16xf32, #tpu.memory_space<hbm>>
        %dma_start3A_351 = arith.constant 0 : i32
        %dma_start3A_352 = arith.constant 0 : i32
        %dma_start3A_353 = tpu.memref_slice %arg18[%dma_start3A_351, %dma_start3A_352] : memref<40x16xf32, #tpu.memory_space<vmem_shared>> -> memref<32x16xf32, #tpu.memory_space<vmem_shared>>
        tpu.enqueue_dma source(%dma_start3A_353 : memref<32x16xf32, #tpu.memory_space<vmem_shared>>) target(%dma_start3A_350 : memref<32x16xf32, #tpu.memory_space<hbm>>) target_semaphore(%run_scoped3A : memref<!tpu.dma_semaphore, #tpu.memory_space<semaphore_mem>>)
        %dma_wait3A_354 = arith.constant 0 : i32
        %dma_wait3A_355 = arith.constant 0 : i32
        %dma_wait3A_356 = tpu.memref_slice %arg9[%arg0, %dma_wait3A_354, %dma_wait3A_355] : memref<2x32x16xf32, #tpu.memory_space<hbm>> -> memref<1x32x16xf32, #tpu.memory_space<hbm>>
        %dma_wait3A_357 = tpu.memref_squeeze %dma_wait3A_356 : memref<1x32x16xf32, #tpu.memory_space<hbm>> -> memref<32x16xf32, #tpu.memory_space<hbm>>
        %dma_wait3A_358 = arith.constant 0 : i32
        %dma_wait3A_359 = arith.constant 0 : i32
        %dma_wait3A_360 = tpu.memref_slice %arg18[%dma_wait3A_358, %dma_wait3A_359] : memref<40x16xf32, #tpu.memory_space<vmem_shared>> -> memref<32x16xf32, #tpu.memory_space<vmem_shared>>
        tpu.wait_dma2 semaphore(%run_scoped3A : memref<!tpu.dma_semaphore, #tpu.memory_space<semaphore_mem>>) src(%dma_wait3A_360 : memref<32x16xf32, #tpu.memory_space<vmem_shared>>) dst(%dma_wait3A_357 : memref<32x16xf32, #tpu.memory_space<hbm>>)
        tpu.yield
      }) : () -> ()
    } else {
    }
    return
  }
}

module attributes {stable_mosaic.version = 14 : i64} {
  func.func @body(%arg0: i32, %arg1: memref<1x2000x128xf32, #tpu.memory_space<vmem>>, %arg2: memref<128x128xf32, #tpu.memory_space<vmem>>, %arg3: memref<1x128xf32, #tpu.memory_space<vmem>>, %arg4: memref<2x2000x64xf32, #tpu.memory_space<vmem>>) attributes {dimension_semantics = [#tpu.dimension_semantics<arbitrary>], iteration_bounds = array<i64: 5>, scalar_prefetch = 0 : i64, scratch_operands = 0 : i64, tpu.core_type = #tpu.core_type<tc>, window_params = [{transform_indices = @transform_0, window_bounds = array<i64: 1, 2000, 128>}, {pipeline_mode = #tpu.pipeline_mode<synchronous>, transform_indices = @transform_1, window_bounds = array<i64: 128, 128>}, {pipeline_mode = #tpu.pipeline_mode<synchronous>, transform_indices = @transform_2, window_bounds = array<i64: 1, 128>}, {transform_indices = @transform_3, window_bounds = array<i64: 2, 2000, 64>}]} {
    %get3A = arith.constant 0 : index
    %get3A_0 = arith.constant 0 : index
    %get3A_1 = vector.load %arg2[%get3A, %get3A_0] : memref<128x128xf32, #tpu.memory_space<vmem>>, vector<128x128xf32>
    %get3A_2 = arith.constant 0 : index
    %get3A_3 = arith.constant 0 : index
    %get3A_4 = arith.constant 0 : index
    %get3A_5 = vector.load %arg1[%get3A_2, %get3A_3, %get3A_4] : memref<1x2000x128xf32, #tpu.memory_space<vmem>>, vector<1x2000x128xf32>
    %get3A_6 = vector.shape_cast %get3A_5 : vector<1x2000x128xf32> to vector<2000x128xf32>
    %dot_general3A = arith.constant dense<0.000000e+00> : vector<2000x128xf32>
    %dot_general3A_7 = tpu.matmul %get3A_6, %get3A_1, %dot_general3A {dimension_numbers = #tpu.dot_dimension_numbers<[1], [0], [0], [1], [0, 0, 1, 1], [], []>, transpose_lhs_hint = false} : vector<2000x128xf32>, vector<128x128xf32>, vector<2000x128xf32> -> vector<2000x128xf32>
    %get3A_8 = arith.constant 0 : index
    %get3A_9 = arith.constant 0 : index
    %get3A_10 = vector.load %arg3[%get3A_8, %get3A_9] : memref<1x128xf32, #tpu.memory_space<vmem>>, vector<1x128xf32>
    %add3A = vector.broadcast %get3A_10 : vector<1x128xf32> to vector<2000x128xf32>
    %add3A_11 = arith.addf %dot_general3A_7, %add3A : vector<2000x128xf32>
    %max3A = arith.constant 0.000000e+00 : f32
    %max3A_12 = vector.broadcast %max3A : f32 to vector<2000x128xf32>
    %max3A_13 = arith.maximumf %add3A_11, %max3A_12 : vector<2000x128xf32>
    %slice3A = vector.extract_strided_slice %max3A_13 {offsets = [0, 0], sizes = [2000, 64], strides = [1, 1]} : vector<2000x128xf32> to vector<2000x64xf32>
    %swap3A = arith.constant 0 : index
    %swap3A_14 = arith.constant 0 : index
    %swap3A_15 = arith.constant 0 : index
    %swap3A_16 = vector.load %arg4[%swap3A, %swap3A_14, %swap3A_15] : memref<2x2000x64xf32, #tpu.memory_space<vmem>>, vector<1x2000x64xf32>
    %swap3A_17 = vector.shape_cast %swap3A_16 : vector<1x2000x64xf32> to vector<2000x64xf32>
    %swap3A_18 = vector.shape_cast %slice3A : vector<2000x64xf32> to vector<1x2000x64xf32>
    tpu.vector_store %arg4[%swap3A, %swap3A_14, %swap3A_15], %swap3A_18 {strides = array<i32>} : memref<2x2000x64xf32, #tpu.memory_space<vmem>>, vector<1x2000x64xf32>,
    %slice3A_19 = vector.extract_strided_slice %max3A_13 {offsets = [0, 64], sizes = [2000, 64], strides = [1, 1]} : vector<2000x128xf32> to vector<2000x64xf32>
    %swap3A_20 = arith.constant 1 : index
    %swap3A_21 = arith.constant 0 : index
    %swap3A_22 = arith.constant 0 : index
    %swap3A_23 = vector.load %arg4[%swap3A_20, %swap3A_21, %swap3A_22] : memref<2x2000x64xf32, #tpu.memory_space<vmem>>, vector<1x2000x64xf32>
    %swap3A_24 = vector.shape_cast %swap3A_23 : vector<1x2000x64xf32> to vector<2000x64xf32>
    %swap3A_25 = vector.shape_cast %slice3A_19 : vector<2000x64xf32> to vector<1x2000x64xf32>
    tpu.vector_store %arg4[%swap3A_20, %swap3A_21, %swap3A_22], %swap3A_25 {strides = array<i32>} : memref<2x2000x64xf32, #tpu.memory_space<vmem>>, vector<1x2000x64xf32>,
    return
  }
  func.func @transform_0(%arg0: i32) -> (i32, i32, i32) {
    %c0_i32 = arith.constant 0 : i32
    %c0_i32_0 = arith.constant 0 : i32
    %c0_i32_1 = arith.constant 0 : i32
    return %c0_i32, %arg0, %c0_i32_0 : i32, i32, i32
  }
  func.func @transform_1(%arg0: i32) -> (i32, i32) {
    %c0_i32 = arith.constant 0 : i32
    %c0_i32_0 = arith.constant 0 : i32
    %c0_i32_1 = arith.constant 0 : i32
    return %c0_i32, %c0_i32_0 : i32, i32
  }
  func.func @transform_2(%arg0: i32) -> (i32, i32) {
    %c0_i32 = arith.constant 0 : i32
    %c0_i32_0 = arith.constant 0 : i32
    %c0_i32_1 = arith.constant 0 : i32
    return %c0_i32, %c0_i32_0 : i32, i32
  }
  func.func @transform_3(%arg0: i32) -> (i32, i32, i32) {
    %c0_i32 = arith.constant 0 : i32
    %c0_i32_0 = arith.constant 0 : i32
    %c0_i32_1 = arith.constant 0 : i32
    return %c0_i32, %arg0, %c0_i32_0 : i32, i32, i32
  }
}

module attributes {stable_mosaic.version = 14 : i64} {
  func.func @body(%arg0: i32, %arg1: memref<2x2528x64xf32, #tpu.memory_space<vmem>>, %arg2: memref<128x64xf32, #tpu.memory_space<vmem>>, %arg3: memref<1x64xf32, #tpu.memory_space<vmem>>, %arg4: memref<2x2528x32xf32, #tpu.memory_space<vmem>>) attributes {dimension_semantics = [#tpu.dimension_semantics<arbitrary>], iteration_bounds = array<i64: 4>, scalar_prefetch = 0 : i64, scratch_operands = 0 : i64, tpu.core_type = #tpu.core_type<tc>, window_params = [{transform_indices = @transform_0, window_bounds = array<i64: 2, 2528, 64>}, {pipeline_mode = #tpu.pipeline_mode<synchronous>, transform_indices = @transform_1, window_bounds = array<i64: 128, 64>}, {pipeline_mode = #tpu.pipeline_mode<synchronous>, transform_indices = @transform_2, window_bounds = array<i64: 1, 64>}, {transform_indices = @transform_3, window_bounds = array<i64: 2, 2528, 32>}]} {
    %get3A = arith.constant 0 : index
    %get3A_0 = arith.constant 0 : index
    %get3A_1 = vector.load %arg2[%get3A, %get3A_0] : memref<128x64xf32, #tpu.memory_space<vmem>>, vector<128x64xf32>
    %get3A_2 = arith.constant 0 : index
    %get3A_3 = arith.constant 0 : index
    %get3A_4 = arith.constant 0 : index
    %get3A_5 = vector.load %arg1[%get3A_2, %get3A_3, %get3A_4] : memref<2x2528x64xf32, #tpu.memory_space<vmem>>, vector<1x2528x64xf32>
    %get3A_6 = vector.shape_cast %get3A_5 : vector<1x2528x64xf32> to vector<2528x64xf32>
    %slice3A = vector.extract_strided_slice %get3A_1 {offsets = [0, 0], sizes = [64, 64], strides = [1, 1]} : vector<128x64xf32> to vector<64x64xf32>
    %dot_general3A = arith.constant dense<0.000000e+00> : vector<2528x64xf32>
    %dot_general3A_7 = tpu.matmul %get3A_6, %slice3A, %dot_general3A {dimension_numbers = #tpu.dot_dimension_numbers<[1], [0], [0], [1], [0, 0, 1, 1], [], []>, transpose_lhs_hint = false} : vector<2528x64xf32>, vector<64x64xf32>, vector<2528x64xf32> -> vector<2528x64xf32>
    %get3A_8 = arith.constant 1 : index
    %get3A_9 = arith.constant 0 : index
    %get3A_10 = arith.constant 0 : index
    %get3A_11 = vector.load %arg1[%get3A_8, %get3A_9, %get3A_10] : memref<2x2528x64xf32, #tpu.memory_space<vmem>>, vector<1x2528x64xf32>
    %get3A_12 = vector.shape_cast %get3A_11 : vector<1x2528x64xf32> to vector<2528x64xf32>
    %slice3A_13 = vector.extract_strided_slice %get3A_1 {offsets = [64, 0], sizes = [64, 64], strides = [1, 1]} : vector<128x64xf32> to vector<64x64xf32>
    %dot_general3A_14 = arith.constant dense<0.000000e+00> : vector<2528x64xf32>
    %dot_general3A_15 = tpu.matmul %get3A_12, %slice3A_13, %dot_general3A_14 {dimension_numbers = #tpu.dot_dimension_numbers<[1], [0], [0], [1], [0, 0, 1, 1], [], []>, transpose_lhs_hint = false} : vector<2528x64xf32>, vector<64x64xf32>, vector<2528x64xf32> -> vector<2528x64xf32>
    %add3A = arith.addf %dot_general3A_7, %dot_general3A_15 : vector<2528x64xf32>
    %get3A_16 = arith.constant 0 : index
    %get3A_17 = arith.constant 0 : index
    %get3A_18 = vector.load %arg3[%get3A_16, %get3A_17] : memref<1x64xf32, #tpu.memory_space<vmem>>, vector<1x64xf32>
    %add3A_19 = vector.broadcast %get3A_18 : vector<1x64xf32> to vector<2528x64xf32>
    %add3A_20 = arith.addf %add3A, %add3A_19 : vector<2528x64xf32>
    %max3A = arith.constant 0.000000e+00 : f32
    %max3A_21 = vector.broadcast %max3A : f32 to vector<2528x64xf32>
    %max3A_22 = arith.maximumf %add3A_20, %max3A_21 : vector<2528x64xf32>
    %slice3A_23 = vector.extract_strided_slice %max3A_22 {offsets = [0, 0], sizes = [2528, 32], strides = [1, 1]} : vector<2528x64xf32> to vector<2528x32xf32>
    %swap3A = arith.constant 0 : index
    %swap3A_24 = arith.constant 0 : index
    %swap3A_25 = arith.constant 0 : index
    %swap3A_26 = vector.load %arg4[%swap3A, %swap3A_24, %swap3A_25] : memref<2x2528x32xf32, #tpu.memory_space<vmem>>, vector<1x2528x32xf32>
    %swap3A_27 = vector.shape_cast %swap3A_26 : vector<1x2528x32xf32> to vector<2528x32xf32>
    %swap3A_28 = vector.shape_cast %slice3A_23 : vector<2528x32xf32> to vector<1x2528x32xf32>
    tpu.vector_store %arg4[%swap3A, %swap3A_24, %swap3A_25], %swap3A_28 {strides = array<i32>} : memref<2x2528x32xf32, #tpu.memory_space<vmem>>, vector<1x2528x32xf32>,
    %slice3A_29 = vector.extract_strided_slice %max3A_22 {offsets = [0, 32], sizes = [2528, 32], strides = [1, 1]} : vector<2528x64xf32> to vector<2528x32xf32>
    %swap3A_30 = arith.constant 1 : index
    %swap3A_31 = arith.constant 0 : index
    %swap3A_32 = arith.constant 0 : index
    %swap3A_33 = vector.load %arg4[%swap3A_30, %swap3A_31, %swap3A_32] : memref<2x2528x32xf32, #tpu.memory_space<vmem>>, vector<1x2528x32xf32>
    %swap3A_34 = vector.shape_cast %swap3A_33 : vector<1x2528x32xf32> to vector<2528x32xf32>
    %swap3A_35 = vector.shape_cast %slice3A_29 : vector<2528x32xf32> to vector<1x2528x32xf32>
    tpu.vector_store %arg4[%swap3A_30, %swap3A_31, %swap3A_32], %swap3A_35 {strides = array<i32>} : memref<2x2528x32xf32, #tpu.memory_space<vmem>>, vector<1x2528x32xf32>,
    return
  }
  func.func @transform_0(%arg0: i32) -> (i32, i32, i32) {
    %c0_i32 = arith.constant 0 : i32
    %c0_i32_0 = arith.constant 0 : i32
    %c0_i32_1 = arith.constant 0 : i32
    return %c0_i32, %arg0, %c0_i32_0 : i32, i32, i32
  }
  func.func @transform_1(%arg0: i32) -> (i32, i32) {
    %c0_i32 = arith.constant 0 : i32
    %c0_i32_0 = arith.constant 0 : i32
    %c0_i32_1 = arith.constant 0 : i32
    return %c0_i32, %c0_i32_0 : i32, i32
  }
  func.func @transform_2(%arg0: i32) -> (i32, i32) {
    %c0_i32 = arith.constant 0 : i32
    %c0_i32_0 = arith.constant 0 : i32
    %c0_i32_1 = arith.constant 0 : i32
    return %c0_i32, %c0_i32_0 : i32, i32
  }
  func.func @transform_3(%arg0: i32) -> (i32, i32, i32) {
    %c0_i32 = arith.constant 0 : i32
    %c0_i32_0 = arith.constant 0 : i32
    %c0_i32_1 = arith.constant 0 : i32
    return %c0_i32, %arg0, %c0_i32_0 : i32, i32, i32
  }
}

module attributes {stable_mosaic.version = 14 : i64} {
  func.func @body(%arg0: i32, %arg1: memref<2x2528x32xf32, #tpu.memory_space<vmem>>, %arg2: memref<64x32xf32, #tpu.memory_space<vmem>>, %arg3: memref<1x32xf32, #tpu.memory_space<vmem>>, %arg4: memref<2x2528x16xf32, #tpu.memory_space<vmem>>) attributes {dimension_semantics = [#tpu.dimension_semantics<arbitrary>], iteration_bounds = array<i64: 4>, scalar_prefetch = 0 : i64, scratch_operands = 0 : i64, tpu.core_type = #tpu.core_type<tc>, window_params = [{transform_indices = @transform_0, window_bounds = array<i64: 2, 2528, 32>}, {pipeline_mode = #tpu.pipeline_mode<synchronous>, transform_indices = @transform_1, window_bounds = array<i64: 64, 32>}, {pipeline_mode = #tpu.pipeline_mode<synchronous>, transform_indices = @transform_2, window_bounds = array<i64: 1, 32>}, {transform_indices = @transform_3, window_bounds = array<i64: 2, 2528, 16>}]} {
    %get3A = arith.constant 0 : index
    %get3A_0 = arith.constant 0 : index
    %get3A_1 = vector.load %arg2[%get3A, %get3A_0] : memref<64x32xf32, #tpu.memory_space<vmem>>, vector<64x32xf32>
    %get3A_2 = arith.constant 0 : index
    %get3A_3 = arith.constant 0 : index
    %get3A_4 = arith.constant 0 : index
    %get3A_5 = vector.load %arg1[%get3A_2, %get3A_3, %get3A_4] : memref<2x2528x32xf32, #tpu.memory_space<vmem>>, vector<1x2528x32xf32>
    %get3A_6 = vector.shape_cast %get3A_5 : vector<1x2528x32xf32> to vector<2528x32xf32>
    %slice3A = vector.extract_strided_slice %get3A_1 {offsets = [0, 0], sizes = [32, 32], strides = [1, 1]} : vector<64x32xf32> to vector<32x32xf32>
    %dot_general3A = arith.constant dense<0.000000e+00> : vector<2528x32xf32>
    %dot_general3A_7 = tpu.matmul %get3A_6, %slice3A, %dot_general3A {dimension_numbers = #tpu.dot_dimension_numbers<[1], [0], [0], [1], [0, 0, 1, 1], [], []>, transpose_lhs_hint = false} : vector<2528x32xf32>, vector<32x32xf32>, vector<2528x32xf32> -> vector<2528x32xf32>
    %get3A_8 = arith.constant 1 : index
    %get3A_9 = arith.constant 0 : index
    %get3A_10 = arith.constant 0 : index
    %get3A_11 = vector.load %arg1[%get3A_8, %get3A_9, %get3A_10] : memref<2x2528x32xf32, #tpu.memory_space<vmem>>, vector<1x2528x32xf32>
    %get3A_12 = vector.shape_cast %get3A_11 : vector<1x2528x32xf32> to vector<2528x32xf32>
    %slice3A_13 = vector.extract_strided_slice %get3A_1 {offsets = [32, 0], sizes = [32, 32], strides = [1, 1]} : vector<64x32xf32> to vector<32x32xf32>
    %dot_general3A_14 = arith.constant dense<0.000000e+00> : vector<2528x32xf32>
    %dot_general3A_15 = tpu.matmul %get3A_12, %slice3A_13, %dot_general3A_14 {dimension_numbers = #tpu.dot_dimension_numbers<[1], [0], [0], [1], [0, 0, 1, 1], [], []>, transpose_lhs_hint = false} : vector<2528x32xf32>, vector<32x32xf32>, vector<2528x32xf32> -> vector<2528x32xf32>
    %add3A = arith.addf %dot_general3A_7, %dot_general3A_15 : vector<2528x32xf32>
    %get3A_16 = arith.constant 0 : index
    %get3A_17 = arith.constant 0 : index
    %get3A_18 = vector.load %arg3[%get3A_16, %get3A_17] : memref<1x32xf32, #tpu.memory_space<vmem>>, vector<1x32xf32>
    %add3A_19 = vector.broadcast %get3A_18 : vector<1x32xf32> to vector<2528x32xf32>
    %add3A_20 = arith.addf %add3A, %add3A_19 : vector<2528x32xf32>
    %max3A = arith.constant 0.000000e+00 : f32
    %max3A_21 = vector.broadcast %max3A : f32 to vector<2528x32xf32>
    %max3A_22 = arith.maximumf %add3A_20, %max3A_21 : vector<2528x32xf32>
    %slice3A_23 = vector.extract_strided_slice %max3A_22 {offsets = [0, 0], sizes = [2528, 16], strides = [1, 1]} : vector<2528x32xf32> to vector<2528x16xf32>
    %swap3A = arith.constant 0 : index
    %swap3A_24 = arith.constant 0 : index
    %swap3A_25 = arith.constant 0 : index
    %swap3A_26 = vector.load %arg4[%swap3A, %swap3A_24, %swap3A_25] : memref<2x2528x16xf32, #tpu.memory_space<vmem>>, vector<1x2528x16xf32>
    %swap3A_27 = vector.shape_cast %swap3A_26 : vector<1x2528x16xf32> to vector<2528x16xf32>
    %swap3A_28 = vector.shape_cast %slice3A_23 : vector<2528x16xf32> to vector<1x2528x16xf32>
    tpu.vector_store %arg4[%swap3A, %swap3A_24, %swap3A_25], %swap3A_28 {strides = array<i32>} : memref<2x2528x16xf32, #tpu.memory_space<vmem>>, vector<1x2528x16xf32>,
    %slice3A_29 = vector.extract_strided_slice %max3A_22 {offsets = [0, 16], sizes = [2528, 16], strides = [1, 1]} : vector<2528x32xf32> to vector<2528x16xf32>
    %swap3A_30 = arith.constant 1 : index
    %swap3A_31 = arith.constant 0 : index
    %swap3A_32 = arith.constant 0 : index
    %swap3A_33 = vector.load %arg4[%swap3A_30, %swap3A_31, %swap3A_32] : memref<2x2528x16xf32, #tpu.memory_space<vmem>>, vector<1x2528x16xf32>
    %swap3A_34 = vector.shape_cast %swap3A_33 : vector<1x2528x16xf32> to vector<2528x16xf32>
    %swap3A_35 = vector.shape_cast %slice3A_29 : vector<2528x16xf32> to vector<1x2528x16xf32>
    tpu.vector_store %arg4[%swap3A_30, %swap3A_31, %swap3A_32], %swap3A_35 {strides = array<i32>} : memref<2x2528x16xf32, #tpu.memory_space<vmem>>, vector<1x2528x16xf32>,
    return
  }
  func.func @transform_0(%arg0: i32) -> (i32, i32, i32) {
    %c0_i32 = arith.constant 0 : i32
    %c0_i32_0 = arith.constant 0 : i32
    %c0_i32_1 = arith.constant 0 : i32
    return %c0_i32, %arg0, %c0_i32_0 : i32, i32, i32
  }
  func.func @transform_1(%arg0: i32) -> (i32, i32) {
    %c0_i32 = arith.constant 0 : i32
    %c0_i32_0 = arith.constant 0 : i32
    %c0_i32_1 = arith.constant 0 : i32
    return %c0_i32, %c0_i32_0 : i32, i32
  }
  func.func @transform_2(%arg0: i32) -> (i32, i32) {
    %c0_i32 = arith.constant 0 : i32
    %c0_i32_0 = arith.constant 0 : i32
    %c0_i32_1 = arith.constant 0 : i32
    return %c0_i32, %c0_i32_0 : i32, i32
  }
  func.func @transform_3(%arg0: i32) -> (i32, i32, i32) {
    %c0_i32 = arith.constant 0 : i32
    %c0_i32_0 = arith.constant 0 : i32
    %c0_i32_1 = arith.constant 0 : i32
    return %c0_i32, %arg0, %c0_i32_0 : i32, i32, i32
  }
}

module attributes {stable_mosaic.version = 14 : i64} {
  func.func @body(%arg0: memref<2x32x16xf32, #tpu.memory_space<vmem>>, %arg1: memref<2x32x16xf32, #tpu.memory_space<vmem>>, %arg2: memref<32x10xf32, #tpu.memory_space<vmem>>, %arg3: memref<1x10xf32, #tpu.memory_space<vmem>>, %arg4: memref<32x10xf32, #tpu.memory_space<vmem>>) attributes {dimension_semantics = [], scalar_prefetch = 0 : i64, scratch_operands = 0 : i64, tpu.core_type = #tpu.core_type<tc>} {
    %get3A = arith.constant 0 : index
    %get3A_0 = arith.constant 0 : index
    %get3A_1 = arith.constant 0 : index
    %get3A_2 = vector.load %arg1[%get3A, %get3A_0, %get3A_1] : memref<2x32x16xf32, #tpu.memory_space<vmem>>, vector<1x32x16xf32>
    %get3A_3 = vector.shape_cast %get3A_2 : vector<1x32x16xf32> to vector<32x16xf32>
    %slice3A = vector.extract_strided_slice %get3A_3 {offsets = [0, 0], sizes = [32, 1], strides = [1, 1]} : vector<32x16xf32> to vector<32x1xf32>
    %max3A = arith.constant 1.000000e+00 : f32
    %max3A_4 = vector.broadcast %max3A : f32 to vector<32x1xf32>
    %max3A_5 = arith.maximumf %slice3A, %max3A_4 : vector<32x1xf32>
    %get3A_6 = arith.constant 0 : index
    %get3A_7 = arith.constant 0 : index
    %get3A_8 = vector.load %arg2[%get3A_6, %get3A_7] : memref<32x10xf32, #tpu.memory_space<vmem>>, vector<32x10xf32>
    %get3A_9 = arith.constant 0 : index
    %get3A_10 = arith.constant 0 : index
    %get3A_11 = arith.constant 0 : index
    %get3A_12 = vector.load %arg0[%get3A_9, %get3A_10, %get3A_11] : memref<2x32x16xf32, #tpu.memory_space<vmem>>, vector<1x32x16xf32>
    %get3A_13 = vector.shape_cast %get3A_12 : vector<1x32x16xf32> to vector<32x16xf32>
    %div3A = vector.broadcast %max3A_5 : vector<32x1xf32> to vector<32x16xf32>
    %div3A_14 = arith.divf %get3A_13, %div3A : vector<32x16xf32>
    %slice3A_15 = vector.extract_strided_slice %get3A_8 {offsets = [0, 0], sizes = [16, 10], strides = [1, 1]} : vector<32x10xf32> to vector<16x10xf32>
    %dot_general3A = arith.constant dense<0.000000e+00> : vector<32x10xf32>
    %dot_general3A_16 = tpu.matmul %div3A_14, %slice3A_15, %dot_general3A {dimension_numbers = #tpu.dot_dimension_numbers<[1], [0], [0], [1], [0, 0, 1, 1], [], []>, transpose_lhs_hint = false} : vector<32x16xf32>, vector<16x10xf32>, vector<32x10xf32> -> vector<32x10xf32>
    %get3A_17 = arith.constant 1 : index
    %get3A_18 = arith.constant 0 : index
    %get3A_19 = arith.constant 0 : index
    %get3A_20 = vector.load %arg0[%get3A_17, %get3A_18, %get3A_19] : memref<2x32x16xf32, #tpu.memory_space<vmem>>, vector<1x32x16xf32>
    %get3A_21 = vector.shape_cast %get3A_20 : vector<1x32x16xf32> to vector<32x16xf32>
    %div3A_22 = vector.broadcast %max3A_5 : vector<32x1xf32> to vector<32x16xf32>
    %div3A_23 = arith.divf %get3A_21, %div3A_22 : vector<32x16xf32>
    %slice3A_24 = vector.extract_strided_slice %get3A_8 {offsets = [16, 0], sizes = [16, 10], strides = [1, 1]} : vector<32x10xf32> to vector<16x10xf32>
    %dot_general3A_25 = arith.constant dense<0.000000e+00> : vector<32x10xf32>
    %dot_general3A_26 = tpu.matmul %div3A_23, %slice3A_24, %dot_general3A_25 {dimension_numbers = #tpu.dot_dimension_numbers<[1], [0], [0], [1], [0, 0, 1, 1], [], []>, transpose_lhs_hint = false} : vector<32x16xf32>, vector<16x10xf32>, vector<32x10xf32> -> vector<32x10xf32>
    %add3A = arith.addf %dot_general3A_16, %dot_general3A_26 : vector<32x10xf32>
    %get3A_27 = arith.constant 0 : index
    %get3A_28 = arith.constant 0 : index
    %get3A_29 = vector.load %arg3[%get3A_27, %get3A_28] : memref<1x10xf32, #tpu.memory_space<vmem>>, vector<1x10xf32>
    %add3A_30 = vector.broadcast %get3A_29 : vector<1x10xf32> to vector<32x10xf32>
    %add3A_31 = arith.addf %add3A, %add3A_30 : vector<32x10xf32>
    %reduce_max3A = arith.constant dense<0xFF800000> : vector<32xf32>
    %reduce_max3A_32 = vector.multi_reduction <maximumf>, %add3A_31, %reduce_max3A [1] : vector<32x10xf32> to vector<32xf32>
    %broadcast_in_dim3A = vector.shape_cast %reduce_max3A_32 : vector<32xf32> to vector<32x1xf32>
    %sub3A = vector.broadcast %broadcast_in_dim3A : vector<32x1xf32> to vector<32x10xf32>
    %sub3A_33 = arith.subf %add3A_31, %sub3A : vector<32x10xf32>
    %exp3A = math.exp %sub3A_33 : vector<32x10xf32>
    %reduce_sum3A = arith.constant dense<0.000000e+00> : vector<32xf32>
    %reduce_sum3A_34 = vector.multi_reduction <add>, %exp3A, %reduce_sum3A [1] : vector<32x10xf32> to vector<32xf32>
    %broadcast_in_dim3A_35 = vector.shape_cast %reduce_sum3A_34 : vector<32xf32> to vector<32x1xf32>
    %div3A_36 = vector.broadcast %broadcast_in_dim3A_35 : vector<32x1xf32> to vector<32x10xf32>
    %div3A_37 = arith.divf %exp3A, %div3A_36 : vector<32x10xf32>
    %swap3A = arith.constant 0 : index
    %swap3A_38 = arith.constant 0 : index
    %swap3A_39 = vector.load %arg4[%swap3A, %swap3A_38] : memref<32x10xf32, #tpu.memory_space<vmem>>, vector<32x10xf32>
    tpu.vector_store %arg4[%swap3A, %swap3A_38], %div3A_37 {strides = array<i32>} : memref<32x10xf32, #tpu.memory_space<vmem>>, vector<32x10xf32>,
    return
  }
}

</mosaic_0001>

<sc_bundles>
// kernel: kernel.12.cloned.1.call-start
scs
__scs_entry_jumppad:
0x0: {  	(pc) =	sbr.rel $0x88, $3  }
0x1: {  	(tag) =	ssettag $0x0;
	lr =	simm.s32 $0x1  }
0x2: {  	[smem:$0x3F96] =	sst lr;
	_ =	strace $0xD0000000  }
0x3: {  	_ = 	snop  }
0x4: {  	_ = 	snop  }
0x5: {  	_ = 	snop  }
0x6: {  	_ = 	snop  }
0x7: {  	_ = 	snop  }
__scs_overlays_trampoline_lowered:
0x8: {  	[smem:$0x3FA5] =	sst s0  }
0x9: {  	[smem:$0x3FA6] =	sst s1  }
0xa: {  	[smem:$0x3FA7] =	sst s2  }
0xb: {  	[smem:$0x3FA8] =	sst s3  }
0xc: {  	[smem:$0x3FA9] =	sst s4  }
0xd: {  	[smem:$0x3FAA] =	sst s5  }
0xe: {  	[smem:$0x3FAB] =	sst s6  }
0xf: {  	[smem:$0x3FAC] =	sst s7  }
0x10: {  	[smem:$0x3FAD] =	sst s8  }
0x11: {  	[smem:$0x3FAE] =	sst s9;
	s0 =	simm.s32 @!p0 $0x0  }
0x12: {  	s1 =	sld [smem:$0x3F94];
	s0 =	simm.s32 @p0 $0x1  }
0x13: {  	[smem:$0x3FAF] =	sst s0;
	s0 =	simm.s32 @!p1 $0x0  }
0x14: {  	s2 =	sld [smem:$0x3F93];
	s0 =	simm.s32 @p1 $0x1  }
0x15: {  	[smem:$0x3FB0] =	sst s0;
	s0 =	simm.s32 @!p2 $0x0  }
0x16: {  	s3 =	sld [smem:$0x3FDB];
	s0 =	simm.s32 @p2 $0x1  }
0x17: {  	s4 =	simm.s32 $0x1BF5;
	[smem:$0x3FB2] =	sst s0  }
0x18: {  	s0 =	sld [smem:$0x3F95];
	_ =	swait.ge [sflag:s4], $0x0  }
0x19: {  	s7 =	sld [smem:$0x3F96]  }
0x1a: {  	s8 =	sadd.s32 $0xFFFFE003, lr  }
0x1b: {  	s9 =	sadd.s32 $0xFFFFFEF7, lr;
	s5 =	simm.s32 $0xFFFFFFFF;
	p2 =	slt.u32 s8, $0xFFFFF086  }
0x1c: {  	p1 =	slt.u32 s9, $0xF7A;
	s5 =	simm.s32 @!p2 $0x0  }
0x1d: {  	s5 =	simm.s32 @p1 $0x1;
	p0 =	seq.s32 s7, s2  }
0x1e: {  	s7 =	smul.u32 @!p0 $0xF7A, s2;
	p2 =	seq.s32 @!p0 s5, $0x0  }
0x1f: {  	s9 =	smul.u32 $0xF7A, s1;
	s8 =	simm.s32 @!p0 $0x1BF5;
	p2 =	por !p2, p0  }
0x20: {  	[sflag:s8] =	ssyncset.s32 @!p0 $0xFFFFF086;
	s6 =	sadd.s32 @!p0 s3, s7;
	s7 =	simm.s32 @!p0 $0x108  }
0x21: {  	s3 =	sadd.s32 s3, s9;
	s6 =	sadd.s32 @!p0 $0x88, s6;
	s7 =	simm.s32 @p2 $0x1082  }
0x22: {  	[simem:s7], [sflag:s8] =	dma.local @!p0 [hbm:s6], $0xF7A  }
0x23: {  	s9 =	sor.u32 $0xD0000000, s2;
	s6 =	simm.s32 $0x108;
	_ =	swait.ge @!p0 [sflag:s8], $0x0  }
0x24: {  	s3 =	sadd.s32 $0x88, s3;
	s6 =	simm.s32 @!p1 $0x1082;
	[sflag:s4] =	ssyncset.s32 $0xFFFFF086  }
0x25: {  	[simem:s6], [sflag:s4] =	dma.local [hbm:s3], $0xF7A  }
0x26: {  	[smem:$0x3F96] =	sst s1;
	(tag) =	ssettag s2;
	_ =	strace s9  }
0x27: {  	s1 =	sld [smem:$0x3FA6]  }
0x28: {  	s2 =	sld [smem:$0x3FA7]  }
0x29: {  	s4 =	sld [smem:$0x3FA9]  }
0x2a: {  	p0 =	seq.s32 s5, $0x0;
	s5 =	sld [smem:$0x3FAA]  }
0x2b: {  	s6 =	sld [smem:$0x3FAB]  }
0x2c: {  	s7 =	sld [smem:$0x3FAC]  }
0x2d: {  	s3 =	simm.s32 $0x108;
	s8 =	sld [smem:$0x3FAD]  }
0x2e: {  	s3 =	simm.s32 @!p0 $0x1082;
	s9 =	sld [smem:$0x3FAE]  }
0x2f: {  	lr =	sadd.s32 s0, s3;
	s0 =	sld [smem:$0x3FA5]  }
0x30: {  	s3 =	sld [smem:$0x3FA8]  }
0x31: {  	[smem:$0x3FB1] =	sst s10  }
0x32: {  	s10 =	sld [smem:$0x3FAF];
	_ =	sdelay $0x3  }
0x33: {  	p0 =	seq.s32 s10, $0x1;
	s10 =	sld [smem:$0x3FB1];
	_ =	sdelay $0x3  }
0x34: {  	[smem:$0x3FB1] =	sst s10  }
0x35: {  	s10 =	sld [smem:$0x3FB0];
	_ =	sdelay $0x3  }
0x36: {  	p1 =	seq.s32 s10, $0x1;
	s10 =	sld [smem:$0x3FB1];
	_ =	sdelay $0x3  }
0x37: {  	[smem:$0x3FB1] =	sst s10  }
0x38: {  	s10 =	sld [smem:$0x3FB2]  }
0x39: {  	_ = 	snop;
	(pc) =	sbr.ind lr, $3  }
0x3a: {  	_ = 	snop  }
0x3b: {  	_ = 	snop  }
0x3c: {  	p2 =	seq.s32 s10, $0x1;
	s10 =	sld [smem:$0x3FB1]  }
0x3d: {  	_ =	shalt  }
0x3e: {  	_ =	shalt  }
0x3f: {  	_ =	shalt  }
0x40: {  	_ =	shalt  }
0x41: {  	_ =	shalt  }
0x42: {  	_ =	shalt  }
0x43: {  	_ =	shalt  }
0x44: {  	_ =	shalt  }
0x45: {  	_ =	shalt  }
0x46: {  	_ =	shalt  }
0x47: {  	_ =	shalt  }
0x48: {  	_ =	shalt  }
0x49: {  	_ =	shalt  }
0x4a: {  	_ =	shalt  }
0x4b: {  	_ =	shalt  }
0x4c: {  	_ =	shalt  }
0x4d: {  	_ =	shalt  }
0x4e: {  	_ =	shalt  }
0x4f: {  	_ =	shalt  }
0x50: {  	_ =	shalt  }
0x51: {  	_ =	shalt  }
0x52: {  	_ =	shalt  }
0x53: {  	_ =	shalt  }
0x54: {  	_ =	shalt  }
0x55: {  	_ =	shalt  }
0x56: {  	_ =	shalt  }
0x57: {  	_ =	shalt  }
0x58: {  	_ =	shalt  }
0x59: {  	_ =	shalt  }
0x5a: {  	_ =	shalt  }
0x5b: {  	_ =	shalt  }
0x5c: {  	_ =	shalt  }
0x5d: {  	_ =	shalt  }
0x5e: {  	_ =	shalt  }
0x5f: {  	_ =	shalt  }
0x60: {  	_ =	shalt  }
0x61: {  	_ =	shalt  }
0x62: {  	_ =	shalt  }
0x63: {  	_ =	shalt  }
0x64: {  	_ =	shalt  }
0x65: {  	_ =	shalt  }
0x66: {  	_ =	shalt  }
0x67: {  	_ =	shalt  }
0x68: {  	_ =	shalt  }
0x69: {  	_ =	shalt  }
0x6a: {  	_ =	shalt  }
0x6b: {  	_ =	shalt  }
0x6c: {  	_ =	shalt  }
0x6d: {  	_ =	shalt  }
0x6e: {  	_ =	shalt  }
0x6f: {  	_ =	shalt  }
0x70: {  	_ =	shalt  }
0x71: {  	_ =	shalt  }
0x72: {  	_ =	shalt  }
0x73: {  	_ =	shalt  }
0x74: {  	_ =	shalt  }
0x75: {  	_ =	shalt  }
0x76: {  	_ =	shalt  }
0x77: {  	_ =	shalt  }
0x78: {  	_ =	shalt  }
0x79: {  	_ =	shalt  }
0x7a: {  	_ =	shalt  }
0x7b: {  	_ =	shalt  }
0x7c: {  	_ =	shalt  }
0x7d: {  	_ =	shalt  }
0x7e: {  	_ =	shalt  }
0x7f: {  	_ =	shalt  }
0x80: {  	_ =	shalt  }
0x81: {  	_ =	shalt  }
0x82: {  	_ =	shalt  }
0x83: {  	_ =	shalt  }
0x84: {  	_ =	shalt  }
0x85: {  	_ =	shalt  }
0x86: {  	_ =	shalt  }
0x87: {  	_ =	shalt  }
.Lfunc_end0:
.L_simem_size_0:
called_computation.1_lowered:
.L_overlay_start_0:
0x88: {  	s2 =	sld [smem:$0x3FD9]  }
0x89: {  	s3 =	sld [smem:$0x3FFE];
	_ =	sdelay $0x1  }
0x8a: {  	s1 =	srdreg.scid  }
0x8b: {  	s0 =	sand.u32 $0x1, s1  }
0x8c: {  	s16 =	sshll.u32 s0, $0xA;
	s2 =	sadd.s32 s3, s2  }
0x8d: {  	s2 =	sadd.s32 s2, s16  }
0x8e: {  	[smem:$0x3FBD] =	sst s2  }
0x8f: {  	_ = 	snop  }
0x90: {  	(tm) =	ssettm $0x1  }
0x91: {  	s17 =	sld [smem:$0x3FFB];
	_ =	sdelay $0x3  }
0x92: {  	_ =	strace s17  }
0x93: {  	s2 =	sld [smem:$0x3FFC];
	_ =	sdelay $0x3  }
0x94: {  	_ =	strace s2  }
0x95: {  	s2 =	sld [smem:$0x3FFD];
	_ =	sdelay $0x3  }
0x96: {  	_ =	strace s2  }
0x97: {  	_ =	strace $0x8FFFFFFF  }
0x98: {  	s18 =	sld [smem:$0x3FDB];
	_ =	sdelay $0x1  }
0x99: {  	s19 =	simm.s32 $_scs_section_size  }
0x9a: {  	s4 =	simm.s32 $_size__tile_overlayer_lowered;
	s5 =	simm.s32 $_tile_overlayer_lowered  }
0x9b: {  	s22 =	simm.s32 $0x1BFF;
	s21 =	sshll.u32 s5, $0x1;
	s2 =	sadd.s32 s19, s18  }
0x9c: {  	s6 =	simm.s32 $0x0;
	s20 =	sshll.u32 s4, $0x1;
	s4 =	sadd.s32 s21, s2  }
0x9d: {  	[timem:s6], [sflag:s22] =	dma.local [hbm:s4], s20  }
0x9e: {  	_ =	swait.ge [sflag:s22], s20  }
0x9f: {  	s3 =	ssub.s32 $0x0, s20;
	[sflag:s22] =	ssyncset.done $0x0  }
0xa0: {  	[sflag:s22] =	ssyncadd.s32 s3;
	_ =	sdelay $0x1  }
0xa1: {  	s23 =	simm.s32 $0x1B8B  }
0xa2: {  	_ =	swait.ge [sflag:s23], $0x1  }
0xa3: {  	[sflag:s23] =	ssyncset.done $0x0  }
0xa4: {  	s25 =	simm.s32 $0x1B8E;
	s24 =	sld [smem:$0x3FFE];
	[sflag:s23] =	ssyncadd.s32 $0xFFFFFFFF  }
0xa5: {  	s26 =	simm.s32 $execute0_lowered;
	[smem:$0x3FD2] =	sst s25  }
0xa6: {  	s4 =	sshll.u32 s26, $0x1;
	_ =	strace $0x80000049;
	[dreg:$0x1] =	wrdreg $0xFFFFFFFF  }
0xa7: {  	s28 =	simm.s32 $_size_execute0_lowered;
	s2 =	sadd.s32 s2, s4;
	[dreg:$0x0] =	wrdreg $0x0  }
0xa8: {  	s4 =	sshll.u32 s28, $0x1;
	[dreg:$0x2] =	wrdreg s2  }
0xa9: {  	[dreg:$0x3] =	wrdreg s4  }
0xaa: {  	[dreg:$0x4] =	wrdreg $0xC0  }
0xab: {  	_ =	task [dreg:s6], $0x5FFFF  }
0xac: {  	[dreg:$0x1] =	wrdreg $0xFFFFFFFF  }
0xad: {  	[dreg:$0x0] =	wrdreg $0x60  }
0xae: {  	[dreg:$0x2] =	wrdreg s24  }
0xaf: {  	[dreg:$0x3] =	wrdreg $0x140000  }
0xb0: {  	[dreg:$0x4] =	wrdreg $0x9  }
0xb1: {  	_ =	task.clear_ibuf [dreg:s6], $0x5FFFF;
	_ =	strace $0x90000049  }
0xb2: {  	s29 =	simm.s32 $0x9;
	_ =	strace $0x8000004B  }
0xb3: {  	_ =	swait.ge [sflag:s29], $0x1  }
0xb4: {  	[sflag:s29] =	ssyncadd.s32 $0xFFFFFFFF  }
0xb5: {  	_ =	strace $0x9000004B  }
0xb6: {  	_ =	sfence  }
0xb7: {  	s30 =	sld [smem:$0x0];
	_ =	sdelay $0x2  }
0xb8: {  	s31 =	sshll.u32 s1, $0xD;
	s1 =	sshrl.u32 s1, $0x2  }
0xb9: {  	s3 =	sand.u32 $0x4000, s31;
	s1 =	sadd.s32 s1, s30  }
0xba: {  	s0 =	sor.u32 s3, s0;
	s1 =	sshll.u32 s1, $0x11  }
0xbb: {  	s0 =	sor.u32 s1, s0  }
0xbc: {  	s0 =	sadd.s32 $0x8F2B, s0  }
0xbd: {  	[sflag:s0] =	ssyncadd.remote.s32 $0x1  }
0xbe: {  	_ =	sfence.sel $0xFFFF  }
0xbf: {  	[dreg:$0x0] =	wrdreg $0xFFFFFFFF;
	(pc) =	sbr.abs _section_cstart, $3  }
0xc0: {  	[dreg:$0x1] =	wrdreg $0xFFFFFFFF  }
0xc1: {  	_ =	task.clear_ibuf [dreg:s6], $0x2FFFF;
	_ =	strace $0x9FFFFFFF  }
0xc2: {  	(tm) =	ssettm $0x7FFFFFFF  }
0xc3: {  	_ =	shalt  }
tec
execute0_lowered:
.L_overlay_start_1:
0x0: {  	(tag) =	ssettag $0x1  }
0x1: {  	s0 =	rddreg [dreg:$0x0]  }
0x2: {  	s2 =	rddreg [dreg:$0x1]  }
0x3: {  	s8 =	stileid.u32;
	s4 =	simm.s32 $0x0;
	s3 =	srdreg.scid  }
0x4: {  	s13 =	simm.s32 $0x80;
	s28 =	simm.s32 $0x7;
	s30 =	simm.s32 $0x8  }
0x5: {  	s11 =	simm.s32 $0x10;
	s12 =	simm.s32 $0x11;
	s9 =	simm.s32 $0x12  }
0x6: {  	s14 =	simm.s32 $0x13;
	s15 =	simm.s32 $0x14;
	s29 =	simm.s32 $0xC000  }
0x7: {  	s31 =	simm.s32 $0xD000;
	s10 =	simm.s32 $0xF000;
	s16 =	simm.s32 $0x10000  }
0x8: {  	s18 =	simm.s32 $0x11000;
	s20 =	simm.s32 $0x12000;
	s1 =	smul.u32 $0xA00, s8  }
0x9: {  	[smem:$0x7FF] =	sst s4;
	s21 =	smul.u32 $0x4F00, s8;
	s3 =	sand.u32 $0x1, s3  }
0xa: {  	s26 =	sshll.u32 s8, $0x6;
	s4 =	simm.s32 $0xA;
	s8 =	simm.s32 $0xD  }
0xb: {  	_ =	strace $0x8000004A;
	s5 =	smul.u32 $0x9E00, s3;
	s3 =	ssub.s32 $0x2, s3  }
0xc: {  	s1 =	sadd.s32 s1, s0;
	s6 =	sshrl.u32 s21, $0x3;
	s22 =	sshrl.u32 s3, $0x1  }
0xd: {  	s24 =	sadd.s32 s21, s2;
	s21 =	simm.s32 $0x15;
	s7 =	sadd.s32 s6, s0  }
0xe: {  	s0 =	sadd.s32 s5, s0;
	s3 =	ssub.s32 s3, s22;
	s23 =	sadd.s32 $0x29000, s1  }
0xf: {  	s1 =	sadd.s32 $0x33000, s1;
	s5 =	simm.s32 $0xB;
	[dreg:$0x3] =	wrdreg s23  }
0x10: {  	[dreg:$0x4] =	wrdreg s1;
	s25 =	sadd.s32 $0x15A00, s7;
	s7 =	sadd.s32 $0x1E00, s0  }
0x11: {  	s0 =	sadd.s32 $0x3D000, s0;
	s3 =	smax.u32 s3, $0x1;
	s23 =	sor.u32 $0x1C15, s26  }
.Ltmp0:
0x12: {  	s1 =	sshrl.u32 s24, $0x3;
	[dreg:$0x5] =	wrdreg s25;
	(pc) =	sbr.rel .LBB2_1-.Ltmp0, $4  }
0x13: {  	s24 =	simm.s32 $0xE;
	s26 =	simm.s32 $0xA000;
	[dreg:$0x6] =	wrdreg s3  }
0x14: {  	[dreg:$0x8] =	wrdreg s1;
	s0 =	sadd.s32 s6, s0;
	s25 =	simm.s32 $0x6  }
0x15: {  	s6 =	simm.s32 $0xC;
	s3 =	simm.s32 $0xF;
	[dreg:$0x7] =	wrdreg s23  }
0x16: {  	s1 =	simm.s32 $0x0;
	[dreg:$0x9] =	wrdreg s0;
	s0 =	simm.s32 $0x9  }
.LBB2_3:
0x17: {  	_ =	swait.ge [sflag:s6], $0x1000  }
0x18: {  	[sflag:s6] =	ssyncset.done $0x0  }
0x19: {  	[sflag:s6] =	ssyncadd.s32 $0xFFFFF000  }
0x1a: {  	_ =	swait.ge [sflag:s8], $0x1000  }
0x1b: {  	[sflag:s8] =	ssyncset.done $0x0  }
0x1c: {  	[sflag:s8] =	ssyncadd.s32 $0xFFFFF000  }
0x1d: {  	_ =	swait.ge [sflag:s24], $0x1000  }
0x1e: {  	[sflag:s24] =	ssyncset.done $0x0  }
0x1f: {  	[sflag:s24] =	ssyncadd.s32 $0xFFFFF000  }
0x20: {  	_ =	swait.ge [sflag:s3], $0x1000  }
0x21: {  	[sflag:s3] =	ssyncset.done $0x0  }
0x22: {  	[sflag:s3] =	ssyncadd.s32 $0xFFFFF000  }
0x23: {  	_ =	swait.ge [sflag:s11], $0x1000  }
0x24: {  	[sflag:s11] =	ssyncset.done $0x0  }
0x25: {  	[sflag:s11] =	ssyncadd.s32 $0xFFFFF000  }
0x26: {  	_ =	swait.ge [sflag:s12], $0x1000  }
0x27: {  	[sflag:s12] =	ssyncset.done $0x0  }
0x28: {  	[sflag:s12] =	ssyncadd.s32 $0xFFFFF000  }
0x29: {  	_ =	swait.ge [sflag:s9], $0x1000  }
0x2a: {  	[sflag:s9] =	ssyncset.done $0x0  }
0x2b: {  	[sflag:s9] =	ssyncadd.s32 $0xFFFFF000  }
0x2c: {  	_ =	swait.ge [sflag:s14], $0x1000  }
0x2d: {  	[sflag:s14] =	ssyncset.done $0x0  }
0x2e: {  	[sflag:s14] =	ssyncadd.s32 $0xFFFFF000  }
0x2f: {  	_ =	swait.ge [sflag:s15], $0x1000  }
0x30: {  	[sflag:s15] =	ssyncset.done $0x0  }
0x31: {  	[sflag:s15] =	ssyncadd.s32 $0xFFFFF000  }
.LBB2_5:
0x32: {  	[bflag:$0x0] =	sbarrier.arrive $0xFFFF  }
0x33: {  	s23 =	rddreg [dreg:$0x7]  }
0x34: {  	s17 =	rddreg [dreg:$0x8]  }
0x35: {  	s21 =	simm.s32 $0x15;
	s1 =	rddreg [dreg:$0x9]  }
0x36: {  	[hbm:s1], [sflag:s23] =	dma.local [spmem:s17], $0x9E0  }
0x37: {  	_ =	swait.ge [sflag:s21], $0x9E0  }
0x38: {  	s19 =	rddreg [dreg:$0xa]  }
0x39: {  	s22 =	rddreg [dreg:$0x6];
	s1 =	sadd.s32 $0x1, s19  }
0x3a: {  	p0 =	sne.s32 s1, s22  }
.Ltmp1:
0x3b: {  	_ = 	snop;
	(pc) =	sbr.rel @!p0 .LBB2_6-.Ltmp1, $3  }
0x3c: {  	_ =	sdelay $0x1  }
0x3d: {  	[sflag:s21] =	ssyncset.done $0x0  }
0x3e: {  	[sflag:s21] =	ssyncadd.s32 $0xFFFFF620  }
.LBB2_1:
0x3f: {  	[dreg:$0xa] =	wrdreg s1  }
0x40: {  	s1 =	simm.s32 $0x0;
	s19 =	rddreg [dreg:$0x3]  }
0x41: {  	[tilespmem:s1], [sflag:$0x15] =	stream.linear.gather [hbm4b:s19+s1], $0x5000, $0x38;
	[tilespmem:$0x18F00] =	vst v63  }
0x42: {  	_ =	swait.ge [sflag:s21], $0x5000  }
0x43: {  	[sflag:s21] =	ssyncset.done $0x0  }
0x44: {  	s17 =	simm.s32 $0x5000;
	s22 =	rddreg [dreg:$0x4];
	[sflag:s21] =	ssyncadd.s32 $0xFFFFB000  }
0x45: {  	[tilespmem:s17], [sflag:$0x15] =	stream.linear.gather [hbm4b:s22+s1], $0x5000, $0x38;
	[tilespmem:$0x18F00] =	vst v63  }
0x46: {  	_ =	swait.ge [sflag:s21], $0x5000  }
0x47: {  	[sflag:s21] =	ssyncset.done $0x0;
	s17 =	rddreg [dreg:$0x5]  }
0x48: {  	s22 =	rddreg [dreg:$0x8];
	[sflag:s21] =	ssyncadd.s32 $0xFFFFB000  }
0x49: {  	[spmem:s22], [sflag:s23] =	dma.local [hbm:s17], $0x9E0  }
0x4a: {  	_ =	swait.ge [sflag:s21], $0x9E0  }
0x4b: {  	[sflag:s21] =	ssyncset.done $0x0  }
0x4c: {  	[sflag:s21] =	ssyncadd.s32 $0xFFFFF620  }
0x4d: {  	[tilespmem:s26], [sflag:$0x1] =	stream.indirect.gather [hbm4b:s7+s13], $0x20, s1, s13, $0xb8;
	[tilespmem:$0x18F00] =	vst v63  }
0x4e: {  	s23 =	simm.s32 $0xB000  }
0x4f: {  	[tilespmem:s23], [sflag:$0x2] =	stream.indirect.gather [hbm4b:s7+s13], $0x20, s13, s13, $0xb8;
	[tilespmem:$0x18F00] =	vst v63  }
0x50: {  	s19 =	simm.s32 $0x100  }
0x51: {  	[tilespmem:s29], [sflag:$0x3] =	stream.indirect.gather [hbm4b:s7+s13], $0x20, s19, s13, $0xb8;
	[tilespmem:$0x18F00] =	vst v63  }
0x52: {  	s21 =	simm.s32 $0x180  }
0x53: {  	[tilespmem:s31], [sflag:$0x4] =	stream.indirect.gather [hbm4b:s7+s13], $0x20, s21, s13, $0xb8;
	[tilespmem:$0x18F00] =	vst v63  }
0x54: {  	s22 =	simm.s32 $0x200;
	s1 =	simm.s32 $0xE000  }
0x55: {  	[tilespmem:s1], [sflag:$0x5] =	stream.indirect.gather [hbm4b:s7+s13], $0x20, s22, s13, $0xb8;
	[tilespmem:$0x18F00] =	vst v63  }
0x56: {  	s19 =	simm.s32 $0x280  }
0x57: {  	[tilespmem:s10], [sflag:$0x6] =	stream.indirect.gather [hbm4b:s7+s13], $0x20, s19, s13, $0xb8;
	[tilespmem:$0x18F00] =	vst v63  }
0x58: {  	s21 =	simm.s32 $0x300  }
0x59: {  	[tilespmem:s16], [sflag:$0x7] =	stream.indirect.gather [hbm4b:s7+s13], $0x20, s21, s13, $0xb8;
	[tilespmem:$0x18F00] =	vst v63  }
0x5a: {  	s22 =	simm.s32 $0x380  }
0x5b: {  	[tilespmem:s18], [sflag:$0x8] =	stream.indirect.gather [hbm4b:s7+s13], $0x20, s22, s13, $0xb8;
	[tilespmem:$0x18F00] =	vst v63  }
0x5c: {  	s19 =	simm.s32 $0x400  }
0x5d: {  	[tilespmem:s20], [sflag:$0x9] =	stream.indirect.gather [hbm4b:s7+s13], $0x20, s19, s13, $0xb8;
	[tilespmem:$0x18F00] =	vst v63  }
0x5e: {  	s21 =	simm.s32 $0x480;
	s22 =	simm.s32 $0x13000  }
0x5f: {  	[tilespmem:s22], [sflag:$0xA] =	stream.indirect.gather [hbm4b:s7+s13], $0x20, s21, s13, $0xb8;
	[tilespmem:$0x18F00] =	vst v63  }
0x60: {  	s17 =	simm.s32 $0x0;
	[bflag:$0x0] =	sbarrier.arrive $0xFFFF  }
.LBB2_2:
0x61: {  	s21 =	simm.s32 $0x1  }
0x62: {  	_ =	swait.ge [sflag:s21], $0x1000  }
0x63: {  	s19 =	sshra.s32 s17, $0x2;
	[sflag:s21] =	ssyncset.done $0x0  }
0x64: {  	[sflag:s21] =	ssyncadd.s32 $0xFFFFF000;
	s21 =	sadd.s32 $0x5000, s19  }
0x65: {  	[spmem:s2] =	stream.indirect.scatter.add.f32 [tilespmem:s26], [sflag:$0xB], $0x20, s21, s13, $0xb8;
	[tilespmem:$0x18F00] =	vst v63  }
0x66: {  	s21 =	simm.s32 $0x2  }
0x67: {  	_ =	swait.ge [sflag:s21], $0x1000  }
0x68: {  	[sflag:s21] =	ssyncset.done $0x0  }
0x69: {  	[sflag:s21] =	ssyncadd.s32 $0xFFFFF000;
	s21 =	sadd.s32 $0x5080, s19  }
0x6a: {  	[spmem:s2] =	stream.indirect.scatter.add.f32 [tilespmem:s23], [sflag:$0xC], $0x20, s21, s13, $0xb8;
	[tilespmem:$0x18F00] =	vst v63  }
0x6b: {  	s21 =	simm.s32 $0x3  }
0x6c: {  	_ =	swait.ge [sflag:s21], $0x1000  }
0x6d: {  	[sflag:s21] =	ssyncset.done $0x0  }
0x6e: {  	[sflag:s21] =	ssyncadd.s32 $0xFFFFF000;
	s21 =	sadd.s32 $0x5100, s19  }
0x6f: {  	[spmem:s2] =	stream.indirect.scatter.add.f32 [tilespmem:s29], [sflag:$0xD], $0x20, s21, s13, $0xb8;
	[tilespmem:$0x18F00] =	vst v63  }
0x70: {  	s21 =	simm.s32 $0x4  }
0x71: {  	_ =	swait.ge [sflag:s21], $0x1000  }
0x72: {  	[sflag:s21] =	ssyncset.done $0x0  }
0x73: {  	[sflag:s21] =	ssyncadd.s32 $0xFFFFF000;
	s21 =	sadd.s32 $0x5180, s19  }
0x74: {  	[spmem:s2] =	stream.indirect.scatter.add.f32 [tilespmem:s31], [sflag:$0xE], $0x20, s21, s13, $0xb8;
	[tilespmem:$0x18F00] =	vst v63  }
0x75: {  	s21 =	simm.s32 $0x5  }
0x76: {  	_ =	swait.ge [sflag:s21], $0x1000  }
0x77: {  	[sflag:s21] =	ssyncset.done $0x0  }
0x78: {  	[sflag:s21] =	ssyncadd.s32 $0xFFFFF000;
	s21 =	sadd.s32 $0x5200, s19  }
0x79: {  	[spmem:s2] =	stream.indirect.scatter.add.f32 [tilespmem:s1], [sflag:$0xF], $0x20, s21, s13, $0xb8;
	[tilespmem:$0x18F00] =	vst v63  }
0x7a: {  	_ =	swait.ge [sflag:s25], $0x1000  }
0x7b: {  	[sflag:s25] =	ssyncset.done $0x0  }
0x7c: {  	s21 =	sadd.s32 $0x5280, s19;
	[sflag:s25] =	ssyncadd.s32 $0xFFFFF000  }
0x7d: {  	[spmem:s2] =	stream.indirect.scatter.add.f32 [tilespmem:s10], [sflag:$0x10], $0x20, s21, s13, $0xb8;
	[tilespmem:$0x18F00] =	vst v63  }
0x7e: {  	_ =	swait.ge [sflag:s28], $0x1000  }
0x7f: {  	[sflag:s28] =	ssyncset.done $0x0  }
0x80: {  	s21 =	sadd.s32 $0x5300, s19;
	[sflag:s28] =	ssyncadd.s32 $0xFFFFF000  }
0x81: {  	[spmem:s2] =	stream.indirect.scatter.add.f32 [tilespmem:s16], [sflag:$0x11], $0x20, s21, s13, $0xb8;
	[tilespmem:$0x18F00] =	vst v63  }
0x82: {  	_ =	swait.ge [sflag:s30], $0x1000  }
0x83: {  	[sflag:s30] =	ssyncset.done $0x0  }
0x84: {  	s21 =	sadd.s32 $0x5380, s19;
	[sflag:s30] =	ssyncadd.s32 $0xFFFFF000  }
0x85: {  	[spmem:s2] =	stream.indirect.scatter.add.f32 [tilespmem:s18], [sflag:$0x12], $0x20, s21, s13, $0xb8;
	[tilespmem:$0x18F00] =	vst v63  }
0x86: {  	_ =	swait.ge [sflag:s0], $0x1000  }
0x87: {  	[sflag:s0] =	ssyncset.done $0x0  }
0x88: {  	s21 =	sadd.s32 $0x5400, s19;
	[sflag:s0] =	ssyncadd.s32 $0xFFFFF000  }
0x89: {  	[spmem:s2] =	stream.indirect.scatter.add.f32 [tilespmem:s20], [sflag:$0x13], $0x20, s21, s13, $0xb8;
	[tilespmem:$0x18F00] =	vst v63  }
0x8a: {  	_ =	swait.ge [sflag:s4], $0x1000  }
0x8b: {  	p0 =	sne.s32 s17, $0x12C00;
	[sflag:s4] =	ssyncset.done $0x0  }
.Ltmp2:
0x8c: {  	s21 =	sadd.s32 $0x5480, s19;
	[sflag:s4] =	ssyncadd.s32 $0xFFFFF000;
	(pc) =	sbr.rel @!p0 .LBB2_3-.Ltmp2, $4  }
0x8d: {  	[spmem:s2] =	stream.indirect.scatter.add.f32 [tilespmem:s22], [sflag:$0x14], $0x20, s21, s13, $0xb8;
	[tilespmem:$0x18F00] =	vst v63  }
0x8e: {  	_ =	swait.ge [sflag:s5], $0x1000  }
0x8f: {  	[sflag:s5] =	ssyncset.done $0x0  }
0x90: {  	[sflag:s5] =	ssyncadd.s32 $0xFFFFF000  }
0x91: {  	s21 =	sadd.s32 $0x500, s19  }
0x92: {  	[tilespmem:s26], [sflag:$0x1] =	stream.indirect.gather [hbm4b:s7+s13], $0x20, s21, s13, $0xb8;
	[tilespmem:$0x18F00] =	vst v63  }
0x93: {  	_ =	swait.ge [sflag:s6], $0x1000  }
0x94: {  	[sflag:s6] =	ssyncset.done $0x0  }
0x95: {  	s21 =	sadd.s32 $0x580, s19;
	[sflag:s6] =	ssyncadd.s32 $0xFFFFF000  }
0x96: {  	[tilespmem:s23], [sflag:$0x2] =	stream.indirect.gather [hbm4b:s7+s13], $0x20, s21, s13, $0xb8;
	[tilespmem:$0x18F00] =	vst v63  }
0x97: {  	_ =	swait.ge [sflag:s8], $0x1000  }
0x98: {  	[sflag:s8] =	ssyncset.done $0x0  }
0x99: {  	s21 =	sadd.s32 $0x600, s19;
	[sflag:s8] =	ssyncadd.s32 $0xFFFFF000  }
0x9a: {  	[tilespmem:s29], [sflag:$0x3] =	stream.indirect.gather [hbm4b:s7+s13], $0x20, s21, s13, $0xb8;
	[tilespmem:$0x18F00] =	vst v63  }
0x9b: {  	_ =	swait.ge [sflag:s24], $0x1000  }
0x9c: {  	[sflag:s24] =	ssyncset.done $0x0  }
0x9d: {  	s21 =	sadd.s32 $0x680, s19;
	[sflag:s24] =	ssyncadd.s32 $0xFFFFF000  }
0x9e: {  	[tilespmem:s31], [sflag:$0x4] =	stream.indirect.gather [hbm4b:s7+s13], $0x20, s21, s13, $0xb8;
	[tilespmem:$0x18F00] =	vst v63  }
0x9f: {  	_ =	swait.ge [sflag:s3], $0x1000  }
0xa0: {  	[sflag:s3] =	ssyncset.done $0x0  }
0xa1: {  	s21 =	sadd.s32 $0x700, s19;
	[sflag:s3] =	ssyncadd.s32 $0xFFFFF000  }
0xa2: {  	[tilespmem:s1], [sflag:$0x5] =	stream.indirect.gather [hbm4b:s7+s13], $0x20, s21, s13, $0xb8;
	[tilespmem:$0x18F00] =	vst v63  }
0xa3: {  	_ =	swait.ge [sflag:s11], $0x1000  }
0xa4: {  	[sflag:s11] =	ssyncset.done $0x0  }
0xa5: {  	s21 =	sadd.s32 $0x780, s19;
	[sflag:s11] =	ssyncadd.s32 $0xFFFFF000  }
0xa6: {  	[tilespmem:s10], [sflag:$0x6] =	stream.indirect.gather [hbm4b:s7+s13], $0x20, s21, s13, $0xb8;
	[tilespmem:$0x18F00] =	vst v63  }
0xa7: {  	_ =	swait.ge [sflag:s12], $0x1000  }
0xa8: {  	[sflag:s12] =	ssyncset.done $0x0  }
0xa9: {  	s21 =	sadd.s32 $0x800, s19;
	[sflag:s12] =	ssyncadd.s32 $0xFFFFF000  }
0xaa: {  	[tilespmem:s16], [sflag:$0x7] =	stream.indirect.gather [hbm4b:s7+s13], $0x20, s21, s13, $0xb8;
	[tilespmem:$0x18F00] =	vst v63  }
0xab: {  	_ =	swait.ge [sflag:s9], $0x1000  }
0xac: {  	[sflag:s9] =	ssyncset.done $0x0  }
0xad: {  	s21 =	sadd.s32 $0x880, s19;
	[sflag:s9] =	ssyncadd.s32 $0xFFFFF000  }
0xae: {  	[tilespmem:s18], [sflag:$0x8] =	stream.indirect.gather [hbm4b:s7+s13], $0x20, s21, s13, $0xb8;
	[tilespmem:$0x18F00] =	vst v63  }
0xaf: {  	_ =	swait.ge [sflag:s14], $0x1000  }
0xb0: {  	s17 =	sadd.s32 $0x1400, s17;
	[sflag:s14] =	ssyncset.done $0x0  }
0xb1: {  	p0 =	sne.s32 s17, $0x14000;
	s21 =	sadd.s32 $0x900, s19;
	[sflag:s14] =	ssyncadd.s32 $0xFFFFF000  }
0xb2: {  	[tilespmem:s20], [sflag:$0x9] =	stream.indirect.gather [hbm4b:s7+s13], $0x20, s21, s13, $0xb8;
	[tilespmem:$0x18F00] =	vst v63  }
.Ltmp3:
0xb3: {  	_ = 	snop;
	(pc) =	sbr.rel @p0 .LBB2_2-.Ltmp3, $4  }
.Ltmp4:
0xb4: {  	_ =	swait.ge [sflag:s15], $0x1000;
	(pc) =	sbr.rel @!p0 .LBB2_5-.Ltmp4, $4  }
0xb5: {  	[sflag:s15] =	ssyncset.done $0x0  }
0xb6: {  	s22 =	simm.s32 $0x13000;
	s21 =	sadd.s32 $0x980, s19;
	[sflag:s15] =	ssyncadd.s32 $0xFFFFF000  }
0xb7: {  	[tilespmem:s22], [sflag:$0xA] =	stream.indirect.gather [hbm4b:s7+s13], $0x20, s21, s13, $0xb8;
	[tilespmem:$0x18F00] =	vst v63  }
0xb8: {  	_ = 	snop  }
.LBB2_6:
0xb9: {  	_ =	sfence.sel $0x180000  }
0xba: {  	[bflag:$0x0] =	sbarrier.arrive $0xFFFF  }
0xbb: {  	_ =	strace $0x9000004A  }
0xbc: {  	s0 =	stileid.u32;
	[bflag:$0x2] =	sbarrier.arrive $0xFFFF  }
0xbd: {  	p0 =	sne.s32 s0, $0x0;
	s0 =	rddreg [dreg:$0x2]  }
0xbe: {  	s0 =	sadd.s32 @!p0 $0x100000, s0  }
0xbf: {  	[sflag:s0] =	ssyncadd.tile.s32 @!p0 $0x1;
	_ =	shalt  }
.Lfunc_end2:
_tile_overlayer_lowered:
.L_overlay_start_2:
0xc0: {  	(tag) =	ssettag $0x2  }
0xc1: {  	s0 =	rddreg [dreg:$0x0];
	s2 =	stileid.u32  }
0xc2: {  	s1 =	rddreg [dreg:$0x1];
	p0 =	sne.s32 s2, $0x0  }
0xc3: {  	s3 =	rddreg [dreg:$0x2];
	[bflag:$0x3] =	sbarrier.arrive $0xFFFF;
	s2 =	simm.s32 @!p0 $0x1C15  }
0xc4: {  	[timem:s3], [sflag:s2] =	dma.local @!p0 [hbm:s0], s1  }
0xc5: {  	s0 =	simm.s32 @!p0 $0x15  }
0xc6: {  	_ =	swait.ge @!p0 [sflag:s0], s1  }
0xc7: {  	s1 =	ssub.s32 @!p0 $0x0, s1;
	[sflag:s0] =	ssyncset.done @!p0 $0x0  }
0xc8: {  	[sflag:s0] =	ssyncadd.s32 @!p0 s1  }
0xc9: {  	[bflag:$0x3] =	sbarrier.arrive $0xFFFF  }
0xca: {  	_ =	shalt  }

// kernel: kernel.15.cloned.1.call-start
scs
__scs_entry_jumppad:
0x0: {  	(pc) =	sbr.rel $0x88, $3  }
0x1: {  	(tag) =	ssettag $0x0;
	lr =	simm.s32 $0x1  }
0x2: {  	[smem:$0x3F96] =	sst lr;
	_ =	strace $0xD0000000  }
0x3: {  	_ = 	snop  }
0x4: {  	_ = 	snop  }
0x5: {  	_ = 	snop  }
0x6: {  	_ = 	snop  }
0x7: {  	_ = 	snop  }
__scs_overlays_trampoline_lowered:
0x8: {  	[smem:$0x3FA5] =	sst s0  }
0x9: {  	[smem:$0x3FA6] =	sst s1  }
0xa: {  	[smem:$0x3FA7] =	sst s2  }
0xb: {  	[smem:$0x3FA8] =	sst s3  }
0xc: {  	[smem:$0x3FA9] =	sst s4  }
0xd: {  	[smem:$0x3FAA] =	sst s5  }
0xe: {  	[smem:$0x3FAB] =	sst s6  }
0xf: {  	[smem:$0x3FAC] =	sst s7  }
0x10: {  	[smem:$0x3FAD] =	sst s8  }
0x11: {  	[smem:$0x3FAE] =	sst s9;
	s0 =	simm.s32 @!p0 $0x0  }
0x12: {  	s1 =	sld [smem:$0x3F94];
	s0 =	simm.s32 @p0 $0x1  }
0x13: {  	[smem:$0x3FAF] =	sst s0;
	s0 =	simm.s32 @!p1 $0x0  }
0x14: {  	s2 =	sld [smem:$0x3F93];
	s0 =	simm.s32 @p1 $0x1  }
0x15: {  	[smem:$0x3FB0] =	sst s0;
	s0 =	simm.s32 @!p2 $0x0  }
0x16: {  	s3 =	sld [smem:$0x3FDB];
	s0 =	simm.s32 @p2 $0x1  }
0x17: {  	s4 =	simm.s32 $0x1BF5;
	[smem:$0x3FB2] =	sst s0  }
0x18: {  	s0 =	sld [smem:$0x3F95];
	_ =	swait.ge [sflag:s4], $0x0  }
0x19: {  	s7 =	sld [smem:$0x3F96]  }
0x1a: {  	s8 =	sadd.s32 $0xFFFFE003, lr  }
0x1b: {  	s9 =	sadd.s32 $0xFFFFFEF7, lr;
	s5 =	simm.s32 $0xFFFFFFFF;
	p2 =	slt.u32 s8, $0xFFFFF086  }
0x1c: {  	p1 =	slt.u32 s9, $0xF7A;
	s5 =	simm.s32 @!p2 $0x0  }
0x1d: {  	s5 =	simm.s32 @p1 $0x1;
	p0 =	seq.s32 s7, s2  }
0x1e: {  	s7 =	smul.u32 @!p0 $0xF7A, s2;
	p2 =	seq.s32 @!p0 s5, $0x0  }
0x1f: {  	s9 =	smul.u32 $0xF7A, s1;
	s8 =	simm.s32 @!p0 $0x1BF5;
	p2 =	por !p2, p0  }
0x20: {  	[sflag:s8] =	ssyncset.s32 @!p0 $0xFFFFF086;
	s6 =	sadd.s32 @!p0 s3, s7;
	s7 =	simm.s32 @!p0 $0x108  }
0x21: {  	s3 =	sadd.s32 s3, s9;
	s6 =	sadd.s32 @!p0 $0x88, s6;
	s7 =	simm.s32 @p2 $0x1082  }
0x22: {  	[simem:s7], [sflag:s8] =	dma.local @!p0 [hbm:s6], $0xF7A  }
0x23: {  	s9 =	sor.u32 $0xD0000000, s2;
	s6 =	simm.s32 $0x108;
	_ =	swait.ge @!p0 [sflag:s8], $0x0  }
0x24: {  	s3 =	sadd.s32 $0x88, s3;
	s6 =	simm.s32 @!p1 $0x1082;
	[sflag:s4] =	ssyncset.s32 $0xFFFFF086  }
0x25: {  	[simem:s6], [sflag:s4] =	dma.local [hbm:s3], $0xF7A  }
0x26: {  	[smem:$0x3F96] =	sst s1;
	(tag) =	ssettag s2;
	_ =	strace s9  }
0x27: {  	s1 =	sld [smem:$0x3FA6]  }
0x28: {  	s2 =	sld [smem:$0x3FA7]  }
0x29: {  	s4 =	sld [smem:$0x3FA9]  }
0x2a: {  	p0 =	seq.s32 s5, $0x0;
	s5 =	sld [smem:$0x3FAA]  }
0x2b: {  	s6 =	sld [smem:$0x3FAB]  }
0x2c: {  	s7 =	sld [smem:$0x3FAC]  }
0x2d: {  	s3 =	simm.s32 $0x108;
	s8 =	sld [smem:$0x3FAD]  }
0x2e: {  	s3 =	simm.s32 @!p0 $0x1082;
	s9 =	sld [smem:$0x3FAE]  }
0x2f: {  	lr =	sadd.s32 s0, s3;
	s0 =	sld [smem:$0x3FA5]  }
0x30: {  	s3 =	sld [smem:$0x3FA8]  }
0x31: {  	[smem:$0x3FB1] =	sst s10  }
0x32: {  	s10 =	sld [smem:$0x3FAF];
	_ =	sdelay $0x3  }
0x33: {  	p0 =	seq.s32 s10, $0x1;
	s10 =	sld [smem:$0x3FB1];
	_ =	sdelay $0x3  }
0x34: {  	[smem:$0x3FB1] =	sst s10  }
0x35: {  	s10 =	sld [smem:$0x3FB0];
	_ =	sdelay $0x3  }
0x36: {  	p1 =	seq.s32 s10, $0x1;
	s10 =	sld [smem:$0x3FB1];
	_ =	sdelay $0x3  }
0x37: {  	[smem:$0x3FB1] =	sst s10  }
0x38: {  	s10 =	sld [smem:$0x3FB2]  }
0x39: {  	_ = 	snop;
	(pc) =	sbr.ind lr, $3  }
0x3a: {  	_ = 	snop  }
0x3b: {  	_ = 	snop  }
0x3c: {  	p2 =	seq.s32 s10, $0x1;
	s10 =	sld [smem:$0x3FB1]  }
0x3d: {  	_ =	shalt  }
0x3e: {  	_ =	shalt  }
0x3f: {  	_ =	shalt  }
0x40: {  	_ =	shalt  }
0x41: {  	_ =	shalt  }
0x42: {  	_ =	shalt  }
0x43: {  	_ =	shalt  }
0x44: {  	_ =	shalt  }
0x45: {  	_ =	shalt  }
0x46: {  	_ =	shalt  }
0x47: {  	_ =	shalt  }
0x48: {  	_ =	shalt  }
0x49: {  	_ =	shalt  }
0x4a: {  	_ =	shalt  }
0x4b: {  	_ =	shalt  }
0x4c: {  	_ =	shalt  }
0x4d: {  	_ =	shalt  }
0x4e: {  	_ =	shalt  }
0x4f: {  	_ =	shalt  }
0x50: {  	_ =	shalt  }
0x51: {  	_ =	shalt  }
0x52: {  	_ =	shalt  }
0x53: {  	_ =	shalt  }
0x54: {  	_ =	shalt  }
0x55: {  	_ =	shalt  }
0x56: {  	_ =	shalt  }
0x57: {  	_ =	shalt  }
0x58: {  	_ =	shalt  }
0x59: {  	_ =	shalt  }
0x5a: {  	_ =	shalt  }
0x5b: {  	_ =	shalt  }
0x5c: {  	_ =	shalt  }
0x5d: {  	_ =	shalt  }
0x5e: {  	_ =	shalt  }
0x5f: {  	_ =	shalt  }
0x60: {  	_ =	shalt  }
0x61: {  	_ =	shalt  }
0x62: {  	_ =	shalt  }
0x63: {  	_ =	shalt  }
0x64: {  	_ =	shalt  }
0x65: {  	_ =	shalt  }
0x66: {  	_ =	shalt  }
0x67: {  	_ =	shalt  }
0x68: {  	_ =	shalt  }
0x69: {  	_ =	shalt  }
0x6a: {  	_ =	shalt  }
0x6b: {  	_ =	shalt  }
0x6c: {  	_ =	shalt  }
0x6d: {  	_ =	shalt  }
0x6e: {  	_ =	shalt  }
0x6f: {  	_ =	shalt  }
0x70: {  	_ =	shalt  }
0x71: {  	_ =	shalt  }
0x72: {  	_ =	shalt  }
0x73: {  	_ =	shalt  }
0x74: {  	_ =	shalt  }
0x75: {  	_ =	shalt  }
0x76: {  	_ =	shalt  }
0x77: {  	_ =	shalt  }
0x78: {  	_ =	shalt  }
0x79: {  	_ =	shalt  }
0x7a: {  	_ =	shalt  }
0x7b: {  	_ =	shalt  }
0x7c: {  	_ =	shalt  }
0x7d: {  	_ =	shalt  }
0x7e: {  	_ =	shalt  }
0x7f: {  	_ =	shalt  }
0x80: {  	_ =	shalt  }
0x81: {  	_ =	shalt  }
0x82: {  	_ =	shalt  }
0x83: {  	_ =	shalt  }
0x84: {  	_ =	shalt  }
0x85: {  	_ =	shalt  }
0x86: {  	_ =	shalt  }
0x87: {  	_ =	shalt  }
.Lfunc_end0:
.L_simem_size_0:
called_computation.2_lowered:
.L_overlay_start_0:
0x88: {  	s2 =	sld [smem:$0x3FD9]  }
0x89: {  	s3 =	sld [smem:$0x3FFE];
	_ =	sdelay $0x1  }
0x8a: {  	s1 =	srdreg.scid  }
0x8b: {  	s0 =	sand.u32 $0x1, s1  }
0x8c: {  	s17 =	sshll.u32 s0, $0xA;
	s2 =	sadd.s32 s3, s2  }
0x8d: {  	s2 =	sadd.s32 s2, s17  }
0x8e: {  	[smem:$0x3FBD] =	sst s2  }
0x8f: {  	_ = 	snop  }
0x90: {  	s2 =	sld [smem:$0x3FD0];
	(tm) =	ssettm $0x1  }
0x91: {  	s18 =	sld [smem:$0x3FFB];
	_ =	sdelay $0x3  }
0x92: {  	_ =	strace s18  }
0x93: {  	s3 =	sld [smem:$0x3FFC];
	_ =	sdelay $0x3  }
0x94: {  	_ =	strace s3  }
0x95: {  	s3 =	sld [smem:$0x3FFD];
	_ =	sdelay $0x3  }
0x96: {  	_ =	strace s3  }
0x97: {  	_ =	strace $0x8FFFFFFF  }
0x98: {  	s19 =	sld [smem:$0x3FDB];
	_ =	sdelay $0x1  }
0x99: {  	s4 =	simm.s32 $_scs_section_size  }
0x9a: {  	s5 =	simm.s32 $_size__tile_overlayer_lowered;
	s6 =	simm.s32 $_tile_overlayer_lowered  }
0x9b: {  	s22 =	simm.s32 $0x1BFF;
	s21 =	sshll.u32 s6, $0x1;
	s3 =	sadd.s32 s4, s19  }
0x9c: {  	s7 =	simm.s32 $0x0;
	s20 =	sshll.u32 s5, $0x1;
	s5 =	sadd.s32 s21, s3  }
0x9d: {  	[timem:s7], [sflag:s22] =	dma.local [hbm:s5], s20  }
0x9e: {  	_ =	swait.ge [sflag:s22], s20  }
0x9f: {  	s4 =	ssub.s32 $0x0, s20;
	[sflag:s22] =	ssyncset.done $0x0  }
0xa0: {  	[sflag:s22] =	ssyncadd.s32 s4;
	_ =	sdelay $0x1  }
0xa1: {  	s23 =	simm.s32 $0x1B8B  }
0xa2: {  	_ =	swait.ge [sflag:s23], $0x1  }
0xa3: {  	[sflag:s23] =	ssyncset.done $0x0  }
0xa4: {  	s25 =	simm.s32 $0x1B8E;
	s24 =	sld [smem:$0x3FFE];
	[sflag:s23] =	ssyncadd.s32 $0xFFFFFFFF  }
0xa5: {  	s26 =	simm.s32 $execute0_lowered;
	[smem:$0x3FD2] =	sst s25  }
0xa6: {  	s5 =	sshll.u32 s26, $0x1;
	_ =	strace $0x8000004C;
	[dreg:$0x1] =	wrdreg $0xFFFFFFFF  }
0xa7: {  	s28 =	simm.s32 $_size_execute0_lowered;
	s3 =	sadd.s32 s3, s5;
	[dreg:$0x0] =	wrdreg $0x0  }
0xa8: {  	s5 =	sshll.u32 s28, $0x1;
	[dreg:$0x2] =	wrdreg s3  }
0xa9: {  	[dreg:$0x3] =	wrdreg s5  }
0xaa: {  	[dreg:$0x4] =	wrdreg $0xC0  }
0xab: {  	_ =	task [dreg:s7], $0x5FFFF  }
0xac: {  	[dreg:$0x1] =	wrdreg $0xFFFFFFFF  }
0xad: {  	[dreg:$0x0] =	wrdreg $0x60  }
0xae: {  	[dreg:$0x2] =	wrdreg s24  }
0xaf: {  	[dreg:$0x3] =	wrdreg s2  }
0xb0: {  	[dreg:$0x4] =	wrdreg $0x122800  }
0xb1: {  	[dreg:$0x5] =	wrdreg $0x14A000  }
0xb2: {  	[dreg:$0x6] =	wrdreg $0x14A280  }
0xb3: {  	[dreg:$0x7] =	wrdreg $0x9  }
0xb4: {  	_ =	task.clear_ibuf [dreg:s7], $0x8FFFF;
	_ =	strace $0x9000004C  }
0xb5: {  	s29 =	simm.s32 $0x9;
	_ =	strace $0x8000004E  }
0xb6: {  	_ =	swait.ge [sflag:s29], $0x1  }
0xb7: {  	[sflag:s29] =	ssyncadd.s32 $0xFFFFFFFF  }
0xb8: {  	_ =	strace $0x9000004E  }
0xb9: {  	_ =	sfence  }
0xba: {  	s30 =	sld [smem:$0x0];
	_ =	sdelay $0x2  }
0xbb: {  	s31 =	sshll.u32 s1, $0xD;
	s1 =	sshrl.u32 s1, $0x2  }
0xbc: {  	s3 =	sand.u32 $0x4000, s31;
	s1 =	sadd.s32 s1, s30  }
0xbd: {  	s0 =	sor.u32 s3, s0;
	s1 =	sshll.u32 s1, $0x11  }
0xbe: {  	s0 =	sor.u32 s1, s0  }
0xbf: {  	s0 =	sadd.s32 $0x8F2B, s0  }
0xc0: {  	[sflag:s0] =	ssyncadd.remote.s32 $0x1  }
0xc1: {  	_ =	sfence.sel $0xFFFF  }
0xc2: {  	[dreg:$0x0] =	wrdreg $0xFFFFFFFF;
	(pc) =	sbr.abs _section_cstart, $3  }
0xc3: {  	[dreg:$0x1] =	wrdreg $0xFFFFFFFF  }
0xc4: {  	_ =	task.clear_ibuf [dreg:s7], $0x2FFFF;
	_ =	strace $0x9FFFFFFF  }
0xc5: {  	(tm) =	ssettm $0x7FFFFFFF  }
tec
execute0_lowered:
.L_overlay_start_1:
0x0: {  	(tag) =	ssettag $0x1  }
0x1: {  	s0 =	rddreg [dreg:$0x0]  }
0x2: {  	s1 =	rddreg [dreg:$0x2]  }
0x3: {  	s2 =	srdreg.scid;
	s10 =	stileid.u32  }
0x4: {  	s5 =	simm.s32 $0x0;
	s19 =	simm.s32 $0x80;
	s30 =	simm.s32 $0xA000  }
0x5: {  	s31 =	simm.s32 $0x2;
	s17 =	simm.s32 $0xB;
	s18 =	simm.s32 $0x12  }
0x6: {  	s29 =	simm.s32 $0xC000;
	s14 =	simm.s32 $0xD800;
	s15 =	simm.s32 $0xE000  }
0x7: {  	s16 =	simm.s32 $0xE800;
	s2 =	sand.u32 $0x1, s2;
	s4 =	smul.u32 $0xA00, s10  }
0x8: {  	[smem:$0x7FF] =	sst s5;
	s11 =	sadd.s32 $0x1FE00, s0;
	s20 =	smul.u32 $0x50, s10  }
0x9: {  	s8 =	smul.u32 $0x2780, s10;
	p0 =	sne.s32 s10, $0x0;
	s10 =	simm.s32 $0x5  }
0xa: {  	s3 =	smul.u32 $0x4F00, s2;
	_ =	strace $0x8000004D;
	s6 =	ssub.s32 $0x2, s2  }
0xb: {  	s2 =	sshll.u32 s2, $0x6;
	[dreg:$0x6] =	wrdreg s11;
	s4 =	sadd.s32 s4, s0  }
0xc: {  	s7 =	sshrl.u32 s6, $0x1;
	s5 =	sadd.s32 s20, s0;
	s2 =	sadd.s32 s2, s0  }
0xd: {  	s22 =	sshrl.u32 s8, $0x3;
	s24 =	sadd.s32 s8, s1;
	s8 =	simm.s32 $0x3  }
0xe: {  	s20 =	simm.s32 $0x13;
	s3 =	sadd.s32 s3, s0;
	s6 =	ssub.s32 s6, s7  }
0xf: {  	s21 =	sadd.s32 $0x29000, s4;
	s4 =	sadd.s32 $0x33000, s4;
	[dreg:$0x9] =	wrdreg s24  }
0x10: {  	s23 =	sadd.s32 $0x1F800, s5;
	s0 =	sadd.s32 $0x1FE50, s0;
	[dreg:$0x7] =	wrdreg s21  }
0x11: {  	s25 =	sadd.s32 $0x25000, s2;
	s26 =	sadd.s32 $0x24E00, s2;
	[dreg:$0x8] =	wrdreg s4  }
0x12: {  	s5 =	simm.s32 $0x1;
	s7 =	simm.s32 $0x4;
	[dreg:$0xb] =	wrdreg s23  }
0x13: {  	s2 =	simm.s32 $0xF;
	s9 =	sadd.s32 $0x1E00, s3;
	[dreg:$0xc] =	wrdreg s0  }
.Ltmp0:
0x14: {  	s3 =	sadd.s32 s11, s22;
	[dreg:$0xd] =	wrdreg s25;
	(pc) =	sbr.rel .LBB2_1-.Ltmp0, $4  }
0x15: {  	[dreg:$0xe] =	wrdreg s26;
	s28 =	smax.u32 s6, $0x1;
	s25 =	simm.s32 $0x15  }
0x16: {  	s0 =	simm.s32 $0xC;
	s11 =	simm.s32 $0xD;
	s6 =	simm.s32 $0xE  }
0x17: {  	s21 =	simm.s32 $0x14;
	s22 =	simm.s32 $0xB000;
	[dreg:$0xa] =	wrdreg s3  }
0x18: {  	s26 =	simm.s32 $0xB800;
	[dreg:$0xf] =	wrdreg s28;
	s3 =	simm.s32 $0x0  }
.LBB2_3:
0x19: {  	_ =	swait.ge [sflag:s0], $0x800  }
0x1a: {  	[sflag:s0] =	ssyncset.done $0x0  }
0x1b: {  	[sflag:s0] =	ssyncadd.s32 $0xFFFFF800  }
0x1c: {  	_ =	swait.ge [sflag:s11], $0x800  }
0x1d: {  	[sflag:s11] =	ssyncset.done $0x0  }
0x1e: {  	[sflag:s11] =	ssyncadd.s32 $0xFFFFF800  }
0x1f: {  	_ =	swait.ge [sflag:s6], $0x800  }
0x20: {  	[sflag:s6] =	ssyncset.done $0x0  }
0x21: {  	[sflag:s6] =	ssyncadd.s32 $0xFFFFF800  }
0x22: {  	_ =	swait.ge [sflag:s2], $0x800  }
0x23: {  	[sflag:s2] =	ssyncset.done $0x0  }
0x24: {  	[sflag:s2] =	ssyncadd.s32 $0xFFFFF800  }
0x25: {  	_ =	swait.ge [sflag:s4], $0x800  }
0x26: {  	[sflag:s4] =	ssyncset.done $0x0  }
0x27: {  	[sflag:s4] =	ssyncadd.s32 $0xFFFFF800  }
0x28: {  	_ =	swait.ge [sflag:s24], $0x800  }
0x29: {  	[sflag:s24] =	ssyncset.done $0x0  }
0x2a: {  	[sflag:s24] =	ssyncadd.s32 $0xFFFFF800  }
0x2b: {  	_ =	swait.ge [sflag:s18], $0x800  }
0x2c: {  	[sflag:s18] =	ssyncset.done $0x0  }
0x2d: {  	[sflag:s18] =	ssyncadd.s32 $0xFFFFF800  }
0x2e: {  	_ =	swait.ge [sflag:s20], $0x800  }
0x2f: {  	[sflag:s20] =	ssyncset.done $0x0  }
0x30: {  	[sflag:s20] =	ssyncadd.s32 $0xFFFFF800  }
0x31: {  	_ =	swait.ge [sflag:s21], $0x800  }
0x32: {  	[sflag:s21] =	ssyncset.done $0x0  }
0x33: {  	[sflag:s21] =	ssyncadd.s32 $0xFFFFF800  }
.LBB2_5:
0x34: {  	[bflag:$0x0] =	sbarrier.arrive $0xFFFF  }
0x35: {  	s12 =	simm.s32 $0xF000;
	s23 =	simm.s32 $0x15;
	s24 =	rddreg [dreg:$0x9]  }
0x36: {  	[tilespmem:s12], [sflag:$0x15] =	stream.linear.gather [spmem:s24], $0x2780, $0x38;
	[tilespmem:$0x14A50] =	vst v63  }
0x37: {  	_ =	swait.ge [sflag:s23], $0x2780  }
0x38: {  	[sflag:s23] =	ssyncset.done $0x0  }
0x39: {  	s3 =	simm.s32 $0x11780;
	[sflag:s23] =	ssyncadd.s32 $0xFFFFD880  }
0x3a: {  	[tilespmem:s3], [sflag:$0x15] =	stream.linear.gather [spmem:s1], $0x80, $0x38;
	[tilespmem:$0x14A50] =	vst v63  }
0x3b: {  	_ =	swait.ge [sflag:s23], $0x80  }
0x3c: {  	[sflag:s23] =	ssyncset.done $0x0  }
0x3d: {  	[sflag:s23] =	ssyncadd.s32 $0xFFFFFF80  }
0x3e: {  	s4 =	simm.s32 $0x11800;
	s25 =	rddreg [dreg:$0x3]  }
0x3f: {  	[spmem:s25] =	stream.indirect.scatter.add.f32 [tilespmem:s12], [sflag:$0x1], $0x10, s4, s19, $0xb8;
	[tilespmem:$0x14A50] =	vst v63  }
0x40: {  	s13 =	simm.s32 $0x11A80;
	s28 =	rddreg [dreg:$0x4]  }
0x41: {  	[spmem:s28] =	stream.indirect.scatter.add.f32 [tilespmem:s13], [sflag:$0xB], $0x10, s4, s19, $0xb8;
	[tilespmem:$0x14A50] =	vst v63  }
0x42: {  	s23 =	simm.s32 $0x11880;
	s13 =	simm.s32 $0xF800  }
0x43: {  	[spmem:s25] =	stream.indirect.scatter.add.f32 [tilespmem:s13], [sflag:$0x2], $0x10, s23, s19, $0xb8;
	[tilespmem:$0x14A50] =	vst v63  }
0x44: {  	s3 =	simm.s32 $0x11A80  }
0x45: {  	[spmem:s28] =	stream.indirect.scatter.add.f32 [tilespmem:s3], [sflag:$0xC], $0x10, s23, s19, $0xb8;
	[tilespmem:$0x14A50] =	vst v63  }
0x46: {  	s4 =	simm.s32 $0x11900;
	s23 =	simm.s32 $0x10000  }
0x47: {  	[spmem:s25] =	stream.indirect.scatter.add.f32 [tilespmem:s23], [sflag:$0x3], $0x10, s4, s19, $0xb8;
	[tilespmem:$0x14A50] =	vst v63  }
0x48: {  	_ = 	snop  }
0x49: {  	[spmem:s28] =	stream.indirect.scatter.add.f32 [tilespmem:s3], [sflag:$0xD], $0x10, s4, s19, $0xb8;
	[tilespmem:$0x14A50] =	vst v63  }
0x4a: {  	s23 =	simm.s32 $0x10800;
	s4 =	simm.s32 $0x11980  }
0x4b: {  	[spmem:s25] =	stream.indirect.scatter.add.f32 [tilespmem:s23], [sflag:$0x4], $0x10, s4, s19, $0xb8;
	[tilespmem:$0x14A50] =	vst v63  }
0x4c: {  	_ = 	snop  }
0x4d: {  	[spmem:s28] =	stream.indirect.scatter.add.f32 [tilespmem:s3], [sflag:$0xE], $0x10, s4, s19, $0xb8;
	[tilespmem:$0x14A50] =	vst v63  }
0x4e: {  	s23 =	simm.s32 $0x11000;
	s4 =	simm.s32 $0x11A00  }
0x4f: {  	[spmem:s25] =	stream.indirect.scatter.add.f32 [tilespmem:s23], [sflag:$0x5], $0x10, s4, s19, $0xb8;
	[tilespmem:$0x14A50] =	vst v63  }
0x50: {  	_ = 	snop  }
0x51: {  	[spmem:s28] =	stream.indirect.scatter.add.f32 [tilespmem:s3], [sflag:$0xF], $0x10, s4, s19, $0xb8;
	[tilespmem:$0x14A50] =	vst v63  }
0x52: {  	_ =	swait.ge [sflag:s5], $0x800  }
0x53: {  	[sflag:s5] =	ssyncset.done $0x0  }
0x54: {  	[sflag:s5] =	ssyncadd.s32 $0xFFFFF800  }
0x55: {  	_ =	swait.ge [sflag:s17], $0x800  }
0x56: {  	[sflag:s17] =	ssyncset.done $0x0  }
0x57: {  	[sflag:s17] =	ssyncadd.s32 $0xFFFFF800  }
0x58: {  	_ =	swait.ge [sflag:s31], $0x800  }
0x59: {  	[sflag:s31] =	ssyncset.done $0x0  }
0x5a: {  	[sflag:s31] =	ssyncadd.s32 $0xFFFFF800  }
0x5b: {  	_ =	swait.ge [sflag:s0], $0x800  }
0x5c: {  	[sflag:s0] =	ssyncset.done $0x0  }
0x5d: {  	[sflag:s0] =	ssyncadd.s32 $0xFFFFF800  }
0x5e: {  	_ =	swait.ge [sflag:s8], $0x800  }
0x5f: {  	[sflag:s8] =	ssyncset.done $0x0  }
0x60: {  	[sflag:s8] =	ssyncadd.s32 $0xFFFFF800  }
0x61: {  	_ =	swait.ge [sflag:s11], $0x800  }
0x62: {  	[sflag:s11] =	ssyncset.done $0x0  }
0x63: {  	[sflag:s11] =	ssyncadd.s32 $0xFFFFF800  }
0x64: {  	_ =	swait.ge [sflag:s7], $0x800  }
0x65: {  	[sflag:s7] =	ssyncset.done $0x0  }
0x66: {  	[sflag:s7] =	ssyncadd.s32 $0xFFFFF800  }
0x67: {  	_ =	swait.ge [sflag:s6], $0x800  }
0x68: {  	[sflag:s6] =	ssyncset.done $0x0  }
0x69: {  	[sflag:s6] =	ssyncadd.s32 $0xFFFFF800  }
0x6a: {  	_ =	swait.ge [sflag:s10], $0x800  }
0x6b: {  	[sflag:s10] =	ssyncset.done $0x0  }
0x6c: {  	[sflag:s10] =	ssyncadd.s32 $0xFFFFF800  }
0x6d: {  	_ =	swait.ge [sflag:s2], $0x800  }
0x6e: {  	[sflag:s2] =	ssyncset.done $0x0  }
0x6f: {  	[sflag:s2] =	ssyncadd.s32 $0xFFFFF800  }
0x70: {  	[bflag:$0x0] =	sbarrier.arrive $0xFFFF  }
0x71: {  	s23 =	rddreg [dreg:$0xd]  }
0x72: {  	s3 =	rddreg [dreg:$0x11]  }
0x73: {  	s4 =	rddreg [dreg:$0x12]  }
0x74: {  	[hbm:s23], [sflag:s3] =	dma.local @!p0 [spmem:s4], $0x40  }
0x75: {  	s23 =	simm.s32 @!p0 $0x15  }
0x76: {  	_ =	swait.ge @!p0 [sflag:s23], $0x40  }
0x77: {  	[sflag:s23] =	ssyncset.done @!p0 $0x0;
	s25 =	rddreg [dreg:$0xe]  }
0x78: {  	s4 =	rddreg [dreg:$0x13];
	[sflag:s23] =	ssyncadd.s32 @!p0 $0xFFFFFFC0  }
0x79: {  	[hbm:s25], [sflag:s3] =	dma.local @!p0 [spmem:s4], $0x40  }
0x7a: {  	_ =	swait.ge @!p0 [sflag:s23], $0x40  }
0x7b: {  	s25 =	rddreg [dreg:$0x10]  }
0x7c: {  	s28 =	rddreg [dreg:$0xf];
	s3 =	sadd.s32 $0x1, s25  }
0x7d: {  	p1 =	sne.s32 s3, s28  }
.Ltmp1:
0x7e: {  	_ = 	snop;
	(pc) =	sbr.rel @!p1 .LBB2_6-.Ltmp1, $3  }
0x7f: {  	_ =	sdelay $0x1  }
0x80: {  	[sflag:s23] =	ssyncset.done @!p0 $0x0  }
0x81: {  	s25 =	simm.s32 $0x15;
	[sflag:s23] =	ssyncadd.s32 @!p0 $0xFFFFFFC0  }
.LBB2_1:
0x82: {  	[dreg:$0x10] =	wrdreg s3  }
0x83: {  	s28 =	simm.s32 $0x0;
	s23 =	rddreg [dreg:$0x7]  }
0x84: {  	[tilespmem:s28], [sflag:$0x15] =	stream.linear.gather [hbm4b:s23+s28], $0x5000, $0x38;
	[tilespmem:$0x14A50] =	vst v63  }
0x85: {  	_ =	swait.ge [sflag:s25], $0x5000  }
0x86: {  	[sflag:s25] =	ssyncset.done $0x0  }
0x87: {  	[sflag:s25] =	ssyncadd.s32 $0xFFFFB000  }
0x88: {  	[tilespmem:s30], [sflag:$0x1] =	stream.indirect.gather [hbm4b:s9+s19], $0x10, s28, s19, $0xb8;
	[tilespmem:$0x14A50] =	vst v63  }
0x89: {  	s3 =	simm.s32 $0xA800  }
0x8a: {  	[tilespmem:s3], [sflag:$0x2] =	stream.indirect.gather [hbm4b:s9+s19], $0x10, s19, s19, $0xb8;
	[tilespmem:$0x14A50] =	vst v63  }
0x8b: {  	s13 =	simm.s32 $0x100  }
0x8c: {  	[tilespmem:s22], [sflag:$0x3] =	stream.indirect.gather [hbm4b:s9+s19], $0x10, s13, s19, $0xb8;
	[tilespmem:$0x14A50] =	vst v63  }
0x8d: {  	s4 =	simm.s32 $0x180  }
0x8e: {  	[tilespmem:s26], [sflag:$0x4] =	stream.indirect.gather [hbm4b:s9+s19], $0x10, s4, s19, $0xb8;
	[tilespmem:$0x14A50] =	vst v63  }
0x8f: {  	s12 =	simm.s32 $0x200  }
0x90: {  	[tilespmem:s29], [sflag:$0x5] =	stream.indirect.gather [hbm4b:s9+s19], $0x10, s12, s19, $0xb8;
	[tilespmem:$0x14A50] =	vst v63  }
0x91: {  	s13 =	simm.s32 $0x280;
	s12 =	simm.s32 $0xC800  }
0x92: {  	[tilespmem:s12], [sflag:$0x6] =	stream.indirect.gather [hbm4b:s9+s19], $0x10, s13, s19, $0xb8;
	[tilespmem:$0x14A50] =	vst v63  }
0x93: {  	s4 =	simm.s32 $0x300;
	s13 =	simm.s32 $0xD000  }
0x94: {  	[tilespmem:s13], [sflag:$0x7] =	stream.indirect.gather [hbm4b:s9+s19], $0x10, s4, s19, $0xb8;
	[tilespmem:$0x14A50] =	vst v63  }
0x95: {  	s4 =	simm.s32 $0x380  }
0x96: {  	[tilespmem:s14], [sflag:$0x8] =	stream.indirect.gather [hbm4b:s9+s19], $0x10, s4, s19, $0xb8;
	[tilespmem:$0x14A50] =	vst v63  }
0x97: {  	s4 =	simm.s32 $0x400  }
0x98: {  	[tilespmem:s15], [sflag:$0x9] =	stream.indirect.gather [hbm4b:s9+s19], $0x10, s4, s19, $0xb8;
	[tilespmem:$0x14A50] =	vst v63  }
0x99: {  	s4 =	simm.s32 $0x480  }
0x9a: {  	[tilespmem:s16], [sflag:$0xA] =	stream.indirect.gather [hbm4b:s9+s19], $0x10, s4, s19, $0xb8;
	[tilespmem:$0x14A50] =	vst v63  }
0x9b: {  	s30 =	simm.s32 $0x5000;
	s4 =	rddreg [dreg:$0x8]  }
0x9c: {  	[tilespmem:s30], [sflag:$0x15] =	stream.linear.gather [hbm4b:s4+s28], $0x5000, $0x38;
	[tilespmem:$0x14A50] =	vst v63  }
0x9d: {  	s4 =	stileid.u32  }
0x9e: {  	_ =	swait.ge [sflag:s25], $0x5000;
	s23 =	sshll.u32 s4, $0x6  }
0x9f: {  	s30 =	simm.s32 $0x15;
	[sflag:s25] =	ssyncset.done $0x0;
	s4 =	sor.u32 $0x1C15, s23  }
0xa0: {  	s23 =	sshrl.u32 s24, $0x3;
	[sflag:s25] =	ssyncadd.s32 $0xFFFFB000;
	s25 =	rddreg [dreg:$0xa]  }
0xa1: {  	[spmem:s23], [sflag:s4] =	dma.local [hbm:s25], $0x4F0  }
0xa2: {  	_ =	swait.ge [sflag:s30], $0x4F0  }
0xa3: {  	[sflag:s30] =	ssyncset.done $0x0  }
0xa4: {  	s25 =	simm.s32 $0x11800;
	s23 =	rddreg [dreg:$0xb];
	[sflag:s30] =	ssyncadd.s32 $0xFFFFFB10  }
0xa5: {  	[tilespmem:s25], [sflag:$0x15] =	stream.linear.gather [hbm4b:s23+s28], $0x280, $0x38;
	[tilespmem:$0x14A50] =	vst v63  }
0xa6: {  	_ =	swait.ge [sflag:s30], $0x280  }
0xa7: {  	[sflag:s30] =	ssyncset.done $0x0  }
0xa8: {  	[sflag:s30] =	ssyncadd.s32 $0xFFFFFD80  }
0xa9: {  	s25 =	simm.s32 $0x11A80;
	s23 =	rddreg [dreg:$0x1]  }
0xaa: {  	[tilespmem:s25], [sflag:$0x15] =	stream.linear.gather [hbm4b:s23+s28], $0x800, $0x38;
	[tilespmem:$0x14A50] =	vst v63  }
0xab: {  	_ =	swait.ge [sflag:s30], $0x800  }
0xac: {  	[sflag:s30] =	ssyncset.done $0x0  }
0xad: {  	[sflag:s30] =	ssyncadd.s32 $0xFFFFF800  }
0xae: {  	s23 =	rddreg [dreg:$0x3]  }
0xaf: {  	s25 =	sshrl.u32 @!p0 s23, $0x3;
	s23 =	rddreg [dreg:$0x6]  }
0xb0: {  	[dreg:$0x12] =	wrdreg s25  }
0xb1: {  	[spmem:s25], [sflag:s4] =	dma.local @!p0 [hbm:s23], $0x50  }
0xb2: {  	s23 =	simm.s32 @!p0 $0x15  }
0xb3: {  	_ =	swait.ge @!p0 [sflag:s23], $0x50  }
0xb4: {  	[sflag:s23] =	ssyncset.done @!p0 $0x0  }
0xb5: {  	[dreg:$0x11] =	wrdreg s4;
	[sflag:s23] =	ssyncadd.s32 @!p0 $0xFFFFFFB0  }
0xb6: {  	s25 =	rddreg [dreg:$0x4]  }
0xb7: {  	s28 =	sshrl.u32 @!p0 s25, $0x3;
	s25 =	rddreg [dreg:$0xc]  }
0xb8: {  	[dreg:$0x13] =	wrdreg s28  }
0xb9: {  	[spmem:s28], [sflag:s4] =	dma.local @!p0 [hbm:s25], $0x50  }
0xba: {  	_ =	swait.ge @!p0 [sflag:s23], $0x50  }
0xbb: {  	[sflag:s23] =	ssyncset.done @!p0 $0x0  }
0xbc: {  	s24 =	simm.s32 $0x11;
	s30 =	simm.s32 $0xA000;
	[sflag:s23] =	ssyncadd.s32 @!p0 $0xFFFFFFB0  }
0xbd: {  	s4 =	simm.s32 $0x10;
	s23 =	simm.s32 $0x0;
	[bflag:$0x0] =	sbarrier.arrive $0xFFFF  }
.LBB2_2:
0xbe: {  	_ =	swait.ge [sflag:s5], $0x800  }
0xbf: {  	s25 =	sshra.s32 s23, $0x2;
	[sflag:s5] =	ssyncset.done $0x0  }
0xc0: {  	s28 =	sadd.s32 $0x5000, s25;
	[sflag:s5] =	ssyncadd.s32 $0xFFFFF800  }
0xc1: {  	[spmem:s1] =	stream.indirect.scatter.add.f32 [tilespmem:s30], [sflag:$0xB], $0x10, s28, s19, $0xb8;
	[tilespmem:$0x14A50] =	vst v63  }
0xc2: {  	_ =	swait.ge [sflag:s31], $0x800  }
0xc3: {  	[sflag:s31] =	ssyncset.done $0x0  }
0xc4: {  	s28 =	sadd.s32 $0x5080, s25;
	[sflag:s31] =	ssyncadd.s32 $0xFFFFF800  }
0xc5: {  	[spmem:s1] =	stream.indirect.scatter.add.f32 [tilespmem:s3], [sflag:$0xC], $0x10, s28, s19, $0xb8;
	[tilespmem:$0x14A50] =	vst v63  }
0xc6: {  	_ =	swait.ge [sflag:s8], $0x800  }
0xc7: {  	[sflag:s8] =	ssyncset.done $0x0  }
0xc8: {  	s28 =	sadd.s32 $0x5100, s25;
	[sflag:s8] =	ssyncadd.s32 $0xFFFFF800  }
0xc9: {  	[spmem:s1] =	stream.indirect.scatter.add.f32 [tilespmem:s22], [sflag:$0xD], $0x10, s28, s19, $0xb8;
	[tilespmem:$0x14A50] =	vst v63  }
0xca: {  	_ =	swait.ge [sflag:s7], $0x800  }
0xcb: {  	[sflag:s7] =	ssyncset.done $0x0  }
0xcc: {  	s28 =	sadd.s32 $0x5180, s25;
	[sflag:s7] =	ssyncadd.s32 $0xFFFFF800  }
0xcd: {  	[spmem:s1] =	stream.indirect.scatter.add.f32 [tilespmem:s26], [sflag:$0xE], $0x10, s28, s19, $0xb8;
	[tilespmem:$0x14A50] =	vst v63  }
0xce: {  	_ =	swait.ge [sflag:s10], $0x800  }
0xcf: {  	[sflag:s10] =	ssyncset.done $0x0  }
0xd0: {  	s28 =	sadd.s32 $0x5200, s25;
	[sflag:s10] =	ssyncadd.s32 $0xFFFFF800  }
0xd1: {  	[spmem:s1] =	stream.indirect.scatter.add.f32 [tilespmem:s29], [sflag:$0xF], $0x10, s28, s19, $0xb8;
	[tilespmem:$0x14A50] =	vst v63  }
0xd2: {  	s28 =	simm.s32 $0x6  }
0xd3: {  	_ =	swait.ge [sflag:s28], $0x800  }
0xd4: {  	[sflag:s28] =	ssyncset.done $0x0  }
0xd5: {  	[sflag:s28] =	ssyncadd.s32 $0xFFFFF800;
	s28 =	sadd.s32 $0x5280, s25  }
0xd6: {  	[spmem:s1] =	stream.indirect.scatter.add.f32 [tilespmem:s12], [sflag:$0x10], $0x10, s28, s19, $0xb8;
	[tilespmem:$0x14A50] =	vst v63  }
0xd7: {  	s28 =	simm.s32 $0x7  }
0xd8: {  	_ =	swait.ge [sflag:s28], $0x800  }
0xd9: {  	[sflag:s28] =	ssyncset.done $0x0  }
0xda: {  	[sflag:s28] =	ssyncadd.s32 $0xFFFFF800;
	s28 =	sadd.s32 $0x5300, s25  }
0xdb: {  	[spmem:s1] =	stream.indirect.scatter.add.f32 [tilespmem:s13], [sflag:$0x11], $0x10, s28, s19, $0xb8;
	[tilespmem:$0x14A50] =	vst v63  }
0xdc: {  	s28 =	simm.s32 $0x8  }
0xdd: {  	_ =	swait.ge [sflag:s28], $0x800  }
0xde: {  	[sflag:s28] =	ssyncset.done $0x0  }
0xdf: {  	[sflag:s28] =	ssyncadd.s32 $0xFFFFF800;
	s28 =	sadd.s32 $0x5380, s25  }
0xe0: {  	[spmem:s1] =	stream.indirect.scatter.add.f32 [tilespmem:s14], [sflag:$0x12], $0x10, s28, s19, $0xb8;
	[tilespmem:$0x14A50] =	vst v63  }
0xe1: {  	s28 =	simm.s32 $0x9  }
0xe2: {  	_ =	swait.ge [sflag:s28], $0x800  }
0xe3: {  	[sflag:s28] =	ssyncset.done $0x0  }
0xe4: {  	[sflag:s28] =	ssyncadd.s32 $0xFFFFF800;
	s28 =	sadd.s32 $0x5400, s25  }
0xe5: {  	[spmem:s1] =	stream.indirect.scatter.add.f32 [tilespmem:s15], [sflag:$0x13], $0x10, s28, s19, $0xb8;
	[tilespmem:$0x14A50] =	vst v63  }
0xe6: {  	s28 =	simm.s32 $0xA  }
0xe7: {  	_ =	swait.ge [sflag:s28], $0x800  }
0xe8: {  	p1 =	sne.s32 s23, $0x12C00;
	[sflag:s28] =	ssyncset.done $0x0  }
.Ltmp2:
0xe9: {  	[sflag:s28] =	ssyncadd.s32 $0xFFFFF800;
	s28 =	sadd.s32 $0x5480, s25;
	(pc) =	sbr.rel @!p1 .LBB2_3-.Ltmp2, $4  }
0xea: {  	[spmem:s1] =	stream.indirect.scatter.add.f32 [tilespmem:s16], [sflag:$0x14], $0x10, s28, s19, $0xb8;
	[tilespmem:$0x14A50] =	vst v63  }
0xeb: {  	_ =	swait.ge [sflag:s17], $0x800  }
0xec: {  	[sflag:s17] =	ssyncset.done $0x0  }
0xed: {  	[sflag:s17] =	ssyncadd.s32 $0xFFFFF800  }
0xee: {  	s28 =	sadd.s32 $0x500, s25  }
0xef: {  	[tilespmem:s30], [sflag:$0x1] =	stream.indirect.gather [hbm4b:s9+s19], $0x10, s28, s19, $0xb8;
	[tilespmem:$0x14A50] =	vst v63  }
0xf0: {  	_ =	swait.ge [sflag:s0], $0x800  }
0xf1: {  	[sflag:s0] =	ssyncset.done $0x0  }
0xf2: {  	s28 =	sadd.s32 $0x580, s25;
	[sflag:s0] =	ssyncadd.s32 $0xFFFFF800  }
0xf3: {  	[tilespmem:s3], [sflag:$0x2] =	stream.indirect.gather [hbm4b:s9+s19], $0x10, s28, s19, $0xb8;
	[tilespmem:$0x14A50] =	vst v63  }
0xf4: {  	_ =	swait.ge [sflag:s11], $0x800  }
0xf5: {  	[sflag:s11] =	ssyncset.done $0x0  }
0xf6: {  	s28 =	sadd.s32 $0x600, s25;
	[sflag:s11] =	ssyncadd.s32 $0xFFFFF800  }
0xf7: {  	[tilespmem:s22], [sflag:$0x3] =	stream.indirect.gather [hbm4b:s9+s19], $0x10, s28, s19, $0xb8;
	[tilespmem:$0x14A50] =	vst v63  }
0xf8: {  	_ =	swait.ge [sflag:s6], $0x800  }
0xf9: {  	[sflag:s6] =	ssyncset.done $0x0  }
0xfa: {  	s28 =	sadd.s32 $0x680, s25;
	[sflag:s6] =	ssyncadd.s32 $0xFFFFF800  }
0xfb: {  	[tilespmem:s26], [sflag:$0x4] =	stream.indirect.gather [hbm4b:s9+s19], $0x10, s28, s19, $0xb8;
	[tilespmem:$0x14A50] =	vst v63  }
0xfc: {  	_ =	swait.ge [sflag:s2], $0x800  }
0xfd: {  	[sflag:s2] =	ssyncset.done $0x0  }
0xfe: {  	s28 =	sadd.s32 $0x700, s25;
	[sflag:s2] =	ssyncadd.s32 $0xFFFFF800  }
0xff: {  	[tilespmem:s29], [sflag:$0x5] =	stream.indirect.gather [hbm4b:s9+s19], $0x10, s28, s19, $0xb8;
	[tilespmem:$0x14A50] =	vst v63  }
0x100: {  	_ =	swait.ge [sflag:s4], $0x800  }
0x101: {  	[sflag:s4] =	ssyncset.done $0x0  }
0x102: {  	s28 =	sadd.s32 $0x780, s25;
	[sflag:s4] =	ssyncadd.s32 $0xFFFFF800  }
0x103: {  	[tilespmem:s12], [sflag:$0x6] =	stream.indirect.gather [hbm4b:s9+s19], $0x10, s28, s19, $0xb8;
	[tilespmem:$0x14A50] =	vst v63  }
0x104: {  	_ =	swait.ge [sflag:s24], $0x800  }
0x105: {  	[sflag:s24] =	ssyncset.done $0x0  }
0x106: {  	s28 =	sadd.s32 $0x800, s25;
	[sflag:s24] =	ssyncadd.s32 $0xFFFFF800  }
0x107: {  	[tilespmem:s13], [sflag:$0x7] =	stream.indirect.gather [hbm4b:s9+s19], $0x10, s28, s19, $0xb8;
	[tilespmem:$0x14A50] =	vst v63  }
0x108: {  	_ =	swait.ge [sflag:s18], $0x800  }
0x109: {  	[sflag:s18] =	ssyncset.done $0x0  }
0x10a: {  	s28 =	sadd.s32 $0x880, s25;
	[sflag:s18] =	ssyncadd.s32 $0xFFFFF800  }
0x10b: {  	[tilespmem:s14], [sflag:$0x8] =	stream.indirect.gather [hbm4b:s9+s19], $0x10, s28, s19, $0xb8;
	[tilespmem:$0x14A50] =	vst v63  }
0x10c: {  	_ =	swait.ge [sflag:s20], $0x800  }
0x10d: {  	s23 =	sadd.s32 $0x1400, s23;
	[sflag:s20] =	ssyncset.done $0x0  }
0x10e: {  	p1 =	sne.s32 s23, $0x14000;
	s28 =	sadd.s32 $0x900, s25;
	[sflag:s20] =	ssyncadd.s32 $0xFFFFF800  }
0x10f: {  	[tilespmem:s15], [sflag:$0x9] =	stream.indirect.gather [hbm4b:s9+s19], $0x10, s28, s19, $0xb8;
	[tilespmem:$0x14A50] =	vst v63  }
.Ltmp3:
0x110: {  	_ = 	snop;
	(pc) =	sbr.rel @p1 .LBB2_2-.Ltmp3, $4  }
.Ltmp4:
0x111: {  	_ =	swait.ge [sflag:s21], $0x800;
	(pc) =	sbr.rel @!p1 .LBB2_5-.Ltmp4, $4  }
0x112: {  	[sflag:s21] =	ssyncset.done $0x0  }
0x113: {  	s28 =	sadd.s32 $0x980, s25;
	[sflag:s21] =	ssyncadd.s32 $0xFFFFF800  }
0x114: {  	[tilespmem:s16], [sflag:$0xA] =	stream.indirect.gather [hbm4b:s9+s19], $0x10, s28, s19, $0xb8;
	[tilespmem:$0x14A50] =	vst v63  }
0x115: {  	_ = 	snop  }
.LBB2_6:
0x116: {  	_ =	sfence.sel $0x180000  }
0x117: {  	[bflag:$0x0] =	sbarrier.arrive $0xFFFF  }
0x118: {  	_ =	strace $0x9000004D  }
0x119: {  	[bflag:$0x2] =	sbarrier.arrive $0xFFFF  }
0x11a: {  	s0 =	rddreg [dreg:$0x5]  }
0x11b: {  	s0 =	sadd.s32 @!p0 $0x100000, s0  }
0x11c: {  	[sflag:s0] =	ssyncadd.tile.s32 @!p0 $0x1;
	_ =	shalt  }
.Lfunc_end2:
_tile_overlayer_lowered:
.L_overlay_start_2:
0x11d: {  	(tag) =	ssettag $0x2  }
0x11e: {  	s0 =	rddreg [dreg:$0x0];
	s2 =	stileid.u32  }
0x11f: {  	s1 =	rddreg [dreg:$0x1];
	p0 =	sne.s32 s2, $0x0  }
0x120: {  	s3 =	rddreg [dreg:$0x2];
	[bflag:$0x3] =	sbarrier.arrive $0xFFFF;
	s2 =	simm.s32 @!p0 $0x1C15  }
0x121: {  	[timem:s3], [sflag:s2] =	dma.local @!p0 [hbm:s0], s1  }
0x122: {  	s0 =	simm.s32 @!p0 $0x15  }
0x123: {  	_ =	swait.ge @!p0 [sflag:s0], s1  }
0x124: {  	s1 =	ssub.s32 @!p0 $0x0, s1;
	[sflag:s0] =	ssyncset.done @!p0 $0x0  }
0x125: {  	[sflag:s0] =	ssyncadd.s32 @!p0 s1  }
0x126: {  	[bflag:$0x3] =	sbarrier.arrive $0xFFFF  }
0x127: {  	_ =	shalt  }

// kernel: kernel.9.cloned.1.call-start
scs
__scs_entry_jumppad:
0x0: {  	(pc) =	sbr.rel $0x88, $3  }
0x1: {  	(tag) =	ssettag $0x0;
	lr =	simm.s32 $0x1  }
0x2: {  	[smem:$0x3F96] =	sst lr;
	_ =	strace $0xD0000000  }
0x3: {  	_ = 	snop  }
0x4: {  	_ = 	snop  }
0x5: {  	_ = 	snop  }
0x6: {  	_ = 	snop  }
0x7: {  	_ = 	snop  }
__scs_overlays_trampoline_lowered:
0x8: {  	[smem:$0x3FA5] =	sst s0  }
0x9: {  	[smem:$0x3FA6] =	sst s1  }
0xa: {  	[smem:$0x3FA7] =	sst s2  }
0xb: {  	[smem:$0x3FA8] =	sst s3  }
0xc: {  	[smem:$0x3FA9] =	sst s4  }
0xd: {  	[smem:$0x3FAA] =	sst s5  }
0xe: {  	[smem:$0x3FAB] =	sst s6  }
0xf: {  	[smem:$0x3FAC] =	sst s7  }
0x10: {  	[smem:$0x3FAD] =	sst s8  }
0x11: {  	[smem:$0x3FAE] =	sst s9;
	s0 =	simm.s32 @!p0 $0x0  }
0x12: {  	s1 =	sld [smem:$0x3F94];
	s0 =	simm.s32 @p0 $0x1  }
0x13: {  	[smem:$0x3FAF] =	sst s0;
	s0 =	simm.s32 @!p1 $0x0  }
0x14: {  	s2 =	sld [smem:$0x3F93];
	s0 =	simm.s32 @p1 $0x1  }
0x15: {  	[smem:$0x3FB0] =	sst s0;
	s0 =	simm.s32 @!p2 $0x0  }
0x16: {  	s3 =	sld [smem:$0x3FDB];
	s0 =	simm.s32 @p2 $0x1  }
0x17: {  	s4 =	simm.s32 $0x1BF5;
	[smem:$0x3FB2] =	sst s0  }
0x18: {  	s0 =	sld [smem:$0x3F95];
	_ =	swait.ge [sflag:s4], $0x0  }
0x19: {  	s7 =	sld [smem:$0x3F96]  }
0x1a: {  	s8 =	sadd.s32 $0xFFFFE003, lr  }
0x1b: {  	s9 =	sadd.s32 $0xFFFFFEF7, lr;
	s5 =	simm.s32 $0xFFFFFFFF;
	p2 =	slt.u32 s8, $0xFFFFF086  }
0x1c: {  	p1 =	slt.u32 s9, $0xF7A;
	s5 =	simm.s32 @!p2 $0x0  }
0x1d: {  	s5 =	simm.s32 @p1 $0x1;
	p0 =	seq.s32 s7, s2  }
0x1e: {  	s7 =	smul.u32 @!p0 $0xF7A, s2;
	p2 =	seq.s32 @!p0 s5, $0x0  }
0x1f: {  	s9 =	smul.u32 $0xF7A, s1;
	s8 =	simm.s32 @!p0 $0x1BF5;
	p2 =	por !p2, p0  }
0x20: {  	[sflag:s8] =	ssyncset.s32 @!p0 $0xFFFFF086;
	s6 =	sadd.s32 @!p0 s3, s7;
	s7 =	simm.s32 @!p0 $0x108  }
0x21: {  	s3 =	sadd.s32 s3, s9;
	s6 =	sadd.s32 @!p0 $0x88, s6;
	s7 =	simm.s32 @p2 $0x1082  }
0x22: {  	[simem:s7], [sflag:s8] =	dma.local @!p0 [hbm:s6], $0xF7A  }
0x23: {  	s9 =	sor.u32 $0xD0000000, s2;
	s6 =	simm.s32 $0x108;
	_ =	swait.ge @!p0 [sflag:s8], $0x0  }
0x24: {  	s3 =	sadd.s32 $0x88, s3;
	s6 =	simm.s32 @!p1 $0x1082;
	[sflag:s4] =	ssyncset.s32 $0xFFFFF086  }
0x25: {  	[simem:s6], [sflag:s4] =	dma.local [hbm:s3], $0xF7A  }
0x26: {  	[smem:$0x3F96] =	sst s1;
	(tag) =	ssettag s2;
	_ =	strace s9  }
0x27: {  	s1 =	sld [smem:$0x3FA6]  }
0x28: {  	s2 =	sld [smem:$0x3FA7]  }
0x29: {  	s4 =	sld [smem:$0x3FA9]  }
0x2a: {  	p0 =	seq.s32 s5, $0x0;
	s5 =	sld [smem:$0x3FAA]  }
0x2b: {  	s6 =	sld [smem:$0x3FAB]  }
0x2c: {  	s7 =	sld [smem:$0x3FAC]  }
0x2d: {  	s3 =	simm.s32 $0x108;
	s8 =	sld [smem:$0x3FAD]  }
0x2e: {  	s3 =	simm.s32 @!p0 $0x1082;
	s9 =	sld [smem:$0x3FAE]  }
0x2f: {  	lr =	sadd.s32 s0, s3;
	s0 =	sld [smem:$0x3FA5]  }
0x30: {  	s3 =	sld [smem:$0x3FA8]  }
0x31: {  	[smem:$0x3FB1] =	sst s10  }
0x32: {  	s10 =	sld [smem:$0x3FAF];
	_ =	sdelay $0x3  }
0x33: {  	p0 =	seq.s32 s10, $0x1;
	s10 =	sld [smem:$0x3FB1];
	_ =	sdelay $0x3  }
0x34: {  	[smem:$0x3FB1] =	sst s10  }
0x35: {  	s10 =	sld [smem:$0x3FB0];
	_ =	sdelay $0x3  }
0x36: {  	p1 =	seq.s32 s10, $0x1;
	s10 =	sld [smem:$0x3FB1];
	_ =	sdelay $0x3  }
0x37: {  	[smem:$0x3FB1] =	sst s10  }
0x38: {  	s10 =	sld [smem:$0x3FB2]  }
0x39: {  	_ = 	snop;
	(pc) =	sbr.ind lr, $3  }
0x3a: {  	_ = 	snop  }
0x3b: {  	_ = 	snop  }
0x3c: {  	p2 =	seq.s32 s10, $0x1;
	s10 =	sld [smem:$0x3FB1]  }
0x3d: {  	_ =	shalt  }
0x3e: {  	_ =	shalt  }
0x3f: {  	_ =	shalt  }
0x40: {  	_ =	shalt  }
0x41: {  	_ =	shalt  }
0x42: {  	_ =	shalt  }
0x43: {  	_ =	shalt  }
0x44: {  	_ =	shalt  }
0x45: {  	_ =	shalt  }
0x46: {  	_ =	shalt  }
0x47: {  	_ =	shalt  }
0x48: {  	_ =	shalt  }
0x49: {  	_ =	shalt  }
0x4a: {  	_ =	shalt  }
0x4b: {  	_ =	shalt  }
0x4c: {  	_ =	shalt  }
0x4d: {  	_ =	shalt  }
0x4e: {  	_ =	shalt  }
0x4f: {  	_ =	shalt  }
0x50: {  	_ =	shalt  }
0x51: {  	_ =	shalt  }
0x52: {  	_ =	shalt  }
0x53: {  	_ =	shalt  }
0x54: {  	_ =	shalt  }
0x55: {  	_ =	shalt  }
0x56: {  	_ =	shalt  }
0x57: {  	_ =	shalt  }
0x58: {  	_ =	shalt  }
0x59: {  	_ =	shalt  }
0x5a: {  	_ =	shalt  }
0x5b: {  	_ =	shalt  }
0x5c: {  	_ =	shalt  }
0x5d: {  	_ =	shalt  }
0x5e: {  	_ =	shalt  }
0x5f: {  	_ =	shalt  }
0x60: {  	_ =	shalt  }
0x61: {  	_ =	shalt  }
0x62: {  	_ =	shalt  }
0x63: {  	_ =	shalt  }
0x64: {  	_ =	shalt  }
0x65: {  	_ =	shalt  }
0x66: {  	_ =	shalt  }
0x67: {  	_ =	shalt  }
0x68: {  	_ =	shalt  }
0x69: {  	_ =	shalt  }
0x6a: {  	_ =	shalt  }
0x6b: {  	_ =	shalt  }
0x6c: {  	_ =	shalt  }
0x6d: {  	_ =	shalt  }
0x6e: {  	_ =	shalt  }
0x6f: {  	_ =	shalt  }
0x70: {  	_ =	shalt  }
0x71: {  	_ =	shalt  }
0x72: {  	_ =	shalt  }
0x73: {  	_ =	shalt  }
0x74: {  	_ =	shalt  }
0x75: {  	_ =	shalt  }
0x76: {  	_ =	shalt  }
0x77: {  	_ =	shalt  }
0x78: {  	_ =	shalt  }
0x79: {  	_ =	shalt  }
0x7a: {  	_ =	shalt  }
0x7b: {  	_ =	shalt  }
0x7c: {  	_ =	shalt  }
0x7d: {  	_ =	shalt  }
0x7e: {  	_ =	shalt  }
0x7f: {  	_ =	shalt  }
0x80: {  	_ =	shalt  }
0x81: {  	_ =	shalt  }
0x82: {  	_ =	shalt  }
0x83: {  	_ =	shalt  }
0x84: {  	_ =	shalt  }
0x85: {  	_ =	shalt  }
0x86: {  	_ =	shalt  }
0x87: {  	_ =	shalt  }
.Lfunc_end0:
.L_simem_size_0:
called_computation_lowered:
.L_overlay_start_0:
0x88: {  	s2 =	sld [smem:$0x3FD9]  }
0x89: {  	s3 =	sld [smem:$0x3FFE];
	_ =	sdelay $0x1  }
0x8a: {  	s1 =	srdreg.scid  }
0x8b: {  	s0 =	sand.u32 $0x1, s1  }
0x8c: {  	s16 =	sshll.u32 s0, $0xA;
	s2 =	sadd.s32 s3, s2  }
0x8d: {  	s2 =	sadd.s32 s2, s16  }
0x8e: {  	[smem:$0x3FBD] =	sst s2  }
0x8f: {  	_ = 	snop  }
0x90: {  	(tm) =	ssettm $0x1  }
0x91: {  	s17 =	sld [smem:$0x3FFB];
	_ =	sdelay $0x3  }
0x92: {  	_ =	strace s17  }
0x93: {  	s2 =	sld [smem:$0x3FFC];
	_ =	sdelay $0x3  }
0x94: {  	_ =	strace s2  }
0x95: {  	s2 =	sld [smem:$0x3FFD];
	_ =	sdelay $0x3  }
0x96: {  	_ =	strace s2  }
0x97: {  	_ =	strace $0x8FFFFFFF  }
0x98: {  	s18 =	sld [smem:$0x3FDB];
	_ =	sdelay $0x1  }
0x99: {  	s19 =	simm.s32 $_scs_section_size  }
0x9a: {  	s4 =	simm.s32 $_size__tile_overlayer_lowered;
	s5 =	simm.s32 $_tile_overlayer_lowered  }
0x9b: {  	s22 =	simm.s32 $0x1BFF;
	s21 =	sshll.u32 s5, $0x1;
	s2 =	sadd.s32 s19, s18  }
0x9c: {  	s6 =	simm.s32 $0x0;
	s20 =	sshll.u32 s4, $0x1;
	s4 =	sadd.s32 s21, s2  }
0x9d: {  	[timem:s6], [sflag:s22] =	dma.local [hbm:s4], s20  }
0x9e: {  	_ =	swait.ge [sflag:s22], s20  }
0x9f: {  	s3 =	ssub.s32 $0x0, s20;
	[sflag:s22] =	ssyncset.done $0x0  }
0xa0: {  	[sflag:s22] =	ssyncadd.s32 s3;
	_ =	sdelay $0x1  }
0xa1: {  	s23 =	simm.s32 $0x1B8B  }
0xa2: {  	_ =	swait.ge [sflag:s23], $0x1  }
0xa3: {  	[sflag:s23] =	ssyncset.done $0x0  }
0xa4: {  	s25 =	simm.s32 $0x1B8E;
	s24 =	sld [smem:$0x3FFE];
	[sflag:s23] =	ssyncadd.s32 $0xFFFFFFFF  }
0xa5: {  	s26 =	simm.s32 $execute0_lowered;
	[smem:$0x3FD2] =	sst s25  }
0xa6: {  	s4 =	sshll.u32 s26, $0x1;
	_ =	strace $0x80000046;
	[dreg:$0x1] =	wrdreg $0xFFFFFFFF  }
0xa7: {  	s28 =	simm.s32 $_size_execute0_lowered;
	s2 =	sadd.s32 s2, s4;
	[dreg:$0x0] =	wrdreg $0x0  }
0xa8: {  	s4 =	sshll.u32 s28, $0x1;
	[dreg:$0x2] =	wrdreg s2  }
0xa9: {  	[dreg:$0x3] =	wrdreg s4  }
0xaa: {  	[dreg:$0x4] =	wrdreg $0xC0  }
0xab: {  	_ =	task [dreg:s6], $0x5FFFF  }
0xac: {  	[dreg:$0x1] =	wrdreg $0xFFFFFFFF  }
0xad: {  	[dreg:$0x0] =	wrdreg $0x60  }
0xae: {  	[dreg:$0x2] =	wrdreg s24  }
0xaf: {  	[dreg:$0x3] =	wrdreg $0x140000  }
0xb0: {  	[dreg:$0x4] =	wrdreg $0x9  }
0xb1: {  	_ =	task.clear_ibuf [dreg:s6], $0x5FFFF;
	_ =	strace $0x90000046  }
0xb2: {  	s29 =	simm.s32 $0x9;
	_ =	strace $0x80000048  }
0xb3: {  	_ =	swait.ge [sflag:s29], $0x1  }
0xb4: {  	[sflag:s29] =	ssyncadd.s32 $0xFFFFFFFF  }
0xb5: {  	_ =	strace $0x90000048  }
0xb6: {  	_ =	sfence  }
0xb7: {  	s30 =	sld [smem:$0x0];
	_ =	sdelay $0x2  }
0xb8: {  	s31 =	sshll.u32 s1, $0xD;
	s1 =	sshrl.u32 s1, $0x2  }
0xb9: {  	s3 =	sand.u32 $0x4000, s31;
	s1 =	sadd.s32 s1, s30  }
0xba: {  	s0 =	sor.u32 s3, s0;
	s1 =	sshll.u32 s1, $0x11  }
0xbb: {  	s0 =	sor.u32 s1, s0  }
0xbc: {  	s0 =	sadd.s32 $0x8F2B, s0  }
0xbd: {  	[sflag:s0] =	ssyncadd.remote.s32 $0x1  }
0xbe: {  	_ =	sfence.sel $0xFFFF  }
0xbf: {  	[dreg:$0x0] =	wrdreg $0xFFFFFFFF;
	(pc) =	sbr.abs _section_cstart, $3  }
0xc0: {  	[dreg:$0x1] =	wrdreg $0xFFFFFFFF  }
0xc1: {  	_ =	task.clear_ibuf [dreg:s6], $0x2FFFF;
	_ =	strace $0x9FFFFFFF  }
0xc2: {  	(tm) =	ssettm $0x7FFFFFFF  }
0xc3: {  	_ =	shalt  }
tec
execute0_lowered:
.L_overlay_start_1:
0x0: {  	(tag) =	ssettag $0x1  }
0x1: {  	s0 =	rddreg [dreg:$0x0];
	s1 =	srdreg.scid  }
0x2: {  	s2 =	rddreg [dreg:$0x1];
	s9 =	stileid.u32  }
0x3: {  	s3 =	simm.s32 $0x0;
	s13 =	simm.s32 $0x80;
	s14 =	simm.s32 $0xA000  }
0x4: {  	s15 =	simm.s32 $0xC000;
	s17 =	simm.s32 $0xE000;
	s19 =	simm.s32 $0x10000  }
0x5: {  	s21 =	simm.s32 $0x12000;
	s22 =	simm.s32 $0x1;
	s23 =	simm.s32 $0x2  }
0x6: {  	s28 =	simm.s32 $0x5;
	s29 =	simm.s32 $0x6;
	s30 =	simm.s32 $0x7  }
0x7: {  	s31 =	simm.s32 $0x8;
	s16 =	simm.s32 $0x0;
	s5 =	smul.u32 $0xA00, s9  }
0x8: {  	s1 =	sand.u32 $0x1, s1;
	[smem:$0x7FF] =	sst s3;
	s6 =	smul.u32 $0x9E00, s9  }
0x9: {  	s26 =	sshll.u32 s9, $0x6;
	s9 =	simm.s32 $0xB;
	s4 =	smul.u32 $0x13880, s1  }
0xa: {  	_ =	strace $0x80000047;
	s24 =	smul.u32 $0x13C00, s1;
	s1 =	ssub.s32 $0x2, s1  }
0xb: {  	s11 =	sor.u32 $0x1C0B, s26;
	s26 =	simm.s32 $0x4;
	s5 =	sadd.s32 s5, s0  }
0xc: {  	s10 =	sshrl.u32 s6, $0x3;
	s25 =	sshrl.u32 s1, $0x1;
	s12 =	sadd.s32 s6, s2  }
0xd: {  	s7 =	sadd.s32 s4, s0;
	s8 =	sadd.s32 s10, s0;
	s0 =	sadd.s32 s24, s0  }
0xe: {  	s1 =	ssub.s32 s1, s25;
	s4 =	sadd.s32 $0x29000, s5;
	s5 =	sadd.s32 $0x33000, s5  }
0xf: {  	s12 =	sshrl.u32 s12, $0x3;
	s25 =	simm.s32 $0x3;
	s6 =	sadd.s32 $0x3D000, s8  }
0x10: {  	s7 =	sadd.s32 $0x1E00, s7;
	s0 =	sadd.s32 $0x50C00, s0;
	s8 =	smax.u32 s1, $0x1  }
0x11: {  	s1 =	simm.s32 $0xA;
	s24 =	sadd.s32 s10, s0;
	s0 =	simm.s32 $0x9  }
.LBB2_1:
0x12: {  	[tilespmem:s3], [sflag:$0xB] =	stream.linear.gather [hbm4b:s4+s3], $0x5000, $0x38;
	[tilespmem:$0x1DE00] =	vst v63  }
0x13: {  	_ =	swait.ge [sflag:s9], $0x5000  }
0x14: {  	[sflag:s9] =	ssyncset.done $0x0  }
0x15: {  	s10 =	simm.s32 $0x5000;
	[sflag:s9] =	ssyncadd.s32 $0xFFFFB000  }
0x16: {  	[tilespmem:s10], [sflag:$0xB] =	stream.linear.gather [hbm4b:s5+s3], $0x5000, $0x38;
	[tilespmem:$0x1DE00] =	vst v63  }
0x17: {  	_ =	swait.ge [sflag:s9], $0x5000  }
0x18: {  	[sflag:s9] =	ssyncset.done $0x0  }
0x19: {  	[sflag:s9] =	ssyncadd.s32 $0xFFFFB000  }
0x1a: {  	[spmem:s12], [sflag:s11] =	dma.local [hbm:s6], $0x13C0  }
0x1b: {  	_ =	swait.ge [sflag:s9], $0x13C0  }
0x1c: {  	[sflag:s9] =	ssyncset.done $0x0  }
0x1d: {  	[sflag:s9] =	ssyncadd.s32 $0xFFFFEC40  }
0x1e: {  	[tilespmem:s14], [sflag:$0x1] =	stream.indirect.gather [hbm4b:s7+s13], $0x40, s3, s13, $0xb8;
	[tilespmem:$0x1DE00] =	vst v63  }
0x1f: {  	_ = 	snop  }
0x20: {  	[tilespmem:s15], [sflag:$0x2] =	stream.indirect.gather [hbm4b:s7+s13], $0x40, s13, s13, $0xb8;
	[tilespmem:$0x1DE00] =	vst v63  }
0x21: {  	s20 =	simm.s32 $0x100  }
0x22: {  	[tilespmem:s17], [sflag:$0x3] =	stream.indirect.gather [hbm4b:s7+s13], $0x40, s20, s13, $0xb8;
	[tilespmem:$0x1DE00] =	vst v63  }
0x23: {  	s18 =	simm.s32 $0x180  }
0x24: {  	[tilespmem:s19], [sflag:$0x4] =	stream.indirect.gather [hbm4b:s7+s13], $0x40, s18, s13, $0xb8;
	[tilespmem:$0x1DE00] =	vst v63  }
0x25: {  	s20 =	simm.s32 $0x200  }
0x26: {  	[tilespmem:s21], [sflag:$0x5] =	stream.indirect.gather [hbm4b:s7+s13], $0x40, s20, s13, $0xb8;
	[tilespmem:$0x1DE00] =	vst v63  }
0x27: {  	[bflag:$0x0] =	sbarrier.arrive $0xFFFF  }
0x28: {  	_ =	swait.ge [sflag:s22], $0x2000  }
0x29: {  	[sflag:s22] =	ssyncset.done $0x0  }
0x2a: {  	s18 =	simm.s32 $0x5000;
	[sflag:s22] =	ssyncadd.s32 $0xFFFFE000  }
0x2b: {  	[spmem:s2] =	stream.indirect.scatter.add.f32 [tilespmem:s14], [sflag:$0x6], $0x40, s18, s13, $0xb8;
	[tilespmem:$0x1DE00] =	vst v63  }
0x2c: {  	_ =	swait.ge [sflag:s23], $0x2000  }
0x2d: {  	[sflag:s23] =	ssyncset.done $0x0  }
0x2e: {  	s10 =	simm.s32 $0x5080;
	[sflag:s23] =	ssyncadd.s32 $0xFFFFE000  }
0x2f: {  	[spmem:s2] =	stream.indirect.scatter.add.f32 [tilespmem:s15], [sflag:$0x7], $0x40, s10, s13, $0xb8;
	[tilespmem:$0x1DE00] =	vst v63  }
0x30: {  	_ =	swait.ge [sflag:s25], $0x2000  }
0x31: {  	[sflag:s25] =	ssyncset.done $0x0  }
0x32: {  	s20 =	simm.s32 $0x5100;
	[sflag:s25] =	ssyncadd.s32 $0xFFFFE000  }
0x33: {  	[spmem:s2] =	stream.indirect.scatter.add.f32 [tilespmem:s17], [sflag:$0x8], $0x40, s20, s13, $0xb8;
	[tilespmem:$0x1DE00] =	vst v63  }
0x34: {  	_ =	swait.ge [sflag:s26], $0x2000  }
0x35: {  	[sflag:s26] =	ssyncset.done $0x0  }
0x36: {  	s10 =	simm.s32 $0x5180;
	[sflag:s26] =	ssyncadd.s32 $0xFFFFE000  }
0x37: {  	[spmem:s2] =	stream.indirect.scatter.add.f32 [tilespmem:s19], [sflag:$0x9], $0x40, s10, s13, $0xb8;
	[tilespmem:$0x1DE00] =	vst v63  }
0x38: {  	_ =	swait.ge [sflag:s28], $0x2000  }
0x39: {  	[sflag:s28] =	ssyncset.done $0x0  }
0x3a: {  	s20 =	simm.s32 $0x5200;
	[sflag:s28] =	ssyncadd.s32 $0xFFFFE000  }
0x3b: {  	[spmem:s2] =	stream.indirect.scatter.add.f32 [tilespmem:s21], [sflag:$0xA], $0x40, s20, s13, $0xb8;
	[tilespmem:$0x1DE00] =	vst v63  }
0x3c: {  	_ =	swait.ge [sflag:s29], $0x2000  }
0x3d: {  	[sflag:s29] =	ssyncset.done $0x0  }
0x3e: {  	s10 =	simm.s32 $0x280;
	[sflag:s29] =	ssyncadd.s32 $0xFFFFE000  }
0x3f: {  	[tilespmem:s14], [sflag:$0x1] =	stream.indirect.gather [hbm4b:s7+s13], $0x40, s10, s13, $0xb8;
	[tilespmem:$0x1DE00] =	vst v63  }
0x40: {  	_ =	swait.ge [sflag:s30], $0x2000  }
0x41: {  	[sflag:s30] =	ssyncset.done $0x0  }
0x42: {  	s20 =	simm.s32 $0x300;
	[sflag:s30] =	ssyncadd.s32 $0xFFFFE000  }
0x43: {  	[tilespmem:s15], [sflag:$0x2] =	stream.indirect.gather [hbm4b:s7+s13], $0x40, s20, s13, $0xb8;
	[tilespmem:$0x1DE00] =	vst v63  }
0x44: {  	_ =	swait.ge [sflag:s31], $0x2000  }
0x45: {  	[sflag:s31] =	ssyncset.done $0x0  }
0x46: {  	s10 =	simm.s32 $0x380;
	[sflag:s31] =	ssyncadd.s32 $0xFFFFE000  }
0x47: {  	[tilespmem:s17], [sflag:$0x3] =	stream.indirect.gather [hbm4b:s7+s13], $0x40, s10, s13, $0xb8;
	[tilespmem:$0x1DE00] =	vst v63  }
0x48: {  	_ =	swait.ge [sflag:s0], $0x2000  }
0x49: {  	[sflag:s0] =	ssyncset.done $0x0  }
0x4a: {  	s20 =	simm.s32 $0x400;
	[sflag:s0] =	ssyncadd.s32 $0xFFFFE000  }
0x4b: {  	[tilespmem:s19], [sflag:$0x4] =	stream.indirect.gather [hbm4b:s7+s13], $0x40, s20, s13, $0xb8;
	[tilespmem:$0x1DE00] =	vst v63  }
0x4c: {  	_ =	swait.ge [sflag:s1], $0x2000  }
0x4d: {  	[sflag:s1] =	ssyncset.done $0x0  }
0x4e: {  	s18 =	simm.s32 $0xA00;
	s20 =	simm.s32 $0x480;
	[sflag:s1] =	ssyncadd.s32 $0xFFFFE000  }
.LBB2_2:
0x4f: {  	[tilespmem:s21], [sflag:$0x5] =	stream.indirect.gather [hbm4b:s7+s13], $0x40, s20, s13, $0xb8;
	[tilespmem:$0x1DE00] =	vst v63  }
0x50: {  	s20 =	smov.u32 s18  }
0x51: {  	p0 =	sne.s32 s18, $0x12C00;
	s18 =	sadd.s32 $0xA00, s18;
	_ =	swait.ge [sflag:s22], $0x2000  }
0x52: {  	s20 =	sshra.s32 s20, $0x2;
	[sflag:s22] =	ssyncset.done $0x0  }
0x53: {  	s10 =	sadd.s32 $0x5000, s20;
	[sflag:s22] =	ssyncadd.s32 $0xFFFFE000  }
0x54: {  	[spmem:s2] =	stream.indirect.scatter.add.f32 [tilespmem:s14], [sflag:$0x6], $0x40, s10, s13, $0xb8;
	[tilespmem:$0x1DE00] =	vst v63  }
0x55: {  	_ =	swait.ge [sflag:s23], $0x2000  }
0x56: {  	[sflag:s23] =	ssyncset.done $0x0  }
0x57: {  	s10 =	sadd.s32 $0x5080, s20;
	[sflag:s23] =	ssyncadd.s32 $0xFFFFE000  }
0x58: {  	[spmem:s2] =	stream.indirect.scatter.add.f32 [tilespmem:s15], [sflag:$0x7], $0x40, s10, s13, $0xb8;
	[tilespmem:$0x1DE00] =	vst v63  }
0x59: {  	_ =	swait.ge [sflag:s25], $0x2000  }
0x5a: {  	[sflag:s25] =	ssyncset.done $0x0  }
0x5b: {  	s10 =	sadd.s32 $0x5100, s20;
	[sflag:s25] =	ssyncadd.s32 $0xFFFFE000  }
0x5c: {  	[spmem:s2] =	stream.indirect.scatter.add.f32 [tilespmem:s17], [sflag:$0x8], $0x40, s10, s13, $0xb8;
	[tilespmem:$0x1DE00] =	vst v63  }
0x5d: {  	_ =	swait.ge [sflag:s26], $0x2000  }
0x5e: {  	[sflag:s26] =	ssyncset.done $0x0  }
0x5f: {  	s10 =	sadd.s32 $0x5180, s20;
	[sflag:s26] =	ssyncadd.s32 $0xFFFFE000  }
0x60: {  	[spmem:s2] =	stream.indirect.scatter.add.f32 [tilespmem:s19], [sflag:$0x9], $0x40, s10, s13, $0xb8;
	[tilespmem:$0x1DE00] =	vst v63  }
0x61: {  	_ =	swait.ge [sflag:s28], $0x2000  }
0x62: {  	[sflag:s28] =	ssyncset.done $0x0  }
0x63: {  	s10 =	sadd.s32 $0x5200, s20;
	[sflag:s28] =	ssyncadd.s32 $0xFFFFE000  }
0x64: {  	[spmem:s2] =	stream.indirect.scatter.add.f32 [tilespmem:s21], [sflag:$0xA], $0x40, s10, s13, $0xb8;
	[tilespmem:$0x1DE00] =	vst v63  }
0x65: {  	_ =	swait.ge [sflag:s29], $0x2000  }
0x66: {  	[sflag:s29] =	ssyncset.done $0x0  }
0x67: {  	s10 =	sadd.s32 $0x280, s20;
	[sflag:s29] =	ssyncadd.s32 $0xFFFFE000  }
0x68: {  	[tilespmem:s14], [sflag:$0x1] =	stream.indirect.gather [hbm4b:s7+s13], $0x40, s10, s13, $0xb8;
	[tilespmem:$0x1DE00] =	vst v63  }
0x69: {  	_ =	swait.ge [sflag:s30], $0x2000  }
0x6a: {  	[sflag:s30] =	ssyncset.done $0x0  }
0x6b: {  	s10 =	sadd.s32 $0x300, s20;
	[sflag:s30] =	ssyncadd.s32 $0xFFFFE000  }
0x6c: {  	[tilespmem:s15], [sflag:$0x2] =	stream.indirect.gather [hbm4b:s7+s13], $0x40, s10, s13, $0xb8;
	[tilespmem:$0x1DE00] =	vst v63  }
0x6d: {  	_ =	swait.ge [sflag:s31], $0x2000  }
0x6e: {  	[sflag:s31] =	ssyncset.done $0x0  }
0x6f: {  	s10 =	sadd.s32 $0x380, s20;
	[sflag:s31] =	ssyncadd.s32 $0xFFFFE000  }
0x70: {  	[tilespmem:s17], [sflag:$0x3] =	stream.indirect.gather [hbm4b:s7+s13], $0x40, s10, s13, $0xb8;
	[tilespmem:$0x1DE00] =	vst v63  }
0x71: {  	_ =	swait.ge [sflag:s0], $0x2000  }
0x72: {  	[sflag:s0] =	ssyncset.done $0x0  }
.Ltmp0:
0x73: {  	s10 =	sadd.s32 $0x400, s20;
	[sflag:s0] =	ssyncadd.s32 $0xFFFFE000;
	(pc) =	sbr.rel @p0 .LBB2_2-.Ltmp0, $4  }
0x74: {  	[tilespmem:s19], [sflag:$0x4] =	stream.indirect.gather [hbm4b:s7+s13], $0x40, s10, s13, $0xb8;
	[tilespmem:$0x1DE00] =	vst v63  }
0x75: {  	_ =	swait.ge [sflag:s1], $0x2000  }
0x76: {  	[sflag:s1] =	ssyncset.done $0x0  }
0x77: {  	s20 =	sadd.s32 $0x480, s20;
	[sflag:s1] =	ssyncadd.s32 $0xFFFFE000  }
0x78: {  	[tilespmem:s21], [sflag:$0x5] =	stream.indirect.gather [hbm4b:s7+s13], $0x40, s20, s13, $0xb8;
	[tilespmem:$0x1DE00] =	vst v63  }
0x79: {  	_ =	swait.ge [sflag:s22], $0x2000  }
0x7a: {  	[sflag:s22] =	ssyncset.done $0x0  }
0x7b: {  	s10 =	simm.s32 $0x9D80;
	[sflag:s22] =	ssyncadd.s32 $0xFFFFE000  }
0x7c: {  	[spmem:s2] =	stream.indirect.scatter.add.f32 [tilespmem:s14], [sflag:$0x6], $0x40, s10, s13, $0xb8;
	[tilespmem:$0x1DE00] =	vst v63  }
0x7d: {  	_ =	swait.ge [sflag:s23], $0x2000  }
0x7e: {  	[sflag:s23] =	ssyncset.done $0x0  }
0x7f: {  	s18 =	simm.s32 $0x9E00;
	[sflag:s23] =	ssyncadd.s32 $0xFFFFE000  }
0x80: {  	[spmem:s2] =	stream.indirect.scatter.add.f32 [tilespmem:s15], [sflag:$0x7], $0x40, s18, s13, $0xb8;
	[tilespmem:$0x1DE00] =	vst v63  }
0x81: {  	_ =	swait.ge [sflag:s25], $0x2000  }
0x82: {  	[sflag:s25] =	ssyncset.done $0x0  }
0x83: {  	s20 =	simm.s32 $0x9E80;
	[sflag:s25] =	ssyncadd.s32 $0xFFFFE000  }
0x84: {  	[spmem:s2] =	stream.indirect.scatter.add.f32 [tilespmem:s17], [sflag:$0x8], $0x40, s20, s13, $0xb8;
	[tilespmem:$0x1DE00] =	vst v63  }
0x85: {  	_ =	swait.ge [sflag:s26], $0x2000  }
0x86: {  	[sflag:s26] =	ssyncset.done $0x0  }
0x87: {  	s18 =	simm.s32 $0x9F00;
	[sflag:s26] =	ssyncadd.s32 $0xFFFFE000  }
0x88: {  	[spmem:s2] =	stream.indirect.scatter.add.f32 [tilespmem:s19], [sflag:$0x9], $0x40, s18, s13, $0xb8;
	[tilespmem:$0x1DE00] =	vst v63  }
0x89: {  	_ =	swait.ge [sflag:s28], $0x2000  }
0x8a: {  	[sflag:s28] =	ssyncset.done $0x0  }
0x8b: {  	s20 =	simm.s32 $0x9F80;
	[sflag:s28] =	ssyncadd.s32 $0xFFFFE000  }
0x8c: {  	[spmem:s2] =	stream.indirect.scatter.add.f32 [tilespmem:s21], [sflag:$0xA], $0x40, s20, s13, $0xb8;
	[tilespmem:$0x1DE00] =	vst v63  }
0x8d: {  	_ =	swait.ge [sflag:s29], $0x2000  }
0x8e: {  	[sflag:s29] =	ssyncset.done $0x0  }
0x8f: {  	[sflag:s29] =	ssyncadd.s32 $0xFFFFE000  }
0x90: {  	_ =	swait.ge [sflag:s30], $0x2000  }
0x91: {  	[sflag:s30] =	ssyncset.done $0x0  }
0x92: {  	[sflag:s30] =	ssyncadd.s32 $0xFFFFE000  }
0x93: {  	_ =	swait.ge [sflag:s31], $0x2000  }
0x94: {  	[sflag:s31] =	ssyncset.done $0x0  }
0x95: {  	[sflag:s31] =	ssyncadd.s32 $0xFFFFE000  }
0x96: {  	_ =	swait.ge [sflag:s0], $0x2000  }
0x97: {  	[sflag:s0] =	ssyncset.done $0x0  }
0x98: {  	[sflag:s0] =	ssyncadd.s32 $0xFFFFE000  }
0x99: {  	_ =	swait.ge [sflag:s1], $0x2000  }
0x9a: {  	s16 =	sadd.s32 $0x1, s16;
	[sflag:s1] =	ssyncset.done $0x0  }
0x9b: {  	p0 =	sne.s32 s16, s8;
	[sflag:s1] =	ssyncadd.s32 $0xFFFFE000  }
.Ltmp1:
0x9c: {  	[bflag:$0x0] =	sbarrier.arrive $0xFFFF;
	(pc) =	sbr.rel @p0 .LBB2_1-.Ltmp1, $4  }
0x9d: {  	[hbm:s24], [sflag:s11] =	dma.local [spmem:s12], $0x13C0  }
0x9e: {  	_ =	swait.ge [sflag:s9], $0x13C0  }
0x9f: {  	[sflag:s9] =	ssyncset.done $0x0  }
0xa0: {  	[sflag:s9] =	ssyncadd.s32 $0xFFFFEC40  }
0xa1: {  	_ =	sfence.sel $0x180000  }
0xa2: {  	[bflag:$0x0] =	sbarrier.arrive $0xFFFF  }
0xa3: {  	_ =	strace $0x90000047  }
0xa4: {  	s0 =	stileid.u32;
	[bflag:$0x2] =	sbarrier.arrive $0xFFFF  }
0xa5: {  	p0 =	sne.s32 s0, $0x0;
	s0 =	rddreg [dreg:$0x2]  }
0xa6: {  	s0 =	sadd.s32 @!p0 $0x100000, s0  }
0xa7: {  	[sflag:s0] =	ssyncadd.tile.s32 @!p0 $0x1;
	_ =	shalt  }
.Lfunc_end2:
_tile_overlayer_lowered:
.L_overlay_start_2:
0xa8: {  	(tag) =	ssettag $0x2  }
0xa9: {  	s0 =	rddreg [dreg:$0x0];
	s2 =	stileid.u32  }
0xaa: {  	s1 =	rddreg [dreg:$0x1];
	p0 =	sne.s32 s2, $0x0  }
0xab: {  	s3 =	rddreg [dreg:$0x2];
	[bflag:$0x3] =	sbarrier.arrive $0xFFFF;
	s2 =	simm.s32 @!p0 $0x1C0B  }
0xac: {  	[timem:s3], [sflag:s2] =	dma.local @!p0 [hbm:s0], s1  }
0xad: {  	s0 =	simm.s32 @!p0 $0xB  }
0xae: {  	_ =	swait.ge @!p0 [sflag:s0], s1  }
0xaf: {  	s1 =	ssub.s32 @!p0 $0x0, s1;
	[sflag:s0] =	ssyncset.done @!p0 $0x0  }
0xb0: {  	[sflag:s0] =	ssyncadd.s32 @!p0 s1  }
0xb1: {  	[bflag:$0x3] =	sbarrier.arrive $0xFFFF  }
0xb2: {  	_ =	shalt  }

</sc_bundles>
